<compile_context>
chip_gen: v7x
topology: tpu7x:2x2x1
jax: 0.10.2.dev20260603
libtpu: 0.0.44.dev20260713+nightly
codegen_flags: <defaults>
</compile_context>

<pallas_src>
import jax
import jax.numpy as jnp
from jax import lax
from jax.experimental import pallas as pl
from jax.experimental.pallas import tpu as pltpu
from jax.experimental.pallas import tpu_sc as plsc

B = 16384
D = 64

_info = plsc.get_sparse_core_info()
NC = _info.num_cores
NS = _info.num_subcores
L = _info.num_lanes
NW = NC * NS

TCOLS = 7813
PARTIAL_COL = 7812
CPW = 252
CC = 4
NCH = CPW // CC
WCAP = 1040
BROWS = B + L


def _popcount(mask):
    return plsc.all_reduce_population_count(mask)[0]


def _build_worklist(src_hbm, idxb, entl, posl, cbase):
    HB = B // 2

    def half(h, cnt0):
        pltpu.sync_copy(src_hbm.at[pl.ds(h * HB, HB)], idxb)

        def body(k, cnt):
            e = idxb[pl.ds(k * L, L)]
            ec = jax.lax.shift_right_logical(e, 7)
            m = (ec >= cbase) & (ec < cbase + CPW)
            plsc.store_compressed(entl.at[pl.ds(cnt, L)], e, mask=m)
            pos = h * HB + k * L + lax.iota(jnp.int32, L)
            plsc.store_compressed(posl.at[pl.ds(cnt, L)], pos, mask=m)
            return cnt + _popcount(m)
        return lax.fori_loop(0, HB // L, body, cnt0)
    return half(1, half(0, jnp.int32(0)))


def _chunk_dma(table, tail, slab, sem, cstart, start=True):
    @pl.when(cstart <= PARTIAL_COL - CC)
    def _():
        cp = pltpu.make_async_copy(
            table.at[pl.ds(0, D), pl.ds(cstart * 128, CC * 128)],
            slab, sem)
        cp.start() if start else cp.wait()

    @pl.when(cstart == PARTIAL_COL)
    def _():
        cp = pltpu.make_async_copy(tail, slab.at[:, pl.ds(0, 128)], sem)
        cp.start() if start else cp.wait()


def _process_chunk(slab, cstart, lists):
    new_sctrs = []
    for (entl, posl, cnt, dstrows, stg, spos, ssem, (sctr, nstg)) in lists:
        def ext_body(k, carry):
            mcnt, = carry
            e = entl[pl.ds(k * L, L)]
            p = posl[pl.ds(k * L, L)]
            valid = (k * L + lax.iota(jnp.int32, L)) < cnt
            ecc = jax.lax.shift_right_logical(e, 7) - cstart
            m = valid & (ecc >= 0) & (ecc < CC)
            plsc.store_compressed(_process_chunk.ce.at[pl.ds(mcnt, L)], e, mask=m)
            plsc.store_compressed(_process_chunk.cp.at[pl.ds(mcnt, L)], p, mask=m)
            return (mcnt + _popcount(m),)

        nvreg = jax.lax.shift_right_logical(cnt + L - 1, 4)
        (mcnt,) = lax.fori_loop(0, nvreg, ext_body, (jnp.int32(0),))

        lanes = lax.iota(jnp.int32, L)

        def ent_body(n, carry):
            sc, nst = carry

            @pl.when((nst == 0) & (sc >= 1))
            def _():
                pltpu.make_async_copy(stg, dstrows.at[spos], ssem).wait()
            e_s = _process_chunk.ce[pl.ds(n, L)][0]
            p_s = _process_chunk.cp[pl.ds(n, L)][0]
            colin = jax.lax.shift_right_logical(e_s, 7) - cstart
            off = colin * 128 + jnp.bitwise_and(e_s, 127)
            offv = jnp.full((L,), off, jnp.int32)
            rowv = jnp.full((L,), nst, jnp.int32)
            for g in range(D // L):
                fv = g * L + lanes
                v = plsc.load_gather(slab, [fv, offv])
                plsc.store_scatter(stg, [rowv, fv], v)
            plsc.store_scatter(spos, [lanes], jnp.full((L,), p_s, jnp.int32),
                               mask=lanes == nst)

            @pl.when(nst == L - 1)
            def _():
                pltpu.make_async_copy(stg, dstrows.at[spos], ssem).start()
            full = nst == L - 1
            return (jnp.where(full, sc + 1, sc),
                    jnp.where(full, 0, nst + 1))

        new_sctrs.append(lax.fori_loop(0, mcnt, ent_body, (sctr, nstg)))
    return new_sctrs


def _ring_prologue(table, tail, slabs, dsems, cbase):
    for r in range(3):
        _chunk_dma(table, tail, slabs[r], dsems[r], cbase + r * CC, start=True)


def _table_scan(table, tail, slabs, dsems, cbase, lists, init_carries):
    def super_body(k, carries):
        for r in range(3):
            cid = 3 * k + r
            cstart = cbase + cid * CC
            _chunk_dma(table, tail, slabs[r], dsems[r], cstart, start=False)
            carries = tuple(_process_chunk(slabs[r], cstart,
                                           _bind(lists, carries)))

            @pl.when(cid + 3 < NCH)
            def _(r=r, cid=cid):
                _chunk_dma(table, tail, slabs[r], dsems[r],
                           cbase + (cid + 3) * CC, start=True)
        return carries

    return lax.fori_loop(0, NCH // 3, super_body,
                         tuple(carries for carries in init_carries))


def _bind(lists, sctrs):
    return [tuple(l) + (s,) for l, s in zip(lists, sctrs)]


def _gather_body(user, itemi, itemj, eu_t, ei_t, tail_u, tail_i,
                 urows, virows, vjrows,
                 idxb, ent_u, pos_u, ent_i, pos_i, ent_j, pos_j,
                 ce, cp, slabA, slabB, slabC,
                 stg_u, stg_i, stg_j, spos_u, spos_i, spos_j,
                 dsemA, dsemB, dsemC, ssem_u, ssem_i, ssem_j):
    _process_chunk.ce = ce
    _process_chunk.cp = cp
    wid = lax.axis_index("s") * NC + lax.axis_index("c")
    cbase = wid * CPW
    slabs = (slabA, slabB, slabC)
    dsems = (dsemA, dsemB, dsemC)

    _ring_prologue(eu_t, tail_u, slabs, dsems, cbase)
    cnt_u = _build_worklist(user, idxb, ent_u, pos_u, cbase)
    cnt_i = _build_worklist(itemi, idxb, ent_i, pos_i, cbase)
    cnt_j = _build_worklist(itemj, idxb, ent_j, pos_j, cbase)

    zz = (jnp.int32(0), jnp.int32(0))
    ((sc_u, nst_u),) = _table_scan(
        eu_t, tail_u, slabs, dsems, cbase,
        [(ent_u, pos_u, cnt_u, urows, stg_u, spos_u, ssem_u)], (zz,))
    _ring_prologue(ei_t, tail_i, slabs, dsems, cbase)
    ((sc_i, nst_i), (sc_j, nst_j)) = _table_scan(
        ei_t, tail_i, slabs, dsems, cbase,
        [(ent_i, pos_i, cnt_i, virows, stg_i, spos_i, ssem_i),
         (ent_j, pos_j, cnt_j, vjrows, stg_j, spos_j, ssem_j)], (zz, zz))

    lanes = lax.iota(jnp.int32, L)
    for sc, nst, stg, spos, dst, ssem in (
            (sc_u, nst_u, stg_u, spos_u, urows, ssem_u),
            (sc_i, nst_i, stg_i, spos_i, virows, ssem_i),
            (sc_j, nst_j, stg_j, spos_j, vjrows, ssem_j)):
        @pl.when(nst > 0)
        def _():
            plsc.store_scatter(spos, [lanes], jnp.full((L,), B, jnp.int32),
                               mask=lanes >= nst)
            pltpu.make_async_copy(stg, dst.at[spos], ssem).start()
            pltpu.make_async_copy(stg, dst.at[spos], ssem).wait()

        @pl.when((nst == 0) & (sc >= 1))
        def _():
            pltpu.make_async_copy(stg, dst.at[spos], ssem).wait()


def _dot_body(u_ref, vi_ref, vj_ref, pi_ref, pj_ref):
    u = u_ref[:, :D]
    pi_ref[...] = jnp.sum(u * vi_ref[:, :D], axis=1)
    pj_ref[...] = jnp.sum(u * vj_ref[:, :D], axis=1)


def kernel(user, item_i, item_j, embed_user, embed_item):
    eu_t = embed_user.T
    ei_t = embed_item.T
    tail_u = jnp.pad(embed_user[PARTIAL_COL * 128:].T, ((0, 0), (0, D)))
    tail_i = jnp.pad(embed_item[PARTIAL_COL * 128:].T, ((0, 0), (0, D)))
    mesh = plsc.VectorSubcoreMesh(core_axis_name="c", subcore_axis_name="s")
    gather = pl.kernel(
        _gather_body,
        mesh=mesh,
        out_type=(jax.ShapeDtypeStruct((BROWS, 128), jnp.float32),
                  jax.ShapeDtypeStruct((BROWS, 128), jnp.float32),
                  jax.ShapeDtypeStruct((BROWS, 128), jnp.float32)),
        scratch_types=[
            pltpu.VMEM((B // 2,), jnp.int32),
            pltpu.VMEM((WCAP,), jnp.int32),
            pltpu.VMEM((WCAP,), jnp.int32),
            pltpu.VMEM((WCAP,), jnp.int32),
            pltpu.VMEM((WCAP,), jnp.int32),
            pltpu.VMEM((WCAP,), jnp.int32),
            pltpu.VMEM((WCAP,), jnp.int32),
            pltpu.VMEM((WCAP,), jnp.int32),
            pltpu.VMEM((WCAP,), jnp.int32),
            pltpu.VMEM((D, CC * 128), jnp.float32),
            pltpu.VMEM((D, CC * 128), jnp.float32),
            pltpu.VMEM((D, CC * 128), jnp.float32),
            pltpu.VMEM((L, 128), jnp.float32),
            pltpu.VMEM((L, 128), jnp.float32),
            pltpu.VMEM((L, 128), jnp.float32),
            pltpu.VMEM((L,), jnp.int32),
            pltpu.VMEM((L,), jnp.int32),
            pltpu.VMEM((L,), jnp.int32),
            pltpu.SemaphoreType.DMA,
            pltpu.SemaphoreType.DMA,
            pltpu.SemaphoreType.DMA,
            pltpu.SemaphoreType.DMA,
            pltpu.SemaphoreType.DMA,
            pltpu.SemaphoreType.DMA,
        ],
        compiler_params=pltpu.CompilerParams(needs_layout_passes=False,
                                             use_tc_tiling_on_sc=True),
    )
    urows, virows, vjrows = gather(user, item_i, item_j, eu_t, ei_t,
                                   tail_u, tail_i)

    dot = pl.pallas_call(
        _dot_body,
        grid=(NW,),
        in_specs=[pl.BlockSpec((B // NW, 128), lambda i: (i, 0))] * 3,
        out_specs=[pl.BlockSpec((B // NW,), lambda i: (i,))] * 2,
        out_shape=(jax.ShapeDtypeStruct((B,), jnp.float32),
                   jax.ShapeDtypeStruct((B,), jnp.float32)),
    )
    return dot(urows, virows, vjrows)

# --- scband reference (transcript-rebuilt; emitter-appended) ---
"""Pipeline reference for scband-bpr-25769804281 (READ-ONLY COPY).

The authoritative reference and input builder live on the scoring server;
editing this copy changes nothing except your own understanding.
"""

import jax, jax.numpy as jnp
import numpy as np

USER_NUM = 1000000
ITEM_NUM = 1000000
FACTOR_NUM = 64
BATCH = 16384


def setup_inputs(seed: int = 0) -> dict:
    key = jax.random.key(seed)
    k1, k2, k3, k4, k5 = jax.random.split(key, 5)
    user = jax.random.randint(k1, (BATCH,), 0, USER_NUM, dtype=jnp.int64 if jax.config.jax_enable_x64 else jnp.int32).astype(jnp.int32)
    item_i = jax.random.randint(k2, (BATCH,), 0, ITEM_NUM).astype(jnp.int32)
    item_j = jax.random.randint(k3, (BATCH,), 0, ITEM_NUM).astype(jnp.int32)
    embed_user = jax.random.normal(k4, (USER_NUM, FACTOR_NUM), dtype=jnp.float32) * 0.01
    embed_item = jax.random.normal(k5, (ITEM_NUM, FACTOR_NUM), dtype=jnp.float32) * 0.01
    return {
        "user": user,
        "item_i": item_i,
        "item_j": item_j,
        "embed_user": embed_user,
        "embed_item": embed_item,
    }


def reference(user, item_i, item_j, embed_user, embed_item):
    # Embedding lookups (gather)
    u = jnp.take(embed_user, user, axis=0)
    vi = jnp.take(embed_item, item_i, axis=0)
    vj = jnp.take(embed_item, item_j, axis=0)
    # Dropout is identity in eval mode (inference semantics)
    prediction_i = jnp.sum(u * vi, axis=-1)
    prediction_j = jnp.sum(u * vj, axis=-1)
    return (prediction_i, prediction_j)

if __name__ == "__main__":
    import jax
    _d = setup_inputs()
    print(jax.jit(kernel)(*tuple(_d.values())))

</pallas_src>

<mosaic_0001>
#map = affine_map<(d0, d1) -> (0)>
#map1 = affine_map<(d0, d1) -> (0, 0)>
module attributes {stable_mosaic.version = 14 : i64} {
  func.func @_gather_body(%arg0: i32, %arg1: i32, %arg2: memref<16384xi32, #tpu.memory_space<hbm>>, %arg3: memref<16384xi32, #tpu.memory_space<hbm>>, %arg4: memref<16384xi32, #tpu.memory_space<hbm>>, %arg5: memref<64x1000000xf32, #tpu.memory_space<hbm>>, %arg6: memref<64x1000000xf32, #tpu.memory_space<hbm>>, %arg7: memref<64x128xf32, #tpu.memory_space<hbm>>, %arg8: memref<64x128xf32, #tpu.memory_space<hbm>>, %arg9: memref<16400x128xf32, #tpu.memory_space<hbm>>, %arg10: memref<16400x128xf32, #tpu.memory_space<hbm>>, %arg11: memref<16400x128xf32, #tpu.memory_space<hbm>>, %arg12: memref<8192xi32, #tpu.memory_space<vmem>>, %arg13: memref<1040xi32, #tpu.memory_space<vmem>>, %arg14: memref<1040xi32, #tpu.memory_space<vmem>>, %arg15: memref<1040xi32, #tpu.memory_space<vmem>>, %arg16: memref<1040xi32, #tpu.memory_space<vmem>>, %arg17: memref<1040xi32, #tpu.memory_space<vmem>>, %arg18: memref<1040xi32, #tpu.memory_space<vmem>>, %arg19: memref<1040xi32, #tpu.memory_space<vmem>>, %arg20: memref<1040xi32, #tpu.memory_space<vmem>>, %arg21: memref<64x512xf32, #tpu.memory_space<vmem>>, %arg22: memref<64x512xf32, #tpu.memory_space<vmem>>, %arg23: memref<64x512xf32, #tpu.memory_space<vmem>>, %arg24: memref<16x128xf32, #tpu.memory_space<vmem>>, %arg25: memref<16x128xf32, #tpu.memory_space<vmem>>, %arg26: memref<16x128xf32, #tpu.memory_space<vmem>>, %arg27: memref<16xi32, #tpu.memory_space<vmem>>, %arg28: memref<16xi32, #tpu.memory_space<vmem>>, %arg29: memref<16xi32, #tpu.memory_space<vmem>>, %arg30: memref<!tpu.dma_semaphore, #tpu.memory_space<semaphore_mem>>, %arg31: memref<!tpu.dma_semaphore, #tpu.memory_space<semaphore_mem>>, %arg32: memref<!tpu.dma_semaphore, #tpu.memory_space<semaphore_mem>>, %arg33: memref<!tpu.dma_semaphore, #tpu.memory_space<semaphore_mem>>, %arg34: memref<!tpu.dma_semaphore, #tpu.memory_space<semaphore_mem>>, %arg35: memref<!tpu.dma_semaphore, #tpu.memory_space<semaphore_mem>>) attributes {dimension_semantics = [#tpu.dimension_semantics<core_parallel>, #tpu.dimension_semantics<subcore_parallel>], iteration_bounds = array<i64: 2, 16>, scalar_prefetch = 0 : i64, scratch_operands = 24 : i64, tpu.core_type = #tpu.core_type<sc_vector_subcore>, window_params = [{transform_indices = #map}, {transform_indices = #map}, {transform_indices = #map}, {transform_indices = #map1}, {transform_indices = #map1}, {transform_indices = #map1}, {transform_indices = #map1}, {transform_indices = #map1}, {transform_indices = #map1}, {transform_indices = #map1}]} {
    %mul3A = arith.constant 2 : i32
    %mul3A_0 = arith.muli %arg1, %mul3A : i32
    %add3A = arith.addi %mul3A_0, %arg0 : i32
    %mul3A_1 = arith.constant 252 : i32
    %mul3A_2 = arith.muli %add3A, %mul3A_1 : i32
    %add3A_3 = arith.constant 0 : i32
    %add3A_4 = arith.addi %mul3A_2, %add3A_3 : i32
    %le3A = arith.constant 7808 : i32
    %le3A_5 = arith.cmpi sle, %add3A_4, %le3A : i32
    %convert_element_type3A = arith.extui %le3A_5 : i1 to i32
    %cond3A = arith.constant 0 : i32
    %cond3A_6 = arith.cmpi ne, %convert_element_type3A, %cond3A : i32
    scf.if %cond3A_6 {
      %mul3A_163 = arith.constant 128 : i32
      %mul3A_164 = arith.muli %add3A_4, %mul3A_163 : i32
      %dma_start3A = arith.constant 0 : i32
      %dma_start3A_165 = tpu.memref_slice %arg5[%dma_start3A, %mul3A_164] : memref<64x1000000xf32, #tpu.memory_space<hbm>> -> memref<64x512xf32, #tpu.memory_space<hbm>>
      %dma_start3A_166 = arith.constant 0 : i32
      %dma_start3A_167 = tpu.memref_slice %arg5[%dma_start3A_166, %mul3A_164] : memref<64x1000000xf32, #tpu.memory_space<hbm>> -> memref<64x512xf32, #tpu.memory_space<hbm>>
      tpu.enqueue_dma source(%dma_start3A_167 : memref<64x512xf32, #tpu.memory_space<hbm>>) target(%arg21 : memref<64x512xf32, #tpu.memory_space<vmem>>) target_semaphore(%arg30 : memref<!tpu.dma_semaphore, #tpu.memory_space<semaphore_mem>>)
    } else {
    }
    %eq3A = arith.constant 7812 : i32
    %eq3A_7 = arith.cmpi eq, %add3A_4, %eq3A : i32
    %convert_element_type3A_8 = arith.extui %eq3A_7 : i1 to i32
    %cond3A_9 = arith.constant 0 : i32
    %cond3A_10 = arith.cmpi ne, %convert_element_type3A_8, %cond3A_9 : i32
    scf.if %cond3A_10 {
      %dma_start3A = arith.constant 0 : i32
      %dma_start3A_163 = arith.constant 0 : i32
      %dma_start3A_164 = tpu.memref_slice %arg21[%dma_start3A, %dma_start3A_163] : memref<64x512xf32, #tpu.memory_space<vmem>> -> memref<64x128xf32, #tpu.memory_space<vmem>>
      %dma_start3A_165 = arith.constant 0 : i32
      %dma_start3A_166 = arith.constant 0 : i32
      %dma_start3A_167 = tpu.memref_slice %arg21[%dma_start3A_165, %dma_start3A_166] : memref<64x512xf32, #tpu.memory_space<vmem>> -> memref<64x128xf32, #tpu.memory_space<vmem>>
      tpu.enqueue_dma source(%arg7 : memref<64x128xf32, #tpu.memory_space<hbm>>) target(%dma_start3A_167 : memref<64x128xf32, #tpu.memory_space<vmem>>) target_semaphore(%arg30 : memref<!tpu.dma_semaphore, #tpu.memory_space<semaphore_mem>>)
    } else {
    }
    %add3A_11 = arith.constant 4 : i32
    %add3A_12 = arith.addi %mul3A_2, %add3A_11 : i32
    %le3A_13 = arith.constant 7808 : i32
    %le3A_14 = arith.cmpi sle, %add3A_12, %le3A_13 : i32
    %convert_element_type3A_15 = arith.extui %le3A_14 : i1 to i32
    %cond3A_16 = arith.constant 0 : i32
    %cond3A_17 = arith.cmpi ne, %convert_element_type3A_15, %cond3A_16 : i32
    scf.if %cond3A_17 {
      %mul3A_163 = arith.constant 128 : i32
      %mul3A_164 = arith.muli %add3A_12, %mul3A_163 : i32
      %dma_start3A = arith.constant 0 : i32
      %dma_start3A_165 = tpu.memref_slice %arg5[%dma_start3A, %mul3A_164] : memref<64x1000000xf32, #tpu.memory_space<hbm>> -> memref<64x512xf32, #tpu.memory_space<hbm>>
      %dma_start3A_166 = arith.constant 0 : i32
      %dma_start3A_167 = tpu.memref_slice %arg5[%dma_start3A_166, %mul3A_164] : memref<64x1000000xf32, #tpu.memory_space<hbm>> -> memref<64x512xf32, #tpu.memory_space<hbm>>
      tpu.enqueue_dma source(%dma_start3A_167 : memref<64x512xf32, #tpu.memory_space<hbm>>) target(%arg22 : memref<64x512xf32, #tpu.memory_space<vmem>>) target_semaphore(%arg31 : memref<!tpu.dma_semaphore, #tpu.memory_space<semaphore_mem>>)
    } else {
    }
    %eq3A_18 = arith.constant 7812 : i32
    %eq3A_19 = arith.cmpi eq, %add3A_12, %eq3A_18 : i32
    %convert_element_type3A_20 = arith.extui %eq3A_19 : i1 to i32
    %cond3A_21 = arith.constant 0 : i32
    %cond3A_22 = arith.cmpi ne, %convert_element_type3A_20, %cond3A_21 : i32
    scf.if %cond3A_22 {
      %dma_start3A = arith.constant 0 : i32
      %dma_start3A_163 = arith.constant 0 : i32
      %dma_start3A_164 = tpu.memref_slice %arg22[%dma_start3A, %dma_start3A_163] : memref<64x512xf32, #tpu.memory_space<vmem>> -> memref<64x128xf32, #tpu.memory_space<vmem>>
      %dma_start3A_165 = arith.constant 0 : i32
      %dma_start3A_166 = arith.constant 0 : i32
      %dma_start3A_167 = tpu.memref_slice %arg22[%dma_start3A_165, %dma_start3A_166] : memref<64x512xf32, #tpu.memory_space<vmem>> -> memref<64x128xf32, #tpu.memory_space<vmem>>
      tpu.enqueue_dma source(%arg7 : memref<64x128xf32, #tpu.memory_space<hbm>>) target(%dma_start3A_167 : memref<64x128xf32, #tpu.memory_space<vmem>>) target_semaphore(%arg31 : memref<!tpu.dma_semaphore, #tpu.memory_space<semaphore_mem>>)
    } else {
    }
    %add3A_23 = arith.constant 8 : i32
    %add3A_24 = arith.addi %mul3A_2, %add3A_23 : i32
    %le3A_25 = arith.constant 7808 : i32
    %le3A_26 = arith.cmpi sle, %add3A_24, %le3A_25 : i32
    %convert_element_type3A_27 = arith.extui %le3A_26 : i1 to i32
    %cond3A_28 = arith.constant 0 : i32
    %cond3A_29 = arith.cmpi ne, %convert_element_type3A_27, %cond3A_28 : i32
    scf.if %cond3A_29 {
      %mul3A_163 = arith.constant 128 : i32
      %mul3A_164 = arith.muli %add3A_24, %mul3A_163 : i32
      %dma_start3A = arith.constant 0 : i32
      %dma_start3A_165 = tpu.memref_slice %arg5[%dma_start3A, %mul3A_164] : memref<64x1000000xf32, #tpu.memory_space<hbm>> -> memref<64x512xf32, #tpu.memory_space<hbm>>
      %dma_start3A_166 = arith.constant 0 : i32
      %dma_start3A_167 = tpu.memref_slice %arg5[%dma_start3A_166, %mul3A_164] : memref<64x1000000xf32, #tpu.memory_space<hbm>> -> memref<64x512xf32, #tpu.memory_space<hbm>>
      tpu.enqueue_dma source(%dma_start3A_167 : memref<64x512xf32, #tpu.memory_space<hbm>>) target(%arg23 : memref<64x512xf32, #tpu.memory_space<vmem>>) target_semaphore(%arg32 : memref<!tpu.dma_semaphore, #tpu.memory_space<semaphore_mem>>)
    } else {
    }
    %eq3A_30 = arith.constant 7812 : i32
    %eq3A_31 = arith.cmpi eq, %add3A_24, %eq3A_30 : i32
    %convert_element_type3A_32 = arith.extui %eq3A_31 : i1 to i32
    %cond3A_33 = arith.constant 0 : i32
    %cond3A_34 = arith.cmpi ne, %convert_element_type3A_32, %cond3A_33 : i32
    scf.if %cond3A_34 {
      %dma_start3A = arith.constant 0 : i32
      %dma_start3A_163 = arith.constant 0 : i32
      %dma_start3A_164 = tpu.memref_slice %arg23[%dma_start3A, %dma_start3A_163] : memref<64x512xf32, #tpu.memory_space<vmem>> -> memref<64x128xf32, #tpu.memory_space<vmem>>
      %dma_start3A_165 = arith.constant 0 : i32
      %dma_start3A_166 = arith.constant 0 : i32
      %dma_start3A_167 = tpu.memref_slice %arg23[%dma_start3A_165, %dma_start3A_166] : memref<64x512xf32, #tpu.memory_space<vmem>> -> memref<64x128xf32, #tpu.memory_space<vmem>>
      tpu.enqueue_dma source(%arg7 : memref<64x128xf32, #tpu.memory_space<hbm>>) target(%dma_start3A_167 : memref<64x128xf32, #tpu.memory_space<vmem>>) target_semaphore(%arg32 : memref<!tpu.dma_semaphore, #tpu.memory_space<semaphore_mem>>)
    } else {
    }
    "tpu.region"() ({
      %run_scoped3A = tpu.sem_alloc : memref<!tpu.dma_semaphore, #tpu.memory_space<semaphore_mem>>
      %dma_start3A = arith.constant 0 : i32
      %dma_start3A_163 = tpu.memref_slice %arg2[%dma_start3A] : memref<16384xi32, #tpu.memory_space<hbm>> -> memref<8192xi32, #tpu.memory_space<hbm>>
      %dma_start3A_164 = arith.constant 0 : i32
      %dma_start3A_165 = tpu.memref_slice %arg2[%dma_start3A_164] : memref<16384xi32, #tpu.memory_space<hbm>> -> memref<8192xi32, #tpu.memory_space<hbm>>
      tpu.enqueue_dma source(%dma_start3A_165 : memref<8192xi32, #tpu.memory_space<hbm>>) target(%arg12 : memref<8192xi32, #tpu.memory_space<vmem>>) target_semaphore(%run_scoped3A : memref<!tpu.dma_semaphore, #tpu.memory_space<semaphore_mem>>)
      %dma_wait3A = arith.constant 0 : i32
      %dma_wait3A_166 = tpu.memref_slice %arg2[%dma_wait3A] : memref<16384xi32, #tpu.memory_space<hbm>> -> memref<8192xi32, #tpu.memory_space<hbm>>
      %dma_wait3A_167 = arith.constant 0 : i32
      %dma_wait3A_168 = tpu.memref_slice %arg2[%dma_wait3A_167] : memref<16384xi32, #tpu.memory_space<hbm>> -> memref<8192xi32, #tpu.memory_space<hbm>>
      tpu.wait_dma2 semaphore(%run_scoped3A : memref<!tpu.dma_semaphore, #tpu.memory_space<semaphore_mem>>) src(%dma_wait3A_168 : memref<8192xi32, #tpu.memory_space<hbm>>) dst(%arg12 : memref<8192xi32, #tpu.memory_space<vmem>>)
      tpu.yield
    }) : () -> ()
    %scan3A = arith.constant 0 : i32
    %scan3A_35 = arith.constant 0 : i32
    %scan3A_36 = arith.constant 512 : i32
    %scan3A_37 = arith.addi %scan3A_35, %scan3A_36 : i32
    %scan3A_38 = arith.constant 1 : i32
    %scan3A_39 = scf.for %scan3A_163 = %scan3A_35 to %scan3A_37 step %scan3A_38 iter_args(%scan3A_164 = %scan3A) -> (i32)  : i32 {
      %mul3A_165 = arith.constant 16 : i32
      %mul3A_166 = arith.muli %scan3A_163, %mul3A_165 : i32
      %get3A = arith.index_cast %mul3A_166 : i32 to index
      %get3A_167 = tpu.vector_load %arg12[%get3A] {strides = array<i32>} : memref<8192xi32, #tpu.memory_space<vmem>>, vector<16xi32>,
      %shift_right_logical3A = arith.constant 7 : i32
      %shift_right_logical3A_168 = vector.broadcast %shift_right_logical3A : i32 to vector<16xi32>
      %shift_right_logical3A_169 = arith.shrui %get3A_167, %shift_right_logical3A_168 : vector<16xi32>
      %ge3A_170 = vector.broadcast %mul3A_2 : i32 to vector<16xi32>
      %ge3A_171 = arith.cmpi sge, %shift_right_logical3A_169, %ge3A_170 : vector<16xi32>
      %add3A_172 = arith.constant 252 : i32
      %add3A_173 = arith.addi %mul3A_2, %add3A_172 : i32
      %lt3A = vector.broadcast %add3A_173 : i32 to vector<16xi32>
      %lt3A_174 = arith.cmpi slt, %shift_right_logical3A_169, %lt3A : vector<16xi32>
      %and3A_175 = arith.andi %ge3A_171, %lt3A_174 : vector<16xi1>
      %swap3A = arith.index_cast %scan3A_164 : i32 to index
      %swap3A_176 = tpu.vector_load %arg13[%swap3A] masked %and3A_175 {strides = array<i32>} : memref<1040xi32, #tpu.memory_space<vmem>>, vector<16xi32>, vector<16xi1>
      tpu.vector_store %arg13[%swap3A], %get3A_167 masked %and3A_175 {strides = array<i32>} : memref<1040xi32, #tpu.memory_space<vmem>>, vector<16xi32>, vector<16xi1>
      %mul3A_177 = arith.constant 16 : i32
      %mul3A_178 = arith.muli %scan3A_163, %mul3A_177 : i32
      %add3A_179 = arith.constant 0 : i32
      %add3A_180 = arith.addi %add3A_179, %mul3A_178 : i32
      %iota3A_181 = tpu.iota {dimensions = array<i32: 0>} : vector<16xi32>
      %add3A_182 = vector.broadcast %add3A_180 : i32 to vector<16xi32>
      %add3A_183 = arith.addi %add3A_182, %iota3A_181 : vector<16xi32>
      %swap3A_184 = arith.index_cast %scan3A_164 : i32 to index
      %swap3A_185 = tpu.vector_load %arg14[%swap3A_184] masked %and3A_175 {strides = array<i32>} : memref<1040xi32, #tpu.memory_space<vmem>>, vector<16xi32>, vector<16xi1>
      tpu.vector_store %arg14[%swap3A_184], %add3A_183 masked %and3A_175 {strides = array<i32>} : memref<1040xi32, #tpu.memory_space<vmem>>, vector<16xi32>, vector<16xi1>
      %all_reduce_population_count3A = tpu.all_reduce %and3A_175 {dim = 0 : i64, kind = #tpu.reduction_kind<sum>} : vector<16xi1> -> vector<16xi32>
      %slice3A = vector.extract_strided_slice %all_reduce_population_count3A {offsets = [0], sizes = [1], strides = [1]} : vector<16xi32> to vector<1xi32>
      %squeeze3A = vector.extract %slice3A[0] : i32 from vector<1xi32>
      %add3A_186 = arith.addi %scan3A_164, %squeeze3A : i32
      scf.yield %add3A_186 : i32
    }
    %scan3A_40 = arith.constant 512 : i32
    "tpu.region"() ({
      %run_scoped3A = tpu.sem_alloc : memref<!tpu.dma_semaphore, #tpu.memory_space<semaphore_mem>>
      %dma_start3A = arith.constant 8192 : i32
      %dma_start3A_163 = tpu.memref_slice %arg2[%dma_start3A] : memref<16384xi32, #tpu.memory_space<hbm>> -> memref<8192xi32, #tpu.memory_space<hbm>>
      %dma_start3A_164 = arith.constant 8192 : i32
      %dma_start3A_165 = tpu.memref_slice %arg2[%dma_start3A_164] : memref<16384xi32, #tpu.memory_space<hbm>> -> memref<8192xi32, #tpu.memory_space<hbm>>
      tpu.enqueue_dma source(%dma_start3A_165 : memref<8192xi32, #tpu.memory_space<hbm>>) target(%arg12 : memref<8192xi32, #tpu.memory_space<vmem>>) target_semaphore(%run_scoped3A : memref<!tpu.dma_semaphore, #tpu.memory_space<semaphore_mem>>)
      %dma_wait3A = arith.constant 8192 : i32
      %dma_wait3A_166 = tpu.memref_slice %arg2[%dma_wait3A] : memref<16384xi32, #tpu.memory_space<hbm>> -> memref<8192xi32, #tpu.memory_space<hbm>>
      %dma_wait3A_167 = arith.constant 8192 : i32
      %dma_wait3A_168 = tpu.memref_slice %arg2[%dma_wait3A_167] : memref<16384xi32, #tpu.memory_space<hbm>> -> memref<8192xi32, #tpu.memory_space<hbm>>
      tpu.wait_dma2 semaphore(%run_scoped3A : memref<!tpu.dma_semaphore, #tpu.memory_space<semaphore_mem>>) src(%dma_wait3A_168 : memref<8192xi32, #tpu.memory_space<hbm>>) dst(%arg12 : memref<8192xi32, #tpu.memory_space<vmem>>)
      tpu.yield
    }) : () -> ()
    %scan3A_41 = arith.constant 0 : i32
    %scan3A_42 = arith.constant 512 : i32
    %scan3A_43 = arith.addi %scan3A_41, %scan3A_42 : i32
    %scan3A_44 = arith.constant 1 : i32
    %scan3A_45 = scf.for %scan3A_163 = %scan3A_41 to %scan3A_43 step %scan3A_44 iter_args(%scan3A_164 = %scan3A_39) -> (i32)  : i32 {
      %mul3A_165 = arith.constant 16 : i32
      %mul3A_166 = arith.muli %scan3A_163, %mul3A_165 : i32
      %get3A = arith.index_cast %mul3A_166 : i32 to index
      %get3A_167 = tpu.vector_load %arg12[%get3A] {strides = array<i32>} : memref<8192xi32, #tpu.memory_space<vmem>>, vector<16xi32>,
      %shift_right_logical3A = arith.constant 7 : i32
      %shift_right_logical3A_168 = vector.broadcast %shift_right_logical3A : i32 to vector<16xi32>
      %shift_right_logical3A_169 = arith.shrui %get3A_167, %shift_right_logical3A_168 : vector<16xi32>
      %ge3A_170 = vector.broadcast %mul3A_2 : i32 to vector<16xi32>
      %ge3A_171 = arith.cmpi sge, %shift_right_logical3A_169, %ge3A_170 : vector<16xi32>
      %add3A_172 = arith.constant 252 : i32
      %add3A_173 = arith.addi %mul3A_2, %add3A_172 : i32
      %lt3A = vector.broadcast %add3A_173 : i32 to vector<16xi32>
      %lt3A_174 = arith.cmpi slt, %shift_right_logical3A_169, %lt3A : vector<16xi32>
      %and3A_175 = arith.andi %ge3A_171, %lt3A_174 : vector<16xi1>
      %swap3A = arith.index_cast %scan3A_164 : i32 to index
      %swap3A_176 = tpu.vector_load %arg13[%swap3A] masked %and3A_175 {strides = array<i32>} : memref<1040xi32, #tpu.memory_space<vmem>>, vector<16xi32>, vector<16xi1>
      tpu.vector_store %arg13[%swap3A], %get3A_167 masked %and3A_175 {strides = array<i32>} : memref<1040xi32, #tpu.memory_space<vmem>>, vector<16xi32>, vector<16xi1>
      %mul3A_177 = arith.constant 16 : i32
      %mul3A_178 = arith.muli %scan3A_163, %mul3A_177 : i32
      %add3A_179 = arith.constant 8192 : i32
      %add3A_180 = arith.addi %add3A_179, %mul3A_178 : i32
      %iota3A_181 = tpu.iota {dimensions = array<i32: 0>} : vector<16xi32>
      %add3A_182 = vector.broadcast %add3A_180 : i32 to vector<16xi32>
      %add3A_183 = arith.addi %add3A_182, %iota3A_181 : vector<16xi32>
      %swap3A_184 = arith.index_cast %scan3A_164 : i32 to index
      %swap3A_185 = tpu.vector_load %arg14[%swap3A_184] masked %and3A_175 {strides = array<i32>} : memref<1040xi32, #tpu.memory_space<vmem>>, vector<16xi32>, vector<16xi1>
      tpu.vector_store %arg14[%swap3A_184], %add3A_183 masked %and3A_175 {strides = array<i32>} : memref<1040xi32, #tpu.memory_space<vmem>>, vector<16xi32>, vector<16xi1>
      %all_reduce_population_count3A = tpu.all_reduce %and3A_175 {dim = 0 : i64, kind = #tpu.reduction_kind<sum>} : vector<16xi1> -> vector<16xi32>
      %slice3A = vector.extract_strided_slice %all_reduce_population_count3A {offsets = [0], sizes = [1], strides = [1]} : vector<16xi32> to vector<1xi32>
      %squeeze3A = vector.extract %slice3A[0] : i32 from vector<1xi32>
      %add3A_186 = arith.addi %scan3A_164, %squeeze3A : i32
      scf.yield %add3A_186 : i32
    }
    %scan3A_46 = arith.constant 512 : i32
    "tpu.region"() ({
      %run_scoped3A = tpu.sem_alloc : memref<!tpu.dma_semaphore, #tpu.memory_space<semaphore_mem>>
      %dma_start3A = arith.constant 0 : i32
      %dma_start3A_163 = tpu.memref_slice %arg3[%dma_start3A] : memref<16384xi32, #tpu.memory_space<hbm>> -> memref<8192xi32, #tpu.memory_space<hbm>>
      %dma_start3A_164 = arith.constant 0 : i32
      %dma_start3A_165 = tpu.memref_slice %arg3[%dma_start3A_164] : memref<16384xi32, #tpu.memory_space<hbm>> -> memref<8192xi32, #tpu.memory_space<hbm>>
      tpu.enqueue_dma source(%dma_start3A_165 : memref<8192xi32, #tpu.memory_space<hbm>>) target(%arg12 : memref<8192xi32, #tpu.memory_space<vmem>>) target_semaphore(%run_scoped3A : memref<!tpu.dma_semaphore, #tpu.memory_space<semaphore_mem>>)
      %dma_wait3A = arith.constant 0 : i32
      %dma_wait3A_166 = tpu.memref_slice %arg3[%dma_wait3A] : memref<16384xi32, #tpu.memory_space<hbm>> -> memref<8192xi32, #tpu.memory_space<hbm>>
      %dma_wait3A_167 = arith.constant 0 : i32
      %dma_wait3A_168 = tpu.memref_slice %arg3[%dma_wait3A_167] : memref<16384xi32, #tpu.memory_space<hbm>> -> memref<8192xi32, #tpu.memory_space<hbm>>
      tpu.wait_dma2 semaphore(%run_scoped3A : memref<!tpu.dma_semaphore, #tpu.memory_space<semaphore_mem>>) src(%dma_wait3A_168 : memref<8192xi32, #tpu.memory_space<hbm>>) dst(%arg12 : memref<8192xi32, #tpu.memory_space<vmem>>)
      tpu.yield
    }) : () -> ()
    %scan3A_47 = arith.constant 0 : i32
    %scan3A_48 = arith.constant 0 : i32
    %scan3A_49 = arith.constant 512 : i32
    %scan3A_50 = arith.addi %scan3A_48, %scan3A_49 : i32
    %scan3A_51 = arith.constant 1 : i32
    %scan3A_52 = scf.for %scan3A_163 = %scan3A_48 to %scan3A_50 step %scan3A_51 iter_args(%scan3A_164 = %scan3A_47) -> (i32)  : i32 {
      %mul3A_165 = arith.constant 16 : i32
      %mul3A_166 = arith.muli %scan3A_163, %mul3A_165 : i32
      %get3A = arith.index_cast %mul3A_166 : i32 to index
      %get3A_167 = tpu.vector_load %arg12[%get3A] {strides = array<i32>} : memref<8192xi32, #tpu.memory_space<vmem>>, vector<16xi32>,
      %shift_right_logical3A = arith.constant 7 : i32
      %shift_right_logical3A_168 = vector.broadcast %shift_right_logical3A : i32 to vector<16xi32>
      %shift_right_logical3A_169 = arith.shrui %get3A_167, %shift_right_logical3A_168 : vector<16xi32>
      %ge3A_170 = vector.broadcast %mul3A_2 : i32 to vector<16xi32>
      %ge3A_171 = arith.cmpi sge, %shift_right_logical3A_169, %ge3A_170 : vector<16xi32>
      %add3A_172 = arith.constant 252 : i32
      %add3A_173 = arith.addi %mul3A_2, %add3A_172 : i32
      %lt3A = vector.broadcast %add3A_173 : i32 to vector<16xi32>
      %lt3A_174 = arith.cmpi slt, %shift_right_logical3A_169, %lt3A : vector<16xi32>
      %and3A_175 = arith.andi %ge3A_171, %lt3A_174 : vector<16xi1>
      %swap3A = arith.index_cast %scan3A_164 : i32 to index
      %swap3A_176 = tpu.vector_load %arg15[%swap3A] masked %and3A_175 {strides = array<i32>} : memref<1040xi32, #tpu.memory_space<vmem>>, vector<16xi32>, vector<16xi1>
      tpu.vector_store %arg15[%swap3A], %get3A_167 masked %and3A_175 {strides = array<i32>} : memref<1040xi32, #tpu.memory_space<vmem>>, vector<16xi32>, vector<16xi1>
      %mul3A_177 = arith.constant 16 : i32
      %mul3A_178 = arith.muli %scan3A_163, %mul3A_177 : i32
      %add3A_179 = arith.constant 0 : i32
      %add3A_180 = arith.addi %add3A_179, %mul3A_178 : i32
      %iota3A_181 = tpu.iota {dimensions = array<i32: 0>} : vector<16xi32>
      %add3A_182 = vector.broadcast %add3A_180 : i32 to vector<16xi32>
      %add3A_183 = arith.addi %add3A_182, %iota3A_181 : vector<16xi32>
      %swap3A_184 = arith.index_cast %scan3A_164 : i32 to index
      %swap3A_185 = tpu.vector_load %arg16[%swap3A_184] masked %and3A_175 {strides = array<i32>} : memref<1040xi32, #tpu.memory_space<vmem>>, vector<16xi32>, vector<16xi1>
      tpu.vector_store %arg16[%swap3A_184], %add3A_183 masked %and3A_175 {strides = array<i32>} : memref<1040xi32, #tpu.memory_space<vmem>>, vector<16xi32>, vector<16xi1>
      %all_reduce_population_count3A = tpu.all_reduce %and3A_175 {dim = 0 : i64, kind = #tpu.reduction_kind<sum>} : vector<16xi1> -> vector<16xi32>
      %slice3A = vector.extract_strided_slice %all_reduce_population_count3A {offsets = [0], sizes = [1], strides = [1]} : vector<16xi32> to vector<1xi32>
      %squeeze3A = vector.extract %slice3A[0] : i32 from vector<1xi32>
      %add3A_186 = arith.addi %scan3A_164, %squeeze3A : i32
      scf.yield %add3A_186 : i32
    }
    %scan3A_53 = arith.constant 512 : i32
    "tpu.region"() ({
      %run_scoped3A = tpu.sem_alloc : memref<!tpu.dma_semaphore, #tpu.memory_space<semaphore_mem>>
      %dma_start3A = arith.constant 8192 : i32
      %dma_start3A_163 = tpu.memref_slice %arg3[%dma_start3A] : memref<16384xi32, #tpu.memory_space<hbm>> -> memref<8192xi32, #tpu.memory_space<hbm>>
      %dma_start3A_164 = arith.constant 8192 : i32
      %dma_start3A_165 = tpu.memref_slice %arg3[%dma_start3A_164] : memref<16384xi32, #tpu.memory_space<hbm>> -> memref<8192xi32, #tpu.memory_space<hbm>>
      tpu.enqueue_dma source(%dma_start3A_165 : memref<8192xi32, #tpu.memory_space<hbm>>) target(%arg12 : memref<8192xi32, #tpu.memory_space<vmem>>) target_semaphore(%run_scoped3A : memref<!tpu.dma_semaphore, #tpu.memory_space<semaphore_mem>>)
      %dma_wait3A = arith.constant 8192 : i32
      %dma_wait3A_166 = tpu.memref_slice %arg3[%dma_wait3A] : memref<16384xi32, #tpu.memory_space<hbm>> -> memref<8192xi32, #tpu.memory_space<hbm>>
      %dma_wait3A_167 = arith.constant 8192 : i32
      %dma_wait3A_168 = tpu.memref_slice %arg3[%dma_wait3A_167] : memref<16384xi32, #tpu.memory_space<hbm>> -> memref<8192xi32, #tpu.memory_space<hbm>>
      tpu.wait_dma2 semaphore(%run_scoped3A : memref<!tpu.dma_semaphore, #tpu.memory_space<semaphore_mem>>) src(%dma_wait3A_168 : memref<8192xi32, #tpu.memory_space<hbm>>) dst(%arg12 : memref<8192xi32, #tpu.memory_space<vmem>>)
      tpu.yield
    }) : () -> ()
    %scan3A_54 = arith.constant 0 : i32
    %scan3A_55 = arith.constant 512 : i32
    %scan3A_56 = arith.addi %scan3A_54, %scan3A_55 : i32
    %scan3A_57 = arith.constant 1 : i32
    %scan3A_58 = scf.for %scan3A_163 = %scan3A_54 to %scan3A_56 step %scan3A_57 iter_args(%scan3A_164 = %scan3A_52) -> (i32)  : i32 {
      %mul3A_165 = arith.constant 16 : i32
      %mul3A_166 = arith.muli %scan3A_163, %mul3A_165 : i32
      %get3A = arith.index_cast %mul3A_166 : i32 to index
      %get3A_167 = tpu.vector_load %arg12[%get3A] {strides = array<i32>} : memref<8192xi32, #tpu.memory_space<vmem>>, vector<16xi32>,
      %shift_right_logical3A = arith.constant 7 : i32
      %shift_right_logical3A_168 = vector.broadcast %shift_right_logical3A : i32 to vector<16xi32>
      %shift_right_logical3A_169 = arith.shrui %get3A_167, %shift_right_logical3A_168 : vector<16xi32>
      %ge3A_170 = vector.broadcast %mul3A_2 : i32 to vector<16xi32>
      %ge3A_171 = arith.cmpi sge, %shift_right_logical3A_169, %ge3A_170 : vector<16xi32>
      %add3A_172 = arith.constant 252 : i32
      %add3A_173 = arith.addi %mul3A_2, %add3A_172 : i32
      %lt3A = vector.broadcast %add3A_173 : i32 to vector<16xi32>
      %lt3A_174 = arith.cmpi slt, %shift_right_logical3A_169, %lt3A : vector<16xi32>
      %and3A_175 = arith.andi %ge3A_171, %lt3A_174 : vector<16xi1>
      %swap3A = arith.index_cast %scan3A_164 : i32 to index
      %swap3A_176 = tpu.vector_load %arg15[%swap3A] masked %and3A_175 {strides = array<i32>} : memref<1040xi32, #tpu.memory_space<vmem>>, vector<16xi32>, vector<16xi1>
      tpu.vector_store %arg15[%swap3A], %get3A_167 masked %and3A_175 {strides = array<i32>} : memref<1040xi32, #tpu.memory_space<vmem>>, vector<16xi32>, vector<16xi1>
      %mul3A_177 = arith.constant 16 : i32
      %mul3A_178 = arith.muli %scan3A_163, %mul3A_177 : i32
      %add3A_179 = arith.constant 8192 : i32
      %add3A_180 = arith.addi %add3A_179, %mul3A_178 : i32
      %iota3A_181 = tpu.iota {dimensions = array<i32: 0>} : vector<16xi32>
      %add3A_182 = vector.broadcast %add3A_180 : i32 to vector<16xi32>
      %add3A_183 = arith.addi %add3A_182, %iota3A_181 : vector<16xi32>
      %swap3A_184 = arith.index_cast %scan3A_164 : i32 to index
      %swap3A_185 = tpu.vector_load %arg16[%swap3A_184] masked %and3A_175 {strides = array<i32>} : memref<1040xi32, #tpu.memory_space<vmem>>, vector<16xi32>, vector<16xi1>
      tpu.vector_store %arg16[%swap3A_184], %add3A_183 masked %and3A_175 {strides = array<i32>} : memref<1040xi32, #tpu.memory_space<vmem>>, vector<16xi32>, vector<16xi1>
      %all_reduce_population_count3A = tpu.all_reduce %and3A_175 {dim = 0 : i64, kind = #tpu.reduction_kind<sum>} : vector<16xi1> -> vector<16xi32>
      %slice3A = vector.extract_strided_slice %all_reduce_population_count3A {offsets = [0], sizes = [1], strides = [1]} : vector<16xi32> to vector<1xi32>
      %squeeze3A = vector.extract %slice3A[0] : i32 from vector<1xi32>
      %add3A_186 = arith.addi %scan3A_164, %squeeze3A : i32
      scf.yield %add3A_186 : i32
    }
    %scan3A_59 = arith.constant 512 : i32
    "tpu.region"() ({
      %run_scoped3A = tpu.sem_alloc : memref<!tpu.dma_semaphore, #tpu.memory_space<semaphore_mem>>
      %dma_start3A = arith.constant 0 : i32
      %dma_start3A_163 = tpu.memref_slice %arg4[%dma_start3A] : memref<16384xi32, #tpu.memory_space<hbm>> -> memref<8192xi32, #tpu.memory_space<hbm>>
      %dma_start3A_164 = arith.constant 0 : i32
      %dma_start3A_165 = tpu.memref_slice %arg4[%dma_start3A_164] : memref<16384xi32, #tpu.memory_space<hbm>> -> memref<8192xi32, #tpu.memory_space<hbm>>
      tpu.enqueue_dma source(%dma_start3A_165 : memref<8192xi32, #tpu.memory_space<hbm>>) target(%arg12 : memref<8192xi32, #tpu.memory_space<vmem>>) target_semaphore(%run_scoped3A : memref<!tpu.dma_semaphore, #tpu.memory_space<semaphore_mem>>)
      %dma_wait3A = arith.constant 0 : i32
      %dma_wait3A_166 = tpu.memref_slice %arg4[%dma_wait3A] : memref<16384xi32, #tpu.memory_space<hbm>> -> memref<8192xi32, #tpu.memory_space<hbm>>
      %dma_wait3A_167 = arith.constant 0 : i32
      %dma_wait3A_168 = tpu.memref_slice %arg4[%dma_wait3A_167] : memref<16384xi32, #tpu.memory_space<hbm>> -> memref<8192xi32, #tpu.memory_space<hbm>>
      tpu.wait_dma2 semaphore(%run_scoped3A : memref<!tpu.dma_semaphore, #tpu.memory_space<semaphore_mem>>) src(%dma_wait3A_168 : memref<8192xi32, #tpu.memory_space<hbm>>) dst(%arg12 : memref<8192xi32, #tpu.memory_space<vmem>>)
      tpu.yield
    }) : () -> ()
    %scan3A_60 = arith.constant 0 : i32
    %scan3A_61 = arith.constant 0 : i32
    %scan3A_62 = arith.constant 512 : i32
    %scan3A_63 = arith.addi %scan3A_61, %scan3A_62 : i32
    %scan3A_64 = arith.constant 1 : i32
    %scan3A_65 = scf.for %scan3A_163 = %scan3A_61 to %scan3A_63 step %scan3A_64 iter_args(%scan3A_164 = %scan3A_60) -> (i32)  : i32 {
      %mul3A_165 = arith.constant 16 : i32
      %mul3A_166 = arith.muli %scan3A_163, %mul3A_165 : i32
      %get3A = arith.index_cast %mul3A_166 : i32 to index
      %get3A_167 = tpu.vector_load %arg12[%get3A] {strides = array<i32>} : memref<8192xi32, #tpu.memory_space<vmem>>, vector<16xi32>,
      %shift_right_logical3A = arith.constant 7 : i32
      %shift_right_logical3A_168 = vector.broadcast %shift_right_logical3A : i32 to vector<16xi32>
      %shift_right_logical3A_169 = arith.shrui %get3A_167, %shift_right_logical3A_168 : vector<16xi32>
      %ge3A_170 = vector.broadcast %mul3A_2 : i32 to vector<16xi32>
      %ge3A_171 = arith.cmpi sge, %shift_right_logical3A_169, %ge3A_170 : vector<16xi32>
      %add3A_172 = arith.constant 252 : i32
      %add3A_173 = arith.addi %mul3A_2, %add3A_172 : i32
      %lt3A = vector.broadcast %add3A_173 : i32 to vector<16xi32>
      %lt3A_174 = arith.cmpi slt, %shift_right_logical3A_169, %lt3A : vector<16xi32>
      %and3A_175 = arith.andi %ge3A_171, %lt3A_174 : vector<16xi1>
      %swap3A = arith.index_cast %scan3A_164 : i32 to index
      %swap3A_176 = tpu.vector_load %arg17[%swap3A] masked %and3A_175 {strides = array<i32>} : memref<1040xi32, #tpu.memory_space<vmem>>, vector<16xi32>, vector<16xi1>
      tpu.vector_store %arg17[%swap3A], %get3A_167 masked %and3A_175 {strides = array<i32>} : memref<1040xi32, #tpu.memory_space<vmem>>, vector<16xi32>, vector<16xi1>
      %mul3A_177 = arith.constant 16 : i32
      %mul3A_178 = arith.muli %scan3A_163, %mul3A_177 : i32
      %add3A_179 = arith.constant 0 : i32
      %add3A_180 = arith.addi %add3A_179, %mul3A_178 : i32
      %iota3A_181 = tpu.iota {dimensions = array<i32: 0>} : vector<16xi32>
      %add3A_182 = vector.broadcast %add3A_180 : i32 to vector<16xi32>
      %add3A_183 = arith.addi %add3A_182, %iota3A_181 : vector<16xi32>
      %swap3A_184 = arith.index_cast %scan3A_164 : i32 to index
      %swap3A_185 = tpu.vector_load %arg18[%swap3A_184] masked %and3A_175 {strides = array<i32>} : memref<1040xi32, #tpu.memory_space<vmem>>, vector<16xi32>, vector<16xi1>
      tpu.vector_store %arg18[%swap3A_184], %add3A_183 masked %and3A_175 {strides = array<i32>} : memref<1040xi32, #tpu.memory_space<vmem>>, vector<16xi32>, vector<16xi1>
      %all_reduce_population_count3A = tpu.all_reduce %and3A_175 {dim = 0 : i64, kind = #tpu.reduction_kind<sum>} : vector<16xi1> -> vector<16xi32>
      %slice3A = vector.extract_strided_slice %all_reduce_population_count3A {offsets = [0], sizes = [1], strides = [1]} : vector<16xi32> to vector<1xi32>
      %squeeze3A = vector.extract %slice3A[0] : i32 from vector<1xi32>
      %add3A_186 = arith.addi %scan3A_164, %squeeze3A : i32
      scf.yield %add3A_186 : i32
    }
    %scan3A_66 = arith.constant 512 : i32
    "tpu.region"() ({
      %run_scoped3A = tpu.sem_alloc : memref<!tpu.dma_semaphore, #tpu.memory_space<semaphore_mem>>
      %dma_start3A = arith.constant 8192 : i32
      %dma_start3A_163 = tpu.memref_slice %arg4[%dma_start3A] : memref<16384xi32, #tpu.memory_space<hbm>> -> memref<8192xi32, #tpu.memory_space<hbm>>
      %dma_start3A_164 = arith.constant 8192 : i32
      %dma_start3A_165 = tpu.memref_slice %arg4[%dma_start3A_164] : memref<16384xi32, #tpu.memory_space<hbm>> -> memref<8192xi32, #tpu.memory_space<hbm>>
      tpu.enqueue_dma source(%dma_start3A_165 : memref<8192xi32, #tpu.memory_space<hbm>>) target(%arg12 : memref<8192xi32, #tpu.memory_space<vmem>>) target_semaphore(%run_scoped3A : memref<!tpu.dma_semaphore, #tpu.memory_space<semaphore_mem>>)
      %dma_wait3A = arith.constant 8192 : i32
      %dma_wait3A_166 = tpu.memref_slice %arg4[%dma_wait3A] : memref<16384xi32, #tpu.memory_space<hbm>> -> memref<8192xi32, #tpu.memory_space<hbm>>
      %dma_wait3A_167 = arith.constant 8192 : i32
      %dma_wait3A_168 = tpu.memref_slice %arg4[%dma_wait3A_167] : memref<16384xi32, #tpu.memory_space<hbm>> -> memref<8192xi32, #tpu.memory_space<hbm>>
      tpu.wait_dma2 semaphore(%run_scoped3A : memref<!tpu.dma_semaphore, #tpu.memory_space<semaphore_mem>>) src(%dma_wait3A_168 : memref<8192xi32, #tpu.memory_space<hbm>>) dst(%arg12 : memref<8192xi32, #tpu.memory_space<vmem>>)
      tpu.yield
    }) : () -> ()
    %scan3A_67 = arith.constant 0 : i32
    %scan3A_68 = arith.constant 512 : i32
    %scan3A_69 = arith.addi %scan3A_67, %scan3A_68 : i32
    %scan3A_70 = arith.constant 1 : i32
    %scan3A_71 = scf.for %scan3A_163 = %scan3A_67 to %scan3A_69 step %scan3A_70 iter_args(%scan3A_164 = %scan3A_65) -> (i32)  : i32 {
      %mul3A_165 = arith.constant 16 : i32
      %mul3A_166 = arith.muli %scan3A_163, %mul3A_165 : i32
      %get3A = arith.index_cast %mul3A_166 : i32 to index
      %get3A_167 = tpu.vector_load %arg12[%get3A] {strides = array<i32>} : memref<8192xi32, #tpu.memory_space<vmem>>, vector<16xi32>,
      %shift_right_logical3A = arith.constant 7 : i32
      %shift_right_logical3A_168 = vector.broadcast %shift_right_logical3A : i32 to vector<16xi32>
      %shift_right_logical3A_169 = arith.shrui %get3A_167, %shift_right_logical3A_168 : vector<16xi32>
      %ge3A_170 = vector.broadcast %mul3A_2 : i32 to vector<16xi32>
      %ge3A_171 = arith.cmpi sge, %shift_right_logical3A_169, %ge3A_170 : vector<16xi32>
      %add3A_172 = arith.constant 252 : i32
      %add3A_173 = arith.addi %mul3A_2, %add3A_172 : i32
      %lt3A = vector.broadcast %add3A_173 : i32 to vector<16xi32>
      %lt3A_174 = arith.cmpi slt, %shift_right_logical3A_169, %lt3A : vector<16xi32>
      %and3A_175 = arith.andi %ge3A_171, %lt3A_174 : vector<16xi1>
      %swap3A = arith.index_cast %scan3A_164 : i32 to index
      %swap3A_176 = tpu.vector_load %arg17[%swap3A] masked %and3A_175 {strides = array<i32>} : memref<1040xi32, #tpu.memory_space<vmem>>, vector<16xi32>, vector<16xi1>
      tpu.vector_store %arg17[%swap3A], %get3A_167 masked %and3A_175 {strides = array<i32>} : memref<1040xi32, #tpu.memory_space<vmem>>, vector<16xi32>, vector<16xi1>
      %mul3A_177 = arith.constant 16 : i32
      %mul3A_178 = arith.muli %scan3A_163, %mul3A_177 : i32
      %add3A_179 = arith.constant 8192 : i32
      %add3A_180 = arith.addi %add3A_179, %mul3A_178 : i32
      %iota3A_181 = tpu.iota {dimensions = array<i32: 0>} : vector<16xi32>
      %add3A_182 = vector.broadcast %add3A_180 : i32 to vector<16xi32>
      %add3A_183 = arith.addi %add3A_182, %iota3A_181 : vector<16xi32>
      %swap3A_184 = arith.index_cast %scan3A_164 : i32 to index
      %swap3A_185 = tpu.vector_load %arg18[%swap3A_184] masked %and3A_175 {strides = array<i32>} : memref<1040xi32, #tpu.memory_space<vmem>>, vector<16xi32>, vector<16xi1>
      tpu.vector_store %arg18[%swap3A_184], %add3A_183 masked %and3A_175 {strides = array<i32>} : memref<1040xi32, #tpu.memory_space<vmem>>, vector<16xi32>, vector<16xi1>
      %all_reduce_population_count3A = tpu.all_reduce %and3A_175 {dim = 0 : i64, kind = #tpu.reduction_kind<sum>} : vector<16xi1> -> vector<16xi32>
      %slice3A = vector.extract_strided_slice %all_reduce_population_count3A {offsets = [0], sizes = [1], strides = [1]} : vector<16xi32> to vector<1xi32>
      %squeeze3A = vector.extract %slice3A[0] : i32 from vector<1xi32>
      %add3A_186 = arith.addi %scan3A_164, %squeeze3A : i32
      scf.yield %add3A_186 : i32
    }
    %scan3A_72 = arith.constant 512 : i32
    %scan3A_73 = arith.constant 0 : i32
    %scan3A_74 = arith.constant 0 : i32
    %scan3A_75 = arith.constant 0 : i32
    %scan3A_76 = arith.constant 21 : i32
    %scan3A_77 = arith.addi %scan3A_75, %scan3A_76 : i32
    %scan3A_78 = arith.constant 1 : i32
    %scan3A_79:2 = scf.for %scan3A_163 = %scan3A_75 to %scan3A_77 step %scan3A_78 iter_args(%scan3A_164 = %scan3A_73, %scan3A_165 = %scan3A_74) -> (i32, i32)  : i32 {
      %mul3A_166 = arith.constant 3 : i32
      %mul3A_167 = arith.muli %mul3A_166, %scan3A_163 : i32
      %add3A_168 = arith.constant 0 : i32
      %add3A_169 = arith.addi %mul3A_167, %add3A_168 : i32
      %mul3A_170 = arith.constant 4 : i32
      %mul3A_171 = arith.muli %add3A_169, %mul3A_170 : i32
      %add3A_172 = arith.addi %mul3A_2, %mul3A_171 : i32
      %le3A_173 = arith.constant 7808 : i32
      %le3A_174 = arith.cmpi sle, %add3A_172, %le3A_173 : i32
      %convert_element_type3A_175 = arith.extui %le3A_174 : i1 to i32
      %cond3A_176 = arith.constant 0 : i32
      %cond3A_177 = arith.cmpi ne, %convert_element_type3A_175, %cond3A_176 : i32
      scf.if %cond3A_177 {
        %mul3A_324 = arith.constant 128 : i32
        %mul3A_325 = arith.muli %add3A_172, %mul3A_324 : i32
        %dma_wait3A = arith.constant 0 : i32
        %dma_wait3A_326 = tpu.memref_slice %arg5[%dma_wait3A, %mul3A_325] : memref<64x1000000xf32, #tpu.memory_space<hbm>> -> memref<64x512xf32, #tpu.memory_space<hbm>>
        %dma_wait3A_327 = arith.constant 0 : i32
        %dma_wait3A_328 = tpu.memref_slice %arg5[%dma_wait3A_327, %mul3A_325] : memref<64x1000000xf32, #tpu.memory_space<hbm>> -> memref<64x512xf32, #tpu.memory_space<hbm>>
        tpu.wait_dma2 semaphore(%arg30 : memref<!tpu.dma_semaphore, #tpu.memory_space<semaphore_mem>>) src(%dma_wait3A_328 : memref<64x512xf32, #tpu.memory_space<hbm>>) dst(%arg21 : memref<64x512xf32, #tpu.memory_space<vmem>>)
      } else {
      }
      %eq3A_178 = arith.constant 7812 : i32
      %eq3A_179 = arith.cmpi eq, %add3A_172, %eq3A_178 : i32
      %convert_element_type3A_180 = arith.extui %eq3A_179 : i1 to i32
      %cond3A_181 = arith.constant 0 : i32
      %cond3A_182 = arith.cmpi ne, %convert_element_type3A_180, %cond3A_181 : i32
      scf.if %cond3A_182 {
        %dma_wait3A = arith.constant 0 : i32
        %dma_wait3A_324 = arith.constant 0 : i32
        %dma_wait3A_325 = tpu.memref_slice %arg21[%dma_wait3A, %dma_wait3A_324] : memref<64x512xf32, #tpu.memory_space<vmem>> -> memref<64x128xf32, #tpu.memory_space<vmem>>
        %dma_wait3A_326 = arith.constant 0 : i32
        %dma_wait3A_327 = arith.constant 0 : i32
        %dma_wait3A_328 = tpu.memref_slice %arg21[%dma_wait3A_326, %dma_wait3A_327] : memref<64x512xf32, #tpu.memory_space<vmem>> -> memref<64x128xf32, #tpu.memory_space<vmem>>
        tpu.wait_dma2 semaphore(%arg30 : memref<!tpu.dma_semaphore, #tpu.memory_space<semaphore_mem>>) src(%arg7 : memref<64x128xf32, #tpu.memory_space<hbm>>) dst(%dma_wait3A_328 : memref<64x128xf32, #tpu.memory_space<vmem>>)
      } else {
      }
      %add3A_183 = arith.constant 16 : i32
      %add3A_184 = arith.addi %scan3A_45, %add3A_183 : i32
      %sub3A = arith.constant 1 : i32
      %sub3A_185 = arith.subi %add3A_184, %sub3A : i32
      %shift_right_logical3A = arith.constant 4 : i32
      %shift_right_logical3A_186 = arith.shrui %sub3A_185, %shift_right_logical3A : i32
      %while3A = arith.constant 0 : i32
      %while3A_187 = arith.constant 0 : i32
      %while3A_188 = arith.subi %shift_right_logical3A_186, %while3A : i32
      %while3A_189 = arith.addi %while3A, %while3A_188 : i32
      %while3A_190 = arith.constant 1 : i32
      %while3A_191 = arith.divsi %while3A_188, %while3A_190 : i32
      %while3A_192 = arith.muli %while3A_191, %while3A_190 : i32
      %while3A_193 = arith.addi %while3A, %while3A_192 : i32
      %while3A_194 = arith.constant 1 : i32
      %while3A_195 = scf.for %while3A_324 = %while3A to %while3A_193 step %while3A_194 iter_args(%while3A_325 = %while3A_187) -> (i32)  : i32 {
        %mul3A_326 = arith.constant 16 : i32
        %mul3A_327 = arith.muli %while3A_324, %mul3A_326 : i32
        %get3A = arith.index_cast %mul3A_327 : i32 to index
        %get3A_328 = tpu.vector_load %arg13[%get3A] {strides = array<i32>} : memref<1040xi32, #tpu.memory_space<vmem>>, vector<16xi32>,
        %mul3A_329 = arith.constant 16 : i32
        %mul3A_330 = arith.muli %while3A_324, %mul3A_329 : i32
        %get3A_331 = arith.index_cast %mul3A_330 : i32 to index
        %get3A_332 = tpu.vector_load %arg14[%get3A_331] {strides = array<i32>} : memref<1040xi32, #tpu.memory_space<vmem>>, vector<16xi32>,
        %mul3A_333 = arith.constant 16 : i32
        %mul3A_334 = arith.muli %while3A_324, %mul3A_333 : i32
        %iota3A_335 = tpu.iota {dimensions = array<i32: 0>} : vector<16xi32>
        %add3A_336 = vector.broadcast %mul3A_334 : i32 to vector<16xi32>
        %add3A_337 = arith.addi %add3A_336, %iota3A_335 : vector<16xi32>
        %lt3A_338 = vector.broadcast %scan3A_45 : i32 to vector<16xi32>
        %lt3A_339 = arith.cmpi slt, %add3A_337, %lt3A_338 : vector<16xi32>
        %shift_right_logical3A_340 = arith.constant 7 : i32
        %shift_right_logical3A_341 = vector.broadcast %shift_right_logical3A_340 : i32 to vector<16xi32>
        %shift_right_logical3A_342 = arith.shrui %get3A_328, %shift_right_logical3A_341 : vector<16xi32>
        %sub3A_343 = vector.broadcast %add3A_172 : i32 to vector<16xi32>
        %sub3A_344 = arith.subi %shift_right_logical3A_342, %sub3A_343 : vector<16xi32>
        %ge3A_345 = arith.constant 0 : i32
        %ge3A_346 = vector.broadcast %ge3A_345 : i32 to vector<16xi32>
        %ge3A_347 = arith.cmpi sge, %sub3A_344, %ge3A_346 : vector<16xi32>
        %and3A_348 = arith.andi %lt3A_339, %ge3A_347 : vector<16xi1>
        %lt3A_349 = arith.constant 4 : i32
        %lt3A_350 = vector.broadcast %lt3A_349 : i32 to vector<16xi32>
        %lt3A_351 = arith.cmpi slt, %sub3A_344, %lt3A_350 : vector<16xi32>
        %and3A_352 = arith.andi %and3A_348, %lt3A_351 : vector<16xi1>
        %swap3A = arith.index_cast %while3A_325 : i32 to index
        %swap3A_353 = tpu.vector_load %arg19[%swap3A] masked %and3A_352 {strides = array<i32>} : memref<1040xi32, #tpu.memory_space<vmem>>, vector<16xi32>, vector<16xi1>
        tpu.vector_store %arg19[%swap3A], %get3A_328 masked %and3A_352 {strides = array<i32>} : memref<1040xi32, #tpu.memory_space<vmem>>, vector<16xi32>, vector<16xi1>
        %swap3A_354 = arith.index_cast %while3A_325 : i32 to index
        %swap3A_355 = tpu.vector_load %arg20[%swap3A_354] masked %and3A_352 {strides = array<i32>} : memref<1040xi32, #tpu.memory_space<vmem>>, vector<16xi32>, vector<16xi1>
        tpu.vector_store %arg20[%swap3A_354], %get3A_332 masked %and3A_352 {strides = array<i32>} : memref<1040xi32, #tpu.memory_space<vmem>>, vector<16xi32>, vector<16xi1>
        %all_reduce_population_count3A = tpu.all_reduce %and3A_352 {dim = 0 : i64, kind = #tpu.reduction_kind<sum>} : vector<16xi1> -> vector<16xi32>
        %slice3A = vector.extract_strided_slice %all_reduce_population_count3A {offsets = [0], sizes = [1], strides = [1]} : vector<16xi32> to vector<1xi32>
        %squeeze3A = vector.extract %slice3A[0] : i32 from vector<1xi32>
        %add3A_356 = arith.addi %while3A_325, %squeeze3A : i32
        scf.yield %add3A_356 : i32
      }
      %while3A_196 = arith.constant 1 : i32
      %while3A_197 = scf.for %while3A_324 = %while3A_193 to %while3A_189 step %while3A_196 iter_args(%while3A_325 = %while3A_195) -> (i32)  : i32 {
        %mul3A_326 = arith.constant 16 : i32
        %mul3A_327 = arith.muli %while3A_324, %mul3A_326 : i32
        %get3A = arith.index_cast %mul3A_327 : i32 to index
        %get3A_328 = tpu.vector_load %arg13[%get3A] {strides = array<i32>} : memref<1040xi32, #tpu.memory_space<vmem>>, vector<16xi32>,
        %mul3A_329 = arith.constant 16 : i32
        %mul3A_330 = arith.muli %while3A_324, %mul3A_329 : i32
        %get3A_331 = arith.index_cast %mul3A_330 : i32 to index
        %get3A_332 = tpu.vector_load %arg14[%get3A_331] {strides = array<i32>} : memref<1040xi32, #tpu.memory_space<vmem>>, vector<16xi32>,
        %mul3A_333 = arith.constant 16 : i32
        %mul3A_334 = arith.muli %while3A_324, %mul3A_333 : i32
        %iota3A_335 = tpu.iota {dimensions = array<i32: 0>} : vector<16xi32>
        %add3A_336 = vector.broadcast %mul3A_334 : i32 to vector<16xi32>
        %add3A_337 = arith.addi %add3A_336, %iota3A_335 : vector<16xi32>
        %lt3A_338 = vector.broadcast %scan3A_45 : i32 to vector<16xi32>
        %lt3A_339 = arith.cmpi slt, %add3A_337, %lt3A_338 : vector<16xi32>
        %shift_right_logical3A_340 = arith.constant 7 : i32
        %shift_right_logical3A_341 = vector.broadcast %shift_right_logical3A_340 : i32 to vector<16xi32>
        %shift_right_logical3A_342 = arith.shrui %get3A_328, %shift_right_logical3A_341 : vector<16xi32>
        %sub3A_343 = vector.broadcast %add3A_172 : i32 to vector<16xi32>
        %sub3A_344 = arith.subi %shift_right_logical3A_342, %sub3A_343 : vector<16xi32>
        %ge3A_345 = arith.constant 0 : i32
        %ge3A_346 = vector.broadcast %ge3A_345 : i32 to vector<16xi32>
        %ge3A_347 = arith.cmpi sge, %sub3A_344, %ge3A_346 : vector<16xi32>
        %and3A_348 = arith.andi %lt3A_339, %ge3A_347 : vector<16xi1>
        %lt3A_349 = arith.constant 4 : i32
        %lt3A_350 = vector.broadcast %lt3A_349 : i32 to vector<16xi32>
        %lt3A_351 = arith.cmpi slt, %sub3A_344, %lt3A_350 : vector<16xi32>
        %and3A_352 = arith.andi %and3A_348, %lt3A_351 : vector<16xi1>
        %swap3A = arith.index_cast %while3A_325 : i32 to index
        %swap3A_353 = tpu.vector_load %arg19[%swap3A] masked %and3A_352 {strides = array<i32>} : memref<1040xi32, #tpu.memory_space<vmem>>, vector<16xi32>, vector<16xi1>
        tpu.vector_store %arg19[%swap3A], %get3A_328 masked %and3A_352 {strides = array<i32>} : memref<1040xi32, #tpu.memory_space<vmem>>, vector<16xi32>, vector<16xi1>
        %swap3A_354 = arith.index_cast %while3A_325 : i32 to index
        %swap3A_355 = tpu.vector_load %arg20[%swap3A_354] masked %and3A_352 {strides = array<i32>} : memref<1040xi32, #tpu.memory_space<vmem>>, vector<16xi32>, vector<16xi1>
        tpu.vector_store %arg20[%swap3A_354], %get3A_332 masked %and3A_352 {strides = array<i32>} : memref<1040xi32, #tpu.memory_space<vmem>>, vector<16xi32>, vector<16xi1>
        %all_reduce_population_count3A = tpu.all_reduce %and3A_352 {dim = 0 : i64, kind = #tpu.reduction_kind<sum>} : vector<16xi1> -> vector<16xi32>
        %slice3A = vector.extract_strided_slice %all_reduce_population_count3A {offsets = [0], sizes = [1], strides = [1]} : vector<16xi32> to vector<1xi32>
        %squeeze3A = vector.extract %slice3A[0] : i32 from vector<1xi32>
        %add3A_356 = arith.addi %while3A_325, %squeeze3A : i32
        scf.yield %add3A_356 : i32
      }
      %iota3A_198 = tpu.iota {dimensions = array<i32: 0>} : vector<16xi32>
      %while3A_199 = arith.constant 0 : i32
      %while3A_200 = arith.subi %while3A_197, %while3A_199 : i32
      %while3A_201 = arith.addi %while3A_199, %while3A_200 : i32
      %while3A_202 = arith.constant 1 : i32
      %while3A_203 = arith.divsi %while3A_200, %while3A_202 : i32
      %while3A_204 = arith.muli %while3A_203, %while3A_202 : i32
      %while3A_205 = arith.addi %while3A_199, %while3A_204 : i32
      %while3A_206 = arith.constant 1 : i32
      %while3A_207:2 = scf.for %while3A_324 = %while3A_199 to %while3A_205 step %while3A_206 iter_args(%while3A_325 = %scan3A_164, %while3A_326 = %scan3A_165) -> (i32, i32)  : i32 {
        %eq3A_327 = arith.constant 0 : i32
        %eq3A_328 = arith.cmpi eq, %while3A_326, %eq3A_327 : i32
        %ge3A_329 = arith.constant 1 : i32
        %ge3A_330 = arith.cmpi sge, %while3A_325, %ge3A_329 : i32
        %and3A_331 = arith.andi %eq3A_328, %ge3A_330 : i1
        %convert_element_type3A_332 = arith.extui %and3A_331 : i1 to i32
        %cond3A_333 = arith.constant 0 : i32
        %cond3A_334 = arith.cmpi ne, %convert_element_type3A_332, %cond3A_333 : i32
        scf.if %cond3A_334 {
          %dma_wait3A = arith.constant 0 : i32
          %dma_wait3A_379 = arith.constant 0 : i32
          %dma_wait3A_380 = tpu.memref_slice %arg9[%dma_wait3A, %dma_wait3A_379] : memref<16400x128xf32, #tpu.memory_space<hbm>> -> memref<16400x128xf32, #tpu.memory_space<hbm>>
          tpu.wait_indirect_dma semaphore(%arg33 : memref<!tpu.dma_semaphore, #tpu.memory_space<semaphore_mem>>) src(%arg24 : memref<16x128xf32, #tpu.memory_space<vmem>>) dst(%dma_wait3A_380 : memref<16400x128xf32, #tpu.memory_space<hbm>>)
        } else {
        }
        %get3A = arith.index_cast %while3A_324 : i32 to index
        %get3A_335 = tpu.vector_load %arg19[%get3A] {strides = array<i32>} : memref<1040xi32, #tpu.memory_space<vmem>>, vector<16xi32>,
        %slice3A = vector.extract_strided_slice %get3A_335 {offsets = [0], sizes = [1], strides = [1]} : vector<16xi32> to vector<1xi32>
        %squeeze3A = vector.extract %slice3A[0] : i32 from vector<1xi32>
        %get3A_336 = arith.index_cast %while3A_324 : i32 to index
        %get3A_337 = tpu.vector_load %arg20[%get3A_336] {strides = array<i32>} : memref<1040xi32, #tpu.memory_space<vmem>>, vector<16xi32>,
        %slice3A_338 = vector.extract_strided_slice %get3A_337 {offsets = [0], sizes = [1], strides = [1]} : vector<16xi32> to vector<1xi32>
        %squeeze3A_339 = vector.extract %slice3A_338[0] : i32 from vector<1xi32>
        %shift_right_logical3A_340 = arith.constant 7 : i32
        %shift_right_logical3A_341 = arith.shrui %squeeze3A, %shift_right_logical3A_340 : i32
        %sub3A_342 = arith.subi %shift_right_logical3A_341, %add3A_172 : i32
        %mul3A_343 = arith.constant 128 : i32
        %mul3A_344 = arith.muli %sub3A_342, %mul3A_343 : i32
        %and3A_345 = arith.constant 127 : i32
        %and3A_346 = arith.andi %squeeze3A, %and3A_345 : i32
        %add3A_347 = arith.addi %mul3A_344, %and3A_346 : i32
        %broadcast_in_dim3A = vector.broadcast %add3A_347 : i32 to vector<16xi32>
        %broadcast_in_dim3A_348 = vector.broadcast %while3A_326 : i32 to vector<16xi32>
        %add3A_349 = arith.constant 0 : i32
        %add3A_350 = vector.broadcast %add3A_349 : i32 to vector<16xi32>
        %add3A_351 = arith.addi %add3A_350, %iota3A_198 : vector<16xi32>
        %gather3A = tpu.vector_load_idx %arg21[%add3A_351, %broadcast_in_dim3A] : memref<64x512xf32, #tpu.memory_space<vmem>>[vector<16xi32>, vector<16xi32>], vector<16xf32>,
        tpu.vector_store_idx %arg24[%broadcast_in_dim3A_348, %add3A_351], %gather3A : memref<16x128xf32, #tpu.memory_space<vmem>>[vector<16xi32>, vector<16xi32>], vector<16xf32>,
        %add3A_352 = arith.constant 16 : i32
        %add3A_353 = vector.broadcast %add3A_352 : i32 to vector<16xi32>
        %add3A_354 = arith.addi %add3A_353, %iota3A_198 : vector<16xi32>
        %gather3A_355 = tpu.vector_load_idx %arg21[%add3A_354, %broadcast_in_dim3A] : memref<64x512xf32, #tpu.memory_space<vmem>>[vector<16xi32>, vector<16xi32>], vector<16xf32>,
        tpu.vector_store_idx %arg24[%broadcast_in_dim3A_348, %add3A_354], %gather3A_355 : memref<16x128xf32, #tpu.memory_space<vmem>>[vector<16xi32>, vector<16xi32>], vector<16xf32>,
        %add3A_356 = arith.constant 32 : i32
        %add3A_357 = vector.broadcast %add3A_356 : i32 to vector<16xi32>
        %add3A_358 = arith.addi %add3A_357, %iota3A_198 : vector<16xi32>
        %gather3A_359 = tpu.vector_load_idx %arg21[%add3A_358, %broadcast_in_dim3A] : memref<64x512xf32, #tpu.memory_space<vmem>>[vector<16xi32>, vector<16xi32>], vector<16xf32>,
        tpu.vector_store_idx %arg24[%broadcast_in_dim3A_348, %add3A_358], %gather3A_359 : memref<16x128xf32, #tpu.memory_space<vmem>>[vector<16xi32>, vector<16xi32>], vector<16xf32>,
        %add3A_360 = arith.constant 48 : i32
        %add3A_361 = vector.broadcast %add3A_360 : i32 to vector<16xi32>
        %add3A_362 = arith.addi %add3A_361, %iota3A_198 : vector<16xi32>
        %gather3A_363 = tpu.vector_load_idx %arg21[%add3A_362, %broadcast_in_dim3A] : memref<64x512xf32, #tpu.memory_space<vmem>>[vector<16xi32>, vector<16xi32>], vector<16xf32>,
        tpu.vector_store_idx %arg24[%broadcast_in_dim3A_348, %add3A_362], %gather3A_363 : memref<16x128xf32, #tpu.memory_space<vmem>>[vector<16xi32>, vector<16xi32>], vector<16xf32>,
        %broadcast_in_dim3A_364 = vector.broadcast %squeeze3A_339 : i32 to vector<16xi32>
        %eq3A_365 = vector.broadcast %while3A_326 : i32 to vector<16xi32>
        %eq3A_366 = arith.cmpi eq, %iota3A_198, %eq3A_365 : vector<16xi32>
        tpu.vector_store_idx %arg27[%iota3A_198], %broadcast_in_dim3A_364 masked %eq3A_366 : memref<16xi32, #tpu.memory_space<vmem>>[vector<16xi32>], vector<16xi32>, vector<16xi1>
        %eq3A_367 = arith.constant 15 : i32
        %eq3A_368 = arith.cmpi eq, %while3A_326, %eq3A_367 : i32
        %convert_element_type3A_369 = arith.extui %eq3A_368 : i1 to i32
        %cond3A_370 = arith.constant 0 : i32
        %cond3A_371 = arith.cmpi ne, %convert_element_type3A_369, %cond3A_370 : i32
        scf.if %cond3A_371 {
          %dma_start3A = arith.constant 0 : i32
          %dma_start3A_379 = arith.constant 0 : i32
          %dma_start3A_380 = tpu.memref_slice %arg9[%dma_start3A, %dma_start3A_379] : memref<16400x128xf32, #tpu.memory_space<hbm>> -> memref<16400x128xf32, #tpu.memory_space<hbm>>
          tpu.enqueue_indirect_dma source(%arg24 : memref<16x128xf32, #tpu.memory_space<vmem>>) target(%dma_start3A_380 : memref<16400x128xf32, #tpu.memory_space<hbm>>) offsets(%arg27 : memref<16xi32, #tpu.memory_space<vmem>>) semaphore(%arg33 : memref<!tpu.dma_semaphore, #tpu.memory_space<semaphore_mem>>)
        } else {
        }
        %eq3A_372 = arith.constant 15 : i32
        %eq3A_373 = arith.cmpi eq, %while3A_326, %eq3A_372 : i32
        %add3A_374 = arith.constant 1 : i32
        %add3A_375 = arith.addi %while3A_325, %add3A_374 : i32
        %select_n3A = arith.select %eq3A_373, %add3A_375, %while3A_325 : i32
        %add3A_376 = arith.constant 1 : i32
        %add3A_377 = arith.addi %while3A_326, %add3A_376 : i32
        %jit3A = arith.constant 0 : i32
        %select_n3A_378 = arith.select %eq3A_373, %jit3A, %add3A_377 : i32
        scf.yield %select_n3A, %select_n3A_378 : i32, i32
      }
      %while3A_208 = arith.constant 1 : i32
      %while3A_209:2 = scf.for %while3A_324 = %while3A_205 to %while3A_201 step %while3A_208 iter_args(%while3A_325 = %while3A_207#0, %while3A_326 = %while3A_207#1) -> (i32, i32)  : i32 {
        %eq3A_327 = arith.constant 0 : i32
        %eq3A_328 = arith.cmpi eq, %while3A_326, %eq3A_327 : i32
        %ge3A_329 = arith.constant 1 : i32
        %ge3A_330 = arith.cmpi sge, %while3A_325, %ge3A_329 : i32
        %and3A_331 = arith.andi %eq3A_328, %ge3A_330 : i1
        %convert_element_type3A_332 = arith.extui %and3A_331 : i1 to i32
        %cond3A_333 = arith.constant 0 : i32
        %cond3A_334 = arith.cmpi ne, %convert_element_type3A_332, %cond3A_333 : i32
        scf.if %cond3A_334 {
          %dma_wait3A = arith.constant 0 : i32
          %dma_wait3A_379 = arith.constant 0 : i32
          %dma_wait3A_380 = tpu.memref_slice %arg9[%dma_wait3A, %dma_wait3A_379] : memref<16400x128xf32, #tpu.memory_space<hbm>> -> memref<16400x128xf32, #tpu.memory_space<hbm>>
          tpu.wait_indirect_dma semaphore(%arg33 : memref<!tpu.dma_semaphore, #tpu.memory_space<semaphore_mem>>) src(%arg24 : memref<16x128xf32, #tpu.memory_space<vmem>>) dst(%dma_wait3A_380 : memref<16400x128xf32, #tpu.memory_space<hbm>>)
        } else {
        }
        %get3A = arith.index_cast %while3A_324 : i32 to index
        %get3A_335 = tpu.vector_load %arg19[%get3A] {strides = array<i32>} : memref<1040xi32, #tpu.memory_space<vmem>>, vector<16xi32>,
        %slice3A = vector.extract_strided_slice %get3A_335 {offsets = [0], sizes = [1], strides = [1]} : vector<16xi32> to vector<1xi32>
        %squeeze3A = vector.extract %slice3A[0] : i32 from vector<1xi32>
        %get3A_336 = arith.index_cast %while3A_324 : i32 to index
        %get3A_337 = tpu.vector_load %arg20[%get3A_336] {strides = array<i32>} : memref<1040xi32, #tpu.memory_space<vmem>>, vector<16xi32>,
        %slice3A_338 = vector.extract_strided_slice %get3A_337 {offsets = [0], sizes = [1], strides = [1]} : vector<16xi32> to vector<1xi32>
        %squeeze3A_339 = vector.extract %slice3A_338[0] : i32 from vector<1xi32>
        %shift_right_logical3A_340 = arith.constant 7 : i32
        %shift_right_logical3A_341 = arith.shrui %squeeze3A, %shift_right_logical3A_340 : i32
        %sub3A_342 = arith.subi %shift_right_logical3A_341, %add3A_172 : i32
        %mul3A_343 = arith.constant 128 : i32
        %mul3A_344 = arith.muli %sub3A_342, %mul3A_343 : i32
        %and3A_345 = arith.constant 127 : i32
        %and3A_346 = arith.andi %squeeze3A, %and3A_345 : i32
        %add3A_347 = arith.addi %mul3A_344, %and3A_346 : i32
        %broadcast_in_dim3A = vector.broadcast %add3A_347 : i32 to vector<16xi32>
        %broadcast_in_dim3A_348 = vector.broadcast %while3A_326 : i32 to vector<16xi32>
        %add3A_349 = arith.constant 0 : i32
        %add3A_350 = vector.broadcast %add3A_349 : i32 to vector<16xi32>
        %add3A_351 = arith.addi %add3A_350, %iota3A_198 : vector<16xi32>
        %gather3A = tpu.vector_load_idx %arg21[%add3A_351, %broadcast_in_dim3A] : memref<64x512xf32, #tpu.memory_space<vmem>>[vector<16xi32>, vector<16xi32>], vector<16xf32>,
        tpu.vector_store_idx %arg24[%broadcast_in_dim3A_348, %add3A_351], %gather3A : memref<16x128xf32, #tpu.memory_space<vmem>>[vector<16xi32>, vector<16xi32>], vector<16xf32>,
        %add3A_352 = arith.constant 16 : i32
        %add3A_353 = vector.broadcast %add3A_352 : i32 to vector<16xi32>
        %add3A_354 = arith.addi %add3A_353, %iota3A_198 : vector<16xi32>
        %gather3A_355 = tpu.vector_load_idx %arg21[%add3A_354, %broadcast_in_dim3A] : memref<64x512xf32, #tpu.memory_space<vmem>>[vector<16xi32>, vector<16xi32>], vector<16xf32>,
        tpu.vector_store_idx %arg24[%broadcast_in_dim3A_348, %add3A_354], %gather3A_355 : memref<16x128xf32, #tpu.memory_space<vmem>>[vector<16xi32>, vector<16xi32>], vector<16xf32>,
        %add3A_356 = arith.constant 32 : i32
        %add3A_357 = vector.broadcast %add3A_356 : i32 to vector<16xi32>
        %add3A_358 = arith.addi %add3A_357, %iota3A_198 : vector<16xi32>
        %gather3A_359 = tpu.vector_load_idx %arg21[%add3A_358, %broadcast_in_dim3A] : memref<64x512xf32, #tpu.memory_space<vmem>>[vector<16xi32>, vector<16xi32>], vector<16xf32>,
        tpu.vector_store_idx %arg24[%broadcast_in_dim3A_348, %add3A_358], %gather3A_359 : memref<16x128xf32, #tpu.memory_space<vmem>>[vector<16xi32>, vector<16xi32>], vector<16xf32>,
        %add3A_360 = arith.constant 48 : i32
        %add3A_361 = vector.broadcast %add3A_360 : i32 to vector<16xi32>
        %add3A_362 = arith.addi %add3A_361, %iota3A_198 : vector<16xi32>
        %gather3A_363 = tpu.vector_load_idx %arg21[%add3A_362, %broadcast_in_dim3A] : memref<64x512xf32, #tpu.memory_space<vmem>>[vector<16xi32>, vector<16xi32>], vector<16xf32>,
        tpu.vector_store_idx %arg24[%broadcast_in_dim3A_348, %add3A_362], %gather3A_363 : memref<16x128xf32, #tpu.memory_space<vmem>>[vector<16xi32>, vector<16xi32>], vector<16xf32>,
        %broadcast_in_dim3A_364 = vector.broadcast %squeeze3A_339 : i32 to vector<16xi32>
        %eq3A_365 = vector.broadcast %while3A_326 : i32 to vector<16xi32>
        %eq3A_366 = arith.cmpi eq, %iota3A_198, %eq3A_365 : vector<16xi32>
        tpu.vector_store_idx %arg27[%iota3A_198], %broadcast_in_dim3A_364 masked %eq3A_366 : memref<16xi32, #tpu.memory_space<vmem>>[vector<16xi32>], vector<16xi32>, vector<16xi1>
        %eq3A_367 = arith.constant 15 : i32
        %eq3A_368 = arith.cmpi eq, %while3A_326, %eq3A_367 : i32
        %convert_element_type3A_369 = arith.extui %eq3A_368 : i1 to i32
        %cond3A_370 = arith.constant 0 : i32
        %cond3A_371 = arith.cmpi ne, %convert_element_type3A_369, %cond3A_370 : i32
        scf.if %cond3A_371 {
          %dma_start3A = arith.constant 0 : i32
          %dma_start3A_379 = arith.constant 0 : i32
          %dma_start3A_380 = tpu.memref_slice %arg9[%dma_start3A, %dma_start3A_379] : memref<16400x128xf32, #tpu.memory_space<hbm>> -> memref<16400x128xf32, #tpu.memory_space<hbm>>
          tpu.enqueue_indirect_dma source(%arg24 : memref<16x128xf32, #tpu.memory_space<vmem>>) target(%dma_start3A_380 : memref<16400x128xf32, #tpu.memory_space<hbm>>) offsets(%arg27 : memref<16xi32, #tpu.memory_space<vmem>>) semaphore(%arg33 : memref<!tpu.dma_semaphore, #tpu.memory_space<semaphore_mem>>)
        } else {
        }
        %eq3A_372 = arith.constant 15 : i32
        %eq3A_373 = arith.cmpi eq, %while3A_326, %eq3A_372 : i32
        %add3A_374 = arith.constant 1 : i32
        %add3A_375 = arith.addi %while3A_325, %add3A_374 : i32
        %select_n3A = arith.select %eq3A_373, %add3A_375, %while3A_325 : i32
        %add3A_376 = arith.constant 1 : i32
        %add3A_377 = arith.addi %while3A_326, %add3A_376 : i32
        %jit3A = arith.constant 0 : i32
        %select_n3A_378 = arith.select %eq3A_373, %jit3A, %add3A_377 : i32
        scf.yield %select_n3A, %select_n3A_378 : i32, i32
      }
      %add3A_210 = arith.constant 3 : i32
      %add3A_211 = arith.addi %add3A_169, %add3A_210 : i32
      %lt3A = arith.constant 63 : i32
      %lt3A_212 = arith.cmpi slt, %add3A_211, %lt3A : i32
      %convert_element_type3A_213 = arith.extui %lt3A_212 : i1 to i32
      %cond3A_214 = arith.constant 0 : i32
      %cond3A_215 = arith.cmpi ne, %convert_element_type3A_213, %cond3A_214 : i32
      scf.if %cond3A_215 {
        %add3A_324 = arith.constant 3 : i32
        %add3A_325 = arith.addi %add3A_169, %add3A_324 : i32
        %mul3A_326 = arith.constant 4 : i32
        %mul3A_327 = arith.muli %add3A_325, %mul3A_326 : i32
        %add3A_328 = arith.addi %mul3A_2, %mul3A_327 : i32
        %le3A_329 = arith.constant 7808 : i32
        %le3A_330 = arith.cmpi sle, %add3A_328, %le3A_329 : i32
        %convert_element_type3A_331 = arith.extui %le3A_330 : i1 to i32
        %cond3A_332 = arith.constant 0 : i32
        %cond3A_333 = arith.cmpi ne, %convert_element_type3A_331, %cond3A_332 : i32
        scf.if %cond3A_333 {
          %mul3A_339 = arith.constant 128 : i32
          %mul3A_340 = arith.muli %add3A_328, %mul3A_339 : i32
          %dma_start3A = arith.constant 0 : i32
          %dma_start3A_341 = tpu.memref_slice %arg5[%dma_start3A, %mul3A_340] : memref<64x1000000xf32, #tpu.memory_space<hbm>> -> memref<64x512xf32, #tpu.memory_space<hbm>>
          %dma_start3A_342 = arith.constant 0 : i32
          %dma_start3A_343 = tpu.memref_slice %arg5[%dma_start3A_342, %mul3A_340] : memref<64x1000000xf32, #tpu.memory_space<hbm>> -> memref<64x512xf32, #tpu.memory_space<hbm>>
          tpu.enqueue_dma source(%dma_start3A_343 : memref<64x512xf32, #tpu.memory_space<hbm>>) target(%arg21 : memref<64x512xf32, #tpu.memory_space<vmem>>) target_semaphore(%arg30 : memref<!tpu.dma_semaphore, #tpu.memory_space<semaphore_mem>>)
        } else {
        }
        %eq3A_334 = arith.constant 7812 : i32
        %eq3A_335 = arith.cmpi eq, %add3A_328, %eq3A_334 : i32
        %convert_element_type3A_336 = arith.extui %eq3A_335 : i1 to i32
        %cond3A_337 = arith.constant 0 : i32
        %cond3A_338 = arith.cmpi ne, %convert_element_type3A_336, %cond3A_337 : i32
        scf.if %cond3A_338 {
          %dma_start3A = arith.constant 0 : i32
          %dma_start3A_339 = arith.constant 0 : i32
          %dma_start3A_340 = tpu.memref_slice %arg21[%dma_start3A, %dma_start3A_339] : memref<64x512xf32, #tpu.memory_space<vmem>> -> memref<64x128xf32, #tpu.memory_space<vmem>>
          %dma_start3A_341 = arith.constant 0 : i32
          %dma_start3A_342 = arith.constant 0 : i32
          %dma_start3A_343 = tpu.memref_slice %arg21[%dma_start3A_341, %dma_start3A_342] : memref<64x512xf32, #tpu.memory_space<vmem>> -> memref<64x128xf32, #tpu.memory_space<vmem>>
          tpu.enqueue_dma source(%arg7 : memref<64x128xf32, #tpu.memory_space<hbm>>) target(%dma_start3A_343 : memref<64x128xf32, #tpu.memory_space<vmem>>) target_semaphore(%arg30 : memref<!tpu.dma_semaphore, #tpu.memory_space<semaphore_mem>>)
        } else {
        }
      } else {
      }
      %mul3A_216 = arith.constant 3 : i32
      %mul3A_217 = arith.muli %mul3A_216, %scan3A_163 : i32
      %add3A_218 = arith.constant 1 : i32
      %add3A_219 = arith.addi %mul3A_217, %add3A_218 : i32
      %mul3A_220 = arith.constant 4 : i32
      %mul3A_221 = arith.muli %add3A_219, %mul3A_220 : i32
      %add3A_222 = arith.addi %mul3A_2, %mul3A_221 : i32
      %le3A_223 = arith.constant 7808 : i32
      %le3A_224 = arith.cmpi sle, %add3A_222, %le3A_223 : i32
      %convert_element_type3A_225 = arith.extui %le3A_224 : i1 to i32
      %cond3A_226 = arith.constant 0 : i32
      %cond3A_227 = arith.cmpi ne, %convert_element_type3A_225, %cond3A_226 : i32
      scf.if %cond3A_227 {
        %mul3A_324 = arith.constant 128 : i32
        %mul3A_325 = arith.muli %add3A_222, %mul3A_324 : i32
        %dma_wait3A = arith.constant 0 : i32
        %dma_wait3A_326 = tpu.memref_slice %arg5[%dma_wait3A, %mul3A_325] : memref<64x1000000xf32, #tpu.memory_space<hbm>> -> memref<64x512xf32, #tpu.memory_space<hbm>>
        %dma_wait3A_327 = arith.constant 0 : i32
        %dma_wait3A_328 = tpu.memref_slice %arg5[%dma_wait3A_327, %mul3A_325] : memref<64x1000000xf32, #tpu.memory_space<hbm>> -> memref<64x512xf32, #tpu.memory_space<hbm>>
        tpu.wait_dma2 semaphore(%arg31 : memref<!tpu.dma_semaphore, #tpu.memory_space<semaphore_mem>>) src(%dma_wait3A_328 : memref<64x512xf32, #tpu.memory_space<hbm>>) dst(%arg22 : memref<64x512xf32, #tpu.memory_space<vmem>>)
      } else {
      }
      %eq3A_228 = arith.constant 7812 : i32
      %eq3A_229 = arith.cmpi eq, %add3A_222, %eq3A_228 : i32
      %convert_element_type3A_230 = arith.extui %eq3A_229 : i1 to i32
      %cond3A_231 = arith.constant 0 : i32
      %cond3A_232 = arith.cmpi ne, %convert_element_type3A_230, %cond3A_231 : i32
      scf.if %cond3A_232 {
        %dma_wait3A = arith.constant 0 : i32
        %dma_wait3A_324 = arith.constant 0 : i32
        %dma_wait3A_325 = tpu.memref_slice %arg22[%dma_wait3A, %dma_wait3A_324] : memref<64x512xf32, #tpu.memory_space<vmem>> -> memref<64x128xf32, #tpu.memory_space<vmem>>
        %dma_wait3A_326 = arith.constant 0 : i32
        %dma_wait3A_327 = arith.constant 0 : i32
        %dma_wait3A_328 = tpu.memref_slice %arg22[%dma_wait3A_326, %dma_wait3A_327] : memref<64x512xf32, #tpu.memory_space<vmem>> -> memref<64x128xf32, #tpu.memory_space<vmem>>
        tpu.wait_dma2 semaphore(%arg31 : memref<!tpu.dma_semaphore, #tpu.memory_space<semaphore_mem>>) src(%arg7 : memref<64x128xf32, #tpu.memory_space<hbm>>) dst(%dma_wait3A_328 : memref<64x128xf32, #tpu.memory_space<vmem>>)
      } else {
      }
      %add3A_233 = arith.constant 16 : i32
      %add3A_234 = arith.addi %scan3A_45, %add3A_233 : i32
      %sub3A_235 = arith.constant 1 : i32
      %sub3A_236 = arith.subi %add3A_234, %sub3A_235 : i32
      %shift_right_logical3A_237 = arith.constant 4 : i32
      %shift_right_logical3A_238 = arith.shrui %sub3A_236, %shift_right_logical3A_237 : i32
      %while3A_239 = arith.constant 0 : i32
      %while3A_240 = arith.constant 0 : i32
      %while3A_241 = arith.subi %shift_right_logical3A_238, %while3A_239 : i32
      %while3A_242 = arith.addi %while3A_239, %while3A_241 : i32
      %while3A_243 = arith.constant 1 : i32
      %while3A_244 = arith.divsi %while3A_241, %while3A_243 : i32
      %while3A_245 = arith.muli %while3A_244, %while3A_243 : i32
      %while3A_246 = arith.addi %while3A_239, %while3A_245 : i32
      %while3A_247 = arith.constant 1 : i32
      %while3A_248 = scf.for %while3A_324 = %while3A_239 to %while3A_246 step %while3A_247 iter_args(%while3A_325 = %while3A_240) -> (i32)  : i32 {
        %mul3A_326 = arith.constant 16 : i32
        %mul3A_327 = arith.muli %while3A_324, %mul3A_326 : i32
        %get3A = arith.index_cast %mul3A_327 : i32 to index
        %get3A_328 = tpu.vector_load %arg13[%get3A] {strides = array<i32>} : memref<1040xi32, #tpu.memory_space<vmem>>, vector<16xi32>,
        %mul3A_329 = arith.constant 16 : i32
        %mul3A_330 = arith.muli %while3A_324, %mul3A_329 : i32
        %get3A_331 = arith.index_cast %mul3A_330 : i32 to index
        %get3A_332 = tpu.vector_load %arg14[%get3A_331] {strides = array<i32>} : memref<1040xi32, #tpu.memory_space<vmem>>, vector<16xi32>,
        %mul3A_333 = arith.constant 16 : i32
        %mul3A_334 = arith.muli %while3A_324, %mul3A_333 : i32
        %iota3A_335 = tpu.iota {dimensions = array<i32: 0>} : vector<16xi32>
        %add3A_336 = vector.broadcast %mul3A_334 : i32 to vector<16xi32>
        %add3A_337 = arith.addi %add3A_336, %iota3A_335 : vector<16xi32>
        %lt3A_338 = vector.broadcast %scan3A_45 : i32 to vector<16xi32>
        %lt3A_339 = arith.cmpi slt, %add3A_337, %lt3A_338 : vector<16xi32>
        %shift_right_logical3A_340 = arith.constant 7 : i32
        %shift_right_logical3A_341 = vector.broadcast %shift_right_logical3A_340 : i32 to vector<16xi32>
        %shift_right_logical3A_342 = arith.shrui %get3A_328, %shift_right_logical3A_341 : vector<16xi32>
        %sub3A_343 = vector.broadcast %add3A_222 : i32 to vector<16xi32>
        %sub3A_344 = arith.subi %shift_right_logical3A_342, %sub3A_343 : vector<16xi32>
        %ge3A_345 = arith.constant 0 : i32
        %ge3A_346 = vector.broadcast %ge3A_345 : i32 to vector<16xi32>
        %ge3A_347 = arith.cmpi sge, %sub3A_344, %ge3A_346 : vector<16xi32>
        %and3A_348 = arith.andi %lt3A_339, %ge3A_347 : vector<16xi1>
        %lt3A_349 = arith.constant 4 : i32
        %lt3A_350 = vector.broadcast %lt3A_349 : i32 to vector<16xi32>
        %lt3A_351 = arith.cmpi slt, %sub3A_344, %lt3A_350 : vector<16xi32>
        %and3A_352 = arith.andi %and3A_348, %lt3A_351 : vector<16xi1>
        %swap3A = arith.index_cast %while3A_325 : i32 to index
        %swap3A_353 = tpu.vector_load %arg19[%swap3A] masked %and3A_352 {strides = array<i32>} : memref<1040xi32, #tpu.memory_space<vmem>>, vector<16xi32>, vector<16xi1>
        tpu.vector_store %arg19[%swap3A], %get3A_328 masked %and3A_352 {strides = array<i32>} : memref<1040xi32, #tpu.memory_space<vmem>>, vector<16xi32>, vector<16xi1>
        %swap3A_354 = arith.index_cast %while3A_325 : i32 to index
        %swap3A_355 = tpu.vector_load %arg20[%swap3A_354] masked %and3A_352 {strides = array<i32>} : memref<1040xi32, #tpu.memory_space<vmem>>, vector<16xi32>, vector<16xi1>
        tpu.vector_store %arg20[%swap3A_354], %get3A_332 masked %and3A_352 {strides = array<i32>} : memref<1040xi32, #tpu.memory_space<vmem>>, vector<16xi32>, vector<16xi1>
        %all_reduce_population_count3A = tpu.all_reduce %and3A_352 {dim = 0 : i64, kind = #tpu.reduction_kind<sum>} : vector<16xi1> -> vector<16xi32>
        %slice3A = vector.extract_strided_slice %all_reduce_population_count3A {offsets = [0], sizes = [1], strides = [1]} : vector<16xi32> to vector<1xi32>
        %squeeze3A = vector.extract %slice3A[0] : i32 from vector<1xi32>
        %add3A_356 = arith.addi %while3A_325, %squeeze3A : i32
        scf.yield %add3A_356 : i32
      }
      %while3A_249 = arith.constant 1 : i32
      %while3A_250 = scf.for %while3A_324 = %while3A_246 to %while3A_242 step %while3A_249 iter_args(%while3A_325 = %while3A_248) -> (i32)  : i32 {
        %mul3A_326 = arith.constant 16 : i32
        %mul3A_327 = arith.muli %while3A_324, %mul3A_326 : i32
        %get3A = arith.index_cast %mul3A_327 : i32 to index
        %get3A_328 = tpu.vector_load %arg13[%get3A] {strides = array<i32>} : memref<1040xi32, #tpu.memory_space<vmem>>, vector<16xi32>,
        %mul3A_329 = arith.constant 16 : i32
        %mul3A_330 = arith.muli %while3A_324, %mul3A_329 : i32
        %get3A_331 = arith.index_cast %mul3A_330 : i32 to index
        %get3A_332 = tpu.vector_load %arg14[%get3A_331] {strides = array<i32>} : memref<1040xi32, #tpu.memory_space<vmem>>, vector<16xi32>,
        %mul3A_333 = arith.constant 16 : i32
        %mul3A_334 = arith.muli %while3A_324, %mul3A_333 : i32
        %iota3A_335 = tpu.iota {dimensions = array<i32: 0>} : vector<16xi32>
        %add3A_336 = vector.broadcast %mul3A_334 : i32 to vector<16xi32>
        %add3A_337 = arith.addi %add3A_336, %iota3A_335 : vector<16xi32>
        %lt3A_338 = vector.broadcast %scan3A_45 : i32 to vector<16xi32>
        %lt3A_339 = arith.cmpi slt, %add3A_337, %lt3A_338 : vector<16xi32>
        %shift_right_logical3A_340 = arith.constant 7 : i32
        %shift_right_logical3A_341 = vector.broadcast %shift_right_logical3A_340 : i32 to vector<16xi32>
        %shift_right_logical3A_342 = arith.shrui %get3A_328, %shift_right_logical3A_341 : vector<16xi32>
        %sub3A_343 = vector.broadcast %add3A_222 : i32 to vector<16xi32>
        %sub3A_344 = arith.subi %shift_right_logical3A_342, %sub3A_343 : vector<16xi32>
        %ge3A_345 = arith.constant 0 : i32
        %ge3A_346 = vector.broadcast %ge3A_345 : i32 to vector<16xi32>
        %ge3A_347 = arith.cmpi sge, %sub3A_344, %ge3A_346 : vector<16xi32>
        %and3A_348 = arith.andi %lt3A_339, %ge3A_347 : vector<16xi1>
        %lt3A_349 = arith.constant 4 : i32
        %lt3A_350 = vector.broadcast %lt3A_349 : i32 to vector<16xi32>
        %lt3A_351 = arith.cmpi slt, %sub3A_344, %lt3A_350 : vector<16xi32>
        %and3A_352 = arith.andi %and3A_348, %lt3A_351 : vector<16xi1>
        %swap3A = arith.index_cast %while3A_325 : i32 to index
        %swap3A_353 = tpu.vector_load %arg19[%swap3A] masked %and3A_352 {strides = array<i32>} : memref<1040xi32, #tpu.memory_space<vmem>>, vector<16xi32>, vector<16xi1>
        tpu.vector_store %arg19[%swap3A], %get3A_328 masked %and3A_352 {strides = array<i32>} : memref<1040xi32, #tpu.memory_space<vmem>>, vector<16xi32>, vector<16xi1>
        %swap3A_354 = arith.index_cast %while3A_325 : i32 to index
        %swap3A_355 = tpu.vector_load %arg20[%swap3A_354] masked %and3A_352 {strides = array<i32>} : memref<1040xi32, #tpu.memory_space<vmem>>, vector<16xi32>, vector<16xi1>
        tpu.vector_store %arg20[%swap3A_354], %get3A_332 masked %and3A_352 {strides = array<i32>} : memref<1040xi32, #tpu.memory_space<vmem>>, vector<16xi32>, vector<16xi1>
        %all_reduce_population_count3A = tpu.all_reduce %and3A_352 {dim = 0 : i64, kind = #tpu.reduction_kind<sum>} : vector<16xi1> -> vector<16xi32>
        %slice3A = vector.extract_strided_slice %all_reduce_population_count3A {offsets = [0], sizes = [1], strides = [1]} : vector<16xi32> to vector<1xi32>
        %squeeze3A = vector.extract %slice3A[0] : i32 from vector<1xi32>
        %add3A_356 = arith.addi %while3A_325, %squeeze3A : i32
        scf.yield %add3A_356 : i32
      }
      %iota3A_251 = tpu.iota {dimensions = array<i32: 0>} : vector<16xi32>
      %while3A_252 = arith.constant 0 : i32
      %while3A_253 = arith.subi %while3A_250, %while3A_252 : i32
      %while3A_254 = arith.addi %while3A_252, %while3A_253 : i32
      %while3A_255 = arith.constant 1 : i32
      %while3A_256 = arith.divsi %while3A_253, %while3A_255 : i32
      %while3A_257 = arith.muli %while3A_256, %while3A_255 : i32
      %while3A_258 = arith.addi %while3A_252, %while3A_257 : i32
      %while3A_259 = arith.constant 1 : i32
      %while3A_260:2 = scf.for %while3A_324 = %while3A_252 to %while3A_258 step %while3A_259 iter_args(%while3A_325 = %while3A_209#0, %while3A_326 = %while3A_209#1) -> (i32, i32)  : i32 {
        %eq3A_327 = arith.constant 0 : i32
        %eq3A_328 = arith.cmpi eq, %while3A_326, %eq3A_327 : i32
        %ge3A_329 = arith.constant 1 : i32
        %ge3A_330 = arith.cmpi sge, %while3A_325, %ge3A_329 : i32
        %and3A_331 = arith.andi %eq3A_328, %ge3A_330 : i1
        %convert_element_type3A_332 = arith.extui %and3A_331 : i1 to i32
        %cond3A_333 = arith.constant 0 : i32
        %cond3A_334 = arith.cmpi ne, %convert_element_type3A_332, %cond3A_333 : i32
        scf.if %cond3A_334 {
          %dma_wait3A = arith.constant 0 : i32
          %dma_wait3A_379 = arith.constant 0 : i32
          %dma_wait3A_380 = tpu.memref_slice %arg9[%dma_wait3A, %dma_wait3A_379] : memref<16400x128xf32, #tpu.memory_space<hbm>> -> memref<16400x128xf32, #tpu.memory_space<hbm>>
          tpu.wait_indirect_dma semaphore(%arg33 : memref<!tpu.dma_semaphore, #tpu.memory_space<semaphore_mem>>) src(%arg24 : memref<16x128xf32, #tpu.memory_space<vmem>>) dst(%dma_wait3A_380 : memref<16400x128xf32, #tpu.memory_space<hbm>>)
        } else {
        }
        %get3A = arith.index_cast %while3A_324 : i32 to index
        %get3A_335 = tpu.vector_load %arg19[%get3A] {strides = array<i32>} : memref<1040xi32, #tpu.memory_space<vmem>>, vector<16xi32>,
        %slice3A = vector.extract_strided_slice %get3A_335 {offsets = [0], sizes = [1], strides = [1]} : vector<16xi32> to vector<1xi32>
        %squeeze3A = vector.extract %slice3A[0] : i32 from vector<1xi32>
        %get3A_336 = arith.index_cast %while3A_324 : i32 to index
        %get3A_337 = tpu.vector_load %arg20[%get3A_336] {strides = array<i32>} : memref<1040xi32, #tpu.memory_space<vmem>>, vector<16xi32>,
        %slice3A_338 = vector.extract_strided_slice %get3A_337 {offsets = [0], sizes = [1], strides = [1]} : vector<16xi32> to vector<1xi32>
        %squeeze3A_339 = vector.extract %slice3A_338[0] : i32 from vector<1xi32>
        %shift_right_logical3A_340 = arith.constant 7 : i32
        %shift_right_logical3A_341 = arith.shrui %squeeze3A, %shift_right_logical3A_340 : i32
        %sub3A_342 = arith.subi %shift_right_logical3A_341, %add3A_222 : i32
        %mul3A_343 = arith.constant 128 : i32
        %mul3A_344 = arith.muli %sub3A_342, %mul3A_343 : i32
        %and3A_345 = arith.constant 127 : i32
        %and3A_346 = arith.andi %squeeze3A, %and3A_345 : i32
        %add3A_347 = arith.addi %mul3A_344, %and3A_346 : i32
        %broadcast_in_dim3A = vector.broadcast %add3A_347 : i32 to vector<16xi32>
        %broadcast_in_dim3A_348 = vector.broadcast %while3A_326 : i32 to vector<16xi32>
        %add3A_349 = arith.constant 0 : i32
        %add3A_350 = vector.broadcast %add3A_349 : i32 to vector<16xi32>
        %add3A_351 = arith.addi %add3A_350, %iota3A_251 : vector<16xi32>
        %gather3A = tpu.vector_load_idx %arg22[%add3A_351, %broadcast_in_dim3A] : memref<64x512xf32, #tpu.memory_space<vmem>>[vector<16xi32>, vector<16xi32>], vector<16xf32>,
        tpu.vector_store_idx %arg24[%broadcast_in_dim3A_348, %add3A_351], %gather3A : memref<16x128xf32, #tpu.memory_space<vmem>>[vector<16xi32>, vector<16xi32>], vector<16xf32>,
        %add3A_352 = arith.constant 16 : i32
        %add3A_353 = vector.broadcast %add3A_352 : i32 to vector<16xi32>
        %add3A_354 = arith.addi %add3A_353, %iota3A_251 : vector<16xi32>
        %gather3A_355 = tpu.vector_load_idx %arg22[%add3A_354, %broadcast_in_dim3A] : memref<64x512xf32, #tpu.memory_space<vmem>>[vector<16xi32>, vector<16xi32>], vector<16xf32>,
        tpu.vector_store_idx %arg24[%broadcast_in_dim3A_348, %add3A_354], %gather3A_355 : memref<16x128xf32, #tpu.memory_space<vmem>>[vector<16xi32>, vector<16xi32>], vector<16xf32>,
        %add3A_356 = arith.constant 32 : i32
        %add3A_357 = vector.broadcast %add3A_356 : i32 to vector<16xi32>
        %add3A_358 = arith.addi %add3A_357, %iota3A_251 : vector<16xi32>
        %gather3A_359 = tpu.vector_load_idx %arg22[%add3A_358, %broadcast_in_dim3A] : memref<64x512xf32, #tpu.memory_space<vmem>>[vector<16xi32>, vector<16xi32>], vector<16xf32>,
        tpu.vector_store_idx %arg24[%broadcast_in_dim3A_348, %add3A_358], %gather3A_359 : memref<16x128xf32, #tpu.memory_space<vmem>>[vector<16xi32>, vector<16xi32>], vector<16xf32>,
        %add3A_360 = arith.constant 48 : i32
        %add3A_361 = vector.broadcast %add3A_360 : i32 to vector<16xi32>
        %add3A_362 = arith.addi %add3A_361, %iota3A_251 : vector<16xi32>
        %gather3A_363 = tpu.vector_load_idx %arg22[%add3A_362, %broadcast_in_dim3A] : memref<64x512xf32, #tpu.memory_space<vmem>>[vector<16xi32>, vector<16xi32>], vector<16xf32>,
        tpu.vector_store_idx %arg24[%broadcast_in_dim3A_348, %add3A_362], %gather3A_363 : memref<16x128xf32, #tpu.memory_space<vmem>>[vector<16xi32>, vector<16xi32>], vector<16xf32>,
        %broadcast_in_dim3A_364 = vector.broadcast %squeeze3A_339 : i32 to vector<16xi32>
        %eq3A_365 = vector.broadcast %while3A_326 : i32 to vector<16xi32>
        %eq3A_366 = arith.cmpi eq, %iota3A_251, %eq3A_365 : vector<16xi32>
        tpu.vector_store_idx %arg27[%iota3A_251], %broadcast_in_dim3A_364 masked %eq3A_366 : memref<16xi32, #tpu.memory_space<vmem>>[vector<16xi32>], vector<16xi32>, vector<16xi1>
        %eq3A_367 = arith.constant 15 : i32
        %eq3A_368 = arith.cmpi eq, %while3A_326, %eq3A_367 : i32
        %convert_element_type3A_369 = arith.extui %eq3A_368 : i1 to i32
        %cond3A_370 = arith.constant 0 : i32
        %cond3A_371 = arith.cmpi ne, %convert_element_type3A_369, %cond3A_370 : i32
        scf.if %cond3A_371 {
          %dma_start3A = arith.constant 0 : i32
          %dma_start3A_379 = arith.constant 0 : i32
          %dma_start3A_380 = tpu.memref_slice %arg9[%dma_start3A, %dma_start3A_379] : memref<16400x128xf32, #tpu.memory_space<hbm>> -> memref<16400x128xf32, #tpu.memory_space<hbm>>
          tpu.enqueue_indirect_dma source(%arg24 : memref<16x128xf32, #tpu.memory_space<vmem>>) target(%dma_start3A_380 : memref<16400x128xf32, #tpu.memory_space<hbm>>) offsets(%arg27 : memref<16xi32, #tpu.memory_space<vmem>>) semaphore(%arg33 : memref<!tpu.dma_semaphore, #tpu.memory_space<semaphore_mem>>)
        } else {
        }
        %eq3A_372 = arith.constant 15 : i32
        %eq3A_373 = arith.cmpi eq, %while3A_326, %eq3A_372 : i32
        %add3A_374 = arith.constant 1 : i32
        %add3A_375 = arith.addi %while3A_325, %add3A_374 : i32
        %select_n3A = arith.select %eq3A_373, %add3A_375, %while3A_325 : i32
        %add3A_376 = arith.constant 1 : i32
        %add3A_377 = arith.addi %while3A_326, %add3A_376 : i32
        %jit3A = arith.constant 0 : i32
        %select_n3A_378 = arith.select %eq3A_373, %jit3A, %add3A_377 : i32
        scf.yield %select_n3A, %select_n3A_378 : i32, i32
      }
      %while3A_261 = arith.constant 1 : i32
      %while3A_262:2 = scf.for %while3A_324 = %while3A_258 to %while3A_254 step %while3A_261 iter_args(%while3A_325 = %while3A_260#0, %while3A_326 = %while3A_260#1) -> (i32, i32)  : i32 {
        %eq3A_327 = arith.constant 0 : i32
        %eq3A_328 = arith.cmpi eq, %while3A_326, %eq3A_327 : i32
        %ge3A_329 = arith.constant 1 : i32
        %ge3A_330 = arith.cmpi sge, %while3A_325, %ge3A_329 : i32
        %and3A_331 = arith.andi %eq3A_328, %ge3A_330 : i1
        %convert_element_type3A_332 = arith.extui %and3A_331 : i1 to i32
        %cond3A_333 = arith.constant 0 : i32
        %cond3A_334 = arith.cmpi ne, %convert_element_type3A_332, %cond3A_333 : i32
        scf.if %cond3A_334 {
          %dma_wait3A = arith.constant 0 : i32
          %dma_wait3A_379 = arith.constant 0 : i32
          %dma_wait3A_380 = tpu.memref_slice %arg9[%dma_wait3A, %dma_wait3A_379] : memref<16400x128xf32, #tpu.memory_space<hbm>> -> memref<16400x128xf32, #tpu.memory_space<hbm>>
          tpu.wait_indirect_dma semaphore(%arg33 : memref<!tpu.dma_semaphore, #tpu.memory_space<semaphore_mem>>) src(%arg24 : memref<16x128xf32, #tpu.memory_space<vmem>>) dst(%dma_wait3A_380 : memref<16400x128xf32, #tpu.memory_space<hbm>>)
        } else {
        }
        %get3A = arith.index_cast %while3A_324 : i32 to index
        %get3A_335 = tpu.vector_load %arg19[%get3A] {strides = array<i32>} : memref<1040xi32, #tpu.memory_space<vmem>>, vector<16xi32>,
        %slice3A = vector.extract_strided_slice %get3A_335 {offsets = [0], sizes = [1], strides = [1]} : vector<16xi32> to vector<1xi32>
        %squeeze3A = vector.extract %slice3A[0] : i32 from vector<1xi32>
        %get3A_336 = arith.index_cast %while3A_324 : i32 to index
        %get3A_337 = tpu.vector_load %arg20[%get3A_336] {strides = array<i32>} : memref<1040xi32, #tpu.memory_space<vmem>>, vector<16xi32>,
        %slice3A_338 = vector.extract_strided_slice %get3A_337 {offsets = [0], sizes = [1], strides = [1]} : vector<16xi32> to vector<1xi32>
        %squeeze3A_339 = vector.extract %slice3A_338[0] : i32 from vector<1xi32>
        %shift_right_logical3A_340 = arith.constant 7 : i32
        %shift_right_logical3A_341 = arith.shrui %squeeze3A, %shift_right_logical3A_340 : i32
        %sub3A_342 = arith.subi %shift_right_logical3A_341, %add3A_222 : i32
        %mul3A_343 = arith.constant 128 : i32
        %mul3A_344 = arith.muli %sub3A_342, %mul3A_343 : i32
        %and3A_345 = arith.constant 127 : i32
        %and3A_346 = arith.andi %squeeze3A, %and3A_345 : i32
        %add3A_347 = arith.addi %mul3A_344, %and3A_346 : i32
        %broadcast_in_dim3A = vector.broadcast %add3A_347 : i32 to vector<16xi32>
        %broadcast_in_dim3A_348 = vector.broadcast %while3A_326 : i32 to vector<16xi32>
        %add3A_349 = arith.constant 0 : i32
        %add3A_350 = vector.broadcast %add3A_349 : i32 to vector<16xi32>
        %add3A_351 = arith.addi %add3A_350, %iota3A_251 : vector<16xi32>
        %gather3A = tpu.vector_load_idx %arg22[%add3A_351, %broadcast_in_dim3A] : memref<64x512xf32, #tpu.memory_space<vmem>>[vector<16xi32>, vector<16xi32>], vector<16xf32>,
        tpu.vector_store_idx %arg24[%broadcast_in_dim3A_348, %add3A_351], %gather3A : memref<16x128xf32, #tpu.memory_space<vmem>>[vector<16xi32>, vector<16xi32>], vector<16xf32>,
        %add3A_352 = arith.constant 16 : i32
        %add3A_353 = vector.broadcast %add3A_352 : i32 to vector<16xi32>
        %add3A_354 = arith.addi %add3A_353, %iota3A_251 : vector<16xi32>
        %gather3A_355 = tpu.vector_load_idx %arg22[%add3A_354, %broadcast_in_dim3A] : memref<64x512xf32, #tpu.memory_space<vmem>>[vector<16xi32>, vector<16xi32>], vector<16xf32>,
        tpu.vector_store_idx %arg24[%broadcast_in_dim3A_348, %add3A_354], %gather3A_355 : memref<16x128xf32, #tpu.memory_space<vmem>>[vector<16xi32>, vector<16xi32>], vector<16xf32>,
        %add3A_356 = arith.constant 32 : i32
        %add3A_357 = vector.broadcast %add3A_356 : i32 to vector<16xi32>
        %add3A_358 = arith.addi %add3A_357, %iota3A_251 : vector<16xi32>
        %gather3A_359 = tpu.vector_load_idx %arg22[%add3A_358, %broadcast_in_dim3A] : memref<64x512xf32, #tpu.memory_space<vmem>>[vector<16xi32>, vector<16xi32>], vector<16xf32>,
        tpu.vector_store_idx %arg24[%broadcast_in_dim3A_348, %add3A_358], %gather3A_359 : memref<16x128xf32, #tpu.memory_space<vmem>>[vector<16xi32>, vector<16xi32>], vector<16xf32>,
        %add3A_360 = arith.constant 48 : i32
        %add3A_361 = vector.broadcast %add3A_360 : i32 to vector<16xi32>
        %add3A_362 = arith.addi %add3A_361, %iota3A_251 : vector<16xi32>
        %gather3A_363 = tpu.vector_load_idx %arg22[%add3A_362, %broadcast_in_dim3A] : memref<64x512xf32, #tpu.memory_space<vmem>>[vector<16xi32>, vector<16xi32>], vector<16xf32>,
        tpu.vector_store_idx %arg24[%broadcast_in_dim3A_348, %add3A_362], %gather3A_363 : memref<16x128xf32, #tpu.memory_space<vmem>>[vector<16xi32>, vector<16xi32>], vector<16xf32>,
        %broadcast_in_dim3A_364 = vector.broadcast %squeeze3A_339 : i32 to vector<16xi32>
        %eq3A_365 = vector.broadcast %while3A_326 : i32 to vector<16xi32>
        %eq3A_366 = arith.cmpi eq, %iota3A_251, %eq3A_365 : vector<16xi32>
        tpu.vector_store_idx %arg27[%iota3A_251], %broadcast_in_dim3A_364 masked %eq3A_366 : memref<16xi32, #tpu.memory_space<vmem>>[vector<16xi32>], vector<16xi32>, vector<16xi1>
        %eq3A_367 = arith.constant 15 : i32
        %eq3A_368 = arith.cmpi eq, %while3A_326, %eq3A_367 : i32
        %convert_element_type3A_369 = arith.extui %eq3A_368 : i1 to i32
        %cond3A_370 = arith.constant 0 : i32
        %cond3A_371 = arith.cmpi ne, %convert_element_type3A_369, %cond3A_370 : i32
        scf.if %cond3A_371 {
          %dma_start3A = arith.constant 0 : i32
          %dma_start3A_379 = arith.constant 0 : i32
          %dma_start3A_380 = tpu.memref_slice %arg9[%dma_start3A, %dma_start3A_379] : memref<16400x128xf32, #tpu.memory_space<hbm>> -> memref<16400x128xf32, #tpu.memory_space<hbm>>
          tpu.enqueue_indirect_dma source(%arg24 : memref<16x128xf32, #tpu.memory_space<vmem>>) target(%dma_start3A_380 : memref<16400x128xf32, #tpu.memory_space<hbm>>) offsets(%arg27 : memref<16xi32, #tpu.memory_space<vmem>>) semaphore(%arg33 : memref<!tpu.dma_semaphore, #tpu.memory_space<semaphore_mem>>)
        } else {
        }
        %eq3A_372 = arith.constant 15 : i32
        %eq3A_373 = arith.cmpi eq, %while3A_326, %eq3A_372 : i32
        %add3A_374 = arith.constant 1 : i32
        %add3A_375 = arith.addi %while3A_325, %add3A_374 : i32
        %select_n3A = arith.select %eq3A_373, %add3A_375, %while3A_325 : i32
        %add3A_376 = arith.constant 1 : i32
        %add3A_377 = arith.addi %while3A_326, %add3A_376 : i32
        %jit3A = arith.constant 0 : i32
        %select_n3A_378 = arith.select %eq3A_373, %jit3A, %add3A_377 : i32
        scf.yield %select_n3A, %select_n3A_378 : i32, i32
      }
      %add3A_263 = arith.constant 3 : i32
      %add3A_264 = arith.addi %add3A_219, %add3A_263 : i32
      %lt3A_265 = arith.constant 63 : i32
      %lt3A_266 = arith.cmpi slt, %add3A_264, %lt3A_265 : i32
      %convert_element_type3A_267 = arith.extui %lt3A_266 : i1 to i32
      %cond3A_268 = arith.constant 0 : i32
      %cond3A_269 = arith.cmpi ne, %convert_element_type3A_267, %cond3A_268 : i32
      scf.if %cond3A_269 {
        %add3A_324 = arith.constant 3 : i32
        %add3A_325 = arith.addi %add3A_219, %add3A_324 : i32
        %mul3A_326 = arith.constant 4 : i32
        %mul3A_327 = arith.muli %add3A_325, %mul3A_326 : i32
        %add3A_328 = arith.addi %mul3A_2, %mul3A_327 : i32
        %le3A_329 = arith.constant 7808 : i32
        %le3A_330 = arith.cmpi sle, %add3A_328, %le3A_329 : i32
        %convert_element_type3A_331 = arith.extui %le3A_330 : i1 to i32
        %cond3A_332 = arith.constant 0 : i32
        %cond3A_333 = arith.cmpi ne, %convert_element_type3A_331, %cond3A_332 : i32
        scf.if %cond3A_333 {
          %mul3A_339 = arith.constant 128 : i32
          %mul3A_340 = arith.muli %add3A_328, %mul3A_339 : i32
          %dma_start3A = arith.constant 0 : i32
          %dma_start3A_341 = tpu.memref_slice %arg5[%dma_start3A, %mul3A_340] : memref<64x1000000xf32, #tpu.memory_space<hbm>> -> memref<64x512xf32, #tpu.memory_space<hbm>>
          %dma_start3A_342 = arith.constant 0 : i32
          %dma_start3A_343 = tpu.memref_slice %arg5[%dma_start3A_342, %mul3A_340] : memref<64x1000000xf32, #tpu.memory_space<hbm>> -> memref<64x512xf32, #tpu.memory_space<hbm>>
          tpu.enqueue_dma source(%dma_start3A_343 : memref<64x512xf32, #tpu.memory_space<hbm>>) target(%arg22 : memref<64x512xf32, #tpu.memory_space<vmem>>) target_semaphore(%arg31 : memref<!tpu.dma_semaphore, #tpu.memory_space<semaphore_mem>>)
        } else {
        }
        %eq3A_334 = arith.constant 7812 : i32
        %eq3A_335 = arith.cmpi eq, %add3A_328, %eq3A_334 : i32
        %convert_element_type3A_336 = arith.extui %eq3A_335 : i1 to i32
        %cond3A_337 = arith.constant 0 : i32
        %cond3A_338 = arith.cmpi ne, %convert_element_type3A_336, %cond3A_337 : i32
        scf.if %cond3A_338 {
          %dma_start3A = arith.constant 0 : i32
          %dma_start3A_339 = arith.constant 0 : i32
          %dma_start3A_340 = tpu.memref_slice %arg22[%dma_start3A, %dma_start3A_339] : memref<64x512xf32, #tpu.memory_space<vmem>> -> memref<64x128xf32, #tpu.memory_space<vmem>>
          %dma_start3A_341 = arith.constant 0 : i32
          %dma_start3A_342 = arith.constant 0 : i32
          %dma_start3A_343 = tpu.memref_slice %arg22[%dma_start3A_341, %dma_start3A_342] : memref<64x512xf32, #tpu.memory_space<vmem>> -> memref<64x128xf32, #tpu.memory_space<vmem>>
          tpu.enqueue_dma source(%arg7 : memref<64x128xf32, #tpu.memory_space<hbm>>) target(%dma_start3A_343 : memref<64x128xf32, #tpu.memory_space<vmem>>) target_semaphore(%arg31 : memref<!tpu.dma_semaphore, #tpu.memory_space<semaphore_mem>>)
        } else {
        }
      } else {
      }
      %mul3A_270 = arith.constant 3 : i32
      %mul3A_271 = arith.muli %mul3A_270, %scan3A_163 : i32
      %add3A_272 = arith.constant 2 : i32
      %add3A_273 = arith.addi %mul3A_271, %add3A_272 : i32
      %mul3A_274 = arith.constant 4 : i32
      %mul3A_275 = arith.muli %add3A_273, %mul3A_274 : i32
      %add3A_276 = arith.addi %mul3A_2, %mul3A_275 : i32
      %le3A_277 = arith.constant 7808 : i32
      %le3A_278 = arith.cmpi sle, %add3A_276, %le3A_277 : i32
      %convert_element_type3A_279 = arith.extui %le3A_278 : i1 to i32
      %cond3A_280 = arith.constant 0 : i32
      %cond3A_281 = arith.cmpi ne, %convert_element_type3A_279, %cond3A_280 : i32
      scf.if %cond3A_281 {
        %mul3A_324 = arith.constant 128 : i32
        %mul3A_325 = arith.muli %add3A_276, %mul3A_324 : i32
        %dma_wait3A = arith.constant 0 : i32
        %dma_wait3A_326 = tpu.memref_slice %arg5[%dma_wait3A, %mul3A_325] : memref<64x1000000xf32, #tpu.memory_space<hbm>> -> memref<64x512xf32, #tpu.memory_space<hbm>>
        %dma_wait3A_327 = arith.constant 0 : i32
        %dma_wait3A_328 = tpu.memref_slice %arg5[%dma_wait3A_327, %mul3A_325] : memref<64x1000000xf32, #tpu.memory_space<hbm>> -> memref<64x512xf32, #tpu.memory_space<hbm>>
        tpu.wait_dma2 semaphore(%arg32 : memref<!tpu.dma_semaphore, #tpu.memory_space<semaphore_mem>>) src(%dma_wait3A_328 : memref<64x512xf32, #tpu.memory_space<hbm>>) dst(%arg23 : memref<64x512xf32, #tpu.memory_space<vmem>>)
      } else {
      }
      %eq3A_282 = arith.constant 7812 : i32
      %eq3A_283 = arith.cmpi eq, %add3A_276, %eq3A_282 : i32
      %convert_element_type3A_284 = arith.extui %eq3A_283 : i1 to i32
      %cond3A_285 = arith.constant 0 : i32
      %cond3A_286 = arith.cmpi ne, %convert_element_type3A_284, %cond3A_285 : i32
      scf.if %cond3A_286 {
        %dma_wait3A = arith.constant 0 : i32
        %dma_wait3A_324 = arith.constant 0 : i32
        %dma_wait3A_325 = tpu.memref_slice %arg23[%dma_wait3A, %dma_wait3A_324] : memref<64x512xf32, #tpu.memory_space<vmem>> -> memref<64x128xf32, #tpu.memory_space<vmem>>
        %dma_wait3A_326 = arith.constant 0 : i32
        %dma_wait3A_327 = arith.constant 0 : i32
        %dma_wait3A_328 = tpu.memref_slice %arg23[%dma_wait3A_326, %dma_wait3A_327] : memref<64x512xf32, #tpu.memory_space<vmem>> -> memref<64x128xf32, #tpu.memory_space<vmem>>
        tpu.wait_dma2 semaphore(%arg32 : memref<!tpu.dma_semaphore, #tpu.memory_space<semaphore_mem>>) src(%arg7 : memref<64x128xf32, #tpu.memory_space<hbm>>) dst(%dma_wait3A_328 : memref<64x128xf32, #tpu.memory_space<vmem>>)
      } else {
      }
      %add3A_287 = arith.constant 16 : i32
      %add3A_288 = arith.addi %scan3A_45, %add3A_287 : i32
      %sub3A_289 = arith.constant 1 : i32
      %sub3A_290 = arith.subi %add3A_288, %sub3A_289 : i32
      %shift_right_logical3A_291 = arith.constant 4 : i32
      %shift_right_logical3A_292 = arith.shrui %sub3A_290, %shift_right_logical3A_291 : i32
      %while3A_293 = arith.constant 0 : i32
      %while3A_294 = arith.constant 0 : i32
      %while3A_295 = arith.subi %shift_right_logical3A_292, %while3A_293 : i32
      %while3A_296 = arith.addi %while3A_293, %while3A_295 : i32
      %while3A_297 = arith.constant 1 : i32
      %while3A_298 = arith.divsi %while3A_295, %while3A_297 : i32
      %while3A_299 = arith.muli %while3A_298, %while3A_297 : i32
      %while3A_300 = arith.addi %while3A_293, %while3A_299 : i32
      %while3A_301 = arith.constant 1 : i32
      %while3A_302 = scf.for %while3A_324 = %while3A_293 to %while3A_300 step %while3A_301 iter_args(%while3A_325 = %while3A_294) -> (i32)  : i32 {
        %mul3A_326 = arith.constant 16 : i32
        %mul3A_327 = arith.muli %while3A_324, %mul3A_326 : i32
        %get3A = arith.index_cast %mul3A_327 : i32 to index
        %get3A_328 = tpu.vector_load %arg13[%get3A] {strides = array<i32>} : memref<1040xi32, #tpu.memory_space<vmem>>, vector<16xi32>,
        %mul3A_329 = arith.constant 16 : i32
        %mul3A_330 = arith.muli %while3A_324, %mul3A_329 : i32
        %get3A_331 = arith.index_cast %mul3A_330 : i32 to index
        %get3A_332 = tpu.vector_load %arg14[%get3A_331] {strides = array<i32>} : memref<1040xi32, #tpu.memory_space<vmem>>, vector<16xi32>,
        %mul3A_333 = arith.constant 16 : i32
        %mul3A_334 = arith.muli %while3A_324, %mul3A_333 : i32
        %iota3A_335 = tpu.iota {dimensions = array<i32: 0>} : vector<16xi32>
        %add3A_336 = vector.broadcast %mul3A_334 : i32 to vector<16xi32>
        %add3A_337 = arith.addi %add3A_336, %iota3A_335 : vector<16xi32>
        %lt3A_338 = vector.broadcast %scan3A_45 : i32 to vector<16xi32>
        %lt3A_339 = arith.cmpi slt, %add3A_337, %lt3A_338 : vector<16xi32>
        %shift_right_logical3A_340 = arith.constant 7 : i32
        %shift_right_logical3A_341 = vector.broadcast %shift_right_logical3A_340 : i32 to vector<16xi32>
        %shift_right_logical3A_342 = arith.shrui %get3A_328, %shift_right_logical3A_341 : vector<16xi32>
        %sub3A_343 = vector.broadcast %add3A_276 : i32 to vector<16xi32>
        %sub3A_344 = arith.subi %shift_right_logical3A_342, %sub3A_343 : vector<16xi32>
        %ge3A_345 = arith.constant 0 : i32
        %ge3A_346 = vector.broadcast %ge3A_345 : i32 to vector<16xi32>
        %ge3A_347 = arith.cmpi sge, %sub3A_344, %ge3A_346 : vector<16xi32>
        %and3A_348 = arith.andi %lt3A_339, %ge3A_347 : vector<16xi1>
        %lt3A_349 = arith.constant 4 : i32
        %lt3A_350 = vector.broadcast %lt3A_349 : i32 to vector<16xi32>
        %lt3A_351 = arith.cmpi slt, %sub3A_344, %lt3A_350 : vector<16xi32>
        %and3A_352 = arith.andi %and3A_348, %lt3A_351 : vector<16xi1>
        %swap3A = arith.index_cast %while3A_325 : i32 to index
        %swap3A_353 = tpu.vector_load %arg19[%swap3A] masked %and3A_352 {strides = array<i32>} : memref<1040xi32, #tpu.memory_space<vmem>>, vector<16xi32>, vector<16xi1>
        tpu.vector_store %arg19[%swap3A], %get3A_328 masked %and3A_352 {strides = array<i32>} : memref<1040xi32, #tpu.memory_space<vmem>>, vector<16xi32>, vector<16xi1>
        %swap3A_354 = arith.index_cast %while3A_325 : i32 to index
        %swap3A_355 = tpu.vector_load %arg20[%swap3A_354] masked %and3A_352 {strides = array<i32>} : memref<1040xi32, #tpu.memory_space<vmem>>, vector<16xi32>, vector<16xi1>
        tpu.vector_store %arg20[%swap3A_354], %get3A_332 masked %and3A_352 {strides = array<i32>} : memref<1040xi32, #tpu.memory_space<vmem>>, vector<16xi32>, vector<16xi1>
        %all_reduce_population_count3A = tpu.all_reduce %and3A_352 {dim = 0 : i64, kind = #tpu.reduction_kind<sum>} : vector<16xi1> -> vector<16xi32>
        %slice3A = vector.extract_strided_slice %all_reduce_population_count3A {offsets = [0], sizes = [1], strides = [1]} : vector<16xi32> to vector<1xi32>
        %squeeze3A = vector.extract %slice3A[0] : i32 from vector<1xi32>
        %add3A_356 = arith.addi %while3A_325, %squeeze3A : i32
        scf.yield %add3A_356 : i32
      }
      %while3A_303 = arith.constant 1 : i32
      %while3A_304 = scf.for %while3A_324 = %while3A_300 to %while3A_296 step %while3A_303 iter_args(%while3A_325 = %while3A_302) -> (i32)  : i32 {
        %mul3A_326 = arith.constant 16 : i32
        %mul3A_327 = arith.muli %while3A_324, %mul3A_326 : i32
        %get3A = arith.index_cast %mul3A_327 : i32 to index
        %get3A_328 = tpu.vector_load %arg13[%get3A] {strides = array<i32>} : memref<1040xi32, #tpu.memory_space<vmem>>, vector<16xi32>,
        %mul3A_329 = arith.constant 16 : i32
        %mul3A_330 = arith.muli %while3A_324, %mul3A_329 : i32
        %get3A_331 = arith.index_cast %mul3A_330 : i32 to index
        %get3A_332 = tpu.vector_load %arg14[%get3A_331] {strides = array<i32>} : memref<1040xi32, #tpu.memory_space<vmem>>, vector<16xi32>,
        %mul3A_333 = arith.constant 16 : i32
        %mul3A_334 = arith.muli %while3A_324, %mul3A_333 : i32
        %iota3A_335 = tpu.iota {dimensions = array<i32: 0>} : vector<16xi32>
        %add3A_336 = vector.broadcast %mul3A_334 : i32 to vector<16xi32>
        %add3A_337 = arith.addi %add3A_336, %iota3A_335 : vector<16xi32>
        %lt3A_338 = vector.broadcast %scan3A_45 : i32 to vector<16xi32>
        %lt3A_339 = arith.cmpi slt, %add3A_337, %lt3A_338 : vector<16xi32>
        %shift_right_logical3A_340 = arith.constant 7 : i32
        %shift_right_logical3A_341 = vector.broadcast %shift_right_logical3A_340 : i32 to vector<16xi32>
        %shift_right_logical3A_342 = arith.shrui %get3A_328, %shift_right_logical3A_341 : vector<16xi32>
        %sub3A_343 = vector.broadcast %add3A_276 : i32 to vector<16xi32>
        %sub3A_344 = arith.subi %shift_right_logical3A_342, %sub3A_343 : vector<16xi32>
        %ge3A_345 = arith.constant 0 : i32
        %ge3A_346 = vector.broadcast %ge3A_345 : i32 to vector<16xi32>
        %ge3A_347 = arith.cmpi sge, %sub3A_344, %ge3A_346 : vector<16xi32>
        %and3A_348 = arith.andi %lt3A_339, %ge3A_347 : vector<16xi1>
        %lt3A_349 = arith.constant 4 : i32
        %lt3A_350 = vector.broadcast %lt3A_349 : i32 to vector<16xi32>
        %lt3A_351 = arith.cmpi slt, %sub3A_344, %lt3A_350 : vector<16xi32>
        %and3A_352 = arith.andi %and3A_348, %lt3A_351 : vector<16xi1>
        %swap3A = arith.index_cast %while3A_325 : i32 to index
        %swap3A_353 = tpu.vector_load %arg19[%swap3A] masked %and3A_352 {strides = array<i32>} : memref<1040xi32, #tpu.memory_space<vmem>>, vector<16xi32>, vector<16xi1>
        tpu.vector_store %arg19[%swap3A], %get3A_328 masked %and3A_352 {strides = array<i32>} : memref<1040xi32, #tpu.memory_space<vmem>>, vector<16xi32>, vector<16xi1>
        %swap3A_354 = arith.index_cast %while3A_325 : i32 to index
        %swap3A_355 = tpu.vector_load %arg20[%swap3A_354] masked %and3A_352 {strides = array<i32>} : memref<1040xi32, #tpu.memory_space<vmem>>, vector<16xi32>, vector<16xi1>
        tpu.vector_store %arg20[%swap3A_354], %get3A_332 masked %and3A_352 {strides = array<i32>} : memref<1040xi32, #tpu.memory_space<vmem>>, vector<16xi32>, vector<16xi1>
        %all_reduce_population_count3A = tpu.all_reduce %and3A_352 {dim = 0 : i64, kind = #tpu.reduction_kind<sum>} : vector<16xi1> -> vector<16xi32>
        %slice3A = vector.extract_strided_slice %all_reduce_population_count3A {offsets = [0], sizes = [1], strides = [1]} : vector<16xi32> to vector<1xi32>
        %squeeze3A = vector.extract %slice3A[0] : i32 from vector<1xi32>
        %add3A_356 = arith.addi %while3A_325, %squeeze3A : i32
        scf.yield %add3A_356 : i32
      }
      %iota3A_305 = tpu.iota {dimensions = array<i32: 0>} : vector<16xi32>
      %while3A_306 = arith.constant 0 : i32
      %while3A_307 = arith.subi %while3A_304, %while3A_306 : i32
      %while3A_308 = arith.addi %while3A_306, %while3A_307 : i32
      %while3A_309 = arith.constant 1 : i32
      %while3A_310 = arith.divsi %while3A_307, %while3A_309 : i32
      %while3A_311 = arith.muli %while3A_310, %while3A_309 : i32
      %while3A_312 = arith.addi %while3A_306, %while3A_311 : i32
      %while3A_313 = arith.constant 1 : i32
      %while3A_314:2 = scf.for %while3A_324 = %while3A_306 to %while3A_312 step %while3A_313 iter_args(%while3A_325 = %while3A_262#0, %while3A_326 = %while3A_262#1) -> (i32, i32)  : i32 {
        %eq3A_327 = arith.constant 0 : i32
        %eq3A_328 = arith.cmpi eq, %while3A_326, %eq3A_327 : i32
        %ge3A_329 = arith.constant 1 : i32
        %ge3A_330 = arith.cmpi sge, %while3A_325, %ge3A_329 : i32
        %and3A_331 = arith.andi %eq3A_328, %ge3A_330 : i1
        %convert_element_type3A_332 = arith.extui %and3A_331 : i1 to i32
        %cond3A_333 = arith.constant 0 : i32
        %cond3A_334 = arith.cmpi ne, %convert_element_type3A_332, %cond3A_333 : i32
        scf.if %cond3A_334 {
          %dma_wait3A = arith.constant 0 : i32
          %dma_wait3A_379 = arith.constant 0 : i32
          %dma_wait3A_380 = tpu.memref_slice %arg9[%dma_wait3A, %dma_wait3A_379] : memref<16400x128xf32, #tpu.memory_space<hbm>> -> memref<16400x128xf32, #tpu.memory_space<hbm>>
          tpu.wait_indirect_dma semaphore(%arg33 : memref<!tpu.dma_semaphore, #tpu.memory_space<semaphore_mem>>) src(%arg24 : memref<16x128xf32, #tpu.memory_space<vmem>>) dst(%dma_wait3A_380 : memref<16400x128xf32, #tpu.memory_space<hbm>>)
        } else {
        }
        %get3A = arith.index_cast %while3A_324 : i32 to index
        %get3A_335 = tpu.vector_load %arg19[%get3A] {strides = array<i32>} : memref<1040xi32, #tpu.memory_space<vmem>>, vector<16xi32>,
        %slice3A = vector.extract_strided_slice %get3A_335 {offsets = [0], sizes = [1], strides = [1]} : vector<16xi32> to vector<1xi32>
        %squeeze3A = vector.extract %slice3A[0] : i32 from vector<1xi32>
        %get3A_336 = arith.index_cast %while3A_324 : i32 to index
        %get3A_337 = tpu.vector_load %arg20[%get3A_336] {strides = array<i32>} : memref<1040xi32, #tpu.memory_space<vmem>>, vector<16xi32>,
        %slice3A_338 = vector.extract_strided_slice %get3A_337 {offsets = [0], sizes = [1], strides = [1]} : vector<16xi32> to vector<1xi32>
        %squeeze3A_339 = vector.extract %slice3A_338[0] : i32 from vector<1xi32>
        %shift_right_logical3A_340 = arith.constant 7 : i32
        %shift_right_logical3A_341 = arith.shrui %squeeze3A, %shift_right_logical3A_340 : i32
        %sub3A_342 = arith.subi %shift_right_logical3A_341, %add3A_276 : i32
        %mul3A_343 = arith.constant 128 : i32
        %mul3A_344 = arith.muli %sub3A_342, %mul3A_343 : i32
        %and3A_345 = arith.constant 127 : i32
        %and3A_346 = arith.andi %squeeze3A, %and3A_345 : i32
        %add3A_347 = arith.addi %mul3A_344, %and3A_346 : i32
        %broadcast_in_dim3A = vector.broadcast %add3A_347 : i32 to vector<16xi32>
        %broadcast_in_dim3A_348 = vector.broadcast %while3A_326 : i32 to vector<16xi32>
        %add3A_349 = arith.constant 0 : i32
        %add3A_350 = vector.broadcast %add3A_349 : i32 to vector<16xi32>
        %add3A_351 = arith.addi %add3A_350, %iota3A_305 : vector<16xi32>
        %gather3A = tpu.vector_load_idx %arg23[%add3A_351, %broadcast_in_dim3A] : memref<64x512xf32, #tpu.memory_space<vmem>>[vector<16xi32>, vector<16xi32>], vector<16xf32>,
        tpu.vector_store_idx %arg24[%broadcast_in_dim3A_348, %add3A_351], %gather3A : memref<16x128xf32, #tpu.memory_space<vmem>>[vector<16xi32>, vector<16xi32>], vector<16xf32>,
        %add3A_352 = arith.constant 16 : i32
        %add3A_353 = vector.broadcast %add3A_352 : i32 to vector<16xi32>
        %add3A_354 = arith.addi %add3A_353, %iota3A_305 : vector<16xi32>
        %gather3A_355 = tpu.vector_load_idx %arg23[%add3A_354, %broadcast_in_dim3A] : memref<64x512xf32, #tpu.memory_space<vmem>>[vector<16xi32>, vector<16xi32>], vector<16xf32>,
        tpu.vector_store_idx %arg24[%broadcast_in_dim3A_348, %add3A_354], %gather3A_355 : memref<16x128xf32, #tpu.memory_space<vmem>>[vector<16xi32>, vector<16xi32>], vector<16xf32>,
        %add3A_356 = arith.constant 32 : i32
        %add3A_357 = vector.broadcast %add3A_356 : i32 to vector<16xi32>
        %add3A_358 = arith.addi %add3A_357, %iota3A_305 : vector<16xi32>
        %gather3A_359 = tpu.vector_load_idx %arg23[%add3A_358, %broadcast_in_dim3A] : memref<64x512xf32, #tpu.memory_space<vmem>>[vector<16xi32>, vector<16xi32>], vector<16xf32>,
        tpu.vector_store_idx %arg24[%broadcast_in_dim3A_348, %add3A_358], %gather3A_359 : memref<16x128xf32, #tpu.memory_space<vmem>>[vector<16xi32>, vector<16xi32>], vector<16xf32>,
        %add3A_360 = arith.constant 48 : i32
        %add3A_361 = vector.broadcast %add3A_360 : i32 to vector<16xi32>
        %add3A_362 = arith.addi %add3A_361, %iota3A_305 : vector<16xi32>
        %gather3A_363 = tpu.vector_load_idx %arg23[%add3A_362, %broadcast_in_dim3A] : memref<64x512xf32, #tpu.memory_space<vmem>>[vector<16xi32>, vector<16xi32>], vector<16xf32>,
        tpu.vector_store_idx %arg24[%broadcast_in_dim3A_348, %add3A_362], %gather3A_363 : memref<16x128xf32, #tpu.memory_space<vmem>>[vector<16xi32>, vector<16xi32>], vector<16xf32>,
        %broadcast_in_dim3A_364 = vector.broadcast %squeeze3A_339 : i32 to vector<16xi32>
        %eq3A_365 = vector.broadcast %while3A_326 : i32 to vector<16xi32>
        %eq3A_366 = arith.cmpi eq, %iota3A_305, %eq3A_365 : vector<16xi32>
        tpu.vector_store_idx %arg27[%iota3A_305], %broadcast_in_dim3A_364 masked %eq3A_366 : memref<16xi32, #tpu.memory_space<vmem>>[vector<16xi32>], vector<16xi32>, vector<16xi1>
        %eq3A_367 = arith.constant 15 : i32
        %eq3A_368 = arith.cmpi eq, %while3A_326, %eq3A_367 : i32
        %convert_element_type3A_369 = arith.extui %eq3A_368 : i1 to i32
        %cond3A_370 = arith.constant 0 : i32
        %cond3A_371 = arith.cmpi ne, %convert_element_type3A_369, %cond3A_370 : i32
        scf.if %cond3A_371 {
          %dma_start3A = arith.constant 0 : i32
          %dma_start3A_379 = arith.constant 0 : i32
          %dma_start3A_380 = tpu.memref_slice %arg9[%dma_start3A, %dma_start3A_379] : memref<16400x128xf32, #tpu.memory_space<hbm>> -> memref<16400x128xf32, #tpu.memory_space<hbm>>
          tpu.enqueue_indirect_dma source(%arg24 : memref<16x128xf32, #tpu.memory_space<vmem>>) target(%dma_start3A_380 : memref<16400x128xf32, #tpu.memory_space<hbm>>) offsets(%arg27 : memref<16xi32, #tpu.memory_space<vmem>>) semaphore(%arg33 : memref<!tpu.dma_semaphore, #tpu.memory_space<semaphore_mem>>)
        } else {
        }
        %eq3A_372 = arith.constant 15 : i32
        %eq3A_373 = arith.cmpi eq, %while3A_326, %eq3A_372 : i32
        %add3A_374 = arith.constant 1 : i32
        %add3A_375 = arith.addi %while3A_325, %add3A_374 : i32
        %select_n3A = arith.select %eq3A_373, %add3A_375, %while3A_325 : i32
        %add3A_376 = arith.constant 1 : i32
        %add3A_377 = arith.addi %while3A_326, %add3A_376 : i32
        %jit3A = arith.constant 0 : i32
        %select_n3A_378 = arith.select %eq3A_373, %jit3A, %add3A_377 : i32
        scf.yield %select_n3A, %select_n3A_378 : i32, i32
      }
      %while3A_315 = arith.constant 1 : i32
      %while3A_316:2 = scf.for %while3A_324 = %while3A_312 to %while3A_308 step %while3A_315 iter_args(%while3A_325 = %while3A_314#0, %while3A_326 = %while3A_314#1) -> (i32, i32)  : i32 {
        %eq3A_327 = arith.constant 0 : i32
        %eq3A_328 = arith.cmpi eq, %while3A_326, %eq3A_327 : i32
        %ge3A_329 = arith.constant 1 : i32
        %ge3A_330 = arith.cmpi sge, %while3A_325, %ge3A_329 : i32
        %and3A_331 = arith.andi %eq3A_328, %ge3A_330 : i1
        %convert_element_type3A_332 = arith.extui %and3A_331 : i1 to i32
        %cond3A_333 = arith.constant 0 : i32
        %cond3A_334 = arith.cmpi ne, %convert_element_type3A_332, %cond3A_333 : i32
        scf.if %cond3A_334 {
          %dma_wait3A = arith.constant 0 : i32
          %dma_wait3A_379 = arith.constant 0 : i32
          %dma_wait3A_380 = tpu.memref_slice %arg9[%dma_wait3A, %dma_wait3A_379] : memref<16400x128xf32, #tpu.memory_space<hbm>> -> memref<16400x128xf32, #tpu.memory_space<hbm>>
          tpu.wait_indirect_dma semaphore(%arg33 : memref<!tpu.dma_semaphore, #tpu.memory_space<semaphore_mem>>) src(%arg24 : memref<16x128xf32, #tpu.memory_space<vmem>>) dst(%dma_wait3A_380 : memref<16400x128xf32, #tpu.memory_space<hbm>>)
        } else {
        }
        %get3A = arith.index_cast %while3A_324 : i32 to index
        %get3A_335 = tpu.vector_load %arg19[%get3A] {strides = array<i32>} : memref<1040xi32, #tpu.memory_space<vmem>>, vector<16xi32>,
        %slice3A = vector.extract_strided_slice %get3A_335 {offsets = [0], sizes = [1], strides = [1]} : vector<16xi32> to vector<1xi32>
        %squeeze3A = vector.extract %slice3A[0] : i32 from vector<1xi32>
        %get3A_336 = arith.index_cast %while3A_324 : i32 to index
        %get3A_337 = tpu.vector_load %arg20[%get3A_336] {strides = array<i32>} : memref<1040xi32, #tpu.memory_space<vmem>>, vector<16xi32>,
        %slice3A_338 = vector.extract_strided_slice %get3A_337 {offsets = [0], sizes = [1], strides = [1]} : vector<16xi32> to vector<1xi32>
        %squeeze3A_339 = vector.extract %slice3A_338[0] : i32 from vector<1xi32>
        %shift_right_logical3A_340 = arith.constant 7 : i32
        %shift_right_logical3A_341 = arith.shrui %squeeze3A, %shift_right_logical3A_340 : i32
        %sub3A_342 = arith.subi %shift_right_logical3A_341, %add3A_276 : i32
        %mul3A_343 = arith.constant 128 : i32
        %mul3A_344 = arith.muli %sub3A_342, %mul3A_343 : i32
        %and3A_345 = arith.constant 127 : i32
        %and3A_346 = arith.andi %squeeze3A, %and3A_345 : i32
        %add3A_347 = arith.addi %mul3A_344, %and3A_346 : i32
        %broadcast_in_dim3A = vector.broadcast %add3A_347 : i32 to vector<16xi32>
        %broadcast_in_dim3A_348 = vector.broadcast %while3A_326 : i32 to vector<16xi32>
        %add3A_349 = arith.constant 0 : i32
        %add3A_350 = vector.broadcast %add3A_349 : i32 to vector<16xi32>
        %add3A_351 = arith.addi %add3A_350, %iota3A_305 : vector<16xi32>
        %gather3A = tpu.vector_load_idx %arg23[%add3A_351, %broadcast_in_dim3A] : memref<64x512xf32, #tpu.memory_space<vmem>>[vector<16xi32>, vector<16xi32>], vector<16xf32>,
        tpu.vector_store_idx %arg24[%broadcast_in_dim3A_348, %add3A_351], %gather3A : memref<16x128xf32, #tpu.memory_space<vmem>>[vector<16xi32>, vector<16xi32>], vector<16xf32>,
        %add3A_352 = arith.constant 16 : i32
        %add3A_353 = vector.broadcast %add3A_352 : i32 to vector<16xi32>
        %add3A_354 = arith.addi %add3A_353, %iota3A_305 : vector<16xi32>
        %gather3A_355 = tpu.vector_load_idx %arg23[%add3A_354, %broadcast_in_dim3A] : memref<64x512xf32, #tpu.memory_space<vmem>>[vector<16xi32>, vector<16xi32>], vector<16xf32>,
        tpu.vector_store_idx %arg24[%broadcast_in_dim3A_348, %add3A_354], %gather3A_355 : memref<16x128xf32, #tpu.memory_space<vmem>>[vector<16xi32>, vector<16xi32>], vector<16xf32>,
        %add3A_356 = arith.constant 32 : i32
        %add3A_357 = vector.broadcast %add3A_356 : i32 to vector<16xi32>
        %add3A_358 = arith.addi %add3A_357, %iota3A_305 : vector<16xi32>
        %gather3A_359 = tpu.vector_load_idx %arg23[%add3A_358, %broadcast_in_dim3A] : memref<64x512xf32, #tpu.memory_space<vmem>>[vector<16xi32>, vector<16xi32>], vector<16xf32>,
        tpu.vector_store_idx %arg24[%broadcast_in_dim3A_348, %add3A_358], %gather3A_359 : memref<16x128xf32, #tpu.memory_space<vmem>>[vector<16xi32>, vector<16xi32>], vector<16xf32>,
        %add3A_360 = arith.constant 48 : i32
        %add3A_361 = vector.broadcast %add3A_360 : i32 to vector<16xi32>
        %add3A_362 = arith.addi %add3A_361, %iota3A_305 : vector<16xi32>
        %gather3A_363 = tpu.vector_load_idx %arg23[%add3A_362, %broadcast_in_dim3A] : memref<64x512xf32, #tpu.memory_space<vmem>>[vector<16xi32>, vector<16xi32>], vector<16xf32>,
        tpu.vector_store_idx %arg24[%broadcast_in_dim3A_348, %add3A_362], %gather3A_363 : memref<16x128xf32, #tpu.memory_space<vmem>>[vector<16xi32>, vector<16xi32>], vector<16xf32>,
        %broadcast_in_dim3A_364 = vector.broadcast %squeeze3A_339 : i32 to vector<16xi32>
        %eq3A_365 = vector.broadcast %while3A_326 : i32 to vector<16xi32>
        %eq3A_366 = arith.cmpi eq, %iota3A_305, %eq3A_365 : vector<16xi32>
        tpu.vector_store_idx %arg27[%iota3A_305], %broadcast_in_dim3A_364 masked %eq3A_366 : memref<16xi32, #tpu.memory_space<vmem>>[vector<16xi32>], vector<16xi32>, vector<16xi1>
        %eq3A_367 = arith.constant 15 : i32
        %eq3A_368 = arith.cmpi eq, %while3A_326, %eq3A_367 : i32
        %convert_element_type3A_369 = arith.extui %eq3A_368 : i1 to i32
        %cond3A_370 = arith.constant 0 : i32
        %cond3A_371 = arith.cmpi ne, %convert_element_type3A_369, %cond3A_370 : i32
        scf.if %cond3A_371 {
          %dma_start3A = arith.constant 0 : i32
          %dma_start3A_379 = arith.constant 0 : i32
          %dma_start3A_380 = tpu.memref_slice %arg9[%dma_start3A, %dma_start3A_379] : memref<16400x128xf32, #tpu.memory_space<hbm>> -> memref<16400x128xf32, #tpu.memory_space<hbm>>
          tpu.enqueue_indirect_dma source(%arg24 : memref<16x128xf32, #tpu.memory_space<vmem>>) target(%dma_start3A_380 : memref<16400x128xf32, #tpu.memory_space<hbm>>) offsets(%arg27 : memref<16xi32, #tpu.memory_space<vmem>>) semaphore(%arg33 : memref<!tpu.dma_semaphore, #tpu.memory_space<semaphore_mem>>)
        } else {
        }
        %eq3A_372 = arith.constant 15 : i32
        %eq3A_373 = arith.cmpi eq, %while3A_326, %eq3A_372 : i32
        %add3A_374 = arith.constant 1 : i32
        %add3A_375 = arith.addi %while3A_325, %add3A_374 : i32
        %select_n3A = arith.select %eq3A_373, %add3A_375, %while3A_325 : i32
        %add3A_376 = arith.constant 1 : i32
        %add3A_377 = arith.addi %while3A_326, %add3A_376 : i32
        %jit3A = arith.constant 0 : i32
        %select_n3A_378 = arith.select %eq3A_373, %jit3A, %add3A_377 : i32
        scf.yield %select_n3A, %select_n3A_378 : i32, i32
      }
      %add3A_317 = arith.constant 3 : i32
      %add3A_318 = arith.addi %add3A_273, %add3A_317 : i32
      %lt3A_319 = arith.constant 63 : i32
      %lt3A_320 = arith.cmpi slt, %add3A_318, %lt3A_319 : i32
      %convert_element_type3A_321 = arith.extui %lt3A_320 : i1 to i32
      %cond3A_322 = arith.constant 0 : i32
      %cond3A_323 = arith.cmpi ne, %convert_element_type3A_321, %cond3A_322 : i32
      scf.if %cond3A_323 {
        %add3A_324 = arith.constant 3 : i32
        %add3A_325 = arith.addi %add3A_273, %add3A_324 : i32
        %mul3A_326 = arith.constant 4 : i32
        %mul3A_327 = arith.muli %add3A_325, %mul3A_326 : i32
        %add3A_328 = arith.addi %mul3A_2, %mul3A_327 : i32
        %le3A_329 = arith.constant 7808 : i32
        %le3A_330 = arith.cmpi sle, %add3A_328, %le3A_329 : i32
        %convert_element_type3A_331 = arith.extui %le3A_330 : i1 to i32
        %cond3A_332 = arith.constant 0 : i32
        %cond3A_333 = arith.cmpi ne, %convert_element_type3A_331, %cond3A_332 : i32
        scf.if %cond3A_333 {
          %mul3A_339 = arith.constant 128 : i32
          %mul3A_340 = arith.muli %add3A_328, %mul3A_339 : i32
          %dma_start3A = arith.constant 0 : i32
          %dma_start3A_341 = tpu.memref_slice %arg5[%dma_start3A, %mul3A_340] : memref<64x1000000xf32, #tpu.memory_space<hbm>> -> memref<64x512xf32, #tpu.memory_space<hbm>>
          %dma_start3A_342 = arith.constant 0 : i32
          %dma_start3A_343 = tpu.memref_slice %arg5[%dma_start3A_342, %mul3A_340] : memref<64x1000000xf32, #tpu.memory_space<hbm>> -> memref<64x512xf32, #tpu.memory_space<hbm>>
          tpu.enqueue_dma source(%dma_start3A_343 : memref<64x512xf32, #tpu.memory_space<hbm>>) target(%arg23 : memref<64x512xf32, #tpu.memory_space<vmem>>) target_semaphore(%arg32 : memref<!tpu.dma_semaphore, #tpu.memory_space<semaphore_mem>>)
        } else {
        }
        %eq3A_334 = arith.constant 7812 : i32
        %eq3A_335 = arith.cmpi eq, %add3A_328, %eq3A_334 : i32
        %convert_element_type3A_336 = arith.extui %eq3A_335 : i1 to i32
        %cond3A_337 = arith.constant 0 : i32
        %cond3A_338 = arith.cmpi ne, %convert_element_type3A_336, %cond3A_337 : i32
        scf.if %cond3A_338 {
          %dma_start3A = arith.constant 0 : i32
          %dma_start3A_339 = arith.constant 0 : i32
          %dma_start3A_340 = tpu.memref_slice %arg23[%dma_start3A, %dma_start3A_339] : memref<64x512xf32, #tpu.memory_space<vmem>> -> memref<64x128xf32, #tpu.memory_space<vmem>>
          %dma_start3A_341 = arith.constant 0 : i32
          %dma_start3A_342 = arith.constant 0 : i32
          %dma_start3A_343 = tpu.memref_slice %arg23[%dma_start3A_341, %dma_start3A_342] : memref<64x512xf32, #tpu.memory_space<vmem>> -> memref<64x128xf32, #tpu.memory_space<vmem>>
          tpu.enqueue_dma source(%arg7 : memref<64x128xf32, #tpu.memory_space<hbm>>) target(%dma_start3A_343 : memref<64x128xf32, #tpu.memory_space<vmem>>) target_semaphore(%arg32 : memref<!tpu.dma_semaphore, #tpu.memory_space<semaphore_mem>>)
        } else {
        }
      } else {
      }
      scf.yield %while3A_316#0, %while3A_316#1 : i32, i32
    }
    %scan3A_80 = arith.constant 21 : i32
    %add3A_81 = arith.constant 0 : i32
    %add3A_82 = arith.addi %mul3A_2, %add3A_81 : i32
    %le3A_83 = arith.constant 7808 : i32
    %le3A_84 = arith.cmpi sle, %add3A_82, %le3A_83 : i32
    %convert_element_type3A_85 = arith.extui %le3A_84 : i1 to i32
    %cond3A_86 = arith.constant 0 : i32
    %cond3A_87 = arith.cmpi ne, %convert_element_type3A_85, %cond3A_86 : i32
    scf.if %cond3A_87 {
      %mul3A_163 = arith.constant 128 : i32
      %mul3A_164 = arith.muli %add3A_82, %mul3A_163 : i32
      %dma_start3A = arith.constant 0 : i32
      %dma_start3A_165 = tpu.memref_slice %arg6[%dma_start3A, %mul3A_164] : memref<64x1000000xf32, #tpu.memory_space<hbm>> -> memref<64x512xf32, #tpu.memory_space<hbm>>
      %dma_start3A_166 = arith.constant 0 : i32
      %dma_start3A_167 = tpu.memref_slice %arg6[%dma_start3A_166, %mul3A_164] : memref<64x1000000xf32, #tpu.memory_space<hbm>> -> memref<64x512xf32, #tpu.memory_space<hbm>>
      tpu.enqueue_dma source(%dma_start3A_167 : memref<64x512xf32, #tpu.memory_space<hbm>>) target(%arg21 : memref<64x512xf32, #tpu.memory_space<vmem>>) target_semaphore(%arg30 : memref<!tpu.dma_semaphore, #tpu.memory_space<semaphore_mem>>)
    } else {
    }
    %eq3A_88 = arith.constant 7812 : i32
    %eq3A_89 = arith.cmpi eq, %add3A_82, %eq3A_88 : i32
    %convert_element_type3A_90 = arith.extui %eq3A_89 : i1 to i32
    %cond3A_91 = arith.constant 0 : i32
    %cond3A_92 = arith.cmpi ne, %convert_element_type3A_90, %cond3A_91 : i32
    scf.if %cond3A_92 {
      %dma_start3A = arith.constant 0 : i32
      %dma_start3A_163 = arith.constant 0 : i32
      %dma_start3A_164 = tpu.memref_slice %arg21[%dma_start3A, %dma_start3A_163] : memref<64x512xf32, #tpu.memory_space<vmem>> -> memref<64x128xf32, #tpu.memory_space<vmem>>
      %dma_start3A_165 = arith.constant 0 : i32
      %dma_start3A_166 = arith.constant 0 : i32
      %dma_start3A_167 = tpu.memref_slice %arg21[%dma_start3A_165, %dma_start3A_166] : memref<64x512xf32, #tpu.memory_space<vmem>> -> memref<64x128xf32, #tpu.memory_space<vmem>>
      tpu.enqueue_dma source(%arg8 : memref<64x128xf32, #tpu.memory_space<hbm>>) target(%dma_start3A_167 : memref<64x128xf32, #tpu.memory_space<vmem>>) target_semaphore(%arg30 : memref<!tpu.dma_semaphore, #tpu.memory_space<semaphore_mem>>)
    } else {
    }
    %add3A_93 = arith.constant 4 : i32
    %add3A_94 = arith.addi %mul3A_2, %add3A_93 : i32
    %le3A_95 = arith.constant 7808 : i32
    %le3A_96 = arith.cmpi sle, %add3A_94, %le3A_95 : i32
    %convert_element_type3A_97 = arith.extui %le3A_96 : i1 to i32
    %cond3A_98 = arith.constant 0 : i32
    %cond3A_99 = arith.cmpi ne, %convert_element_type3A_97, %cond3A_98 : i32
    scf.if %cond3A_99 {
      %mul3A_163 = arith.constant 128 : i32
      %mul3A_164 = arith.muli %add3A_94, %mul3A_163 : i32
      %dma_start3A = arith.constant 0 : i32
      %dma_start3A_165 = tpu.memref_slice %arg6[%dma_start3A, %mul3A_164] : memref<64x1000000xf32, #tpu.memory_space<hbm>> -> memref<64x512xf32, #tpu.memory_space<hbm>>
      %dma_start3A_166 = arith.constant 0 : i32
      %dma_start3A_167 = tpu.memref_slice %arg6[%dma_start3A_166, %mul3A_164] : memref<64x1000000xf32, #tpu.memory_space<hbm>> -> memref<64x512xf32, #tpu.memory_space<hbm>>
      tpu.enqueue_dma source(%dma_start3A_167 : memref<64x512xf32, #tpu.memory_space<hbm>>) target(%arg22 : memref<64x512xf32, #tpu.memory_space<vmem>>) target_semaphore(%arg31 : memref<!tpu.dma_semaphore, #tpu.memory_space<semaphore_mem>>)
    } else {
    }
    %eq3A_100 = arith.constant 7812 : i32
    %eq3A_101 = arith.cmpi eq, %add3A_94, %eq3A_100 : i32
    %convert_element_type3A_102 = arith.extui %eq3A_101 : i1 to i32
    %cond3A_103 = arith.constant 0 : i32
    %cond3A_104 = arith.cmpi ne, %convert_element_type3A_102, %cond3A_103 : i32
    scf.if %cond3A_104 {
      %dma_start3A = arith.constant 0 : i32
      %dma_start3A_163 = arith.constant 0 : i32
      %dma_start3A_164 = tpu.memref_slice %arg22[%dma_start3A, %dma_start3A_163] : memref<64x512xf32, #tpu.memory_space<vmem>> -> memref<64x128xf32, #tpu.memory_space<vmem>>
      %dma_start3A_165 = arith.constant 0 : i32
      %dma_start3A_166 = arith.constant 0 : i32
      %dma_start3A_167 = tpu.memref_slice %arg22[%dma_start3A_165, %dma_start3A_166] : memref<64x512xf32, #tpu.memory_space<vmem>> -> memref<64x128xf32, #tpu.memory_space<vmem>>
      tpu.enqueue_dma source(%arg8 : memref<64x128xf32, #tpu.memory_space<hbm>>) target(%dma_start3A_167 : memref<64x128xf32, #tpu.memory_space<vmem>>) target_semaphore(%arg31 : memref<!tpu.dma_semaphore, #tpu.memory_space<semaphore_mem>>)
    } else {
    }
    %add3A_105 = arith.constant 8 : i32
    %add3A_106 = arith.addi %mul3A_2, %add3A_105 : i32
    %le3A_107 = arith.constant 7808 : i32
    %le3A_108 = arith.cmpi sle, %add3A_106, %le3A_107 : i32
    %convert_element_type3A_109 = arith.extui %le3A_108 : i1 to i32
    %cond3A_110 = arith.constant 0 : i32
    %cond3A_111 = arith.cmpi ne, %convert_element_type3A_109, %cond3A_110 : i32
    scf.if %cond3A_111 {
      %mul3A_163 = arith.constant 128 : i32
      %mul3A_164 = arith.muli %add3A_106, %mul3A_163 : i32
      %dma_start3A = arith.constant 0 : i32
      %dma_start3A_165 = tpu.memref_slice %arg6[%dma_start3A, %mul3A_164] : memref<64x1000000xf32, #tpu.memory_space<hbm>> -> memref<64x512xf32, #tpu.memory_space<hbm>>
      %dma_start3A_166 = arith.constant 0 : i32
      %dma_start3A_167 = tpu.memref_slice %arg6[%dma_start3A_166, %mul3A_164] : memref<64x1000000xf32, #tpu.memory_space<hbm>> -> memref<64x512xf32, #tpu.memory_space<hbm>>
      tpu.enqueue_dma source(%dma_start3A_167 : memref<64x512xf32, #tpu.memory_space<hbm>>) target(%arg23 : memref<64x512xf32, #tpu.memory_space<vmem>>) target_semaphore(%arg32 : memref<!tpu.dma_semaphore, #tpu.memory_space<semaphore_mem>>)
    } else {
    }
    %eq3A_112 = arith.constant 7812 : i32
    %eq3A_113 = arith.cmpi eq, %add3A_106, %eq3A_112 : i32
    %convert_element_type3A_114 = arith.extui %eq3A_113 : i1 to i32
    %cond3A_115 = arith.constant 0 : i32
    %cond3A_116 = arith.cmpi ne, %convert_element_type3A_114, %cond3A_115 : i32
    scf.if %cond3A_116 {
      %dma_start3A = arith.constant 0 : i32
      %dma_start3A_163 = arith.constant 0 : i32
      %dma_start3A_164 = tpu.memref_slice %arg23[%dma_start3A, %dma_start3A_163] : memref<64x512xf32, #tpu.memory_space<vmem>> -> memref<64x128xf32, #tpu.memory_space<vmem>>
      %dma_start3A_165 = arith.constant 0 : i32
      %dma_start3A_166 = arith.constant 0 : i32
      %dma_start3A_167 = tpu.memref_slice %arg23[%dma_start3A_165, %dma_start3A_166] : memref<64x512xf32, #tpu.memory_space<vmem>> -> memref<64x128xf32, #tpu.memory_space<vmem>>
      tpu.enqueue_dma source(%arg8 : memref<64x128xf32, #tpu.memory_space<hbm>>) target(%dma_start3A_167 : memref<64x128xf32, #tpu.memory_space<vmem>>) target_semaphore(%arg32 : memref<!tpu.dma_semaphore, #tpu.memory_space<semaphore_mem>>)
    } else {
    }
    %scan3A_117 = arith.constant 0 : i32
    %scan3A_118 = arith.constant 0 : i32
    %scan3A_119 = arith.constant 0 : i32
    %scan3A_120 = arith.constant 0 : i32
    %scan3A_121 = arith.constant 0 : i32
    %scan3A_122 = arith.constant 21 : i32
    %scan3A_123 = arith.addi %scan3A_121, %scan3A_122 : i32
    %scan3A_124 = arith.constant 1 : i32
    %scan3A_125:4 = scf.for %scan3A_163 = %scan3A_121 to %scan3A_123 step %scan3A_124 iter_args(%scan3A_164 = %scan3A_117, %scan3A_165 = %scan3A_118, %scan3A_166 = %scan3A_119, %scan3A_167 = %scan3A_120) -> (i32, i32, i32, i32)  : i32 {
      %mul3A_168 = arith.constant 3 : i32
      %mul3A_169 = arith.muli %mul3A_168, %scan3A_163 : i32
      %add3A_170 = arith.constant 0 : i32
      %add3A_171 = arith.addi %mul3A_169, %add3A_170 : i32
      %mul3A_172 = arith.constant 4 : i32
      %mul3A_173 = arith.muli %add3A_171, %mul3A_172 : i32
      %add3A_174 = arith.addi %mul3A_2, %mul3A_173 : i32
      %le3A_175 = arith.constant 7808 : i32
      %le3A_176 = arith.cmpi sle, %add3A_174, %le3A_175 : i32
      %convert_element_type3A_177 = arith.extui %le3A_176 : i1 to i32
      %cond3A_178 = arith.constant 0 : i32
      %cond3A_179 = arith.cmpi ne, %convert_element_type3A_177, %cond3A_178 : i32
      scf.if %cond3A_179 {
        %mul3A_416 = arith.constant 128 : i32
        %mul3A_417 = arith.muli %add3A_174, %mul3A_416 : i32
        %dma_wait3A = arith.constant 0 : i32
        %dma_wait3A_418 = tpu.memref_slice %arg6[%dma_wait3A, %mul3A_417] : memref<64x1000000xf32, #tpu.memory_space<hbm>> -> memref<64x512xf32, #tpu.memory_space<hbm>>
        %dma_wait3A_419 = arith.constant 0 : i32
        %dma_wait3A_420 = tpu.memref_slice %arg6[%dma_wait3A_419, %mul3A_417] : memref<64x1000000xf32, #tpu.memory_space<hbm>> -> memref<64x512xf32, #tpu.memory_space<hbm>>
        tpu.wait_dma2 semaphore(%arg30 : memref<!tpu.dma_semaphore, #tpu.memory_space<semaphore_mem>>) src(%dma_wait3A_420 : memref<64x512xf32, #tpu.memory_space<hbm>>) dst(%arg21 : memref<64x512xf32, #tpu.memory_space<vmem>>)
      } else {
      }
      %eq3A_180 = arith.constant 7812 : i32
      %eq3A_181 = arith.cmpi eq, %add3A_174, %eq3A_180 : i32
      %convert_element_type3A_182 = arith.extui %eq3A_181 : i1 to i32
      %cond3A_183 = arith.constant 0 : i32
      %cond3A_184 = arith.cmpi ne, %convert_element_type3A_182, %cond3A_183 : i32
      scf.if %cond3A_184 {
        %dma_wait3A = arith.constant 0 : i32
        %dma_wait3A_416 = arith.constant 0 : i32
        %dma_wait3A_417 = tpu.memref_slice %arg21[%dma_wait3A, %dma_wait3A_416] : memref<64x512xf32, #tpu.memory_space<vmem>> -> memref<64x128xf32, #tpu.memory_space<vmem>>
        %dma_wait3A_418 = arith.constant 0 : i32
        %dma_wait3A_419 = arith.constant 0 : i32
        %dma_wait3A_420 = tpu.memref_slice %arg21[%dma_wait3A_418, %dma_wait3A_419] : memref<64x512xf32, #tpu.memory_space<vmem>> -> memref<64x128xf32, #tpu.memory_space<vmem>>
        tpu.wait_dma2 semaphore(%arg30 : memref<!tpu.dma_semaphore, #tpu.memory_space<semaphore_mem>>) src(%arg8 : memref<64x128xf32, #tpu.memory_space<hbm>>) dst(%dma_wait3A_420 : memref<64x128xf32, #tpu.memory_space<vmem>>)
      } else {
      }
      %add3A_185 = arith.constant 16 : i32
      %add3A_186 = arith.addi %scan3A_58, %add3A_185 : i32
      %sub3A = arith.constant 1 : i32
      %sub3A_187 = arith.subi %add3A_186, %sub3A : i32
      %shift_right_logical3A = arith.constant 4 : i32
      %shift_right_logical3A_188 = arith.shrui %sub3A_187, %shift_right_logical3A : i32
      %while3A = arith.constant 0 : i32
      %while3A_189 = arith.constant 0 : i32
      %while3A_190 = arith.subi %shift_right_logical3A_188, %while3A : i32
      %while3A_191 = arith.addi %while3A, %while3A_190 : i32
      %while3A_192 = arith.constant 1 : i32
      %while3A_193 = arith.divsi %while3A_190, %while3A_192 : i32
      %while3A_194 = arith.muli %while3A_193, %while3A_192 : i32
      %while3A_195 = arith.addi %while3A, %while3A_194 : i32
      %while3A_196 = arith.constant 1 : i32
      %while3A_197 = scf.for %while3A_416 = %while3A to %while3A_195 step %while3A_196 iter_args(%while3A_417 = %while3A_189) -> (i32)  : i32 {
        %mul3A_418 = arith.constant 16 : i32
        %mul3A_419 = arith.muli %while3A_416, %mul3A_418 : i32
        %get3A = arith.index_cast %mul3A_419 : i32 to index
        %get3A_420 = tpu.vector_load %arg15[%get3A] {strides = array<i32>} : memref<1040xi32, #tpu.memory_space<vmem>>, vector<16xi32>,
        %mul3A_421 = arith.constant 16 : i32
        %mul3A_422 = arith.muli %while3A_416, %mul3A_421 : i32
        %get3A_423 = arith.index_cast %mul3A_422 : i32 to index
        %get3A_424 = tpu.vector_load %arg16[%get3A_423] {strides = array<i32>} : memref<1040xi32, #tpu.memory_space<vmem>>, vector<16xi32>,
        %mul3A_425 = arith.constant 16 : i32
        %mul3A_426 = arith.muli %while3A_416, %mul3A_425 : i32
        %iota3A_427 = tpu.iota {dimensions = array<i32: 0>} : vector<16xi32>
        %add3A_428 = vector.broadcast %mul3A_426 : i32 to vector<16xi32>
        %add3A_429 = arith.addi %add3A_428, %iota3A_427 : vector<16xi32>
        %lt3A_430 = vector.broadcast %scan3A_58 : i32 to vector<16xi32>
        %lt3A_431 = arith.cmpi slt, %add3A_429, %lt3A_430 : vector<16xi32>
        %shift_right_logical3A_432 = arith.constant 7 : i32
        %shift_right_logical3A_433 = vector.broadcast %shift_right_logical3A_432 : i32 to vector<16xi32>
        %shift_right_logical3A_434 = arith.shrui %get3A_420, %shift_right_logical3A_433 : vector<16xi32>
        %sub3A_435 = vector.broadcast %add3A_174 : i32 to vector<16xi32>
        %sub3A_436 = arith.subi %shift_right_logical3A_434, %sub3A_435 : vector<16xi32>
        %ge3A_437 = arith.constant 0 : i32
        %ge3A_438 = vector.broadcast %ge3A_437 : i32 to vector<16xi32>
        %ge3A_439 = arith.cmpi sge, %sub3A_436, %ge3A_438 : vector<16xi32>
        %and3A_440 = arith.andi %lt3A_431, %ge3A_439 : vector<16xi1>
        %lt3A_441 = arith.constant 4 : i32
        %lt3A_442 = vector.broadcast %lt3A_441 : i32 to vector<16xi32>
        %lt3A_443 = arith.cmpi slt, %sub3A_436, %lt3A_442 : vector<16xi32>
        %and3A_444 = arith.andi %and3A_440, %lt3A_443 : vector<16xi1>
        %swap3A = arith.index_cast %while3A_417 : i32 to index
        %swap3A_445 = tpu.vector_load %arg19[%swap3A] masked %and3A_444 {strides = array<i32>} : memref<1040xi32, #tpu.memory_space<vmem>>, vector<16xi32>, vector<16xi1>
        tpu.vector_store %arg19[%swap3A], %get3A_420 masked %and3A_444 {strides = array<i32>} : memref<1040xi32, #tpu.memory_space<vmem>>, vector<16xi32>, vector<16xi1>
        %swap3A_446 = arith.index_cast %while3A_417 : i32 to index
        %swap3A_447 = tpu.vector_load %arg20[%swap3A_446] masked %and3A_444 {strides = array<i32>} : memref<1040xi32, #tpu.memory_space<vmem>>, vector<16xi32>, vector<16xi1>
        tpu.vector_store %arg20[%swap3A_446], %get3A_424 masked %and3A_444 {strides = array<i32>} : memref<1040xi32, #tpu.memory_space<vmem>>, vector<16xi32>, vector<16xi1>
        %all_reduce_population_count3A = tpu.all_reduce %and3A_444 {dim = 0 : i64, kind = #tpu.reduction_kind<sum>} : vector<16xi1> -> vector<16xi32>
        %slice3A = vector.extract_strided_slice %all_reduce_population_count3A {offsets = [0], sizes = [1], strides = [1]} : vector<16xi32> to vector<1xi32>
        %squeeze3A = vector.extract %slice3A[0] : i32 from vector<1xi32>
        %add3A_448 = arith.addi %while3A_417, %squeeze3A : i32
        scf.yield %add3A_448 : i32
      }
      %while3A_198 = arith.constant 1 : i32
      %while3A_199 = scf.for %while3A_416 = %while3A_195 to %while3A_191 step %while3A_198 iter_args(%while3A_417 = %while3A_197) -> (i32)  : i32 {
        %mul3A_418 = arith.constant 16 : i32
        %mul3A_419 = arith.muli %while3A_416, %mul3A_418 : i32
        %get3A = arith.index_cast %mul3A_419 : i32 to index
        %get3A_420 = tpu.vector_load %arg15[%get3A] {strides = array<i32>} : memref<1040xi32, #tpu.memory_space<vmem>>, vector<16xi32>,
        %mul3A_421 = arith.constant 16 : i32
        %mul3A_422 = arith.muli %while3A_416, %mul3A_421 : i32
        %get3A_423 = arith.index_cast %mul3A_422 : i32 to index
        %get3A_424 = tpu.vector_load %arg16[%get3A_423] {strides = array<i32>} : memref<1040xi32, #tpu.memory_space<vmem>>, vector<16xi32>,
        %mul3A_425 = arith.constant 16 : i32
        %mul3A_426 = arith.muli %while3A_416, %mul3A_425 : i32
        %iota3A_427 = tpu.iota {dimensions = array<i32: 0>} : vector<16xi32>
        %add3A_428 = vector.broadcast %mul3A_426 : i32 to vector<16xi32>
        %add3A_429 = arith.addi %add3A_428, %iota3A_427 : vector<16xi32>
        %lt3A_430 = vector.broadcast %scan3A_58 : i32 to vector<16xi32>
        %lt3A_431 = arith.cmpi slt, %add3A_429, %lt3A_430 : vector<16xi32>
        %shift_right_logical3A_432 = arith.constant 7 : i32
        %shift_right_logical3A_433 = vector.broadcast %shift_right_logical3A_432 : i32 to vector<16xi32>
        %shift_right_logical3A_434 = arith.shrui %get3A_420, %shift_right_logical3A_433 : vector<16xi32>
        %sub3A_435 = vector.broadcast %add3A_174 : i32 to vector<16xi32>
        %sub3A_436 = arith.subi %shift_right_logical3A_434, %sub3A_435 : vector<16xi32>
        %ge3A_437 = arith.constant 0 : i32
        %ge3A_438 = vector.broadcast %ge3A_437 : i32 to vector<16xi32>
        %ge3A_439 = arith.cmpi sge, %sub3A_436, %ge3A_438 : vector<16xi32>
        %and3A_440 = arith.andi %lt3A_431, %ge3A_439 : vector<16xi1>
        %lt3A_441 = arith.constant 4 : i32
        %lt3A_442 = vector.broadcast %lt3A_441 : i32 to vector<16xi32>
        %lt3A_443 = arith.cmpi slt, %sub3A_436, %lt3A_442 : vector<16xi32>
        %and3A_444 = arith.andi %and3A_440, %lt3A_443 : vector<16xi1>
        %swap3A = arith.index_cast %while3A_417 : i32 to index
        %swap3A_445 = tpu.vector_load %arg19[%swap3A] masked %and3A_444 {strides = array<i32>} : memref<1040xi32, #tpu.memory_space<vmem>>, vector<16xi32>, vector<16xi1>
        tpu.vector_store %arg19[%swap3A], %get3A_420 masked %and3A_444 {strides = array<i32>} : memref<1040xi32, #tpu.memory_space<vmem>>, vector<16xi32>, vector<16xi1>
        %swap3A_446 = arith.index_cast %while3A_417 : i32 to index
        %swap3A_447 = tpu.vector_load %arg20[%swap3A_446] masked %and3A_444 {strides = array<i32>} : memref<1040xi32, #tpu.memory_space<vmem>>, vector<16xi32>, vector<16xi1>
        tpu.vector_store %arg20[%swap3A_446], %get3A_424 masked %and3A_444 {strides = array<i32>} : memref<1040xi32, #tpu.memory_space<vmem>>, vector<16xi32>, vector<16xi1>
        %all_reduce_population_count3A = tpu.all_reduce %and3A_444 {dim = 0 : i64, kind = #tpu.reduction_kind<sum>} : vector<16xi1> -> vector<16xi32>
        %slice3A = vector.extract_strided_slice %all_reduce_population_count3A {offsets = [0], sizes = [1], strides = [1]} : vector<16xi32> to vector<1xi32>
        %squeeze3A = vector.extract %slice3A[0] : i32 from vector<1xi32>
        %add3A_448 = arith.addi %while3A_417, %squeeze3A : i32
        scf.yield %add3A_448 : i32
      }
      %iota3A_200 = tpu.iota {dimensions = array<i32: 0>} : vector<16xi32>
      %while3A_201 = arith.constant 0 : i32
      %while3A_202 = arith.subi %while3A_199, %while3A_201 : i32
      %while3A_203 = arith.addi %while3A_201, %while3A_202 : i32
      %while3A_204 = arith.constant 1 : i32
      %while3A_205 = arith.divsi %while3A_202, %while3A_204 : i32
      %while3A_206 = arith.muli %while3A_205, %while3A_204 : i32
      %while3A_207 = arith.addi %while3A_201, %while3A_206 : i32
      %while3A_208 = arith.constant 1 : i32
      %while3A_209:2 = scf.for %while3A_416 = %while3A_201 to %while3A_207 step %while3A_208 iter_args(%while3A_417 = %scan3A_164, %while3A_418 = %scan3A_165) -> (i32, i32)  : i32 {
        %eq3A_419 = arith.constant 0 : i32
        %eq3A_420 = arith.cmpi eq, %while3A_418, %eq3A_419 : i32
        %ge3A_421 = arith.constant 1 : i32
        %ge3A_422 = arith.cmpi sge, %while3A_417, %ge3A_421 : i32
        %and3A_423 = arith.andi %eq3A_420, %ge3A_422 : i1
        %convert_element_type3A_424 = arith.extui %and3A_423 : i1 to i32
        %cond3A_425 = arith.constant 0 : i32
        %cond3A_426 = arith.cmpi ne, %convert_element_type3A_424, %cond3A_425 : i32
        scf.if %cond3A_426 {
          %dma_wait3A = arith.constant 0 : i32
          %dma_wait3A_471 = arith.constant 0 : i32
          %dma_wait3A_472 = tpu.memref_slice %arg10[%dma_wait3A, %dma_wait3A_471] : memref<16400x128xf32, #tpu.memory_space<hbm>> -> memref<16400x128xf32, #tpu.memory_space<hbm>>
          tpu.wait_indirect_dma semaphore(%arg34 : memref<!tpu.dma_semaphore, #tpu.memory_space<semaphore_mem>>) src(%arg25 : memref<16x128xf32, #tpu.memory_space<vmem>>) dst(%dma_wait3A_472 : memref<16400x128xf32, #tpu.memory_space<hbm>>)
        } else {
        }
        %get3A = arith.index_cast %while3A_416 : i32 to index
        %get3A_427 = tpu.vector_load %arg19[%get3A] {strides = array<i32>} : memref<1040xi32, #tpu.memory_space<vmem>>, vector<16xi32>,
        %slice3A = vector.extract_strided_slice %get3A_427 {offsets = [0], sizes = [1], strides = [1]} : vector<16xi32> to vector<1xi32>
        %squeeze3A = vector.extract %slice3A[0] : i32 from vector<1xi32>
        %get3A_428 = arith.index_cast %while3A_416 : i32 to index
        %get3A_429 = tpu.vector_load %arg20[%get3A_428] {strides = array<i32>} : memref<1040xi32, #tpu.memory_space<vmem>>, vector<16xi32>,
        %slice3A_430 = vector.extract_strided_slice %get3A_429 {offsets = [0], sizes = [1], strides = [1]} : vector<16xi32> to vector<1xi32>
        %squeeze3A_431 = vector.extract %slice3A_430[0] : i32 from vector<1xi32>
        %shift_right_logical3A_432 = arith.constant 7 : i32
        %shift_right_logical3A_433 = arith.shrui %squeeze3A, %shift_right_logical3A_432 : i32
        %sub3A_434 = arith.subi %shift_right_logical3A_433, %add3A_174 : i32
        %mul3A_435 = arith.constant 128 : i32
        %mul3A_436 = arith.muli %sub3A_434, %mul3A_435 : i32
        %and3A_437 = arith.constant 127 : i32
        %and3A_438 = arith.andi %squeeze3A, %and3A_437 : i32
        %add3A_439 = arith.addi %mul3A_436, %and3A_438 : i32
        %broadcast_in_dim3A = vector.broadcast %add3A_439 : i32 to vector<16xi32>
        %broadcast_in_dim3A_440 = vector.broadcast %while3A_418 : i32 to vector<16xi32>
        %add3A_441 = arith.constant 0 : i32
        %add3A_442 = vector.broadcast %add3A_441 : i32 to vector<16xi32>
        %add3A_443 = arith.addi %add3A_442, %iota3A_200 : vector<16xi32>
        %gather3A = tpu.vector_load_idx %arg21[%add3A_443, %broadcast_in_dim3A] : memref<64x512xf32, #tpu.memory_space<vmem>>[vector<16xi32>, vector<16xi32>], vector<16xf32>,
        tpu.vector_store_idx %arg25[%broadcast_in_dim3A_440, %add3A_443], %gather3A : memref<16x128xf32, #tpu.memory_space<vmem>>[vector<16xi32>, vector<16xi32>], vector<16xf32>,
        %add3A_444 = arith.constant 16 : i32
        %add3A_445 = vector.broadcast %add3A_444 : i32 to vector<16xi32>
        %add3A_446 = arith.addi %add3A_445, %iota3A_200 : vector<16xi32>
        %gather3A_447 = tpu.vector_load_idx %arg21[%add3A_446, %broadcast_in_dim3A] : memref<64x512xf32, #tpu.memory_space<vmem>>[vector<16xi32>, vector<16xi32>], vector<16xf32>,
        tpu.vector_store_idx %arg25[%broadcast_in_dim3A_440, %add3A_446], %gather3A_447 : memref<16x128xf32, #tpu.memory_space<vmem>>[vector<16xi32>, vector<16xi32>], vector<16xf32>,
        %add3A_448 = arith.constant 32 : i32
        %add3A_449 = vector.broadcast %add3A_448 : i32 to vector<16xi32>
        %add3A_450 = arith.addi %add3A_449, %iota3A_200 : vector<16xi32>
        %gather3A_451 = tpu.vector_load_idx %arg21[%add3A_450, %broadcast_in_dim3A] : memref<64x512xf32, #tpu.memory_space<vmem>>[vector<16xi32>, vector<16xi32>], vector<16xf32>,
        tpu.vector_store_idx %arg25[%broadcast_in_dim3A_440, %add3A_450], %gather3A_451 : memref<16x128xf32, #tpu.memory_space<vmem>>[vector<16xi32>, vector<16xi32>], vector<16xf32>,
        %add3A_452 = arith.constant 48 : i32
        %add3A_453 = vector.broadcast %add3A_452 : i32 to vector<16xi32>
        %add3A_454 = arith.addi %add3A_453, %iota3A_200 : vector<16xi32>
        %gather3A_455 = tpu.vector_load_idx %arg21[%add3A_454, %broadcast_in_dim3A] : memref<64x512xf32, #tpu.memory_space<vmem>>[vector<16xi32>, vector<16xi32>], vector<16xf32>,
        tpu.vector_store_idx %arg25[%broadcast_in_dim3A_440, %add3A_454], %gather3A_455 : memref<16x128xf32, #tpu.memory_space<vmem>>[vector<16xi32>, vector<16xi32>], vector<16xf32>,
        %broadcast_in_dim3A_456 = vector.broadcast %squeeze3A_431 : i32 to vector<16xi32>
        %eq3A_457 = vector.broadcast %while3A_418 : i32 to vector<16xi32>
        %eq3A_458 = arith.cmpi eq, %iota3A_200, %eq3A_457 : vector<16xi32>
        tpu.vector_store_idx %arg28[%iota3A_200], %broadcast_in_dim3A_456 masked %eq3A_458 : memref<16xi32, #tpu.memory_space<vmem>>[vector<16xi32>], vector<16xi32>, vector<16xi1>
        %eq3A_459 = arith.constant 15 : i32
        %eq3A_460 = arith.cmpi eq, %while3A_418, %eq3A_459 : i32
        %convert_element_type3A_461 = arith.extui %eq3A_460 : i1 to i32
        %cond3A_462 = arith.constant 0 : i32
        %cond3A_463 = arith.cmpi ne, %convert_element_type3A_461, %cond3A_462 : i32
        scf.if %cond3A_463 {
          %dma_start3A = arith.constant 0 : i32
          %dma_start3A_471 = arith.constant 0 : i32
          %dma_start3A_472 = tpu.memref_slice %arg10[%dma_start3A, %dma_start3A_471] : memref<16400x128xf32, #tpu.memory_space<hbm>> -> memref<16400x128xf32, #tpu.memory_space<hbm>>
          tpu.enqueue_indirect_dma source(%arg25 : memref<16x128xf32, #tpu.memory_space<vmem>>) target(%dma_start3A_472 : memref<16400x128xf32, #tpu.memory_space<hbm>>) offsets(%arg28 : memref<16xi32, #tpu.memory_space<vmem>>) semaphore(%arg34 : memref<!tpu.dma_semaphore, #tpu.memory_space<semaphore_mem>>)
        } else {
        }
        %eq3A_464 = arith.constant 15 : i32
        %eq3A_465 = arith.cmpi eq, %while3A_418, %eq3A_464 : i32
        %add3A_466 = arith.constant 1 : i32
        %add3A_467 = arith.addi %while3A_417, %add3A_466 : i32
        %select_n3A = arith.select %eq3A_465, %add3A_467, %while3A_417 : i32
        %add3A_468 = arith.constant 1 : i32
        %add3A_469 = arith.addi %while3A_418, %add3A_468 : i32
        %jit3A = arith.constant 0 : i32
        %select_n3A_470 = arith.select %eq3A_465, %jit3A, %add3A_469 : i32
        scf.yield %select_n3A, %select_n3A_470 : i32, i32
      }
      %while3A_210 = arith.constant 1 : i32
      %while3A_211:2 = scf.for %while3A_416 = %while3A_207 to %while3A_203 step %while3A_210 iter_args(%while3A_417 = %while3A_209#0, %while3A_418 = %while3A_209#1) -> (i32, i32)  : i32 {
        %eq3A_419 = arith.constant 0 : i32
        %eq3A_420 = arith.cmpi eq, %while3A_418, %eq3A_419 : i32
        %ge3A_421 = arith.constant 1 : i32
        %ge3A_422 = arith.cmpi sge, %while3A_417, %ge3A_421 : i32
        %and3A_423 = arith.andi %eq3A_420, %ge3A_422 : i1
        %convert_element_type3A_424 = arith.extui %and3A_423 : i1 to i32
        %cond3A_425 = arith.constant 0 : i32
        %cond3A_426 = arith.cmpi ne, %convert_element_type3A_424, %cond3A_425 : i32
        scf.if %cond3A_426 {
          %dma_wait3A = arith.constant 0 : i32
          %dma_wait3A_471 = arith.constant 0 : i32
          %dma_wait3A_472 = tpu.memref_slice %arg10[%dma_wait3A, %dma_wait3A_471] : memref<16400x128xf32, #tpu.memory_space<hbm>> -> memref<16400x128xf32, #tpu.memory_space<hbm>>
          tpu.wait_indirect_dma semaphore(%arg34 : memref<!tpu.dma_semaphore, #tpu.memory_space<semaphore_mem>>) src(%arg25 : memref<16x128xf32, #tpu.memory_space<vmem>>) dst(%dma_wait3A_472 : memref<16400x128xf32, #tpu.memory_space<hbm>>)
        } else {
        }
        %get3A = arith.index_cast %while3A_416 : i32 to index
        %get3A_427 = tpu.vector_load %arg19[%get3A] {strides = array<i32>} : memref<1040xi32, #tpu.memory_space<vmem>>, vector<16xi32>,
        %slice3A = vector.extract_strided_slice %get3A_427 {offsets = [0], sizes = [1], strides = [1]} : vector<16xi32> to vector<1xi32>
        %squeeze3A = vector.extract %slice3A[0] : i32 from vector<1xi32>
        %get3A_428 = arith.index_cast %while3A_416 : i32 to index
        %get3A_429 = tpu.vector_load %arg20[%get3A_428] {strides = array<i32>} : memref<1040xi32, #tpu.memory_space<vmem>>, vector<16xi32>,
        %slice3A_430 = vector.extract_strided_slice %get3A_429 {offsets = [0], sizes = [1], strides = [1]} : vector<16xi32> to vector<1xi32>
        %squeeze3A_431 = vector.extract %slice3A_430[0] : i32 from vector<1xi32>
        %shift_right_logical3A_432 = arith.constant 7 : i32
        %shift_right_logical3A_433 = arith.shrui %squeeze3A, %shift_right_logical3A_432 : i32
        %sub3A_434 = arith.subi %shift_right_logical3A_433, %add3A_174 : i32
        %mul3A_435 = arith.constant 128 : i32
        %mul3A_436 = arith.muli %sub3A_434, %mul3A_435 : i32
        %and3A_437 = arith.constant 127 : i32
        %and3A_438 = arith.andi %squeeze3A, %and3A_437 : i32
        %add3A_439 = arith.addi %mul3A_436, %and3A_438 : i32
        %broadcast_in_dim3A = vector.broadcast %add3A_439 : i32 to vector<16xi32>
        %broadcast_in_dim3A_440 = vector.broadcast %while3A_418 : i32 to vector<16xi32>
        %add3A_441 = arith.constant 0 : i32
        %add3A_442 = vector.broadcast %add3A_441 : i32 to vector<16xi32>
        %add3A_443 = arith.addi %add3A_442, %iota3A_200 : vector<16xi32>
        %gather3A = tpu.vector_load_idx %arg21[%add3A_443, %broadcast_in_dim3A] : memref<64x512xf32, #tpu.memory_space<vmem>>[vector<16xi32>, vector<16xi32>], vector<16xf32>,
        tpu.vector_store_idx %arg25[%broadcast_in_dim3A_440, %add3A_443], %gather3A : memref<16x128xf32, #tpu.memory_space<vmem>>[vector<16xi32>, vector<16xi32>], vector<16xf32>,
        %add3A_444 = arith.constant 16 : i32
        %add3A_445 = vector.broadcast %add3A_444 : i32 to vector<16xi32>
        %add3A_446 = arith.addi %add3A_445, %iota3A_200 : vector<16xi32>
        %gather3A_447 = tpu.vector_load_idx %arg21[%add3A_446, %broadcast_in_dim3A] : memref<64x512xf32, #tpu.memory_space<vmem>>[vector<16xi32>, vector<16xi32>], vector<16xf32>,
        tpu.vector_store_idx %arg25[%broadcast_in_dim3A_440, %add3A_446], %gather3A_447 : memref<16x128xf32, #tpu.memory_space<vmem>>[vector<16xi32>, vector<16xi32>], vector<16xf32>,
        %add3A_448 = arith.constant 32 : i32
        %add3A_449 = vector.broadcast %add3A_448 : i32 to vector<16xi32>
        %add3A_450 = arith.addi %add3A_449, %iota3A_200 : vector<16xi32>
        %gather3A_451 = tpu.vector_load_idx %arg21[%add3A_450, %broadcast_in_dim3A] : memref<64x512xf32, #tpu.memory_space<vmem>>[vector<16xi32>, vector<16xi32>], vector<16xf32>,
        tpu.vector_store_idx %arg25[%broadcast_in_dim3A_440, %add3A_450], %gather3A_451 : memref<16x128xf32, #tpu.memory_space<vmem>>[vector<16xi32>, vector<16xi32>], vector<16xf32>,
        %add3A_452 = arith.constant 48 : i32
        %add3A_453 = vector.broadcast %add3A_452 : i32 to vector<16xi32>
        %add3A_454 = arith.addi %add3A_453, %iota3A_200 : vector<16xi32>
        %gather3A_455 = tpu.vector_load_idx %arg21[%add3A_454, %broadcast_in_dim3A] : memref<64x512xf32, #tpu.memory_space<vmem>>[vector<16xi32>, vector<16xi32>], vector<16xf32>,
        tpu.vector_store_idx %arg25[%broadcast_in_dim3A_440, %add3A_454], %gather3A_455 : memref<16x128xf32, #tpu.memory_space<vmem>>[vector<16xi32>, vector<16xi32>], vector<16xf32>,
        %broadcast_in_dim3A_456 = vector.broadcast %squeeze3A_431 : i32 to vector<16xi32>
        %eq3A_457 = vector.broadcast %while3A_418 : i32 to vector<16xi32>
        %eq3A_458 = arith.cmpi eq, %iota3A_200, %eq3A_457 : vector<16xi32>
        tpu.vector_store_idx %arg28[%iota3A_200], %broadcast_in_dim3A_456 masked %eq3A_458 : memref<16xi32, #tpu.memory_space<vmem>>[vector<16xi32>], vector<16xi32>, vector<16xi1>
        %eq3A_459 = arith.constant 15 : i32
        %eq3A_460 = arith.cmpi eq, %while3A_418, %eq3A_459 : i32
        %convert_element_type3A_461 = arith.extui %eq3A_460 : i1 to i32
        %cond3A_462 = arith.constant 0 : i32
        %cond3A_463 = arith.cmpi ne, %convert_element_type3A_461, %cond3A_462 : i32
        scf.if %cond3A_463 {
          %dma_start3A = arith.constant 0 : i32
          %dma_start3A_471 = arith.constant 0 : i32
          %dma_start3A_472 = tpu.memref_slice %arg10[%dma_start3A, %dma_start3A_471] : memref<16400x128xf32, #tpu.memory_space<hbm>> -> memref<16400x128xf32, #tpu.memory_space<hbm>>
          tpu.enqueue_indirect_dma source(%arg25 : memref<16x128xf32, #tpu.memory_space<vmem>>) target(%dma_start3A_472 : memref<16400x128xf32, #tpu.memory_space<hbm>>) offsets(%arg28 : memref<16xi32, #tpu.memory_space<vmem>>) semaphore(%arg34 : memref<!tpu.dma_semaphore, #tpu.memory_space<semaphore_mem>>)
        } else {
        }
        %eq3A_464 = arith.constant 15 : i32
        %eq3A_465 = arith.cmpi eq, %while3A_418, %eq3A_464 : i32
        %add3A_466 = arith.constant 1 : i32
        %add3A_467 = arith.addi %while3A_417, %add3A_466 : i32
        %select_n3A = arith.select %eq3A_465, %add3A_467, %while3A_417 : i32
        %add3A_468 = arith.constant 1 : i32
        %add3A_469 = arith.addi %while3A_418, %add3A_468 : i32
        %jit3A = arith.constant 0 : i32
        %select_n3A_470 = arith.select %eq3A_465, %jit3A, %add3A_469 : i32
        scf.yield %select_n3A, %select_n3A_470 : i32, i32
      }
      %add3A_212 = arith.constant 16 : i32
      %add3A_213 = arith.addi %scan3A_71, %add3A_212 : i32
      %sub3A_214 = arith.constant 1 : i32
      %sub3A_215 = arith.subi %add3A_213, %sub3A_214 : i32
      %shift_right_logical3A_216 = arith.constant 4 : i32
      %shift_right_logical3A_217 = arith.shrui %sub3A_215, %shift_right_logical3A_216 : i32
      %while3A_218 = arith.constant 0 : i32
      %while3A_219 = arith.constant 0 : i32
      %while3A_220 = arith.subi %shift_right_logical3A_217, %while3A_218 : i32
      %while3A_221 = arith.addi %while3A_218, %while3A_220 : i32
      %while3A_222 = arith.constant 1 : i32
      %while3A_223 = arith.divsi %while3A_220, %while3A_222 : i32
      %while3A_224 = arith.muli %while3A_223, %while3A_222 : i32
      %while3A_225 = arith.addi %while3A_218, %while3A_224 : i32
      %while3A_226 = arith.constant 1 : i32
      %while3A_227 = scf.for %while3A_416 = %while3A_218 to %while3A_225 step %while3A_226 iter_args(%while3A_417 = %while3A_219) -> (i32)  : i32 {
        %mul3A_418 = arith.constant 16 : i32
        %mul3A_419 = arith.muli %while3A_416, %mul3A_418 : i32
        %get3A = arith.index_cast %mul3A_419 : i32 to index
        %get3A_420 = tpu.vector_load %arg17[%get3A] {strides = array<i32>} : memref<1040xi32, #tpu.memory_space<vmem>>, vector<16xi32>,
        %mul3A_421 = arith.constant 16 : i32
        %mul3A_422 = arith.muli %while3A_416, %mul3A_421 : i32
        %get3A_423 = arith.index_cast %mul3A_422 : i32 to index
        %get3A_424 = tpu.vector_load %arg18[%get3A_423] {strides = array<i32>} : memref<1040xi32, #tpu.memory_space<vmem>>, vector<16xi32>,
        %mul3A_425 = arith.constant 16 : i32
        %mul3A_426 = arith.muli %while3A_416, %mul3A_425 : i32
        %iota3A_427 = tpu.iota {dimensions = array<i32: 0>} : vector<16xi32>
        %add3A_428 = vector.broadcast %mul3A_426 : i32 to vector<16xi32>
        %add3A_429 = arith.addi %add3A_428, %iota3A_427 : vector<16xi32>
        %lt3A_430 = vector.broadcast %scan3A_71 : i32 to vector<16xi32>
        %lt3A_431 = arith.cmpi slt, %add3A_429, %lt3A_430 : vector<16xi32>
        %shift_right_logical3A_432 = arith.constant 7 : i32
        %shift_right_logical3A_433 = vector.broadcast %shift_right_logical3A_432 : i32 to vector<16xi32>
        %shift_right_logical3A_434 = arith.shrui %get3A_420, %shift_right_logical3A_433 : vector<16xi32>
        %sub3A_435 = vector.broadcast %add3A_174 : i32 to vector<16xi32>
        %sub3A_436 = arith.subi %shift_right_logical3A_434, %sub3A_435 : vector<16xi32>
        %ge3A_437 = arith.constant 0 : i32
        %ge3A_438 = vector.broadcast %ge3A_437 : i32 to vector<16xi32>
        %ge3A_439 = arith.cmpi sge, %sub3A_436, %ge3A_438 : vector<16xi32>
        %and3A_440 = arith.andi %lt3A_431, %ge3A_439 : vector<16xi1>
        %lt3A_441 = arith.constant 4 : i32
        %lt3A_442 = vector.broadcast %lt3A_441 : i32 to vector<16xi32>
        %lt3A_443 = arith.cmpi slt, %sub3A_436, %lt3A_442 : vector<16xi32>
        %and3A_444 = arith.andi %and3A_440, %lt3A_443 : vector<16xi1>
        %swap3A = arith.index_cast %while3A_417 : i32 to index
        %swap3A_445 = tpu.vector_load %arg19[%swap3A] masked %and3A_444 {strides = array<i32>} : memref<1040xi32, #tpu.memory_space<vmem>>, vector<16xi32>, vector<16xi1>
        tpu.vector_store %arg19[%swap3A], %get3A_420 masked %and3A_444 {strides = array<i32>} : memref<1040xi32, #tpu.memory_space<vmem>>, vector<16xi32>, vector<16xi1>
        %swap3A_446 = arith.index_cast %while3A_417 : i32 to index
        %swap3A_447 = tpu.vector_load %arg20[%swap3A_446] masked %and3A_444 {strides = array<i32>} : memref<1040xi32, #tpu.memory_space<vmem>>, vector<16xi32>, vector<16xi1>
        tpu.vector_store %arg20[%swap3A_446], %get3A_424 masked %and3A_444 {strides = array<i32>} : memref<1040xi32, #tpu.memory_space<vmem>>, vector<16xi32>, vector<16xi1>
        %all_reduce_population_count3A = tpu.all_reduce %and3A_444 {dim = 0 : i64, kind = #tpu.reduction_kind<sum>} : vector<16xi1> -> vector<16xi32>
        %slice3A = vector.extract_strided_slice %all_reduce_population_count3A {offsets = [0], sizes = [1], strides = [1]} : vector<16xi32> to vector<1xi32>
        %squeeze3A = vector.extract %slice3A[0] : i32 from vector<1xi32>
        %add3A_448 = arith.addi %while3A_417, %squeeze3A : i32
        scf.yield %add3A_448 : i32
      }
      %while3A_228 = arith.constant 1 : i32
      %while3A_229 = scf.for %while3A_416 = %while3A_225 to %while3A_221 step %while3A_228 iter_args(%while3A_417 = %while3A_227) -> (i32)  : i32 {
        %mul3A_418 = arith.constant 16 : i32
        %mul3A_419 = arith.muli %while3A_416, %mul3A_418 : i32
        %get3A = arith.index_cast %mul3A_419 : i32 to index
        %get3A_420 = tpu.vector_load %arg17[%get3A] {strides = array<i32>} : memref<1040xi32, #tpu.memory_space<vmem>>, vector<16xi32>,
        %mul3A_421 = arith.constant 16 : i32
        %mul3A_422 = arith.muli %while3A_416, %mul3A_421 : i32
        %get3A_423 = arith.index_cast %mul3A_422 : i32 to index
        %get3A_424 = tpu.vector_load %arg18[%get3A_423] {strides = array<i32>} : memref<1040xi32, #tpu.memory_space<vmem>>, vector<16xi32>,
        %mul3A_425 = arith.constant 16 : i32
        %mul3A_426 = arith.muli %while3A_416, %mul3A_425 : i32
        %iota3A_427 = tpu.iota {dimensions = array<i32: 0>} : vector<16xi32>
        %add3A_428 = vector.broadcast %mul3A_426 : i32 to vector<16xi32>
        %add3A_429 = arith.addi %add3A_428, %iota3A_427 : vector<16xi32>
        %lt3A_430 = vector.broadcast %scan3A_71 : i32 to vector<16xi32>
        %lt3A_431 = arith.cmpi slt, %add3A_429, %lt3A_430 : vector<16xi32>
        %shift_right_logical3A_432 = arith.constant 7 : i32
        %shift_right_logical3A_433 = vector.broadcast %shift_right_logical3A_432 : i32 to vector<16xi32>
        %shift_right_logical3A_434 = arith.shrui %get3A_420, %shift_right_logical3A_433 : vector<16xi32>
        %sub3A_435 = vector.broadcast %add3A_174 : i32 to vector<16xi32>
        %sub3A_436 = arith.subi %shift_right_logical3A_434, %sub3A_435 : vector<16xi32>
        %ge3A_437 = arith.constant 0 : i32
        %ge3A_438 = vector.broadcast %ge3A_437 : i32 to vector<16xi32>
        %ge3A_439 = arith.cmpi sge, %sub3A_436, %ge3A_438 : vector<16xi32>
        %and3A_440 = arith.andi %lt3A_431, %ge3A_439 : vector<16xi1>
        %lt3A_441 = arith.constant 4 : i32
        %lt3A_442 = vector.broadcast %lt3A_441 : i32 to vector<16xi32>
        %lt3A_443 = arith.cmpi slt, %sub3A_436, %lt3A_442 : vector<16xi32>
        %and3A_444 = arith.andi %and3A_440, %lt3A_443 : vector<16xi1>
        %swap3A = arith.index_cast %while3A_417 : i32 to index
        %swap3A_445 = tpu.vector_load %arg19[%swap3A] masked %and3A_444 {strides = array<i32>} : memref<1040xi32, #tpu.memory_space<vmem>>, vector<16xi32>, vector<16xi1>
        tpu.vector_store %arg19[%swap3A], %get3A_420 masked %and3A_444 {strides = array<i32>} : memref<1040xi32, #tpu.memory_space<vmem>>, vector<16xi32>, vector<16xi1>
        %swap3A_446 = arith.index_cast %while3A_417 : i32 to index
        %swap3A_447 = tpu.vector_load %arg20[%swap3A_446] masked %and3A_444 {strides = array<i32>} : memref<1040xi32, #tpu.memory_space<vmem>>, vector<16xi32>, vector<16xi1>
        tpu.vector_store %arg20[%swap3A_446], %get3A_424 masked %and3A_444 {strides = array<i32>} : memref<1040xi32, #tpu.memory_space<vmem>>, vector<16xi32>, vector<16xi1>
        %all_reduce_population_count3A = tpu.all_reduce %and3A_444 {dim = 0 : i64, kind = #tpu.reduction_kind<sum>} : vector<16xi1> -> vector<16xi32>
        %slice3A = vector.extract_strided_slice %all_reduce_population_count3A {offsets = [0], sizes = [1], strides = [1]} : vector<16xi32> to vector<1xi32>
        %squeeze3A = vector.extract %slice3A[0] : i32 from vector<1xi32>
        %add3A_448 = arith.addi %while3A_417, %squeeze3A : i32
        scf.yield %add3A_448 : i32
      }
      %iota3A_230 = tpu.iota {dimensions = array<i32: 0>} : vector<16xi32>
      %while3A_231 = arith.constant 0 : i32
      %while3A_232 = arith.subi %while3A_229, %while3A_231 : i32
      %while3A_233 = arith.addi %while3A_231, %while3A_232 : i32
      %while3A_234 = arith.constant 1 : i32
      %while3A_235 = arith.divsi %while3A_232, %while3A_234 : i32
      %while3A_236 = arith.muli %while3A_235, %while3A_234 : i32
      %while3A_237 = arith.addi %while3A_231, %while3A_236 : i32
      %while3A_238 = arith.constant 1 : i32
      %while3A_239:2 = scf.for %while3A_416 = %while3A_231 to %while3A_237 step %while3A_238 iter_args(%while3A_417 = %scan3A_166, %while3A_418 = %scan3A_167) -> (i32, i32)  : i32 {
        %eq3A_419 = arith.constant 0 : i32
        %eq3A_420 = arith.cmpi eq, %while3A_418, %eq3A_419 : i32
        %ge3A_421 = arith.constant 1 : i32
        %ge3A_422 = arith.cmpi sge, %while3A_417, %ge3A_421 : i32
        %and3A_423 = arith.andi %eq3A_420, %ge3A_422 : i1
        %convert_element_type3A_424 = arith.extui %and3A_423 : i1 to i32
        %cond3A_425 = arith.constant 0 : i32
        %cond3A_426 = arith.cmpi ne, %convert_element_type3A_424, %cond3A_425 : i32
        scf.if %cond3A_426 {
          %dma_wait3A = arith.constant 0 : i32
          %dma_wait3A_471 = arith.constant 0 : i32
          %dma_wait3A_472 = tpu.memref_slice %arg11[%dma_wait3A, %dma_wait3A_471] : memref<16400x128xf32, #tpu.memory_space<hbm>> -> memref<16400x128xf32, #tpu.memory_space<hbm>>
          tpu.wait_indirect_dma semaphore(%arg35 : memref<!tpu.dma_semaphore, #tpu.memory_space<semaphore_mem>>) src(%arg26 : memref<16x128xf32, #tpu.memory_space<vmem>>) dst(%dma_wait3A_472 : memref<16400x128xf32, #tpu.memory_space<hbm>>)
        } else {
        }
        %get3A = arith.index_cast %while3A_416 : i32 to index
        %get3A_427 = tpu.vector_load %arg19[%get3A] {strides = array<i32>} : memref<1040xi32, #tpu.memory_space<vmem>>, vector<16xi32>,
        %slice3A = vector.extract_strided_slice %get3A_427 {offsets = [0], sizes = [1], strides = [1]} : vector<16xi32> to vector<1xi32>
        %squeeze3A = vector.extract %slice3A[0] : i32 from vector<1xi32>
        %get3A_428 = arith.index_cast %while3A_416 : i32 to index
        %get3A_429 = tpu.vector_load %arg20[%get3A_428] {strides = array<i32>} : memref<1040xi32, #tpu.memory_space<vmem>>, vector<16xi32>,
        %slice3A_430 = vector.extract_strided_slice %get3A_429 {offsets = [0], sizes = [1], strides = [1]} : vector<16xi32> to vector<1xi32>
        %squeeze3A_431 = vector.extract %slice3A_430[0] : i32 from vector<1xi32>
        %shift_right_logical3A_432 = arith.constant 7 : i32
        %shift_right_logical3A_433 = arith.shrui %squeeze3A, %shift_right_logical3A_432 : i32
        %sub3A_434 = arith.subi %shift_right_logical3A_433, %add3A_174 : i32
        %mul3A_435 = arith.constant 128 : i32
        %mul3A_436 = arith.muli %sub3A_434, %mul3A_435 : i32
        %and3A_437 = arith.constant 127 : i32
        %and3A_438 = arith.andi %squeeze3A, %and3A_437 : i32
        %add3A_439 = arith.addi %mul3A_436, %and3A_438 : i32
        %broadcast_in_dim3A = vector.broadcast %add3A_439 : i32 to vector<16xi32>
        %broadcast_in_dim3A_440 = vector.broadcast %while3A_418 : i32 to vector<16xi32>
        %add3A_441 = arith.constant 0 : i32
        %add3A_442 = vector.broadcast %add3A_441 : i32 to vector<16xi32>
        %add3A_443 = arith.addi %add3A_442, %iota3A_230 : vector<16xi32>
        %gather3A = tpu.vector_load_idx %arg21[%add3A_443, %broadcast_in_dim3A] : memref<64x512xf32, #tpu.memory_space<vmem>>[vector<16xi32>, vector<16xi32>], vector<16xf32>,
        tpu.vector_store_idx %arg26[%broadcast_in_dim3A_440, %add3A_443], %gather3A : memref<16x128xf32, #tpu.memory_space<vmem>>[vector<16xi32>, vector<16xi32>], vector<16xf32>,
        %add3A_444 = arith.constant 16 : i32
        %add3A_445 = vector.broadcast %add3A_444 : i32 to vector<16xi32>
        %add3A_446 = arith.addi %add3A_445, %iota3A_230 : vector<16xi32>
        %gather3A_447 = tpu.vector_load_idx %arg21[%add3A_446, %broadcast_in_dim3A] : memref<64x512xf32, #tpu.memory_space<vmem>>[vector<16xi32>, vector<16xi32>], vector<16xf32>,
        tpu.vector_store_idx %arg26[%broadcast_in_dim3A_440, %add3A_446], %gather3A_447 : memref<16x128xf32, #tpu.memory_space<vmem>>[vector<16xi32>, vector<16xi32>], vector<16xf32>,
        %add3A_448 = arith.constant 32 : i32
        %add3A_449 = vector.broadcast %add3A_448 : i32 to vector<16xi32>
        %add3A_450 = arith.addi %add3A_449, %iota3A_230 : vector<16xi32>
        %gather3A_451 = tpu.vector_load_idx %arg21[%add3A_450, %broadcast_in_dim3A] : memref<64x512xf32, #tpu.memory_space<vmem>>[vector<16xi32>, vector<16xi32>], vector<16xf32>,
        tpu.vector_store_idx %arg26[%broadcast_in_dim3A_440, %add3A_450], %gather3A_451 : memref<16x128xf32, #tpu.memory_space<vmem>>[vector<16xi32>, vector<16xi32>], vector<16xf32>,
        %add3A_452 = arith.constant 48 : i32
        %add3A_453 = vector.broadcast %add3A_452 : i32 to vector<16xi32>
        %add3A_454 = arith.addi %add3A_453, %iota3A_230 : vector<16xi32>
        %gather3A_455 = tpu.vector_load_idx %arg21[%add3A_454, %broadcast_in_dim3A] : memref<64x512xf32, #tpu.memory_space<vmem>>[vector<16xi32>, vector<16xi32>], vector<16xf32>,
        tpu.vector_store_idx %arg26[%broadcast_in_dim3A_440, %add3A_454], %gather3A_455 : memref<16x128xf32, #tpu.memory_space<vmem>>[vector<16xi32>, vector<16xi32>], vector<16xf32>,
        %broadcast_in_dim3A_456 = vector.broadcast %squeeze3A_431 : i32 to vector<16xi32>
        %eq3A_457 = vector.broadcast %while3A_418 : i32 to vector<16xi32>
        %eq3A_458 = arith.cmpi eq, %iota3A_230, %eq3A_457 : vector<16xi32>
        tpu.vector_store_idx %arg29[%iota3A_230], %broadcast_in_dim3A_456 masked %eq3A_458 : memref<16xi32, #tpu.memory_space<vmem>>[vector<16xi32>], vector<16xi32>, vector<16xi1>
        %eq3A_459 = arith.constant 15 : i32
        %eq3A_460 = arith.cmpi eq, %while3A_418, %eq3A_459 : i32
        %convert_element_type3A_461 = arith.extui %eq3A_460 : i1 to i32
        %cond3A_462 = arith.constant 0 : i32
        %cond3A_463 = arith.cmpi ne, %convert_element_type3A_461, %cond3A_462 : i32
        scf.if %cond3A_463 {
          %dma_start3A = arith.constant 0 : i32
          %dma_start3A_471 = arith.constant 0 : i32
          %dma_start3A_472 = tpu.memref_slice %arg11[%dma_start3A, %dma_start3A_471] : memref<16400x128xf32, #tpu.memory_space<hbm>> -> memref<16400x128xf32, #tpu.memory_space<hbm>>
          tpu.enqueue_indirect_dma source(%arg26 : memref<16x128xf32, #tpu.memory_space<vmem>>) target(%dma_start3A_472 : memref<16400x128xf32, #tpu.memory_space<hbm>>) offsets(%arg29 : memref<16xi32, #tpu.memory_space<vmem>>) semaphore(%arg35 : memref<!tpu.dma_semaphore, #tpu.memory_space<semaphore_mem>>)
        } else {
        }
        %eq3A_464 = arith.constant 15 : i32
        %eq3A_465 = arith.cmpi eq, %while3A_418, %eq3A_464 : i32
        %add3A_466 = arith.constant 1 : i32
        %add3A_467 = arith.addi %while3A_417, %add3A_466 : i32
        %select_n3A = arith.select %eq3A_465, %add3A_467, %while3A_417 : i32
        %add3A_468 = arith.constant 1 : i32
        %add3A_469 = arith.addi %while3A_418, %add3A_468 : i32
        %jit3A = arith.constant 0 : i32
        %select_n3A_470 = arith.select %eq3A_465, %jit3A, %add3A_469 : i32
        scf.yield %select_n3A, %select_n3A_470 : i32, i32
      }
      %while3A_240 = arith.constant 1 : i32
      %while3A_241:2 = scf.for %while3A_416 = %while3A_237 to %while3A_233 step %while3A_240 iter_args(%while3A_417 = %while3A_239#0, %while3A_418 = %while3A_239#1) -> (i32, i32)  : i32 {
        %eq3A_419 = arith.constant 0 : i32
        %eq3A_420 = arith.cmpi eq, %while3A_418, %eq3A_419 : i32
        %ge3A_421 = arith.constant 1 : i32
        %ge3A_422 = arith.cmpi sge, %while3A_417, %ge3A_421 : i32
        %and3A_423 = arith.andi %eq3A_420, %ge3A_422 : i1
        %convert_element_type3A_424 = arith.extui %and3A_423 : i1 to i32
        %cond3A_425 = arith.constant 0 : i32
        %cond3A_426 = arith.cmpi ne, %convert_element_type3A_424, %cond3A_425 : i32
        scf.if %cond3A_426 {
          %dma_wait3A = arith.constant 0 : i32
          %dma_wait3A_471 = arith.constant 0 : i32
          %dma_wait3A_472 = tpu.memref_slice %arg11[%dma_wait3A, %dma_wait3A_471] : memref<16400x128xf32, #tpu.memory_space<hbm>> -> memref<16400x128xf32, #tpu.memory_space<hbm>>
          tpu.wait_indirect_dma semaphore(%arg35 : memref<!tpu.dma_semaphore, #tpu.memory_space<semaphore_mem>>) src(%arg26 : memref<16x128xf32, #tpu.memory_space<vmem>>) dst(%dma_wait3A_472 : memref<16400x128xf32, #tpu.memory_space<hbm>>)
        } else {
        }
        %get3A = arith.index_cast %while3A_416 : i32 to index
        %get3A_427 = tpu.vector_load %arg19[%get3A] {strides = array<i32>} : memref<1040xi32, #tpu.memory_space<vmem>>, vector<16xi32>,
        %slice3A = vector.extract_strided_slice %get3A_427 {offsets = [0], sizes = [1], strides = [1]} : vector<16xi32> to vector<1xi32>
        %squeeze3A = vector.extract %slice3A[0] : i32 from vector<1xi32>
        %get3A_428 = arith.index_cast %while3A_416 : i32 to index
        %get3A_429 = tpu.vector_load %arg20[%get3A_428] {strides = array<i32>} : memref<1040xi32, #tpu.memory_space<vmem>>, vector<16xi32>,
        %slice3A_430 = vector.extract_strided_slice %get3A_429 {offsets = [0], sizes = [1], strides = [1]} : vector<16xi32> to vector<1xi32>
        %squeeze3A_431 = vector.extract %slice3A_430[0] : i32 from vector<1xi32>
        %shift_right_logical3A_432 = arith.constant 7 : i32
        %shift_right_logical3A_433 = arith.shrui %squeeze3A, %shift_right_logical3A_432 : i32
        %sub3A_434 = arith.subi %shift_right_logical3A_433, %add3A_174 : i32
        %mul3A_435 = arith.constant 128 : i32
        %mul3A_436 = arith.muli %sub3A_434, %mul3A_435 : i32
        %and3A_437 = arith.constant 127 : i32
        %and3A_438 = arith.andi %squeeze3A, %and3A_437 : i32
        %add3A_439 = arith.addi %mul3A_436, %and3A_438 : i32
        %broadcast_in_dim3A = vector.broadcast %add3A_439 : i32 to vector<16xi32>
        %broadcast_in_dim3A_440 = vector.broadcast %while3A_418 : i32 to vector<16xi32>
        %add3A_441 = arith.constant 0 : i32
        %add3A_442 = vector.broadcast %add3A_441 : i32 to vector<16xi32>
        %add3A_443 = arith.addi %add3A_442, %iota3A_230 : vector<16xi32>
        %gather3A = tpu.vector_load_idx %arg21[%add3A_443, %broadcast_in_dim3A] : memref<64x512xf32, #tpu.memory_space<vmem>>[vector<16xi32>, vector<16xi32>], vector<16xf32>,
        tpu.vector_store_idx %arg26[%broadcast_in_dim3A_440, %add3A_443], %gather3A : memref<16x128xf32, #tpu.memory_space<vmem>>[vector<16xi32>, vector<16xi32>], vector<16xf32>,
        %add3A_444 = arith.constant 16 : i32
        %add3A_445 = vector.broadcast %add3A_444 : i32 to vector<16xi32>
        %add3A_446 = arith.addi %add3A_445, %iota3A_230 : vector<16xi32>
        %gather3A_447 = tpu.vector_load_idx %arg21[%add3A_446, %broadcast_in_dim3A] : memref<64x512xf32, #tpu.memory_space<vmem>>[vector<16xi32>, vector<16xi32>], vector<16xf32>,
        tpu.vector_store_idx %arg26[%broadcast_in_dim3A_440, %add3A_446], %gather3A_447 : memref<16x128xf32, #tpu.memory_space<vmem>>[vector<16xi32>, vector<16xi32>], vector<16xf32>,
        %add3A_448 = arith.constant 32 : i32
        %add3A_449 = vector.broadcast %add3A_448 : i32 to vector<16xi32>
        %add3A_450 = arith.addi %add3A_449, %iota3A_230 : vector<16xi32>
        %gather3A_451 = tpu.vector_load_idx %arg21[%add3A_450, %broadcast_in_dim3A] : memref<64x512xf32, #tpu.memory_space<vmem>>[vector<16xi32>, vector<16xi32>], vector<16xf32>,
        tpu.vector_store_idx %arg26[%broadcast_in_dim3A_440, %add3A_450], %gather3A_451 : memref<16x128xf32, #tpu.memory_space<vmem>>[vector<16xi32>, vector<16xi32>], vector<16xf32>,
        %add3A_452 = arith.constant 48 : i32
        %add3A_453 = vector.broadcast %add3A_452 : i32 to vector<16xi32>
        %add3A_454 = arith.addi %add3A_453, %iota3A_230 : vector<16xi32>
        %gather3A_455 = tpu.vector_load_idx %arg21[%add3A_454, %broadcast_in_dim3A] : memref<64x512xf32, #tpu.memory_space<vmem>>[vector<16xi32>, vector<16xi32>], vector<16xf32>,
        tpu.vector_store_idx %arg26[%broadcast_in_dim3A_440, %add3A_454], %gather3A_455 : memref<16x128xf32, #tpu.memory_space<vmem>>[vector<16xi32>, vector<16xi32>], vector<16xf32>,
        %broadcast_in_dim3A_456 = vector.broadcast %squeeze3A_431 : i32 to vector<16xi32>
        %eq3A_457 = vector.broadcast %while3A_418 : i32 to vector<16xi32>
        %eq3A_458 = arith.cmpi eq, %iota3A_230, %eq3A_457 : vector<16xi32>
        tpu.vector_store_idx %arg29[%iota3A_230], %broadcast_in_dim3A_456 masked %eq3A_458 : memref<16xi32, #tpu.memory_space<vmem>>[vector<16xi32>], vector<16xi32>, vector<16xi1>
        %eq3A_459 = arith.constant 15 : i32
        %eq3A_460 = arith.cmpi eq, %while3A_418, %eq3A_459 : i32
        %convert_element_type3A_461 = arith.extui %eq3A_460 : i1 to i32
        %cond3A_462 = arith.constant 0 : i32
        %cond3A_463 = arith.cmpi ne, %convert_element_type3A_461, %cond3A_462 : i32
        scf.if %cond3A_463 {
          %dma_start3A = arith.constant 0 : i32
          %dma_start3A_471 = arith.constant 0 : i32
          %dma_start3A_472 = tpu.memref_slice %arg11[%dma_start3A, %dma_start3A_471] : memref<16400x128xf32, #tpu.memory_space<hbm>> -> memref<16400x128xf32, #tpu.memory_space<hbm>>
          tpu.enqueue_indirect_dma source(%arg26 : memref<16x128xf32, #tpu.memory_space<vmem>>) target(%dma_start3A_472 : memref<16400x128xf32, #tpu.memory_space<hbm>>) offsets(%arg29 : memref<16xi32, #tpu.memory_space<vmem>>) semaphore(%arg35 : memref<!tpu.dma_semaphore, #tpu.memory_space<semaphore_mem>>)
        } else {
        }
        %eq3A_464 = arith.constant 15 : i32
        %eq3A_465 = arith.cmpi eq, %while3A_418, %eq3A_464 : i32
        %add3A_466 = arith.constant 1 : i32
        %add3A_467 = arith.addi %while3A_417, %add3A_466 : i32
        %select_n3A = arith.select %eq3A_465, %add3A_467, %while3A_417 : i32
        %add3A_468 = arith.constant 1 : i32
        %add3A_469 = arith.addi %while3A_418, %add3A_468 : i32
        %jit3A = arith.constant 0 : i32
        %select_n3A_470 = arith.select %eq3A_465, %jit3A, %add3A_469 : i32
        scf.yield %select_n3A, %select_n3A_470 : i32, i32
      }
      %add3A_242 = arith.constant 3 : i32
      %add3A_243 = arith.addi %add3A_171, %add3A_242 : i32
      %lt3A = arith.constant 63 : i32
      %lt3A_244 = arith.cmpi slt, %add3A_243, %lt3A : i32
      %convert_element_type3A_245 = arith.extui %lt3A_244 : i1 to i32
      %cond3A_246 = arith.constant 0 : i32
      %cond3A_247 = arith.cmpi ne, %convert_element_type3A_245, %cond3A_246 : i32
      scf.if %cond3A_247 {
        %add3A_416 = arith.constant 3 : i32
        %add3A_417 = arith.addi %add3A_171, %add3A_416 : i32
        %mul3A_418 = arith.constant 4 : i32
        %mul3A_419 = arith.muli %add3A_417, %mul3A_418 : i32
        %add3A_420 = arith.addi %mul3A_2, %mul3A_419 : i32
        %le3A_421 = arith.constant 7808 : i32
        %le3A_422 = arith.cmpi sle, %add3A_420, %le3A_421 : i32
        %convert_element_type3A_423 = arith.extui %le3A_422 : i1 to i32
        %cond3A_424 = arith.constant 0 : i32
        %cond3A_425 = arith.cmpi ne, %convert_element_type3A_423, %cond3A_424 : i32
        scf.if %cond3A_425 {
          %mul3A_431 = arith.constant 128 : i32
          %mul3A_432 = arith.muli %add3A_420, %mul3A_431 : i32
          %dma_start3A = arith.constant 0 : i32
          %dma_start3A_433 = tpu.memref_slice %arg6[%dma_start3A, %mul3A_432] : memref<64x1000000xf32, #tpu.memory_space<hbm>> -> memref<64x512xf32, #tpu.memory_space<hbm>>
          %dma_start3A_434 = arith.constant 0 : i32
          %dma_start3A_435 = tpu.memref_slice %arg6[%dma_start3A_434, %mul3A_432] : memref<64x1000000xf32, #tpu.memory_space<hbm>> -> memref<64x512xf32, #tpu.memory_space<hbm>>
          tpu.enqueue_dma source(%dma_start3A_435 : memref<64x512xf32, #tpu.memory_space<hbm>>) target(%arg21 : memref<64x512xf32, #tpu.memory_space<vmem>>) target_semaphore(%arg30 : memref<!tpu.dma_semaphore, #tpu.memory_space<semaphore_mem>>)
        } else {
        }
        %eq3A_426 = arith.constant 7812 : i32
        %eq3A_427 = arith.cmpi eq, %add3A_420, %eq3A_426 : i32
        %convert_element_type3A_428 = arith.extui %eq3A_427 : i1 to i32
        %cond3A_429 = arith.constant 0 : i32
        %cond3A_430 = arith.cmpi ne, %convert_element_type3A_428, %cond3A_429 : i32
        scf.if %cond3A_430 {
          %dma_start3A = arith.constant 0 : i32
          %dma_start3A_431 = arith.constant 0 : i32
          %dma_start3A_432 = tpu.memref_slice %arg21[%dma_start3A, %dma_start3A_431] : memref<64x512xf32, #tpu.memory_space<vmem>> -> memref<64x128xf32, #tpu.memory_space<vmem>>
          %dma_start3A_433 = arith.constant 0 : i32
          %dma_start3A_434 = arith.constant 0 : i32
          %dma_start3A_435 = tpu.memref_slice %arg21[%dma_start3A_433, %dma_start3A_434] : memref<64x512xf32, #tpu.memory_space<vmem>> -> memref<64x128xf32, #tpu.memory_space<vmem>>
          tpu.enqueue_dma source(%arg8 : memref<64x128xf32, #tpu.memory_space<hbm>>) target(%dma_start3A_435 : memref<64x128xf32, #tpu.memory_space<vmem>>) target_semaphore(%arg30 : memref<!tpu.dma_semaphore, #tpu.memory_space<semaphore_mem>>)
        } else {
        }
      } else {
      }
      %mul3A_248 = arith.constant 3 : i32
      %mul3A_249 = arith.muli %mul3A_248, %scan3A_163 : i32
      %add3A_250 = arith.constant 1 : i32
      %add3A_251 = arith.addi %mul3A_249, %add3A_250 : i32
      %mul3A_252 = arith.constant 4 : i32
      %mul3A_253 = arith.muli %add3A_251, %mul3A_252 : i32
      %add3A_254 = arith.addi %mul3A_2, %mul3A_253 : i32
      %le3A_255 = arith.constant 7808 : i32
      %le3A_256 = arith.cmpi sle, %add3A_254, %le3A_255 : i32
      %convert_element_type3A_257 = arith.extui %le3A_256 : i1 to i32
      %cond3A_258 = arith.constant 0 : i32
      %cond3A_259 = arith.cmpi ne, %convert_element_type3A_257, %cond3A_258 : i32
      scf.if %cond3A_259 {
        %mul3A_416 = arith.constant 128 : i32
        %mul3A_417 = arith.muli %add3A_254, %mul3A_416 : i32
        %dma_wait3A = arith.constant 0 : i32
        %dma_wait3A_418 = tpu.memref_slice %arg6[%dma_wait3A, %mul3A_417] : memref<64x1000000xf32, #tpu.memory_space<hbm>> -> memref<64x512xf32, #tpu.memory_space<hbm>>
        %dma_wait3A_419 = arith.constant 0 : i32
        %dma_wait3A_420 = tpu.memref_slice %arg6[%dma_wait3A_419, %mul3A_417] : memref<64x1000000xf32, #tpu.memory_space<hbm>> -> memref<64x512xf32, #tpu.memory_space<hbm>>
        tpu.wait_dma2 semaphore(%arg31 : memref<!tpu.dma_semaphore, #tpu.memory_space<semaphore_mem>>) src(%dma_wait3A_420 : memref<64x512xf32, #tpu.memory_space<hbm>>) dst(%arg22 : memref<64x512xf32, #tpu.memory_space<vmem>>)
      } else {
      }
      %eq3A_260 = arith.constant 7812 : i32
      %eq3A_261 = arith.cmpi eq, %add3A_254, %eq3A_260 : i32
      %convert_element_type3A_262 = arith.extui %eq3A_261 : i1 to i32
      %cond3A_263 = arith.constant 0 : i32
      %cond3A_264 = arith.cmpi ne, %convert_element_type3A_262, %cond3A_263 : i32
      scf.if %cond3A_264 {
        %dma_wait3A = arith.constant 0 : i32
        %dma_wait3A_416 = arith.constant 0 : i32
        %dma_wait3A_417 = tpu.memref_slice %arg22[%dma_wait3A, %dma_wait3A_416] : memref<64x512xf32, #tpu.memory_space<vmem>> -> memref<64x128xf32, #tpu.memory_space<vmem>>
        %dma_wait3A_418 = arith.constant 0 : i32
        %dma_wait3A_419 = arith.constant 0 : i32
        %dma_wait3A_420 = tpu.memref_slice %arg22[%dma_wait3A_418, %dma_wait3A_419] : memref<64x512xf32, #tpu.memory_space<vmem>> -> memref<64x128xf32, #tpu.memory_space<vmem>>
        tpu.wait_dma2 semaphore(%arg31 : memref<!tpu.dma_semaphore, #tpu.memory_space<semaphore_mem>>) src(%arg8 : memref<64x128xf32, #tpu.memory_space<hbm>>) dst(%dma_wait3A_420 : memref<64x128xf32, #tpu.memory_space<vmem>>)
      } else {
      }
      %add3A_265 = arith.constant 16 : i32
      %add3A_266 = arith.addi %scan3A_58, %add3A_265 : i32
      %sub3A_267 = arith.constant 1 : i32
      %sub3A_268 = arith.subi %add3A_266, %sub3A_267 : i32
      %shift_right_logical3A_269 = arith.constant 4 : i32
      %shift_right_logical3A_270 = arith.shrui %sub3A_268, %shift_right_logical3A_269 : i32
      %while3A_271 = arith.constant 0 : i32
      %while3A_272 = arith.constant 0 : i32
      %while3A_273 = arith.subi %shift_right_logical3A_270, %while3A_271 : i32
      %while3A_274 = arith.addi %while3A_271, %while3A_273 : i32
      %while3A_275 = arith.constant 1 : i32
      %while3A_276 = arith.divsi %while3A_273, %while3A_275 : i32
      %while3A_277 = arith.muli %while3A_276, %while3A_275 : i32
      %while3A_278 = arith.addi %while3A_271, %while3A_277 : i32
      %while3A_279 = arith.constant 1 : i32
      %while3A_280 = scf.for %while3A_416 = %while3A_271 to %while3A_278 step %while3A_279 iter_args(%while3A_417 = %while3A_272) -> (i32)  : i32 {
        %mul3A_418 = arith.constant 16 : i32
        %mul3A_419 = arith.muli %while3A_416, %mul3A_418 : i32
        %get3A = arith.index_cast %mul3A_419 : i32 to index
        %get3A_420 = tpu.vector_load %arg15[%get3A] {strides = array<i32>} : memref<1040xi32, #tpu.memory_space<vmem>>, vector<16xi32>,
        %mul3A_421 = arith.constant 16 : i32
        %mul3A_422 = arith.muli %while3A_416, %mul3A_421 : i32
        %get3A_423 = arith.index_cast %mul3A_422 : i32 to index
        %get3A_424 = tpu.vector_load %arg16[%get3A_423] {strides = array<i32>} : memref<1040xi32, #tpu.memory_space<vmem>>, vector<16xi32>,
        %mul3A_425 = arith.constant 16 : i32
        %mul3A_426 = arith.muli %while3A_416, %mul3A_425 : i32
        %iota3A_427 = tpu.iota {dimensions = array<i32: 0>} : vector<16xi32>
        %add3A_428 = vector.broadcast %mul3A_426 : i32 to vector<16xi32>
        %add3A_429 = arith.addi %add3A_428, %iota3A_427 : vector<16xi32>
        %lt3A_430 = vector.broadcast %scan3A_58 : i32 to vector<16xi32>
        %lt3A_431 = arith.cmpi slt, %add3A_429, %lt3A_430 : vector<16xi32>
        %shift_right_logical3A_432 = arith.constant 7 : i32
        %shift_right_logical3A_433 = vector.broadcast %shift_right_logical3A_432 : i32 to vector<16xi32>
        %shift_right_logical3A_434 = arith.shrui %get3A_420, %shift_right_logical3A_433 : vector<16xi32>
        %sub3A_435 = vector.broadcast %add3A_254 : i32 to vector<16xi32>
        %sub3A_436 = arith.subi %shift_right_logical3A_434, %sub3A_435 : vector<16xi32>
        %ge3A_437 = arith.constant 0 : i32
        %ge3A_438 = vector.broadcast %ge3A_437 : i32 to vector<16xi32>
        %ge3A_439 = arith.cmpi sge, %sub3A_436, %ge3A_438 : vector<16xi32>
        %and3A_440 = arith.andi %lt3A_431, %ge3A_439 : vector<16xi1>
        %lt3A_441 = arith.constant 4 : i32
        %lt3A_442 = vector.broadcast %lt3A_441 : i32 to vector<16xi32>
        %lt3A_443 = arith.cmpi slt, %sub3A_436, %lt3A_442 : vector<16xi32>
        %and3A_444 = arith.andi %and3A_440, %lt3A_443 : vector<16xi1>
        %swap3A = arith.index_cast %while3A_417 : i32 to index
        %swap3A_445 = tpu.vector_load %arg19[%swap3A] masked %and3A_444 {strides = array<i32>} : memref<1040xi32, #tpu.memory_space<vmem>>, vector<16xi32>, vector<16xi1>
        tpu.vector_store %arg19[%swap3A], %get3A_420 masked %and3A_444 {strides = array<i32>} : memref<1040xi32, #tpu.memory_space<vmem>>, vector<16xi32>, vector<16xi1>
        %swap3A_446 = arith.index_cast %while3A_417 : i32 to index
        %swap3A_447 = tpu.vector_load %arg20[%swap3A_446] masked %and3A_444 {strides = array<i32>} : memref<1040xi32, #tpu.memory_space<vmem>>, vector<16xi32>, vector<16xi1>
        tpu.vector_store %arg20[%swap3A_446], %get3A_424 masked %and3A_444 {strides = array<i32>} : memref<1040xi32, #tpu.memory_space<vmem>>, vector<16xi32>, vector<16xi1>
        %all_reduce_population_count3A = tpu.all_reduce %and3A_444 {dim = 0 : i64, kind = #tpu.reduction_kind<sum>} : vector<16xi1> -> vector<16xi32>
        %slice3A = vector.extract_strided_slice %all_reduce_population_count3A {offsets = [0], sizes = [1], strides = [1]} : vector<16xi32> to vector<1xi32>
        %squeeze3A = vector.extract %slice3A[0] : i32 from vector<1xi32>
        %add3A_448 = arith.addi %while3A_417, %squeeze3A : i32
        scf.yield %add3A_448 : i32
      }
      %while3A_281 = arith.constant 1 : i32
      %while3A_282 = scf.for %while3A_416 = %while3A_278 to %while3A_274 step %while3A_281 iter_args(%while3A_417 = %while3A_280) -> (i32)  : i32 {
        %mul3A_418 = arith.constant 16 : i32
        %mul3A_419 = arith.muli %while3A_416, %mul3A_418 : i32
        %get3A = arith.index_cast %mul3A_419 : i32 to index
        %get3A_420 = tpu.vector_load %arg15[%get3A] {strides = array<i32>} : memref<1040xi32, #tpu.memory_space<vmem>>, vector<16xi32>,
        %mul3A_421 = arith.constant 16 : i32
        %mul3A_422 = arith.muli %while3A_416, %mul3A_421 : i32
        %get3A_423 = arith.index_cast %mul3A_422 : i32 to index
        %get3A_424 = tpu.vector_load %arg16[%get3A_423] {strides = array<i32>} : memref<1040xi32, #tpu.memory_space<vmem>>, vector<16xi32>,
        %mul3A_425 = arith.constant 16 : i32
        %mul3A_426 = arith.muli %while3A_416, %mul3A_425 : i32
        %iota3A_427 = tpu.iota {dimensions = array<i32: 0>} : vector<16xi32>
        %add3A_428 = vector.broadcast %mul3A_426 : i32 to vector<16xi32>
        %add3A_429 = arith.addi %add3A_428, %iota3A_427 : vector<16xi32>
        %lt3A_430 = vector.broadcast %scan3A_58 : i32 to vector<16xi32>
        %lt3A_431 = arith.cmpi slt, %add3A_429, %lt3A_430 : vector<16xi32>
        %shift_right_logical3A_432 = arith.constant 7 : i32
        %shift_right_logical3A_433 = vector.broadcast %shift_right_logical3A_432 : i32 to vector<16xi32>
        %shift_right_logical3A_434 = arith.shrui %get3A_420, %shift_right_logical3A_433 : vector<16xi32>
        %sub3A_435 = vector.broadcast %add3A_254 : i32 to vector<16xi32>
        %sub3A_436 = arith.subi %shift_right_logical3A_434, %sub3A_435 : vector<16xi32>
        %ge3A_437 = arith.constant 0 : i32
        %ge3A_438 = vector.broadcast %ge3A_437 : i32 to vector<16xi32>
        %ge3A_439 = arith.cmpi sge, %sub3A_436, %ge3A_438 : vector<16xi32>
        %and3A_440 = arith.andi %lt3A_431, %ge3A_439 : vector<16xi1>
        %lt3A_441 = arith.constant 4 : i32
        %lt3A_442 = vector.broadcast %lt3A_441 : i32 to vector<16xi32>
        %lt3A_443 = arith.cmpi slt, %sub3A_436, %lt3A_442 : vector<16xi32>
        %and3A_444 = arith.andi %and3A_440, %lt3A_443 : vector<16xi1>
        %swap3A = arith.index_cast %while3A_417 : i32 to index
        %swap3A_445 = tpu.vector_load %arg19[%swap3A] masked %and3A_444 {strides = array<i32>} : memref<1040xi32, #tpu.memory_space<vmem>>, vector<16xi32>, vector<16xi1>
        tpu.vector_store %arg19[%swap3A], %get3A_420 masked %and3A_444 {strides = array<i32>} : memref<1040xi32, #tpu.memory_space<vmem>>, vector<16xi32>, vector<16xi1>
        %swap3A_446 = arith.index_cast %while3A_417 : i32 to index
        %swap3A_447 = tpu.vector_load %arg20[%swap3A_446] masked %and3A_444 {strides = array<i32>} : memref<1040xi32, #tpu.memory_space<vmem>>, vector<16xi32>, vector<16xi1>
        tpu.vector_store %arg20[%swap3A_446], %get3A_424 masked %and3A_444 {strides = array<i32>} : memref<1040xi32, #tpu.memory_space<vmem>>, vector<16xi32>, vector<16xi1>
        %all_reduce_population_count3A = tpu.all_reduce %and3A_444 {dim = 0 : i64, kind = #tpu.reduction_kind<sum>} : vector<16xi1> -> vector<16xi32>
        %slice3A = vector.extract_strided_slice %all_reduce_population_count3A {offsets = [0], sizes = [1], strides = [1]} : vector<16xi32> to vector<1xi32>
        %squeeze3A = vector.extract %slice3A[0] : i32 from vector<1xi32>
        %add3A_448 = arith.addi %while3A_417, %squeeze3A : i32
        scf.yield %add3A_448 : i32
      }
      %iota3A_283 = tpu.iota {dimensions = array<i32: 0>} : vector<16xi32>
      %while3A_284 = arith.constant 0 : i32
      %while3A_285 = arith.subi %while3A_282, %while3A_284 : i32
      %while3A_286 = arith.addi %while3A_284, %while3A_285 : i32
      %while3A_287 = arith.constant 1 : i32
      %while3A_288 = arith.divsi %while3A_285, %while3A_287 : i32
      %while3A_289 = arith.muli %while3A_288, %while3A_287 : i32
      %while3A_290 = arith.addi %while3A_284, %while3A_289 : i32
      %while3A_291 = arith.constant 1 : i32
      %while3A_292:2 = scf.for %while3A_416 = %while3A_284 to %while3A_290 step %while3A_291 iter_args(%while3A_417 = %while3A_211#0, %while3A_418 = %while3A_211#1) -> (i32, i32)  : i32 {
        %eq3A_419 = arith.constant 0 : i32
        %eq3A_420 = arith.cmpi eq, %while3A_418, %eq3A_419 : i32
        %ge3A_421 = arith.constant 1 : i32
        %ge3A_422 = arith.cmpi sge, %while3A_417, %ge3A_421 : i32
        %and3A_423 = arith.andi %eq3A_420, %ge3A_422 : i1
        %convert_element_type3A_424 = arith.extui %and3A_423 : i1 to i32
        %cond3A_425 = arith.constant 0 : i32
        %cond3A_426 = arith.cmpi ne, %convert_element_type3A_424, %cond3A_425 : i32
        scf.if %cond3A_426 {
          %dma_wait3A = arith.constant 0 : i32
          %dma_wait3A_471 = arith.constant 0 : i32
          %dma_wait3A_472 = tpu.memref_slice %arg10[%dma_wait3A, %dma_wait3A_471] : memref<16400x128xf32, #tpu.memory_space<hbm>> -> memref<16400x128xf32, #tpu.memory_space<hbm>>
          tpu.wait_indirect_dma semaphore(%arg34 : memref<!tpu.dma_semaphore, #tpu.memory_space<semaphore_mem>>) src(%arg25 : memref<16x128xf32, #tpu.memory_space<vmem>>) dst(%dma_wait3A_472 : memref<16400x128xf32, #tpu.memory_space<hbm>>)
        } else {
        }
        %get3A = arith.index_cast %while3A_416 : i32 to index
        %get3A_427 = tpu.vector_load %arg19[%get3A] {strides = array<i32>} : memref<1040xi32, #tpu.memory_space<vmem>>, vector<16xi32>,
        %slice3A = vector.extract_strided_slice %get3A_427 {offsets = [0], sizes = [1], strides = [1]} : vector<16xi32> to vector<1xi32>
        %squeeze3A = vector.extract %slice3A[0] : i32 from vector<1xi32>
        %get3A_428 = arith.index_cast %while3A_416 : i32 to index
        %get3A_429 = tpu.vector_load %arg20[%get3A_428] {strides = array<i32>} : memref<1040xi32, #tpu.memory_space<vmem>>, vector<16xi32>,
        %slice3A_430 = vector.extract_strided_slice %get3A_429 {offsets = [0], sizes = [1], strides = [1]} : vector<16xi32> to vector<1xi32>
        %squeeze3A_431 = vector.extract %slice3A_430[0] : i32 from vector<1xi32>
        %shift_right_logical3A_432 = arith.constant 7 : i32
        %shift_right_logical3A_433 = arith.shrui %squeeze3A, %shift_right_logical3A_432 : i32
        %sub3A_434 = arith.subi %shift_right_logical3A_433, %add3A_254 : i32
        %mul3A_435 = arith.constant 128 : i32
        %mul3A_436 = arith.muli %sub3A_434, %mul3A_435 : i32
        %and3A_437 = arith.constant 127 : i32
        %and3A_438 = arith.andi %squeeze3A, %and3A_437 : i32
        %add3A_439 = arith.addi %mul3A_436, %and3A_438 : i32
        %broadcast_in_dim3A = vector.broadcast %add3A_439 : i32 to vector<16xi32>
        %broadcast_in_dim3A_440 = vector.broadcast %while3A_418 : i32 to vector<16xi32>
        %add3A_441 = arith.constant 0 : i32
        %add3A_442 = vector.broadcast %add3A_441 : i32 to vector<16xi32>
        %add3A_443 = arith.addi %add3A_442, %iota3A_283 : vector<16xi32>
        %gather3A = tpu.vector_load_idx %arg22[%add3A_443, %broadcast_in_dim3A] : memref<64x512xf32, #tpu.memory_space<vmem>>[vector<16xi32>, vector<16xi32>], vector<16xf32>,
        tpu.vector_store_idx %arg25[%broadcast_in_dim3A_440, %add3A_443], %gather3A : memref<16x128xf32, #tpu.memory_space<vmem>>[vector<16xi32>, vector<16xi32>], vector<16xf32>,
        %add3A_444 = arith.constant 16 : i32
        %add3A_445 = vector.broadcast %add3A_444 : i32 to vector<16xi32>
        %add3A_446 = arith.addi %add3A_445, %iota3A_283 : vector<16xi32>
        %gather3A_447 = tpu.vector_load_idx %arg22[%add3A_446, %broadcast_in_dim3A] : memref<64x512xf32, #tpu.memory_space<vmem>>[vector<16xi32>, vector<16xi32>], vector<16xf32>,
        tpu.vector_store_idx %arg25[%broadcast_in_dim3A_440, %add3A_446], %gather3A_447 : memref<16x128xf32, #tpu.memory_space<vmem>>[vector<16xi32>, vector<16xi32>], vector<16xf32>,
        %add3A_448 = arith.constant 32 : i32
        %add3A_449 = vector.broadcast %add3A_448 : i32 to vector<16xi32>
        %add3A_450 = arith.addi %add3A_449, %iota3A_283 : vector<16xi32>
        %gather3A_451 = tpu.vector_load_idx %arg22[%add3A_450, %broadcast_in_dim3A] : memref<64x512xf32, #tpu.memory_space<vmem>>[vector<16xi32>, vector<16xi32>], vector<16xf32>,
        tpu.vector_store_idx %arg25[%broadcast_in_dim3A_440, %add3A_450], %gather3A_451 : memref<16x128xf32, #tpu.memory_space<vmem>>[vector<16xi32>, vector<16xi32>], vector<16xf32>,
        %add3A_452 = arith.constant 48 : i32
        %add3A_453 = vector.broadcast %add3A_452 : i32 to vector<16xi32>
        %add3A_454 = arith.addi %add3A_453, %iota3A_283 : vector<16xi32>
        %gather3A_455 = tpu.vector_load_idx %arg22[%add3A_454, %broadcast_in_dim3A] : memref<64x512xf32, #tpu.memory_space<vmem>>[vector<16xi32>, vector<16xi32>], vector<16xf32>,
        tpu.vector_store_idx %arg25[%broadcast_in_dim3A_440, %add3A_454], %gather3A_455 : memref<16x128xf32, #tpu.memory_space<vmem>>[vector<16xi32>, vector<16xi32>], vector<16xf32>,
        %broadcast_in_dim3A_456 = vector.broadcast %squeeze3A_431 : i32 to vector<16xi32>
        %eq3A_457 = vector.broadcast %while3A_418 : i32 to vector<16xi32>
        %eq3A_458 = arith.cmpi eq, %iota3A_283, %eq3A_457 : vector<16xi32>
        tpu.vector_store_idx %arg28[%iota3A_283], %broadcast_in_dim3A_456 masked %eq3A_458 : memref<16xi32, #tpu.memory_space<vmem>>[vector<16xi32>], vector<16xi32>, vector<16xi1>
        %eq3A_459 = arith.constant 15 : i32
        %eq3A_460 = arith.cmpi eq, %while3A_418, %eq3A_459 : i32
        %convert_element_type3A_461 = arith.extui %eq3A_460 : i1 to i32
        %cond3A_462 = arith.constant 0 : i32
        %cond3A_463 = arith.cmpi ne, %convert_element_type3A_461, %cond3A_462 : i32
        scf.if %cond3A_463 {
          %dma_start3A = arith.constant 0 : i32
          %dma_start3A_471 = arith.constant 0 : i32
          %dma_start3A_472 = tpu.memref_slice %arg10[%dma_start3A, %dma_start3A_471] : memref<16400x128xf32, #tpu.memory_space<hbm>> -> memref<16400x128xf32, #tpu.memory_space<hbm>>
          tpu.enqueue_indirect_dma source(%arg25 : memref<16x128xf32, #tpu.memory_space<vmem>>) target(%dma_start3A_472 : memref<16400x128xf32, #tpu.memory_space<hbm>>) offsets(%arg28 : memref<16xi32, #tpu.memory_space<vmem>>) semaphore(%arg34 : memref<!tpu.dma_semaphore, #tpu.memory_space<semaphore_mem>>)
        } else {
        }
        %eq3A_464 = arith.constant 15 : i32
        %eq3A_465 = arith.cmpi eq, %while3A_418, %eq3A_464 : i32
        %add3A_466 = arith.constant 1 : i32
        %add3A_467 = arith.addi %while3A_417, %add3A_466 : i32
        %select_n3A = arith.select %eq3A_465, %add3A_467, %while3A_417 : i32
        %add3A_468 = arith.constant 1 : i32
        %add3A_469 = arith.addi %while3A_418, %add3A_468 : i32
        %jit3A = arith.constant 0 : i32
        %select_n3A_470 = arith.select %eq3A_465, %jit3A, %add3A_469 : i32
        scf.yield %select_n3A, %select_n3A_470 : i32, i32
      }
      %while3A_293 = arith.constant 1 : i32
      %while3A_294:2 = scf.for %while3A_416 = %while3A_290 to %while3A_286 step %while3A_293 iter_args(%while3A_417 = %while3A_292#0, %while3A_418 = %while3A_292#1) -> (i32, i32)  : i32 {
        %eq3A_419 = arith.constant 0 : i32
        %eq3A_420 = arith.cmpi eq, %while3A_418, %eq3A_419 : i32
        %ge3A_421 = arith.constant 1 : i32
        %ge3A_422 = arith.cmpi sge, %while3A_417, %ge3A_421 : i32
        %and3A_423 = arith.andi %eq3A_420, %ge3A_422 : i1
        %convert_element_type3A_424 = arith.extui %and3A_423 : i1 to i32
        %cond3A_425 = arith.constant 0 : i32
        %cond3A_426 = arith.cmpi ne, %convert_element_type3A_424, %cond3A_425 : i32
        scf.if %cond3A_426 {
          %dma_wait3A = arith.constant 0 : i32
          %dma_wait3A_471 = arith.constant 0 : i32
          %dma_wait3A_472 = tpu.memref_slice %arg10[%dma_wait3A, %dma_wait3A_471] : memref<16400x128xf32, #tpu.memory_space<hbm>> -> memref<16400x128xf32, #tpu.memory_space<hbm>>
          tpu.wait_indirect_dma semaphore(%arg34 : memref<!tpu.dma_semaphore, #tpu.memory_space<semaphore_mem>>) src(%arg25 : memref<16x128xf32, #tpu.memory_space<vmem>>) dst(%dma_wait3A_472 : memref<16400x128xf32, #tpu.memory_space<hbm>>)
        } else {
        }
        %get3A = arith.index_cast %while3A_416 : i32 to index
        %get3A_427 = tpu.vector_load %arg19[%get3A] {strides = array<i32>} : memref<1040xi32, #tpu.memory_space<vmem>>, vector<16xi32>,
        %slice3A = vector.extract_strided_slice %get3A_427 {offsets = [0], sizes = [1], strides = [1]} : vector<16xi32> to vector<1xi32>
        %squeeze3A = vector.extract %slice3A[0] : i32 from vector<1xi32>
        %get3A_428 = arith.index_cast %while3A_416 : i32 to index
        %get3A_429 = tpu.vector_load %arg20[%get3A_428] {strides = array<i32>} : memref<1040xi32, #tpu.memory_space<vmem>>, vector<16xi32>,
        %slice3A_430 = vector.extract_strided_slice %get3A_429 {offsets = [0], sizes = [1], strides = [1]} : vector<16xi32> to vector<1xi32>
        %squeeze3A_431 = vector.extract %slice3A_430[0] : i32 from vector<1xi32>
        %shift_right_logical3A_432 = arith.constant 7 : i32
        %shift_right_logical3A_433 = arith.shrui %squeeze3A, %shift_right_logical3A_432 : i32
        %sub3A_434 = arith.subi %shift_right_logical3A_433, %add3A_254 : i32
        %mul3A_435 = arith.constant 128 : i32
        %mul3A_436 = arith.muli %sub3A_434, %mul3A_435 : i32
        %and3A_437 = arith.constant 127 : i32
        %and3A_438 = arith.andi %squeeze3A, %and3A_437 : i32
        %add3A_439 = arith.addi %mul3A_436, %and3A_438 : i32
        %broadcast_in_dim3A = vector.broadcast %add3A_439 : i32 to vector<16xi32>
        %broadcast_in_dim3A_440 = vector.broadcast %while3A_418 : i32 to vector<16xi32>
        %add3A_441 = arith.constant 0 : i32
        %add3A_442 = vector.broadcast %add3A_441 : i32 to vector<16xi32>
        %add3A_443 = arith.addi %add3A_442, %iota3A_283 : vector<16xi32>
        %gather3A = tpu.vector_load_idx %arg22[%add3A_443, %broadcast_in_dim3A] : memref<64x512xf32, #tpu.memory_space<vmem>>[vector<16xi32>, vector<16xi32>], vector<16xf32>,
        tpu.vector_store_idx %arg25[%broadcast_in_dim3A_440, %add3A_443], %gather3A : memref<16x128xf32, #tpu.memory_space<vmem>>[vector<16xi32>, vector<16xi32>], vector<16xf32>,
        %add3A_444 = arith.constant 16 : i32
        %add3A_445 = vector.broadcast %add3A_444 : i32 to vector<16xi32>
        %add3A_446 = arith.addi %add3A_445, %iota3A_283 : vector<16xi32>
        %gather3A_447 = tpu.vector_load_idx %arg22[%add3A_446, %broadcast_in_dim3A] : memref<64x512xf32, #tpu.memory_space<vmem>>[vector<16xi32>, vector<16xi32>], vector<16xf32>,
        tpu.vector_store_idx %arg25[%broadcast_in_dim3A_440, %add3A_446], %gather3A_447 : memref<16x128xf32, #tpu.memory_space<vmem>>[vector<16xi32>, vector<16xi32>], vector<16xf32>,
        %add3A_448 = arith.constant 32 : i32
        %add3A_449 = vector.broadcast %add3A_448 : i32 to vector<16xi32>
        %add3A_450 = arith.addi %add3A_449, %iota3A_283 : vector<16xi32>
        %gather3A_451 = tpu.vector_load_idx %arg22[%add3A_450, %broadcast_in_dim3A] : memref<64x512xf32, #tpu.memory_space<vmem>>[vector<16xi32>, vector<16xi32>], vector<16xf32>,
        tpu.vector_store_idx %arg25[%broadcast_in_dim3A_440, %add3A_450], %gather3A_451 : memref<16x128xf32, #tpu.memory_space<vmem>>[vector<16xi32>, vector<16xi32>], vector<16xf32>,
        %add3A_452 = arith.constant 48 : i32
        %add3A_453 = vector.broadcast %add3A_452 : i32 to vector<16xi32>
        %add3A_454 = arith.addi %add3A_453, %iota3A_283 : vector<16xi32>
        %gather3A_455 = tpu.vector_load_idx %arg22[%add3A_454, %broadcast_in_dim3A] : memref<64x512xf32, #tpu.memory_space<vmem>>[vector<16xi32>, vector<16xi32>], vector<16xf32>,
        tpu.vector_store_idx %arg25[%broadcast_in_dim3A_440, %add3A_454], %gather3A_455 : memref<16x128xf32, #tpu.memory_space<vmem>>[vector<16xi32>, vector<16xi32>], vector<16xf32>,
        %broadcast_in_dim3A_456 = vector.broadcast %squeeze3A_431 : i32 to vector<16xi32>
        %eq3A_457 = vector.broadcast %while3A_418 : i32 to vector<16xi32>
        %eq3A_458 = arith.cmpi eq, %iota3A_283, %eq3A_457 : vector<16xi32>
        tpu.vector_store_idx %arg28[%iota3A_283], %broadcast_in_dim3A_456 masked %eq3A_458 : memref<16xi32, #tpu.memory_space<vmem>>[vector<16xi32>], vector<16xi32>, vector<16xi1>
        %eq3A_459 = arith.constant 15 : i32
        %eq3A_460 = arith.cmpi eq, %while3A_418, %eq3A_459 : i32
        %convert_element_type3A_461 = arith.extui %eq3A_460 : i1 to i32
        %cond3A_462 = arith.constant 0 : i32
        %cond3A_463 = arith.cmpi ne, %convert_element_type3A_461, %cond3A_462 : i32
        scf.if %cond3A_463 {
          %dma_start3A = arith.constant 0 : i32
          %dma_start3A_471 = arith.constant 0 : i32
          %dma_start3A_472 = tpu.memref_slice %arg10[%dma_start3A, %dma_start3A_471] : memref<16400x128xf32, #tpu.memory_space<hbm>> -> memref<16400x128xf32, #tpu.memory_space<hbm>>
          tpu.enqueue_indirect_dma source(%arg25 : memref<16x128xf32, #tpu.memory_space<vmem>>) target(%dma_start3A_472 : memref<16400x128xf32, #tpu.memory_space<hbm>>) offsets(%arg28 : memref<16xi32, #tpu.memory_space<vmem>>) semaphore(%arg34 : memref<!tpu.dma_semaphore, #tpu.memory_space<semaphore_mem>>)
        } else {
        }
        %eq3A_464 = arith.constant 15 : i32
        %eq3A_465 = arith.cmpi eq, %while3A_418, %eq3A_464 : i32
        %add3A_466 = arith.constant 1 : i32
        %add3A_467 = arith.addi %while3A_417, %add3A_466 : i32
        %select_n3A = arith.select %eq3A_465, %add3A_467, %while3A_417 : i32
        %add3A_468 = arith.constant 1 : i32
        %add3A_469 = arith.addi %while3A_418, %add3A_468 : i32
        %jit3A = arith.constant 0 : i32
        %select_n3A_470 = arith.select %eq3A_465, %jit3A, %add3A_469 : i32
        scf.yield %select_n3A, %select_n3A_470 : i32, i32
      }
      %add3A_295 = arith.constant 16 : i32
      %add3A_296 = arith.addi %scan3A_71, %add3A_295 : i32
      %sub3A_297 = arith.constant 1 : i32
      %sub3A_298 = arith.subi %add3A_296, %sub3A_297 : i32
      %shift_right_logical3A_299 = arith.constant 4 : i32
      %shift_right_logical3A_300 = arith.shrui %sub3A_298, %shift_right_logical3A_299 : i32
      %while3A_301 = arith.constant 0 : i32
      %while3A_302 = arith.constant 0 : i32
      %while3A_303 = arith.subi %shift_right_logical3A_300, %while3A_301 : i32
      %while3A_304 = arith.addi %while3A_301, %while3A_303 : i32
      %while3A_305 = arith.constant 1 : i32
      %while3A_306 = arith.divsi %while3A_303, %while3A_305 : i32
      %while3A_307 = arith.muli %while3A_306, %while3A_305 : i32
      %while3A_308 = arith.addi %while3A_301, %while3A_307 : i32
      %while3A_309 = arith.constant 1 : i32
      %while3A_310 = scf.for %while3A_416 = %while3A_301 to %while3A_308 step %while3A_309 iter_args(%while3A_417 = %while3A_302) -> (i32)  : i32 {
        %mul3A_418 = arith.constant 16 : i32
        %mul3A_419 = arith.muli %while3A_416, %mul3A_418 : i32
        %get3A = arith.index_cast %mul3A_419 : i32 to index
        %get3A_420 = tpu.vector_load %arg17[%get3A] {strides = array<i32>} : memref<1040xi32, #tpu.memory_space<vmem>>, vector<16xi32>,
        %mul3A_421 = arith.constant 16 : i32
        %mul3A_422 = arith.muli %while3A_416, %mul3A_421 : i32
        %get3A_423 = arith.index_cast %mul3A_422 : i32 to index
        %get3A_424 = tpu.vector_load %arg18[%get3A_423] {strides = array<i32>} : memref<1040xi32, #tpu.memory_space<vmem>>, vector<16xi32>,
        %mul3A_425 = arith.constant 16 : i32
        %mul3A_426 = arith.muli %while3A_416, %mul3A_425 : i32
        %iota3A_427 = tpu.iota {dimensions = array<i32: 0>} : vector<16xi32>
        %add3A_428 = vector.broadcast %mul3A_426 : i32 to vector<16xi32>
        %add3A_429 = arith.addi %add3A_428, %iota3A_427 : vector<16xi32>
        %lt3A_430 = vector.broadcast %scan3A_71 : i32 to vector<16xi32>
        %lt3A_431 = arith.cmpi slt, %add3A_429, %lt3A_430 : vector<16xi32>
        %shift_right_logical3A_432 = arith.constant 7 : i32
        %shift_right_logical3A_433 = vector.broadcast %shift_right_logical3A_432 : i32 to vector<16xi32>
        %shift_right_logical3A_434 = arith.shrui %get3A_420, %shift_right_logical3A_433 : vector<16xi32>
        %sub3A_435 = vector.broadcast %add3A_254 : i32 to vector<16xi32>
        %sub3A_436 = arith.subi %shift_right_logical3A_434, %sub3A_435 : vector<16xi32>
        %ge3A_437 = arith.constant 0 : i32
        %ge3A_438 = vector.broadcast %ge3A_437 : i32 to vector<16xi32>
        %ge3A_439 = arith.cmpi sge, %sub3A_436, %ge3A_438 : vector<16xi32>
        %and3A_440 = arith.andi %lt3A_431, %ge3A_439 : vector<16xi1>
        %lt3A_441 = arith.constant 4 : i32
        %lt3A_442 = vector.broadcast %lt3A_441 : i32 to vector<16xi32>
        %lt3A_443 = arith.cmpi slt, %sub3A_436, %lt3A_442 : vector<16xi32>
        %and3A_444 = arith.andi %and3A_440, %lt3A_443 : vector<16xi1>
        %swap3A = arith.index_cast %while3A_417 : i32 to index
        %swap3A_445 = tpu.vector_load %arg19[%swap3A] masked %and3A_444 {strides = array<i32>} : memref<1040xi32, #tpu.memory_space<vmem>>, vector<16xi32>, vector<16xi1>
        tpu.vector_store %arg19[%swap3A], %get3A_420 masked %and3A_444 {strides = array<i32>} : memref<1040xi32, #tpu.memory_space<vmem>>, vector<16xi32>, vector<16xi1>
        %swap3A_446 = arith.index_cast %while3A_417 : i32 to index
        %swap3A_447 = tpu.vector_load %arg20[%swap3A_446] masked %and3A_444 {strides = array<i32>} : memref<1040xi32, #tpu.memory_space<vmem>>, vector<16xi32>, vector<16xi1>
        tpu.vector_store %arg20[%swap3A_446], %get3A_424 masked %and3A_444 {strides = array<i32>} : memref<1040xi32, #tpu.memory_space<vmem>>, vector<16xi32>, vector<16xi1>
        %all_reduce_population_count3A = tpu.all_reduce %and3A_444 {dim = 0 : i64, kind = #tpu.reduction_kind<sum>} : vector<16xi1> -> vector<16xi32>
        %slice3A = vector.extract_strided_slice %all_reduce_population_count3A {offsets = [0], sizes = [1], strides = [1]} : vector<16xi32> to vector<1xi32>
        %squeeze3A = vector.extract %slice3A[0] : i32 from vector<1xi32>
        %add3A_448 = arith.addi %while3A_417, %squeeze3A : i32
        scf.yield %add3A_448 : i32
      }
      %while3A_311 = arith.constant 1 : i32
      %while3A_312 = scf.for %while3A_416 = %while3A_308 to %while3A_304 step %while3A_311 iter_args(%while3A_417 = %while3A_310) -> (i32)  : i32 {
        %mul3A_418 = arith.constant 16 : i32
        %mul3A_419 = arith.muli %while3A_416, %mul3A_418 : i32
        %get3A = arith.index_cast %mul3A_419 : i32 to index
        %get3A_420 = tpu.vector_load %arg17[%get3A] {strides = array<i32>} : memref<1040xi32, #tpu.memory_space<vmem>>, vector<16xi32>,
        %mul3A_421 = arith.constant 16 : i32
        %mul3A_422 = arith.muli %while3A_416, %mul3A_421 : i32
        %get3A_423 = arith.index_cast %mul3A_422 : i32 to index
        %get3A_424 = tpu.vector_load %arg18[%get3A_423] {strides = array<i32>} : memref<1040xi32, #tpu.memory_space<vmem>>, vector<16xi32>,
        %mul3A_425 = arith.constant 16 : i32
        %mul3A_426 = arith.muli %while3A_416, %mul3A_425 : i32
        %iota3A_427 = tpu.iota {dimensions = array<i32: 0>} : vector<16xi32>
        %add3A_428 = vector.broadcast %mul3A_426 : i32 to vector<16xi32>
        %add3A_429 = arith.addi %add3A_428, %iota3A_427 : vector<16xi32>
        %lt3A_430 = vector.broadcast %scan3A_71 : i32 to vector<16xi32>
        %lt3A_431 = arith.cmpi slt, %add3A_429, %lt3A_430 : vector<16xi32>
        %shift_right_logical3A_432 = arith.constant 7 : i32
        %shift_right_logical3A_433 = vector.broadcast %shift_right_logical3A_432 : i32 to vector<16xi32>
        %shift_right_logical3A_434 = arith.shrui %get3A_420, %shift_right_logical3A_433 : vector<16xi32>
        %sub3A_435 = vector.broadcast %add3A_254 : i32 to vector<16xi32>
        %sub3A_436 = arith.subi %shift_right_logical3A_434, %sub3A_435 : vector<16xi32>
        %ge3A_437 = arith.constant 0 : i32
        %ge3A_438 = vector.broadcast %ge3A_437 : i32 to vector<16xi32>
        %ge3A_439 = arith.cmpi sge, %sub3A_436, %ge3A_438 : vector<16xi32>
        %and3A_440 = arith.andi %lt3A_431, %ge3A_439 : vector<16xi1>
        %lt3A_441 = arith.constant 4 : i32
        %lt3A_442 = vector.broadcast %lt3A_441 : i32 to vector<16xi32>
        %lt3A_443 = arith.cmpi slt, %sub3A_436, %lt3A_442 : vector<16xi32>
        %and3A_444 = arith.andi %and3A_440, %lt3A_443 : vector<16xi1>
        %swap3A = arith.index_cast %while3A_417 : i32 to index
        %swap3A_445 = tpu.vector_load %arg19[%swap3A] masked %and3A_444 {strides = array<i32>} : memref<1040xi32, #tpu.memory_space<vmem>>, vector<16xi32>, vector<16xi1>
        tpu.vector_store %arg19[%swap3A], %get3A_420 masked %and3A_444 {strides = array<i32>} : memref<1040xi32, #tpu.memory_space<vmem>>, vector<16xi32>, vector<16xi1>
        %swap3A_446 = arith.index_cast %while3A_417 : i32 to index
        %swap3A_447 = tpu.vector_load %arg20[%swap3A_446] masked %and3A_444 {strides = array<i32>} : memref<1040xi32, #tpu.memory_space<vmem>>, vector<16xi32>, vector<16xi1>
        tpu.vector_store %arg20[%swap3A_446], %get3A_424 masked %and3A_444 {strides = array<i32>} : memref<1040xi32, #tpu.memory_space<vmem>>, vector<16xi32>, vector<16xi1>
        %all_reduce_population_count3A = tpu.all_reduce %and3A_444 {dim = 0 : i64, kind = #tpu.reduction_kind<sum>} : vector<16xi1> -> vector<16xi32>
        %slice3A = vector.extract_strided_slice %all_reduce_population_count3A {offsets = [0], sizes = [1], strides = [1]} : vector<16xi32> to vector<1xi32>
        %squeeze3A = vector.extract %slice3A[0] : i32 from vector<1xi32>
        %add3A_448 = arith.addi %while3A_417, %squeeze3A : i32
        scf.yield %add3A_448 : i32
      }
      %iota3A_313 = tpu.iota {dimensions = array<i32: 0>} : vector<16xi32>
      %while3A_314 = arith.constant 0 : i32
      %while3A_315 = arith.subi %while3A_312, %while3A_314 : i32
      %while3A_316 = arith.addi %while3A_314, %while3A_315 : i32
      %while3A_317 = arith.constant 1 : i32
      %while3A_318 = arith.divsi %while3A_315, %while3A_317 : i32
      %while3A_319 = arith.muli %while3A_318, %while3A_317 : i32
      %while3A_320 = arith.addi %while3A_314, %while3A_319 : i32
      %while3A_321 = arith.constant 1 : i32
      %while3A_322:2 = scf.for %while3A_416 = %while3A_314 to %while3A_320 step %while3A_321 iter_args(%while3A_417 = %while3A_241#0, %while3A_418 = %while3A_241#1) -> (i32, i32)  : i32 {
        %eq3A_419 = arith.constant 0 : i32
        %eq3A_420 = arith.cmpi eq, %while3A_418, %eq3A_419 : i32
        %ge3A_421 = arith.constant 1 : i32
        %ge3A_422 = arith.cmpi sge, %while3A_417, %ge3A_421 : i32
        %and3A_423 = arith.andi %eq3A_420, %ge3A_422 : i1
        %convert_element_type3A_424 = arith.extui %and3A_423 : i1 to i32
        %cond3A_425 = arith.constant 0 : i32
        %cond3A_426 = arith.cmpi ne, %convert_element_type3A_424, %cond3A_425 : i32
        scf.if %cond3A_426 {
          %dma_wait3A = arith.constant 0 : i32
          %dma_wait3A_471 = arith.constant 0 : i32
          %dma_wait3A_472 = tpu.memref_slice %arg11[%dma_wait3A, %dma_wait3A_471] : memref<16400x128xf32, #tpu.memory_space<hbm>> -> memref<16400x128xf32, #tpu.memory_space<hbm>>
          tpu.wait_indirect_dma semaphore(%arg35 : memref<!tpu.dma_semaphore, #tpu.memory_space<semaphore_mem>>) src(%arg26 : memref<16x128xf32, #tpu.memory_space<vmem>>) dst(%dma_wait3A_472 : memref<16400x128xf32, #tpu.memory_space<hbm>>)
        } else {
        }
        %get3A = arith.index_cast %while3A_416 : i32 to index
        %get3A_427 = tpu.vector_load %arg19[%get3A] {strides = array<i32>} : memref<1040xi32, #tpu.memory_space<vmem>>, vector<16xi32>,
        %slice3A = vector.extract_strided_slice %get3A_427 {offsets = [0], sizes = [1], strides = [1]} : vector<16xi32> to vector<1xi32>
        %squeeze3A = vector.extract %slice3A[0] : i32 from vector<1xi32>
        %get3A_428 = arith.index_cast %while3A_416 : i32 to index
        %get3A_429 = tpu.vector_load %arg20[%get3A_428] {strides = array<i32>} : memref<1040xi32, #tpu.memory_space<vmem>>, vector<16xi32>,
        %slice3A_430 = vector.extract_strided_slice %get3A_429 {offsets = [0], sizes = [1], strides = [1]} : vector<16xi32> to vector<1xi32>
        %squeeze3A_431 = vector.extract %slice3A_430[0] : i32 from vector<1xi32>
        %shift_right_logical3A_432 = arith.constant 7 : i32
        %shift_right_logical3A_433 = arith.shrui %squeeze3A, %shift_right_logical3A_432 : i32
        %sub3A_434 = arith.subi %shift_right_logical3A_433, %add3A_254 : i32
        %mul3A_435 = arith.constant 128 : i32
        %mul3A_436 = arith.muli %sub3A_434, %mul3A_435 : i32
        %and3A_437 = arith.constant 127 : i32
        %and3A_438 = arith.andi %squeeze3A, %and3A_437 : i32
        %add3A_439 = arith.addi %mul3A_436, %and3A_438 : i32
        %broadcast_in_dim3A = vector.broadcast %add3A_439 : i32 to vector<16xi32>
        %broadcast_in_dim3A_440 = vector.broadcast %while3A_418 : i32 to vector<16xi32>
        %add3A_441 = arith.constant 0 : i32
        %add3A_442 = vector.broadcast %add3A_441 : i32 to vector<16xi32>
        %add3A_443 = arith.addi %add3A_442, %iota3A_313 : vector<16xi32>
        %gather3A = tpu.vector_load_idx %arg22[%add3A_443, %broadcast_in_dim3A] : memref<64x512xf32, #tpu.memory_space<vmem>>[vector<16xi32>, vector<16xi32>], vector<16xf32>,
        tpu.vector_store_idx %arg26[%broadcast_in_dim3A_440, %add3A_443], %gather3A : memref<16x128xf32, #tpu.memory_space<vmem>>[vector<16xi32>, vector<16xi32>], vector<16xf32>,
        %add3A_444 = arith.constant 16 : i32
        %add3A_445 = vector.broadcast %add3A_444 : i32 to vector<16xi32>
        %add3A_446 = arith.addi %add3A_445, %iota3A_313 : vector<16xi32>
        %gather3A_447 = tpu.vector_load_idx %arg22[%add3A_446, %broadcast_in_dim3A] : memref<64x512xf32, #tpu.memory_space<vmem>>[vector<16xi32>, vector<16xi32>], vector<16xf32>,
        tpu.vector_store_idx %arg26[%broadcast_in_dim3A_440, %add3A_446], %gather3A_447 : memref<16x128xf32, #tpu.memory_space<vmem>>[vector<16xi32>, vector<16xi32>], vector<16xf32>,
        %add3A_448 = arith.constant 32 : i32
        %add3A_449 = vector.broadcast %add3A_448 : i32 to vector<16xi32>
        %add3A_450 = arith.addi %add3A_449, %iota3A_313 : vector<16xi32>
        %gather3A_451 = tpu.vector_load_idx %arg22[%add3A_450, %broadcast_in_dim3A] : memref<64x512xf32, #tpu.memory_space<vmem>>[vector<16xi32>, vector<16xi32>], vector<16xf32>,
        tpu.vector_store_idx %arg26[%broadcast_in_dim3A_440, %add3A_450], %gather3A_451 : memref<16x128xf32, #tpu.memory_space<vmem>>[vector<16xi32>, vector<16xi32>], vector<16xf32>,
        %add3A_452 = arith.constant 48 : i32
        %add3A_453 = vector.broadcast %add3A_452 : i32 to vector<16xi32>
        %add3A_454 = arith.addi %add3A_453, %iota3A_313 : vector<16xi32>
        %gather3A_455 = tpu.vector_load_idx %arg22[%add3A_454, %broadcast_in_dim3A] : memref<64x512xf32, #tpu.memory_space<vmem>>[vector<16xi32>, vector<16xi32>], vector<16xf32>,
        tpu.vector_store_idx %arg26[%broadcast_in_dim3A_440, %add3A_454], %gather3A_455 : memref<16x128xf32, #tpu.memory_space<vmem>>[vector<16xi32>, vector<16xi32>], vector<16xf32>,
        %broadcast_in_dim3A_456 = vector.broadcast %squeeze3A_431 : i32 to vector<16xi32>
        %eq3A_457 = vector.broadcast %while3A_418 : i32 to vector<16xi32>
        %eq3A_458 = arith.cmpi eq, %iota3A_313, %eq3A_457 : vector<16xi32>
        tpu.vector_store_idx %arg29[%iota3A_313], %broadcast_in_dim3A_456 masked %eq3A_458 : memref<16xi32, #tpu.memory_space<vmem>>[vector<16xi32>], vector<16xi32>, vector<16xi1>
        %eq3A_459 = arith.constant 15 : i32
        %eq3A_460 = arith.cmpi eq, %while3A_418, %eq3A_459 : i32
        %convert_element_type3A_461 = arith.extui %eq3A_460 : i1 to i32
        %cond3A_462 = arith.constant 0 : i32
        %cond3A_463 = arith.cmpi ne, %convert_element_type3A_461, %cond3A_462 : i32
        scf.if %cond3A_463 {
          %dma_start3A = arith.constant 0 : i32
          %dma_start3A_471 = arith.constant 0 : i32
          %dma_start3A_472 = tpu.memref_slice %arg11[%dma_start3A, %dma_start3A_471] : memref<16400x128xf32, #tpu.memory_space<hbm>> -> memref<16400x128xf32, #tpu.memory_space<hbm>>
          tpu.enqueue_indirect_dma source(%arg26 : memref<16x128xf32, #tpu.memory_space<vmem>>) target(%dma_start3A_472 : memref<16400x128xf32, #tpu.memory_space<hbm>>) offsets(%arg29 : memref<16xi32, #tpu.memory_space<vmem>>) semaphore(%arg35 : memref<!tpu.dma_semaphore, #tpu.memory_space<semaphore_mem>>)
        } else {
        }
        %eq3A_464 = arith.constant 15 : i32
        %eq3A_465 = arith.cmpi eq, %while3A_418, %eq3A_464 : i32
        %add3A_466 = arith.constant 1 : i32
        %add3A_467 = arith.addi %while3A_417, %add3A_466 : i32
        %select_n3A = arith.select %eq3A_465, %add3A_467, %while3A_417 : i32
        %add3A_468 = arith.constant 1 : i32
        %add3A_469 = arith.addi %while3A_418, %add3A_468 : i32
        %jit3A = arith.constant 0 : i32
        %select_n3A_470 = arith.select %eq3A_465, %jit3A, %add3A_469 : i32
        scf.yield %select_n3A, %select_n3A_470 : i32, i32
      }
      %while3A_323 = arith.constant 1 : i32
      %while3A_324:2 = scf.for %while3A_416 = %while3A_320 to %while3A_316 step %while3A_323 iter_args(%while3A_417 = %while3A_322#0, %while3A_418 = %while3A_322#1) -> (i32, i32)  : i32 {
        %eq3A_419 = arith.constant 0 : i32
        %eq3A_420 = arith.cmpi eq, %while3A_418, %eq3A_419 : i32
        %ge3A_421 = arith.constant 1 : i32
        %ge3A_422 = arith.cmpi sge, %while3A_417, %ge3A_421 : i32
        %and3A_423 = arith.andi %eq3A_420, %ge3A_422 : i1
        %convert_element_type3A_424 = arith.extui %and3A_423 : i1 to i32
        %cond3A_425 = arith.constant 0 : i32
        %cond3A_426 = arith.cmpi ne, %convert_element_type3A_424, %cond3A_425 : i32
        scf.if %cond3A_426 {
          %dma_wait3A = arith.constant 0 : i32
          %dma_wait3A_471 = arith.constant 0 : i32
          %dma_wait3A_472 = tpu.memref_slice %arg11[%dma_wait3A, %dma_wait3A_471] : memref<16400x128xf32, #tpu.memory_space<hbm>> -> memref<16400x128xf32, #tpu.memory_space<hbm>>
          tpu.wait_indirect_dma semaphore(%arg35 : memref<!tpu.dma_semaphore, #tpu.memory_space<semaphore_mem>>) src(%arg26 : memref<16x128xf32, #tpu.memory_space<vmem>>) dst(%dma_wait3A_472 : memref<16400x128xf32, #tpu.memory_space<hbm>>)
        } else {
        }
        %get3A = arith.index_cast %while3A_416 : i32 to index
        %get3A_427 = tpu.vector_load %arg19[%get3A] {strides = array<i32>} : memref<1040xi32, #tpu.memory_space<vmem>>, vector<16xi32>,
        %slice3A = vector.extract_strided_slice %get3A_427 {offsets = [0], sizes = [1], strides = [1]} : vector<16xi32> to vector<1xi32>
        %squeeze3A = vector.extract %slice3A[0] : i32 from vector<1xi32>
        %get3A_428 = arith.index_cast %while3A_416 : i32 to index
        %get3A_429 = tpu.vector_load %arg20[%get3A_428] {strides = array<i32>} : memref<1040xi32, #tpu.memory_space<vmem>>, vector<16xi32>,
        %slice3A_430 = vector.extract_strided_slice %get3A_429 {offsets = [0], sizes = [1], strides = [1]} : vector<16xi32> to vector<1xi32>
        %squeeze3A_431 = vector.extract %slice3A_430[0] : i32 from vector<1xi32>
        %shift_right_logical3A_432 = arith.constant 7 : i32
        %shift_right_logical3A_433 = arith.shrui %squeeze3A, %shift_right_logical3A_432 : i32
        %sub3A_434 = arith.subi %shift_right_logical3A_433, %add3A_254 : i32
        %mul3A_435 = arith.constant 128 : i32
        %mul3A_436 = arith.muli %sub3A_434, %mul3A_435 : i32
        %and3A_437 = arith.constant 127 : i32
        %and3A_438 = arith.andi %squeeze3A, %and3A_437 : i32
        %add3A_439 = arith.addi %mul3A_436, %and3A_438 : i32
        %broadcast_in_dim3A = vector.broadcast %add3A_439 : i32 to vector<16xi32>
        %broadcast_in_dim3A_440 = vector.broadcast %while3A_418 : i32 to vector<16xi32>
        %add3A_441 = arith.constant 0 : i32
        %add3A_442 = vector.broadcast %add3A_441 : i32 to vector<16xi32>
        %add3A_443 = arith.addi %add3A_442, %iota3A_313 : vector<16xi32>
        %gather3A = tpu.vector_load_idx %arg22[%add3A_443, %broadcast_in_dim3A] : memref<64x512xf32, #tpu.memory_space<vmem>>[vector<16xi32>, vector<16xi32>], vector<16xf32>,
        tpu.vector_store_idx %arg26[%broadcast_in_dim3A_440, %add3A_443], %gather3A : memref<16x128xf32, #tpu.memory_space<vmem>>[vector<16xi32>, vector<16xi32>], vector<16xf32>,
        %add3A_444 = arith.constant 16 : i32
        %add3A_445 = vector.broadcast %add3A_444 : i32 to vector<16xi32>
        %add3A_446 = arith.addi %add3A_445, %iota3A_313 : vector<16xi32>
        %gather3A_447 = tpu.vector_load_idx %arg22[%add3A_446, %broadcast_in_dim3A] : memref<64x512xf32, #tpu.memory_space<vmem>>[vector<16xi32>, vector<16xi32>], vector<16xf32>,
        tpu.vector_store_idx %arg26[%broadcast_in_dim3A_440, %add3A_446], %gather3A_447 : memref<16x128xf32, #tpu.memory_space<vmem>>[vector<16xi32>, vector<16xi32>], vector<16xf32>,
        %add3A_448 = arith.constant 32 : i32
        %add3A_449 = vector.broadcast %add3A_448 : i32 to vector<16xi32>
        %add3A_450 = arith.addi %add3A_449, %iota3A_313 : vector<16xi32>
        %gather3A_451 = tpu.vector_load_idx %arg22[%add3A_450, %broadcast_in_dim3A] : memref<64x512xf32, #tpu.memory_space<vmem>>[vector<16xi32>, vector<16xi32>], vector<16xf32>,
        tpu.vector_store_idx %arg26[%broadcast_in_dim3A_440, %add3A_450], %gather3A_451 : memref<16x128xf32, #tpu.memory_space<vmem>>[vector<16xi32>, vector<16xi32>], vector<16xf32>,
        %add3A_452 = arith.constant 48 : i32
        %add3A_453 = vector.broadcast %add3A_452 : i32 to vector<16xi32>
        %add3A_454 = arith.addi %add3A_453, %iota3A_313 : vector<16xi32>
        %gather3A_455 = tpu.vector_load_idx %arg22[%add3A_454, %broadcast_in_dim3A] : memref<64x512xf32, #tpu.memory_space<vmem>>[vector<16xi32>, vector<16xi32>], vector<16xf32>,
        tpu.vector_store_idx %arg26[%broadcast_in_dim3A_440, %add3A_454], %gather3A_455 : memref<16x128xf32, #tpu.memory_space<vmem>>[vector<16xi32>, vector<16xi32>], vector<16xf32>,
        %broadcast_in_dim3A_456 = vector.broadcast %squeeze3A_431 : i32 to vector<16xi32>
        %eq3A_457 = vector.broadcast %while3A_418 : i32 to vector<16xi32>
        %eq3A_458 = arith.cmpi eq, %iota3A_313, %eq3A_457 : vector<16xi32>
        tpu.vector_store_idx %arg29[%iota3A_313], %broadcast_in_dim3A_456 masked %eq3A_458 : memref<16xi32, #tpu.memory_space<vmem>>[vector<16xi32>], vector<16xi32>, vector<16xi1>
        %eq3A_459 = arith.constant 15 : i32
        %eq3A_460 = arith.cmpi eq, %while3A_418, %eq3A_459 : i32
        %convert_element_type3A_461 = arith.extui %eq3A_460 : i1 to i32
        %cond3A_462 = arith.constant 0 : i32
        %cond3A_463 = arith.cmpi ne, %convert_element_type3A_461, %cond3A_462 : i32
        scf.if %cond3A_463 {
          %dma_start3A = arith.constant 0 : i32
          %dma_start3A_471 = arith.constant 0 : i32
          %dma_start3A_472 = tpu.memref_slice %arg11[%dma_start3A, %dma_start3A_471] : memref<16400x128xf32, #tpu.memory_space<hbm>> -> memref<16400x128xf32, #tpu.memory_space<hbm>>
          tpu.enqueue_indirect_dma source(%arg26 : memref<16x128xf32, #tpu.memory_space<vmem>>) target(%dma_start3A_472 : memref<16400x128xf32, #tpu.memory_space<hbm>>) offsets(%arg29 : memref<16xi32, #tpu.memory_space<vmem>>) semaphore(%arg35 : memref<!tpu.dma_semaphore, #tpu.memory_space<semaphore_mem>>)
        } else {
        }
        %eq3A_464 = arith.constant 15 : i32
        %eq3A_465 = arith.cmpi eq, %while3A_418, %eq3A_464 : i32
        %add3A_466 = arith.constant 1 : i32
        %add3A_467 = arith.addi %while3A_417, %add3A_466 : i32
        %select_n3A = arith.select %eq3A_465, %add3A_467, %while3A_417 : i32
        %add3A_468 = arith.constant 1 : i32
        %add3A_469 = arith.addi %while3A_418, %add3A_468 : i32
        %jit3A = arith.constant 0 : i32
        %select_n3A_470 = arith.select %eq3A_465, %jit3A, %add3A_469 : i32
        scf.yield %select_n3A, %select_n3A_470 : i32, i32
      }
      %add3A_325 = arith.constant 3 : i32
      %add3A_326 = arith.addi %add3A_251, %add3A_325 : i32
      %lt3A_327 = arith.constant 63 : i32
      %lt3A_328 = arith.cmpi slt, %add3A_326, %lt3A_327 : i32
      %convert_element_type3A_329 = arith.extui %lt3A_328 : i1 to i32
      %cond3A_330 = arith.constant 0 : i32
      %cond3A_331 = arith.cmpi ne, %convert_element_type3A_329, %cond3A_330 : i32
      scf.if %cond3A_331 {
        %add3A_416 = arith.constant 3 : i32
        %add3A_417 = arith.addi %add3A_251, %add3A_416 : i32
        %mul3A_418 = arith.constant 4 : i32
        %mul3A_419 = arith.muli %add3A_417, %mul3A_418 : i32
        %add3A_420 = arith.addi %mul3A_2, %mul3A_419 : i32
        %le3A_421 = arith.constant 7808 : i32
        %le3A_422 = arith.cmpi sle, %add3A_420, %le3A_421 : i32
        %convert_element_type3A_423 = arith.extui %le3A_422 : i1 to i32
        %cond3A_424 = arith.constant 0 : i32
        %cond3A_425 = arith.cmpi ne, %convert_element_type3A_423, %cond3A_424 : i32
        scf.if %cond3A_425 {
          %mul3A_431 = arith.constant 128 : i32
          %mul3A_432 = arith.muli %add3A_420, %mul3A_431 : i32
          %dma_start3A = arith.constant 0 : i32
          %dma_start3A_433 = tpu.memref_slice %arg6[%dma_start3A, %mul3A_432] : memref<64x1000000xf32, #tpu.memory_space<hbm>> -> memref<64x512xf32, #tpu.memory_space<hbm>>
          %dma_start3A_434 = arith.constant 0 : i32
          %dma_start3A_435 = tpu.memref_slice %arg6[%dma_start3A_434, %mul3A_432] : memref<64x1000000xf32, #tpu.memory_space<hbm>> -> memref<64x512xf32, #tpu.memory_space<hbm>>
          tpu.enqueue_dma source(%dma_start3A_435 : memref<64x512xf32, #tpu.memory_space<hbm>>) target(%arg22 : memref<64x512xf32, #tpu.memory_space<vmem>>) target_semaphore(%arg31 : memref<!tpu.dma_semaphore, #tpu.memory_space<semaphore_mem>>)
        } else {
        }
        %eq3A_426 = arith.constant 7812 : i32
        %eq3A_427 = arith.cmpi eq, %add3A_420, %eq3A_426 : i32
        %convert_element_type3A_428 = arith.extui %eq3A_427 : i1 to i32
        %cond3A_429 = arith.constant 0 : i32
        %cond3A_430 = arith.cmpi ne, %convert_element_type3A_428, %cond3A_429 : i32
        scf.if %cond3A_430 {
          %dma_start3A = arith.constant 0 : i32
          %dma_start3A_431 = arith.constant 0 : i32
          %dma_start3A_432 = tpu.memref_slice %arg22[%dma_start3A, %dma_start3A_431] : memref<64x512xf32, #tpu.memory_space<vmem>> -> memref<64x128xf32, #tpu.memory_space<vmem>>
          %dma_start3A_433 = arith.constant 0 : i32
          %dma_start3A_434 = arith.constant 0 : i32
          %dma_start3A_435 = tpu.memref_slice %arg22[%dma_start3A_433, %dma_start3A_434] : memref<64x512xf32, #tpu.memory_space<vmem>> -> memref<64x128xf32, #tpu.memory_space<vmem>>
          tpu.enqueue_dma source(%arg8 : memref<64x128xf32, #tpu.memory_space<hbm>>) target(%dma_start3A_435 : memref<64x128xf32, #tpu.memory_space<vmem>>) target_semaphore(%arg31 : memref<!tpu.dma_semaphore, #tpu.memory_space<semaphore_mem>>)
        } else {
        }
      } else {
      }
      %mul3A_332 = arith.constant 3 : i32
      %mul3A_333 = arith.muli %mul3A_332, %scan3A_163 : i32
      %add3A_334 = arith.constant 2 : i32
      %add3A_335 = arith.addi %mul3A_333, %add3A_334 : i32
      %mul3A_336 = arith.constant 4 : i32
      %mul3A_337 = arith.muli %add3A_335, %mul3A_336 : i32
      %add3A_338 = arith.addi %mul3A_2, %mul3A_337 : i32
      %le3A_339 = arith.constant 7808 : i32
      %le3A_340 = arith.cmpi sle, %add3A_338, %le3A_339 : i32
      %convert_element_type3A_341 = arith.extui %le3A_340 : i1 to i32
      %cond3A_342 = arith.constant 0 : i32
      %cond3A_343 = arith.cmpi ne, %convert_element_type3A_341, %cond3A_342 : i32
      scf.if %cond3A_343 {
        %mul3A_416 = arith.constant 128 : i32
        %mul3A_417 = arith.muli %add3A_338, %mul3A_416 : i32
        %dma_wait3A = arith.constant 0 : i32
        %dma_wait3A_418 = tpu.memref_slice %arg6[%dma_wait3A, %mul3A_417] : memref<64x1000000xf32, #tpu.memory_space<hbm>> -> memref<64x512xf32, #tpu.memory_space<hbm>>
        %dma_wait3A_419 = arith.constant 0 : i32
        %dma_wait3A_420 = tpu.memref_slice %arg6[%dma_wait3A_419, %mul3A_417] : memref<64x1000000xf32, #tpu.memory_space<hbm>> -> memref<64x512xf32, #tpu.memory_space<hbm>>
        tpu.wait_dma2 semaphore(%arg32 : memref<!tpu.dma_semaphore, #tpu.memory_space<semaphore_mem>>) src(%dma_wait3A_420 : memref<64x512xf32, #tpu.memory_space<hbm>>) dst(%arg23 : memref<64x512xf32, #tpu.memory_space<vmem>>)
      } else {
      }
      %eq3A_344 = arith.constant 7812 : i32
      %eq3A_345 = arith.cmpi eq, %add3A_338, %eq3A_344 : i32
      %convert_element_type3A_346 = arith.extui %eq3A_345 : i1 to i32
      %cond3A_347 = arith.constant 0 : i32
      %cond3A_348 = arith.cmpi ne, %convert_element_type3A_346, %cond3A_347 : i32
      scf.if %cond3A_348 {
        %dma_wait3A = arith.constant 0 : i32
        %dma_wait3A_416 = arith.constant 0 : i32
        %dma_wait3A_417 = tpu.memref_slice %arg23[%dma_wait3A, %dma_wait3A_416] : memref<64x512xf32, #tpu.memory_space<vmem>> -> memref<64x128xf32, #tpu.memory_space<vmem>>
        %dma_wait3A_418 = arith.constant 0 : i32
        %dma_wait3A_419 = arith.constant 0 : i32
        %dma_wait3A_420 = tpu.memref_slice %arg23[%dma_wait3A_418, %dma_wait3A_419] : memref<64x512xf32, #tpu.memory_space<vmem>> -> memref<64x128xf32, #tpu.memory_space<vmem>>
        tpu.wait_dma2 semaphore(%arg32 : memref<!tpu.dma_semaphore, #tpu.memory_space<semaphore_mem>>) src(%arg8 : memref<64x128xf32, #tpu.memory_space<hbm>>) dst(%dma_wait3A_420 : memref<64x128xf32, #tpu.memory_space<vmem>>)
      } else {
      }
      %add3A_349 = arith.constant 16 : i32
      %add3A_350 = arith.addi %scan3A_58, %add3A_349 : i32
      %sub3A_351 = arith.constant 1 : i32
      %sub3A_352 = arith.subi %add3A_350, %sub3A_351 : i32
      %shift_right_logical3A_353 = arith.constant 4 : i32
      %shift_right_logical3A_354 = arith.shrui %sub3A_352, %shift_right_logical3A_353 : i32
      %while3A_355 = arith.constant 0 : i32
      %while3A_356 = arith.constant 0 : i32
      %while3A_357 = arith.subi %shift_right_logical3A_354, %while3A_355 : i32
      %while3A_358 = arith.addi %while3A_355, %while3A_357 : i32
      %while3A_359 = arith.constant 1 : i32
      %while3A_360 = arith.divsi %while3A_357, %while3A_359 : i32
      %while3A_361 = arith.muli %while3A_360, %while3A_359 : i32
      %while3A_362 = arith.addi %while3A_355, %while3A_361 : i32
      %while3A_363 = arith.constant 1 : i32
      %while3A_364 = scf.for %while3A_416 = %while3A_355 to %while3A_362 step %while3A_363 iter_args(%while3A_417 = %while3A_356) -> (i32)  : i32 {
        %mul3A_418 = arith.constant 16 : i32
        %mul3A_419 = arith.muli %while3A_416, %mul3A_418 : i32
        %get3A = arith.index_cast %mul3A_419 : i32 to index
        %get3A_420 = tpu.vector_load %arg15[%get3A] {strides = array<i32>} : memref<1040xi32, #tpu.memory_space<vmem>>, vector<16xi32>,
        %mul3A_421 = arith.constant 16 : i32
        %mul3A_422 = arith.muli %while3A_416, %mul3A_421 : i32
        %get3A_423 = arith.index_cast %mul3A_422 : i32 to index
        %get3A_424 = tpu.vector_load %arg16[%get3A_423] {strides = array<i32>} : memref<1040xi32, #tpu.memory_space<vmem>>, vector<16xi32>,
        %mul3A_425 = arith.constant 16 : i32
        %mul3A_426 = arith.muli %while3A_416, %mul3A_425 : i32
        %iota3A_427 = tpu.iota {dimensions = array<i32: 0>} : vector<16xi32>
        %add3A_428 = vector.broadcast %mul3A_426 : i32 to vector<16xi32>
        %add3A_429 = arith.addi %add3A_428, %iota3A_427 : vector<16xi32>
        %lt3A_430 = vector.broadcast %scan3A_58 : i32 to vector<16xi32>
        %lt3A_431 = arith.cmpi slt, %add3A_429, %lt3A_430 : vector<16xi32>
        %shift_right_logical3A_432 = arith.constant 7 : i32
        %shift_right_logical3A_433 = vector.broadcast %shift_right_logical3A_432 : i32 to vector<16xi32>
        %shift_right_logical3A_434 = arith.shrui %get3A_420, %shift_right_logical3A_433 : vector<16xi32>
        %sub3A_435 = vector.broadcast %add3A_338 : i32 to vector<16xi32>
        %sub3A_436 = arith.subi %shift_right_logical3A_434, %sub3A_435 : vector<16xi32>
        %ge3A_437 = arith.constant 0 : i32
        %ge3A_438 = vector.broadcast %ge3A_437 : i32 to vector<16xi32>
        %ge3A_439 = arith.cmpi sge, %sub3A_436, %ge3A_438 : vector<16xi32>
        %and3A_440 = arith.andi %lt3A_431, %ge3A_439 : vector<16xi1>
        %lt3A_441 = arith.constant 4 : i32
        %lt3A_442 = vector.broadcast %lt3A_441 : i32 to vector<16xi32>
        %lt3A_443 = arith.cmpi slt, %sub3A_436, %lt3A_442 : vector<16xi32>
        %and3A_444 = arith.andi %and3A_440, %lt3A_443 : vector<16xi1>
        %swap3A = arith.index_cast %while3A_417 : i32 to index
        %swap3A_445 = tpu.vector_load %arg19[%swap3A] masked %and3A_444 {strides = array<i32>} : memref<1040xi32, #tpu.memory_space<vmem>>, vector<16xi32>, vector<16xi1>
        tpu.vector_store %arg19[%swap3A], %get3A_420 masked %and3A_444 {strides = array<i32>} : memref<1040xi32, #tpu.memory_space<vmem>>, vector<16xi32>, vector<16xi1>
        %swap3A_446 = arith.index_cast %while3A_417 : i32 to index
        %swap3A_447 = tpu.vector_load %arg20[%swap3A_446] masked %and3A_444 {strides = array<i32>} : memref<1040xi32, #tpu.memory_space<vmem>>, vector<16xi32>, vector<16xi1>
        tpu.vector_store %arg20[%swap3A_446], %get3A_424 masked %and3A_444 {strides = array<i32>} : memref<1040xi32, #tpu.memory_space<vmem>>, vector<16xi32>, vector<16xi1>
        %all_reduce_population_count3A = tpu.all_reduce %and3A_444 {dim = 0 : i64, kind = #tpu.reduction_kind<sum>} : vector<16xi1> -> vector<16xi32>
        %slice3A = vector.extract_strided_slice %all_reduce_population_count3A {offsets = [0], sizes = [1], strides = [1]} : vector<16xi32> to vector<1xi32>
        %squeeze3A = vector.extract %slice3A[0] : i32 from vector<1xi32>
        %add3A_448 = arith.addi %while3A_417, %squeeze3A : i32
        scf.yield %add3A_448 : i32
      }
      %while3A_365 = arith.constant 1 : i32
      %while3A_366 = scf.for %while3A_416 = %while3A_362 to %while3A_358 step %while3A_365 iter_args(%while3A_417 = %while3A_364) -> (i32)  : i32 {
        %mul3A_418 = arith.constant 16 : i32
        %mul3A_419 = arith.muli %while3A_416, %mul3A_418 : i32
        %get3A = arith.index_cast %mul3A_419 : i32 to index
        %get3A_420 = tpu.vector_load %arg15[%get3A] {strides = array<i32>} : memref<1040xi32, #tpu.memory_space<vmem>>, vector<16xi32>,
        %mul3A_421 = arith.constant 16 : i32
        %mul3A_422 = arith.muli %while3A_416, %mul3A_421 : i32
        %get3A_423 = arith.index_cast %mul3A_422 : i32 to index
        %get3A_424 = tpu.vector_load %arg16[%get3A_423] {strides = array<i32>} : memref<1040xi32, #tpu.memory_space<vmem>>, vector<16xi32>,
        %mul3A_425 = arith.constant 16 : i32
        %mul3A_426 = arith.muli %while3A_416, %mul3A_425 : i32
        %iota3A_427 = tpu.iota {dimensions = array<i32: 0>} : vector<16xi32>
        %add3A_428 = vector.broadcast %mul3A_426 : i32 to vector<16xi32>
        %add3A_429 = arith.addi %add3A_428, %iota3A_427 : vector<16xi32>
        %lt3A_430 = vector.broadcast %scan3A_58 : i32 to vector<16xi32>
        %lt3A_431 = arith.cmpi slt, %add3A_429, %lt3A_430 : vector<16xi32>
        %shift_right_logical3A_432 = arith.constant 7 : i32
        %shift_right_logical3A_433 = vector.broadcast %shift_right_logical3A_432 : i32 to vector<16xi32>
        %shift_right_logical3A_434 = arith.shrui %get3A_420, %shift_right_logical3A_433 : vector<16xi32>
        %sub3A_435 = vector.broadcast %add3A_338 : i32 to vector<16xi32>
        %sub3A_436 = arith.subi %shift_right_logical3A_434, %sub3A_435 : vector<16xi32>
        %ge3A_437 = arith.constant 0 : i32
        %ge3A_438 = vector.broadcast %ge3A_437 : i32 to vector<16xi32>
        %ge3A_439 = arith.cmpi sge, %sub3A_436, %ge3A_438 : vector<16xi32>
        %and3A_440 = arith.andi %lt3A_431, %ge3A_439 : vector<16xi1>
        %lt3A_441 = arith.constant 4 : i32
        %lt3A_442 = vector.broadcast %lt3A_441 : i32 to vector<16xi32>
        %lt3A_443 = arith.cmpi slt, %sub3A_436, %lt3A_442 : vector<16xi32>
        %and3A_444 = arith.andi %and3A_440, %lt3A_443 : vector<16xi1>
        %swap3A = arith.index_cast %while3A_417 : i32 to index
        %swap3A_445 = tpu.vector_load %arg19[%swap3A] masked %and3A_444 {strides = array<i32>} : memref<1040xi32, #tpu.memory_space<vmem>>, vector<16xi32>, vector<16xi1>
        tpu.vector_store %arg19[%swap3A], %get3A_420 masked %and3A_444 {strides = array<i32>} : memref<1040xi32, #tpu.memory_space<vmem>>, vector<16xi32>, vector<16xi1>
        %swap3A_446 = arith.index_cast %while3A_417 : i32 to index
        %swap3A_447 = tpu.vector_load %arg20[%swap3A_446] masked %and3A_444 {strides = array<i32>} : memref<1040xi32, #tpu.memory_space<vmem>>, vector<16xi32>, vector<16xi1>
        tpu.vector_store %arg20[%swap3A_446], %get3A_424 masked %and3A_444 {strides = array<i32>} : memref<1040xi32, #tpu.memory_space<vmem>>, vector<16xi32>, vector<16xi1>
        %all_reduce_population_count3A = tpu.all_reduce %and3A_444 {dim = 0 : i64, kind = #tpu.reduction_kind<sum>} : vector<16xi1> -> vector<16xi32>
        %slice3A = vector.extract_strided_slice %all_reduce_population_count3A {offsets = [0], sizes = [1], strides = [1]} : vector<16xi32> to vector<1xi32>
        %squeeze3A = vector.extract %slice3A[0] : i32 from vector<1xi32>
        %add3A_448 = arith.addi %while3A_417, %squeeze3A : i32
        scf.yield %add3A_448 : i32
      }
      %iota3A_367 = tpu.iota {dimensions = array<i32: 0>} : vector<16xi32>
      %while3A_368 = arith.constant 0 : i32
      %while3A_369 = arith.subi %while3A_366, %while3A_368 : i32
      %while3A_370 = arith.addi %while3A_368, %while3A_369 : i32
      %while3A_371 = arith.constant 1 : i32
      %while3A_372 = arith.divsi %while3A_369, %while3A_371 : i32
      %while3A_373 = arith.muli %while3A_372, %while3A_371 : i32
      %while3A_374 = arith.addi %while3A_368, %while3A_373 : i32
      %while3A_375 = arith.constant 1 : i32
      %while3A_376:2 = scf.for %while3A_416 = %while3A_368 to %while3A_374 step %while3A_375 iter_args(%while3A_417 = %while3A_294#0, %while3A_418 = %while3A_294#1) -> (i32, i32)  : i32 {
        %eq3A_419 = arith.constant 0 : i32
        %eq3A_420 = arith.cmpi eq, %while3A_418, %eq3A_419 : i32
        %ge3A_421 = arith.constant 1 : i32
        %ge3A_422 = arith.cmpi sge, %while3A_417, %ge3A_421 : i32
        %and3A_423 = arith.andi %eq3A_420, %ge3A_422 : i1
        %convert_element_type3A_424 = arith.extui %and3A_423 : i1 to i32
        %cond3A_425 = arith.constant 0 : i32
        %cond3A_426 = arith.cmpi ne, %convert_element_type3A_424, %cond3A_425 : i32
        scf.if %cond3A_426 {
          %dma_wait3A = arith.constant 0 : i32
          %dma_wait3A_471 = arith.constant 0 : i32
          %dma_wait3A_472 = tpu.memref_slice %arg10[%dma_wait3A, %dma_wait3A_471] : memref<16400x128xf32, #tpu.memory_space<hbm>> -> memref<16400x128xf32, #tpu.memory_space<hbm>>
          tpu.wait_indirect_dma semaphore(%arg34 : memref<!tpu.dma_semaphore, #tpu.memory_space<semaphore_mem>>) src(%arg25 : memref<16x128xf32, #tpu.memory_space<vmem>>) dst(%dma_wait3A_472 : memref<16400x128xf32, #tpu.memory_space<hbm>>)
        } else {
        }
        %get3A = arith.index_cast %while3A_416 : i32 to index
        %get3A_427 = tpu.vector_load %arg19[%get3A] {strides = array<i32>} : memref<1040xi32, #tpu.memory_space<vmem>>, vector<16xi32>,
        %slice3A = vector.extract_strided_slice %get3A_427 {offsets = [0], sizes = [1], strides = [1]} : vector<16xi32> to vector<1xi32>
        %squeeze3A = vector.extract %slice3A[0] : i32 from vector<1xi32>
        %get3A_428 = arith.index_cast %while3A_416 : i32 to index
        %get3A_429 = tpu.vector_load %arg20[%get3A_428] {strides = array<i32>} : memref<1040xi32, #tpu.memory_space<vmem>>, vector<16xi32>,
        %slice3A_430 = vector.extract_strided_slice %get3A_429 {offsets = [0], sizes = [1], strides = [1]} : vector<16xi32> to vector<1xi32>
        %squeeze3A_431 = vector.extract %slice3A_430[0] : i32 from vector<1xi32>
        %shift_right_logical3A_432 = arith.constant 7 : i32
        %shift_right_logical3A_433 = arith.shrui %squeeze3A, %shift_right_logical3A_432 : i32
        %sub3A_434 = arith.subi %shift_right_logical3A_433, %add3A_338 : i32
        %mul3A_435 = arith.constant 128 : i32
        %mul3A_436 = arith.muli %sub3A_434, %mul3A_435 : i32
        %and3A_437 = arith.constant 127 : i32
        %and3A_438 = arith.andi %squeeze3A, %and3A_437 : i32
        %add3A_439 = arith.addi %mul3A_436, %and3A_438 : i32
        %broadcast_in_dim3A = vector.broadcast %add3A_439 : i32 to vector<16xi32>
        %broadcast_in_dim3A_440 = vector.broadcast %while3A_418 : i32 to vector<16xi32>
        %add3A_441 = arith.constant 0 : i32
        %add3A_442 = vector.broadcast %add3A_441 : i32 to vector<16xi32>
        %add3A_443 = arith.addi %add3A_442, %iota3A_367 : vector<16xi32>
        %gather3A = tpu.vector_load_idx %arg23[%add3A_443, %broadcast_in_dim3A] : memref<64x512xf32, #tpu.memory_space<vmem>>[vector<16xi32>, vector<16xi32>], vector<16xf32>,
        tpu.vector_store_idx %arg25[%broadcast_in_dim3A_440, %add3A_443], %gather3A : memref<16x128xf32, #tpu.memory_space<vmem>>[vector<16xi32>, vector<16xi32>], vector<16xf32>,
        %add3A_444 = arith.constant 16 : i32
        %add3A_445 = vector.broadcast %add3A_444 : i32 to vector<16xi32>
        %add3A_446 = arith.addi %add3A_445, %iota3A_367 : vector<16xi32>
        %gather3A_447 = tpu.vector_load_idx %arg23[%add3A_446, %broadcast_in_dim3A] : memref<64x512xf32, #tpu.memory_space<vmem>>[vector<16xi32>, vector<16xi32>], vector<16xf32>,
        tpu.vector_store_idx %arg25[%broadcast_in_dim3A_440, %add3A_446], %gather3A_447 : memref<16x128xf32, #tpu.memory_space<vmem>>[vector<16xi32>, vector<16xi32>], vector<16xf32>,
        %add3A_448 = arith.constant 32 : i32
        %add3A_449 = vector.broadcast %add3A_448 : i32 to vector<16xi32>
        %add3A_450 = arith.addi %add3A_449, %iota3A_367 : vector<16xi32>
        %gather3A_451 = tpu.vector_load_idx %arg23[%add3A_450, %broadcast_in_dim3A] : memref<64x512xf32, #tpu.memory_space<vmem>>[vector<16xi32>, vector<16xi32>], vector<16xf32>,
        tpu.vector_store_idx %arg25[%broadcast_in_dim3A_440, %add3A_450], %gather3A_451 : memref<16x128xf32, #tpu.memory_space<vmem>>[vector<16xi32>, vector<16xi32>], vector<16xf32>,
        %add3A_452 = arith.constant 48 : i32
        %add3A_453 = vector.broadcast %add3A_452 : i32 to vector<16xi32>
        %add3A_454 = arith.addi %add3A_453, %iota3A_367 : vector<16xi32>
        %gather3A_455 = tpu.vector_load_idx %arg23[%add3A_454, %broadcast_in_dim3A] : memref<64x512xf32, #tpu.memory_space<vmem>>[vector<16xi32>, vector<16xi32>], vector<16xf32>,
        tpu.vector_store_idx %arg25[%broadcast_in_dim3A_440, %add3A_454], %gather3A_455 : memref<16x128xf32, #tpu.memory_space<vmem>>[vector<16xi32>, vector<16xi32>], vector<16xf32>,
        %broadcast_in_dim3A_456 = vector.broadcast %squeeze3A_431 : i32 to vector<16xi32>
        %eq3A_457 = vector.broadcast %while3A_418 : i32 to vector<16xi32>
        %eq3A_458 = arith.cmpi eq, %iota3A_367, %eq3A_457 : vector<16xi32>
        tpu.vector_store_idx %arg28[%iota3A_367], %broadcast_in_dim3A_456 masked %eq3A_458 : memref<16xi32, #tpu.memory_space<vmem>>[vector<16xi32>], vector<16xi32>, vector<16xi1>
        %eq3A_459 = arith.constant 15 : i32
        %eq3A_460 = arith.cmpi eq, %while3A_418, %eq3A_459 : i32
        %convert_element_type3A_461 = arith.extui %eq3A_460 : i1 to i32
        %cond3A_462 = arith.constant 0 : i32
        %cond3A_463 = arith.cmpi ne, %convert_element_type3A_461, %cond3A_462 : i32
        scf.if %cond3A_463 {
          %dma_start3A = arith.constant 0 : i32
          %dma_start3A_471 = arith.constant 0 : i32
          %dma_start3A_472 = tpu.memref_slice %arg10[%dma_start3A, %dma_start3A_471] : memref<16400x128xf32, #tpu.memory_space<hbm>> -> memref<16400x128xf32, #tpu.memory_space<hbm>>
          tpu.enqueue_indirect_dma source(%arg25 : memref<16x128xf32, #tpu.memory_space<vmem>>) target(%dma_start3A_472 : memref<16400x128xf32, #tpu.memory_space<hbm>>) offsets(%arg28 : memref<16xi32, #tpu.memory_space<vmem>>) semaphore(%arg34 : memref<!tpu.dma_semaphore, #tpu.memory_space<semaphore_mem>>)
        } else {
        }
        %eq3A_464 = arith.constant 15 : i32
        %eq3A_465 = arith.cmpi eq, %while3A_418, %eq3A_464 : i32
        %add3A_466 = arith.constant 1 : i32
        %add3A_467 = arith.addi %while3A_417, %add3A_466 : i32
        %select_n3A = arith.select %eq3A_465, %add3A_467, %while3A_417 : i32
        %add3A_468 = arith.constant 1 : i32
        %add3A_469 = arith.addi %while3A_418, %add3A_468 : i32
        %jit3A = arith.constant 0 : i32
        %select_n3A_470 = arith.select %eq3A_465, %jit3A, %add3A_469 : i32
        scf.yield %select_n3A, %select_n3A_470 : i32, i32
      }
      %while3A_377 = arith.constant 1 : i32
      %while3A_378:2 = scf.for %while3A_416 = %while3A_374 to %while3A_370 step %while3A_377 iter_args(%while3A_417 = %while3A_376#0, %while3A_418 = %while3A_376#1) -> (i32, i32)  : i32 {
        %eq3A_419 = arith.constant 0 : i32
        %eq3A_420 = arith.cmpi eq, %while3A_418, %eq3A_419 : i32
        %ge3A_421 = arith.constant 1 : i32
        %ge3A_422 = arith.cmpi sge, %while3A_417, %ge3A_421 : i32
        %and3A_423 = arith.andi %eq3A_420, %ge3A_422 : i1
        %convert_element_type3A_424 = arith.extui %and3A_423 : i1 to i32
        %cond3A_425 = arith.constant 0 : i32
        %cond3A_426 = arith.cmpi ne, %convert_element_type3A_424, %cond3A_425 : i32
        scf.if %cond3A_426 {
          %dma_wait3A = arith.constant 0 : i32
          %dma_wait3A_471 = arith.constant 0 : i32
          %dma_wait3A_472 = tpu.memref_slice %arg10[%dma_wait3A, %dma_wait3A_471] : memref<16400x128xf32, #tpu.memory_space<hbm>> -> memref<16400x128xf32, #tpu.memory_space<hbm>>
          tpu.wait_indirect_dma semaphore(%arg34 : memref<!tpu.dma_semaphore, #tpu.memory_space<semaphore_mem>>) src(%arg25 : memref<16x128xf32, #tpu.memory_space<vmem>>) dst(%dma_wait3A_472 : memref<16400x128xf32, #tpu.memory_space<hbm>>)
        } else {
        }
        %get3A = arith.index_cast %while3A_416 : i32 to index
        %get3A_427 = tpu.vector_load %arg19[%get3A] {strides = array<i32>} : memref<1040xi32, #tpu.memory_space<vmem>>, vector<16xi32>,
        %slice3A = vector.extract_strided_slice %get3A_427 {offsets = [0], sizes = [1], strides = [1]} : vector<16xi32> to vector<1xi32>
        %squeeze3A = vector.extract %slice3A[0] : i32 from vector<1xi32>
        %get3A_428 = arith.index_cast %while3A_416 : i32 to index
        %get3A_429 = tpu.vector_load %arg20[%get3A_428] {strides = array<i32>} : memref<1040xi32, #tpu.memory_space<vmem>>, vector<16xi32>,
        %slice3A_430 = vector.extract_strided_slice %get3A_429 {offsets = [0], sizes = [1], strides = [1]} : vector<16xi32> to vector<1xi32>
        %squeeze3A_431 = vector.extract %slice3A_430[0] : i32 from vector<1xi32>
        %shift_right_logical3A_432 = arith.constant 7 : i32
        %shift_right_logical3A_433 = arith.shrui %squeeze3A, %shift_right_logical3A_432 : i32
        %sub3A_434 = arith.subi %shift_right_logical3A_433, %add3A_338 : i32
        %mul3A_435 = arith.constant 128 : i32
        %mul3A_436 = arith.muli %sub3A_434, %mul3A_435 : i32
        %and3A_437 = arith.constant 127 : i32
        %and3A_438 = arith.andi %squeeze3A, %and3A_437 : i32
        %add3A_439 = arith.addi %mul3A_436, %and3A_438 : i32
        %broadcast_in_dim3A = vector.broadcast %add3A_439 : i32 to vector<16xi32>
        %broadcast_in_dim3A_440 = vector.broadcast %while3A_418 : i32 to vector<16xi32>
        %add3A_441 = arith.constant 0 : i32
        %add3A_442 = vector.broadcast %add3A_441 : i32 to vector<16xi32>
        %add3A_443 = arith.addi %add3A_442, %iota3A_367 : vector<16xi32>
        %gather3A = tpu.vector_load_idx %arg23[%add3A_443, %broadcast_in_dim3A] : memref<64x512xf32, #tpu.memory_space<vmem>>[vector<16xi32>, vector<16xi32>], vector<16xf32>,
        tpu.vector_store_idx %arg25[%broadcast_in_dim3A_440, %add3A_443], %gather3A : memref<16x128xf32, #tpu.memory_space<vmem>>[vector<16xi32>, vector<16xi32>], vector<16xf32>,
        %add3A_444 = arith.constant 16 : i32
        %add3A_445 = vector.broadcast %add3A_444 : i32 to vector<16xi32>
        %add3A_446 = arith.addi %add3A_445, %iota3A_367 : vector<16xi32>
        %gather3A_447 = tpu.vector_load_idx %arg23[%add3A_446, %broadcast_in_dim3A] : memref<64x512xf32, #tpu.memory_space<vmem>>[vector<16xi32>, vector<16xi32>], vector<16xf32>,
        tpu.vector_store_idx %arg25[%broadcast_in_dim3A_440, %add3A_446], %gather3A_447 : memref<16x128xf32, #tpu.memory_space<vmem>>[vector<16xi32>, vector<16xi32>], vector<16xf32>,
        %add3A_448 = arith.constant 32 : i32
        %add3A_449 = vector.broadcast %add3A_448 : i32 to vector<16xi32>
        %add3A_450 = arith.addi %add3A_449, %iota3A_367 : vector<16xi32>
        %gather3A_451 = tpu.vector_load_idx %arg23[%add3A_450, %broadcast_in_dim3A] : memref<64x512xf32, #tpu.memory_space<vmem>>[vector<16xi32>, vector<16xi32>], vector<16xf32>,
        tpu.vector_store_idx %arg25[%broadcast_in_dim3A_440, %add3A_450], %gather3A_451 : memref<16x128xf32, #tpu.memory_space<vmem>>[vector<16xi32>, vector<16xi32>], vector<16xf32>,
        %add3A_452 = arith.constant 48 : i32
        %add3A_453 = vector.broadcast %add3A_452 : i32 to vector<16xi32>
        %add3A_454 = arith.addi %add3A_453, %iota3A_367 : vector<16xi32>
        %gather3A_455 = tpu.vector_load_idx %arg23[%add3A_454, %broadcast_in_dim3A] : memref<64x512xf32, #tpu.memory_space<vmem>>[vector<16xi32>, vector<16xi32>], vector<16xf32>,
        tpu.vector_store_idx %arg25[%broadcast_in_dim3A_440, %add3A_454], %gather3A_455 : memref<16x128xf32, #tpu.memory_space<vmem>>[vector<16xi32>, vector<16xi32>], vector<16xf32>,
        %broadcast_in_dim3A_456 = vector.broadcast %squeeze3A_431 : i32 to vector<16xi32>
        %eq3A_457 = vector.broadcast %while3A_418 : i32 to vector<16xi32>
        %eq3A_458 = arith.cmpi eq, %iota3A_367, %eq3A_457 : vector<16xi32>
        tpu.vector_store_idx %arg28[%iota3A_367], %broadcast_in_dim3A_456 masked %eq3A_458 : memref<16xi32, #tpu.memory_space<vmem>>[vector<16xi32>], vector<16xi32>, vector<16xi1>
        %eq3A_459 = arith.constant 15 : i32
        %eq3A_460 = arith.cmpi eq, %while3A_418, %eq3A_459 : i32
        %convert_element_type3A_461 = arith.extui %eq3A_460 : i1 to i32
        %cond3A_462 = arith.constant 0 : i32
        %cond3A_463 = arith.cmpi ne, %convert_element_type3A_461, %cond3A_462 : i32
        scf.if %cond3A_463 {
          %dma_start3A = arith.constant 0 : i32
          %dma_start3A_471 = arith.constant 0 : i32
          %dma_start3A_472 = tpu.memref_slice %arg10[%dma_start3A, %dma_start3A_471] : memref<16400x128xf32, #tpu.memory_space<hbm>> -> memref<16400x128xf32, #tpu.memory_space<hbm>>
          tpu.enqueue_indirect_dma source(%arg25 : memref<16x128xf32, #tpu.memory_space<vmem>>) target(%dma_start3A_472 : memref<16400x128xf32, #tpu.memory_space<hbm>>) offsets(%arg28 : memref<16xi32, #tpu.memory_space<vmem>>) semaphore(%arg34 : memref<!tpu.dma_semaphore, #tpu.memory_space<semaphore_mem>>)
        } else {
        }
        %eq3A_464 = arith.constant 15 : i32
        %eq3A_465 = arith.cmpi eq, %while3A_418, %eq3A_464 : i32
        %add3A_466 = arith.constant 1 : i32
        %add3A_467 = arith.addi %while3A_417, %add3A_466 : i32
        %select_n3A = arith.select %eq3A_465, %add3A_467, %while3A_417 : i32
        %add3A_468 = arith.constant 1 : i32
        %add3A_469 = arith.addi %while3A_418, %add3A_468 : i32
        %jit3A = arith.constant 0 : i32
        %select_n3A_470 = arith.select %eq3A_465, %jit3A, %add3A_469 : i32
        scf.yield %select_n3A, %select_n3A_470 : i32, i32
      }
      %add3A_379 = arith.constant 16 : i32
      %add3A_380 = arith.addi %scan3A_71, %add3A_379 : i32
      %sub3A_381 = arith.constant 1 : i32
      %sub3A_382 = arith.subi %add3A_380, %sub3A_381 : i32
      %shift_right_logical3A_383 = arith.constant 4 : i32
      %shift_right_logical3A_384 = arith.shrui %sub3A_382, %shift_right_logical3A_383 : i32
      %while3A_385 = arith.constant 0 : i32
      %while3A_386 = arith.constant 0 : i32
      %while3A_387 = arith.subi %shift_right_logical3A_384, %while3A_385 : i32
      %while3A_388 = arith.addi %while3A_385, %while3A_387 : i32
      %while3A_389 = arith.constant 1 : i32
      %while3A_390 = arith.divsi %while3A_387, %while3A_389 : i32
      %while3A_391 = arith.muli %while3A_390, %while3A_389 : i32
      %while3A_392 = arith.addi %while3A_385, %while3A_391 : i32
      %while3A_393 = arith.constant 1 : i32
      %while3A_394 = scf.for %while3A_416 = %while3A_385 to %while3A_392 step %while3A_393 iter_args(%while3A_417 = %while3A_386) -> (i32)  : i32 {
        %mul3A_418 = arith.constant 16 : i32
        %mul3A_419 = arith.muli %while3A_416, %mul3A_418 : i32
        %get3A = arith.index_cast %mul3A_419 : i32 to index
        %get3A_420 = tpu.vector_load %arg17[%get3A] {strides = array<i32>} : memref<1040xi32, #tpu.memory_space<vmem>>, vector<16xi32>,
        %mul3A_421 = arith.constant 16 : i32
        %mul3A_422 = arith.muli %while3A_416, %mul3A_421 : i32
        %get3A_423 = arith.index_cast %mul3A_422 : i32 to index
        %get3A_424 = tpu.vector_load %arg18[%get3A_423] {strides = array<i32>} : memref<1040xi32, #tpu.memory_space<vmem>>, vector<16xi32>,
        %mul3A_425 = arith.constant 16 : i32
        %mul3A_426 = arith.muli %while3A_416, %mul3A_425 : i32
        %iota3A_427 = tpu.iota {dimensions = array<i32: 0>} : vector<16xi32>
        %add3A_428 = vector.broadcast %mul3A_426 : i32 to vector<16xi32>
        %add3A_429 = arith.addi %add3A_428, %iota3A_427 : vector<16xi32>
        %lt3A_430 = vector.broadcast %scan3A_71 : i32 to vector<16xi32>
        %lt3A_431 = arith.cmpi slt, %add3A_429, %lt3A_430 : vector<16xi32>
        %shift_right_logical3A_432 = arith.constant 7 : i32
        %shift_right_logical3A_433 = vector.broadcast %shift_right_logical3A_432 : i32 to vector<16xi32>
        %shift_right_logical3A_434 = arith.shrui %get3A_420, %shift_right_logical3A_433 : vector<16xi32>
        %sub3A_435 = vector.broadcast %add3A_338 : i32 to vector<16xi32>
        %sub3A_436 = arith.subi %shift_right_logical3A_434, %sub3A_435 : vector<16xi32>
        %ge3A_437 = arith.constant 0 : i32
        %ge3A_438 = vector.broadcast %ge3A_437 : i32 to vector<16xi32>
        %ge3A_439 = arith.cmpi sge, %sub3A_436, %ge3A_438 : vector<16xi32>
        %and3A_440 = arith.andi %lt3A_431, %ge3A_439 : vector<16xi1>
        %lt3A_441 = arith.constant 4 : i32
        %lt3A_442 = vector.broadcast %lt3A_441 : i32 to vector<16xi32>
        %lt3A_443 = arith.cmpi slt, %sub3A_436, %lt3A_442 : vector<16xi32>
        %and3A_444 = arith.andi %and3A_440, %lt3A_443 : vector<16xi1>
        %swap3A = arith.index_cast %while3A_417 : i32 to index
        %swap3A_445 = tpu.vector_load %arg19[%swap3A] masked %and3A_444 {strides = array<i32>} : memref<1040xi32, #tpu.memory_space<vmem>>, vector<16xi32>, vector<16xi1>
        tpu.vector_store %arg19[%swap3A], %get3A_420 masked %and3A_444 {strides = array<i32>} : memref<1040xi32, #tpu.memory_space<vmem>>, vector<16xi32>, vector<16xi1>
        %swap3A_446 = arith.index_cast %while3A_417 : i32 to index
        %swap3A_447 = tpu.vector_load %arg20[%swap3A_446] masked %and3A_444 {strides = array<i32>} : memref<1040xi32, #tpu.memory_space<vmem>>, vector<16xi32>, vector<16xi1>
        tpu.vector_store %arg20[%swap3A_446], %get3A_424 masked %and3A_444 {strides = array<i32>} : memref<1040xi32, #tpu.memory_space<vmem>>, vector<16xi32>, vector<16xi1>
        %all_reduce_population_count3A = tpu.all_reduce %and3A_444 {dim = 0 : i64, kind = #tpu.reduction_kind<sum>} : vector<16xi1> -> vector<16xi32>
        %slice3A = vector.extract_strided_slice %all_reduce_population_count3A {offsets = [0], sizes = [1], strides = [1]} : vector<16xi32> to vector<1xi32>
        %squeeze3A = vector.extract %slice3A[0] : i32 from vector<1xi32>
        %add3A_448 = arith.addi %while3A_417, %squeeze3A : i32
        scf.yield %add3A_448 : i32
      }
      %while3A_395 = arith.constant 1 : i32
      %while3A_396 = scf.for %while3A_416 = %while3A_392 to %while3A_388 step %while3A_395 iter_args(%while3A_417 = %while3A_394) -> (i32)  : i32 {
        %mul3A_418 = arith.constant 16 : i32
        %mul3A_419 = arith.muli %while3A_416, %mul3A_418 : i32
        %get3A = arith.index_cast %mul3A_419 : i32 to index
        %get3A_420 = tpu.vector_load %arg17[%get3A] {strides = array<i32>} : memref<1040xi32, #tpu.memory_space<vmem>>, vector<16xi32>,
        %mul3A_421 = arith.constant 16 : i32
        %mul3A_422 = arith.muli %while3A_416, %mul3A_421 : i32
        %get3A_423 = arith.index_cast %mul3A_422 : i32 to index
        %get3A_424 = tpu.vector_load %arg18[%get3A_423] {strides = array<i32>} : memref<1040xi32, #tpu.memory_space<vmem>>, vector<16xi32>,
        %mul3A_425 = arith.constant 16 : i32
        %mul3A_426 = arith.muli %while3A_416, %mul3A_425 : i32
        %iota3A_427 = tpu.iota {dimensions = array<i32: 0>} : vector<16xi32>
        %add3A_428 = vector.broadcast %mul3A_426 : i32 to vector<16xi32>
        %add3A_429 = arith.addi %add3A_428, %iota3A_427 : vector<16xi32>
        %lt3A_430 = vector.broadcast %scan3A_71 : i32 to vector<16xi32>
        %lt3A_431 = arith.cmpi slt, %add3A_429, %lt3A_430 : vector<16xi32>
        %shift_right_logical3A_432 = arith.constant 7 : i32
        %shift_right_logical3A_433 = vector.broadcast %shift_right_logical3A_432 : i32 to vector<16xi32>
        %shift_right_logical3A_434 = arith.shrui %get3A_420, %shift_right_logical3A_433 : vector<16xi32>
        %sub3A_435 = vector.broadcast %add3A_338 : i32 to vector<16xi32>
        %sub3A_436 = arith.subi %shift_right_logical3A_434, %sub3A_435 : vector<16xi32>
        %ge3A_437 = arith.constant 0 : i32
        %ge3A_438 = vector.broadcast %ge3A_437 : i32 to vector<16xi32>
        %ge3A_439 = arith.cmpi sge, %sub3A_436, %ge3A_438 : vector<16xi32>
        %and3A_440 = arith.andi %lt3A_431, %ge3A_439 : vector<16xi1>
        %lt3A_441 = arith.constant 4 : i32
        %lt3A_442 = vector.broadcast %lt3A_441 : i32 to vector<16xi32>
        %lt3A_443 = arith.cmpi slt, %sub3A_436, %lt3A_442 : vector<16xi32>
        %and3A_444 = arith.andi %and3A_440, %lt3A_443 : vector<16xi1>
        %swap3A = arith.index_cast %while3A_417 : i32 to index
        %swap3A_445 = tpu.vector_load %arg19[%swap3A] masked %and3A_444 {strides = array<i32>} : memref<1040xi32, #tpu.memory_space<vmem>>, vector<16xi32>, vector<16xi1>
        tpu.vector_store %arg19[%swap3A], %get3A_420 masked %and3A_444 {strides = array<i32>} : memref<1040xi32, #tpu.memory_space<vmem>>, vector<16xi32>, vector<16xi1>
        %swap3A_446 = arith.index_cast %while3A_417 : i32 to index
        %swap3A_447 = tpu.vector_load %arg20[%swap3A_446] masked %and3A_444 {strides = array<i32>} : memref<1040xi32, #tpu.memory_space<vmem>>, vector<16xi32>, vector<16xi1>
        tpu.vector_store %arg20[%swap3A_446], %get3A_424 masked %and3A_444 {strides = array<i32>} : memref<1040xi32, #tpu.memory_space<vmem>>, vector<16xi32>, vector<16xi1>
        %all_reduce_population_count3A = tpu.all_reduce %and3A_444 {dim = 0 : i64, kind = #tpu.reduction_kind<sum>} : vector<16xi1> -> vector<16xi32>
        %slice3A = vector.extract_strided_slice %all_reduce_population_count3A {offsets = [0], sizes = [1], strides = [1]} : vector<16xi32> to vector<1xi32>
        %squeeze3A = vector.extract %slice3A[0] : i32 from vector<1xi32>
        %add3A_448 = arith.addi %while3A_417, %squeeze3A : i32
        scf.yield %add3A_448 : i32
      }
      %iota3A_397 = tpu.iota {dimensions = array<i32: 0>} : vector<16xi32>
      %while3A_398 = arith.constant 0 : i32
      %while3A_399 = arith.subi %while3A_396, %while3A_398 : i32
      %while3A_400 = arith.addi %while3A_398, %while3A_399 : i32
      %while3A_401 = arith.constant 1 : i32
      %while3A_402 = arith.divsi %while3A_399, %while3A_401 : i32
      %while3A_403 = arith.muli %while3A_402, %while3A_401 : i32
      %while3A_404 = arith.addi %while3A_398, %while3A_403 : i32
      %while3A_405 = arith.constant 1 : i32
      %while3A_406:2 = scf.for %while3A_416 = %while3A_398 to %while3A_404 step %while3A_405 iter_args(%while3A_417 = %while3A_324#0, %while3A_418 = %while3A_324#1) -> (i32, i32)  : i32 {
        %eq3A_419 = arith.constant 0 : i32
        %eq3A_420 = arith.cmpi eq, %while3A_418, %eq3A_419 : i32
        %ge3A_421 = arith.constant 1 : i32
        %ge3A_422 = arith.cmpi sge, %while3A_417, %ge3A_421 : i32
        %and3A_423 = arith.andi %eq3A_420, %ge3A_422 : i1
        %convert_element_type3A_424 = arith.extui %and3A_423 : i1 to i32
        %cond3A_425 = arith.constant 0 : i32
        %cond3A_426 = arith.cmpi ne, %convert_element_type3A_424, %cond3A_425 : i32
        scf.if %cond3A_426 {
          %dma_wait3A = arith.constant 0 : i32
          %dma_wait3A_471 = arith.constant 0 : i32
          %dma_wait3A_472 = tpu.memref_slice %arg11[%dma_wait3A, %dma_wait3A_471] : memref<16400x128xf32, #tpu.memory_space<hbm>> -> memref<16400x128xf32, #tpu.memory_space<hbm>>
          tpu.wait_indirect_dma semaphore(%arg35 : memref<!tpu.dma_semaphore, #tpu.memory_space<semaphore_mem>>) src(%arg26 : memref<16x128xf32, #tpu.memory_space<vmem>>) dst(%dma_wait3A_472 : memref<16400x128xf32, #tpu.memory_space<hbm>>)
        } else {
        }
        %get3A = arith.index_cast %while3A_416 : i32 to index
        %get3A_427 = tpu.vector_load %arg19[%get3A] {strides = array<i32>} : memref<1040xi32, #tpu.memory_space<vmem>>, vector<16xi32>,
        %slice3A = vector.extract_strided_slice %get3A_427 {offsets = [0], sizes = [1], strides = [1]} : vector<16xi32> to vector<1xi32>
        %squeeze3A = vector.extract %slice3A[0] : i32 from vector<1xi32>
        %get3A_428 = arith.index_cast %while3A_416 : i32 to index
        %get3A_429 = tpu.vector_load %arg20[%get3A_428] {strides = array<i32>} : memref<1040xi32, #tpu.memory_space<vmem>>, vector<16xi32>,
        %slice3A_430 = vector.extract_strided_slice %get3A_429 {offsets = [0], sizes = [1], strides = [1]} : vector<16xi32> to vector<1xi32>
        %squeeze3A_431 = vector.extract %slice3A_430[0] : i32 from vector<1xi32>
        %shift_right_logical3A_432 = arith.constant 7 : i32
        %shift_right_logical3A_433 = arith.shrui %squeeze3A, %shift_right_logical3A_432 : i32
        %sub3A_434 = arith.subi %shift_right_logical3A_433, %add3A_338 : i32
        %mul3A_435 = arith.constant 128 : i32
        %mul3A_436 = arith.muli %sub3A_434, %mul3A_435 : i32
        %and3A_437 = arith.constant 127 : i32
        %and3A_438 = arith.andi %squeeze3A, %and3A_437 : i32
        %add3A_439 = arith.addi %mul3A_436, %and3A_438 : i32
        %broadcast_in_dim3A = vector.broadcast %add3A_439 : i32 to vector<16xi32>
        %broadcast_in_dim3A_440 = vector.broadcast %while3A_418 : i32 to vector<16xi32>
        %add3A_441 = arith.constant 0 : i32
        %add3A_442 = vector.broadcast %add3A_441 : i32 to vector<16xi32>
        %add3A_443 = arith.addi %add3A_442, %iota3A_397 : vector<16xi32>
        %gather3A = tpu.vector_load_idx %arg23[%add3A_443, %broadcast_in_dim3A] : memref<64x512xf32, #tpu.memory_space<vmem>>[vector<16xi32>, vector<16xi32>], vector<16xf32>,
        tpu.vector_store_idx %arg26[%broadcast_in_dim3A_440, %add3A_443], %gather3A : memref<16x128xf32, #tpu.memory_space<vmem>>[vector<16xi32>, vector<16xi32>], vector<16xf32>,
        %add3A_444 = arith.constant 16 : i32
        %add3A_445 = vector.broadcast %add3A_444 : i32 to vector<16xi32>
        %add3A_446 = arith.addi %add3A_445, %iota3A_397 : vector<16xi32>
        %gather3A_447 = tpu.vector_load_idx %arg23[%add3A_446, %broadcast_in_dim3A] : memref<64x512xf32, #tpu.memory_space<vmem>>[vector<16xi32>, vector<16xi32>], vector<16xf32>,
        tpu.vector_store_idx %arg26[%broadcast_in_dim3A_440, %add3A_446], %gather3A_447 : memref<16x128xf32, #tpu.memory_space<vmem>>[vector<16xi32>, vector<16xi32>], vector<16xf32>,
        %add3A_448 = arith.constant 32 : i32
        %add3A_449 = vector.broadcast %add3A_448 : i32 to vector<16xi32>
        %add3A_450 = arith.addi %add3A_449, %iota3A_397 : vector<16xi32>
        %gather3A_451 = tpu.vector_load_idx %arg23[%add3A_450, %broadcast_in_dim3A] : memref<64x512xf32, #tpu.memory_space<vmem>>[vector<16xi32>, vector<16xi32>], vector<16xf32>,
        tpu.vector_store_idx %arg26[%broadcast_in_dim3A_440, %add3A_450], %gather3A_451 : memref<16x128xf32, #tpu.memory_space<vmem>>[vector<16xi32>, vector<16xi32>], vector<16xf32>,
        %add3A_452 = arith.constant 48 : i32
        %add3A_453 = vector.broadcast %add3A_452 : i32 to vector<16xi32>
        %add3A_454 = arith.addi %add3A_453, %iota3A_397 : vector<16xi32>
        %gather3A_455 = tpu.vector_load_idx %arg23[%add3A_454, %broadcast_in_dim3A] : memref<64x512xf32, #tpu.memory_space<vmem>>[vector<16xi32>, vector<16xi32>], vector<16xf32>,
        tpu.vector_store_idx %arg26[%broadcast_in_dim3A_440, %add3A_454], %gather3A_455 : memref<16x128xf32, #tpu.memory_space<vmem>>[vector<16xi32>, vector<16xi32>], vector<16xf32>,
        %broadcast_in_dim3A_456 = vector.broadcast %squeeze3A_431 : i32 to vector<16xi32>
        %eq3A_457 = vector.broadcast %while3A_418 : i32 to vector<16xi32>
        %eq3A_458 = arith.cmpi eq, %iota3A_397, %eq3A_457 : vector<16xi32>
        tpu.vector_store_idx %arg29[%iota3A_397], %broadcast_in_dim3A_456 masked %eq3A_458 : memref<16xi32, #tpu.memory_space<vmem>>[vector<16xi32>], vector<16xi32>, vector<16xi1>
        %eq3A_459 = arith.constant 15 : i32
        %eq3A_460 = arith.cmpi eq, %while3A_418, %eq3A_459 : i32
        %convert_element_type3A_461 = arith.extui %eq3A_460 : i1 to i32
        %cond3A_462 = arith.constant 0 : i32
        %cond3A_463 = arith.cmpi ne, %convert_element_type3A_461, %cond3A_462 : i32
        scf.if %cond3A_463 {
          %dma_start3A = arith.constant 0 : i32
          %dma_start3A_471 = arith.constant 0 : i32
          %dma_start3A_472 = tpu.memref_slice %arg11[%dma_start3A, %dma_start3A_471] : memref<16400x128xf32, #tpu.memory_space<hbm>> -> memref<16400x128xf32, #tpu.memory_space<hbm>>
          tpu.enqueue_indirect_dma source(%arg26 : memref<16x128xf32, #tpu.memory_space<vmem>>) target(%dma_start3A_472 : memref<16400x128xf32, #tpu.memory_space<hbm>>) offsets(%arg29 : memref<16xi32, #tpu.memory_space<vmem>>) semaphore(%arg35 : memref<!tpu.dma_semaphore, #tpu.memory_space<semaphore_mem>>)
        } else {
        }
        %eq3A_464 = arith.constant 15 : i32
        %eq3A_465 = arith.cmpi eq, %while3A_418, %eq3A_464 : i32
        %add3A_466 = arith.constant 1 : i32
        %add3A_467 = arith.addi %while3A_417, %add3A_466 : i32
        %select_n3A = arith.select %eq3A_465, %add3A_467, %while3A_417 : i32
        %add3A_468 = arith.constant 1 : i32
        %add3A_469 = arith.addi %while3A_418, %add3A_468 : i32
        %jit3A = arith.constant 0 : i32
        %select_n3A_470 = arith.select %eq3A_465, %jit3A, %add3A_469 : i32
        scf.yield %select_n3A, %select_n3A_470 : i32, i32
      }
      %while3A_407 = arith.constant 1 : i32
      %while3A_408:2 = scf.for %while3A_416 = %while3A_404 to %while3A_400 step %while3A_407 iter_args(%while3A_417 = %while3A_406#0, %while3A_418 = %while3A_406#1) -> (i32, i32)  : i32 {
        %eq3A_419 = arith.constant 0 : i32
        %eq3A_420 = arith.cmpi eq, %while3A_418, %eq3A_419 : i32
        %ge3A_421 = arith.constant 1 : i32
        %ge3A_422 = arith.cmpi sge, %while3A_417, %ge3A_421 : i32
        %and3A_423 = arith.andi %eq3A_420, %ge3A_422 : i1
        %convert_element_type3A_424 = arith.extui %and3A_423 : i1 to i32
        %cond3A_425 = arith.constant 0 : i32
        %cond3A_426 = arith.cmpi ne, %convert_element_type3A_424, %cond3A_425 : i32
        scf.if %cond3A_426 {
          %dma_wait3A = arith.constant 0 : i32
          %dma_wait3A_471 = arith.constant 0 : i32
          %dma_wait3A_472 = tpu.memref_slice %arg11[%dma_wait3A, %dma_wait3A_471] : memref<16400x128xf32, #tpu.memory_space<hbm>> -> memref<16400x128xf32, #tpu.memory_space<hbm>>
          tpu.wait_indirect_dma semaphore(%arg35 : memref<!tpu.dma_semaphore, #tpu.memory_space<semaphore_mem>>) src(%arg26 : memref<16x128xf32, #tpu.memory_space<vmem>>) dst(%dma_wait3A_472 : memref<16400x128xf32, #tpu.memory_space<hbm>>)
        } else {
        }
        %get3A = arith.index_cast %while3A_416 : i32 to index
        %get3A_427 = tpu.vector_load %arg19[%get3A] {strides = array<i32>} : memref<1040xi32, #tpu.memory_space<vmem>>, vector<16xi32>,
        %slice3A = vector.extract_strided_slice %get3A_427 {offsets = [0], sizes = [1], strides = [1]} : vector<16xi32> to vector<1xi32>
        %squeeze3A = vector.extract %slice3A[0] : i32 from vector<1xi32>
        %get3A_428 = arith.index_cast %while3A_416 : i32 to index
        %get3A_429 = tpu.vector_load %arg20[%get3A_428] {strides = array<i32>} : memref<1040xi32, #tpu.memory_space<vmem>>, vector<16xi32>,
        %slice3A_430 = vector.extract_strided_slice %get3A_429 {offsets = [0], sizes = [1], strides = [1]} : vector<16xi32> to vector<1xi32>
        %squeeze3A_431 = vector.extract %slice3A_430[0] : i32 from vector<1xi32>
        %shift_right_logical3A_432 = arith.constant 7 : i32
        %shift_right_logical3A_433 = arith.shrui %squeeze3A, %shift_right_logical3A_432 : i32
        %sub3A_434 = arith.subi %shift_right_logical3A_433, %add3A_338 : i32
        %mul3A_435 = arith.constant 128 : i32
        %mul3A_436 = arith.muli %sub3A_434, %mul3A_435 : i32
        %and3A_437 = arith.constant 127 : i32
        %and3A_438 = arith.andi %squeeze3A, %and3A_437 : i32
        %add3A_439 = arith.addi %mul3A_436, %and3A_438 : i32
        %broadcast_in_dim3A = vector.broadcast %add3A_439 : i32 to vector<16xi32>
        %broadcast_in_dim3A_440 = vector.broadcast %while3A_418 : i32 to vector<16xi32>
        %add3A_441 = arith.constant 0 : i32
        %add3A_442 = vector.broadcast %add3A_441 : i32 to vector<16xi32>
        %add3A_443 = arith.addi %add3A_442, %iota3A_397 : vector<16xi32>
        %gather3A = tpu.vector_load_idx %arg23[%add3A_443, %broadcast_in_dim3A] : memref<64x512xf32, #tpu.memory_space<vmem>>[vector<16xi32>, vector<16xi32>], vector<16xf32>,
        tpu.vector_store_idx %arg26[%broadcast_in_dim3A_440, %add3A_443], %gather3A : memref<16x128xf32, #tpu.memory_space<vmem>>[vector<16xi32>, vector<16xi32>], vector<16xf32>,
        %add3A_444 = arith.constant 16 : i32
        %add3A_445 = vector.broadcast %add3A_444 : i32 to vector<16xi32>
        %add3A_446 = arith.addi %add3A_445, %iota3A_397 : vector<16xi32>
        %gather3A_447 = tpu.vector_load_idx %arg23[%add3A_446, %broadcast_in_dim3A] : memref<64x512xf32, #tpu.memory_space<vmem>>[vector<16xi32>, vector<16xi32>], vector<16xf32>,
        tpu.vector_store_idx %arg26[%broadcast_in_dim3A_440, %add3A_446], %gather3A_447 : memref<16x128xf32, #tpu.memory_space<vmem>>[vector<16xi32>, vector<16xi32>], vector<16xf32>,
        %add3A_448 = arith.constant 32 : i32
        %add3A_449 = vector.broadcast %add3A_448 : i32 to vector<16xi32>
        %add3A_450 = arith.addi %add3A_449, %iota3A_397 : vector<16xi32>
        %gather3A_451 = tpu.vector_load_idx %arg23[%add3A_450, %broadcast_in_dim3A] : memref<64x512xf32, #tpu.memory_space<vmem>>[vector<16xi32>, vector<16xi32>], vector<16xf32>,
        tpu.vector_store_idx %arg26[%broadcast_in_dim3A_440, %add3A_450], %gather3A_451 : memref<16x128xf32, #tpu.memory_space<vmem>>[vector<16xi32>, vector<16xi32>], vector<16xf32>,
        %add3A_452 = arith.constant 48 : i32
        %add3A_453 = vector.broadcast %add3A_452 : i32 to vector<16xi32>
        %add3A_454 = arith.addi %add3A_453, %iota3A_397 : vector<16xi32>
        %gather3A_455 = tpu.vector_load_idx %arg23[%add3A_454, %broadcast_in_dim3A] : memref<64x512xf32, #tpu.memory_space<vmem>>[vector<16xi32>, vector<16xi32>], vector<16xf32>,
        tpu.vector_store_idx %arg26[%broadcast_in_dim3A_440, %add3A_454], %gather3A_455 : memref<16x128xf32, #tpu.memory_space<vmem>>[vector<16xi32>, vector<16xi32>], vector<16xf32>,
        %broadcast_in_dim3A_456 = vector.broadcast %squeeze3A_431 : i32 to vector<16xi32>
        %eq3A_457 = vector.broadcast %while3A_418 : i32 to vector<16xi32>
        %eq3A_458 = arith.cmpi eq, %iota3A_397, %eq3A_457 : vector<16xi32>
        tpu.vector_store_idx %arg29[%iota3A_397], %broadcast_in_dim3A_456 masked %eq3A_458 : memref<16xi32, #tpu.memory_space<vmem>>[vector<16xi32>], vector<16xi32>, vector<16xi1>
        %eq3A_459 = arith.constant 15 : i32
        %eq3A_460 = arith.cmpi eq, %while3A_418, %eq3A_459 : i32
        %convert_element_type3A_461 = arith.extui %eq3A_460 : i1 to i32
        %cond3A_462 = arith.constant 0 : i32
        %cond3A_463 = arith.cmpi ne, %convert_element_type3A_461, %cond3A_462 : i32
        scf.if %cond3A_463 {
          %dma_start3A = arith.constant 0 : i32
          %dma_start3A_471 = arith.constant 0 : i32
          %dma_start3A_472 = tpu.memref_slice %arg11[%dma_start3A, %dma_start3A_471] : memref<16400x128xf32, #tpu.memory_space<hbm>> -> memref<16400x128xf32, #tpu.memory_space<hbm>>
          tpu.enqueue_indirect_dma source(%arg26 : memref<16x128xf32, #tpu.memory_space<vmem>>) target(%dma_start3A_472 : memref<16400x128xf32, #tpu.memory_space<hbm>>) offsets(%arg29 : memref<16xi32, #tpu.memory_space<vmem>>) semaphore(%arg35 : memref<!tpu.dma_semaphore, #tpu.memory_space<semaphore_mem>>)
        } else {
        }
        %eq3A_464 = arith.constant 15 : i32
        %eq3A_465 = arith.cmpi eq, %while3A_418, %eq3A_464 : i32
        %add3A_466 = arith.constant 1 : i32
        %add3A_467 = arith.addi %while3A_417, %add3A_466 : i32
        %select_n3A = arith.select %eq3A_465, %add3A_467, %while3A_417 : i32
        %add3A_468 = arith.constant 1 : i32
        %add3A_469 = arith.addi %while3A_418, %add3A_468 : i32
        %jit3A = arith.constant 0 : i32
        %select_n3A_470 = arith.select %eq3A_465, %jit3A, %add3A_469 : i32
        scf.yield %select_n3A, %select_n3A_470 : i32, i32
      }
      %add3A_409 = arith.constant 3 : i32
      %add3A_410 = arith.addi %add3A_335, %add3A_409 : i32
      %lt3A_411 = arith.constant 63 : i32
      %lt3A_412 = arith.cmpi slt, %add3A_410, %lt3A_411 : i32
      %convert_element_type3A_413 = arith.extui %lt3A_412 : i1 to i32
      %cond3A_414 = arith.constant 0 : i32
      %cond3A_415 = arith.cmpi ne, %convert_element_type3A_413, %cond3A_414 : i32
      scf.if %cond3A_415 {
        %add3A_416 = arith.constant 3 : i32
        %add3A_417 = arith.addi %add3A_335, %add3A_416 : i32
        %mul3A_418 = arith.constant 4 : i32
        %mul3A_419 = arith.muli %add3A_417, %mul3A_418 : i32
        %add3A_420 = arith.addi %mul3A_2, %mul3A_419 : i32
        %le3A_421 = arith.constant 7808 : i32
        %le3A_422 = arith.cmpi sle, %add3A_420, %le3A_421 : i32
        %convert_element_type3A_423 = arith.extui %le3A_422 : i1 to i32
        %cond3A_424 = arith.constant 0 : i32
        %cond3A_425 = arith.cmpi ne, %convert_element_type3A_423, %cond3A_424 : i32
        scf.if %cond3A_425 {
          %mul3A_431 = arith.constant 128 : i32
          %mul3A_432 = arith.muli %add3A_420, %mul3A_431 : i32
          %dma_start3A = arith.constant 0 : i32
          %dma_start3A_433 = tpu.memref_slice %arg6[%dma_start3A, %mul3A_432] : memref<64x1000000xf32, #tpu.memory_space<hbm>> -> memref<64x512xf32, #tpu.memory_space<hbm>>
          %dma_start3A_434 = arith.constant 0 : i32
          %dma_start3A_435 = tpu.memref_slice %arg6[%dma_start3A_434, %mul3A_432] : memref<64x1000000xf32, #tpu.memory_space<hbm>> -> memref<64x512xf32, #tpu.memory_space<hbm>>
          tpu.enqueue_dma source(%dma_start3A_435 : memref<64x512xf32, #tpu.memory_space<hbm>>) target(%arg23 : memref<64x512xf32, #tpu.memory_space<vmem>>) target_semaphore(%arg32 : memref<!tpu.dma_semaphore, #tpu.memory_space<semaphore_mem>>)
        } else {
        }
        %eq3A_426 = arith.constant 7812 : i32
        %eq3A_427 = arith.cmpi eq, %add3A_420, %eq3A_426 : i32
        %convert_element_type3A_428 = arith.extui %eq3A_427 : i1 to i32
        %cond3A_429 = arith.constant 0 : i32
        %cond3A_430 = arith.cmpi ne, %convert_element_type3A_428, %cond3A_429 : i32
        scf.if %cond3A_430 {
          %dma_start3A = arith.constant 0 : i32
          %dma_start3A_431 = arith.constant 0 : i32
          %dma_start3A_432 = tpu.memref_slice %arg23[%dma_start3A, %dma_start3A_431] : memref<64x512xf32, #tpu.memory_space<vmem>> -> memref<64x128xf32, #tpu.memory_space<vmem>>
          %dma_start3A_433 = arith.constant 0 : i32
          %dma_start3A_434 = arith.constant 0 : i32
          %dma_start3A_435 = tpu.memref_slice %arg23[%dma_start3A_433, %dma_start3A_434] : memref<64x512xf32, #tpu.memory_space<vmem>> -> memref<64x128xf32, #tpu.memory_space<vmem>>
          tpu.enqueue_dma source(%arg8 : memref<64x128xf32, #tpu.memory_space<hbm>>) target(%dma_start3A_435 : memref<64x128xf32, #tpu.memory_space<vmem>>) target_semaphore(%arg32 : memref<!tpu.dma_semaphore, #tpu.memory_space<semaphore_mem>>)
        } else {
        }
      } else {
      }
      scf.yield %while3A_378#0, %while3A_378#1, %while3A_408#0, %while3A_408#1 : i32, i32, i32, i32
    }
    %scan3A_126 = arith.constant 21 : i32
    %iota3A = tpu.iota {dimensions = array<i32: 0>} : vector<16xi32>
    %gt3A = arith.constant 0 : i32
    %gt3A_127 = arith.cmpi sgt, %scan3A_79#1, %gt3A : i32
    %convert_element_type3A_128 = arith.extui %gt3A_127 : i1 to i32
    %cond3A_129 = arith.constant 0 : i32
    %cond3A_130 = arith.cmpi ne, %convert_element_type3A_128, %cond3A_129 : i32
    scf.if %cond3A_130 {
      %broadcast_in_dim3A = arith.constant 16384 : i32
      %broadcast_in_dim3A_163 = vector.broadcast %broadcast_in_dim3A : i32 to vector<16xi32>
      %ge3A_164 = vector.broadcast %scan3A_79#1 : i32 to vector<16xi32>
      %ge3A_165 = arith.cmpi sge, %iota3A, %ge3A_164 : vector<16xi32>
      tpu.vector_store_idx %arg27[%iota3A], %broadcast_in_dim3A_163 masked %ge3A_165 : memref<16xi32, #tpu.memory_space<vmem>>[vector<16xi32>], vector<16xi32>, vector<16xi1>
      %dma_start3A = arith.constant 0 : i32
      %dma_start3A_166 = arith.constant 0 : i32
      %dma_start3A_167 = tpu.memref_slice %arg9[%dma_start3A, %dma_start3A_166] : memref<16400x128xf32, #tpu.memory_space<hbm>> -> memref<16400x128xf32, #tpu.memory_space<hbm>>
      tpu.enqueue_indirect_dma source(%arg24 : memref<16x128xf32, #tpu.memory_space<vmem>>) target(%dma_start3A_167 : memref<16400x128xf32, #tpu.memory_space<hbm>>) offsets(%arg27 : memref<16xi32, #tpu.memory_space<vmem>>) semaphore(%arg33 : memref<!tpu.dma_semaphore, #tpu.memory_space<semaphore_mem>>)
      %dma_wait3A = arith.constant 0 : i32
      %dma_wait3A_168 = arith.constant 0 : i32
      %dma_wait3A_169 = tpu.memref_slice %arg9[%dma_wait3A, %dma_wait3A_168] : memref<16400x128xf32, #tpu.memory_space<hbm>> -> memref<16400x128xf32, #tpu.memory_space<hbm>>
      tpu.wait_indirect_dma semaphore(%arg33 : memref<!tpu.dma_semaphore, #tpu.memory_space<semaphore_mem>>) src(%arg24 : memref<16x128xf32, #tpu.memory_space<vmem>>) dst(%dma_wait3A_169 : memref<16400x128xf32, #tpu.memory_space<hbm>>)
    } else {
    }
    %eq3A_131 = arith.constant 0 : i32
    %eq3A_132 = arith.cmpi eq, %scan3A_79#1, %eq3A_131 : i32
    %ge3A = arith.constant 1 : i32
    %ge3A_133 = arith.cmpi sge, %scan3A_79#0, %ge3A : i32
    %and3A = arith.andi %eq3A_132, %ge3A_133 : i1
    %convert_element_type3A_134 = arith.extui %and3A : i1 to i32
    %cond3A_135 = arith.constant 0 : i32
    %cond3A_136 = arith.cmpi ne, %convert_element_type3A_134, %cond3A_135 : i32
    scf.if %cond3A_136 {
      %dma_wait3A = arith.constant 0 : i32
      %dma_wait3A_163 = arith.constant 0 : i32
      %dma_wait3A_164 = tpu.memref_slice %arg9[%dma_wait3A, %dma_wait3A_163] : memref<16400x128xf32, #tpu.memory_space<hbm>> -> memref<16400x128xf32, #tpu.memory_space<hbm>>
      tpu.wait_indirect_dma semaphore(%arg33 : memref<!tpu.dma_semaphore, #tpu.memory_space<semaphore_mem>>) src(%arg24 : memref<16x128xf32, #tpu.memory_space<vmem>>) dst(%dma_wait3A_164 : memref<16400x128xf32, #tpu.memory_space<hbm>>)
    } else {
    }
    %gt3A_137 = arith.constant 0 : i32
    %gt3A_138 = arith.cmpi sgt, %scan3A_125#1, %gt3A_137 : i32
    %convert_element_type3A_139 = arith.extui %gt3A_138 : i1 to i32
    %cond3A_140 = arith.constant 0 : i32
    %cond3A_141 = arith.cmpi ne, %convert_element_type3A_139, %cond3A_140 : i32
    scf.if %cond3A_141 {
      %broadcast_in_dim3A = arith.constant 16384 : i32
      %broadcast_in_dim3A_163 = vector.broadcast %broadcast_in_dim3A : i32 to vector<16xi32>
      %ge3A_164 = vector.broadcast %scan3A_125#1 : i32 to vector<16xi32>
      %ge3A_165 = arith.cmpi sge, %iota3A, %ge3A_164 : vector<16xi32>
      tpu.vector_store_idx %arg28[%iota3A], %broadcast_in_dim3A_163 masked %ge3A_165 : memref<16xi32, #tpu.memory_space<vmem>>[vector<16xi32>], vector<16xi32>, vector<16xi1>
      %dma_start3A = arith.constant 0 : i32
      %dma_start3A_166 = arith.constant 0 : i32
      %dma_start3A_167 = tpu.memref_slice %arg10[%dma_start3A, %dma_start3A_166] : memref<16400x128xf32, #tpu.memory_space<hbm>> -> memref<16400x128xf32, #tpu.memory_space<hbm>>
      tpu.enqueue_indirect_dma source(%arg25 : memref<16x128xf32, #tpu.memory_space<vmem>>) target(%dma_start3A_167 : memref<16400x128xf32, #tpu.memory_space<hbm>>) offsets(%arg28 : memref<16xi32, #tpu.memory_space<vmem>>) semaphore(%arg34 : memref<!tpu.dma_semaphore, #tpu.memory_space<semaphore_mem>>)
      %dma_wait3A = arith.constant 0 : i32
      %dma_wait3A_168 = arith.constant 0 : i32
      %dma_wait3A_169 = tpu.memref_slice %arg10[%dma_wait3A, %dma_wait3A_168] : memref<16400x128xf32, #tpu.memory_space<hbm>> -> memref<16400x128xf32, #tpu.memory_space<hbm>>
      tpu.wait_indirect_dma semaphore(%arg34 : memref<!tpu.dma_semaphore, #tpu.memory_space<semaphore_mem>>) src(%arg25 : memref<16x128xf32, #tpu.memory_space<vmem>>) dst(%dma_wait3A_169 : memref<16400x128xf32, #tpu.memory_space<hbm>>)
    } else {
    }
    %eq3A_142 = arith.constant 0 : i32
    %eq3A_143 = arith.cmpi eq, %scan3A_125#1, %eq3A_142 : i32
    %ge3A_144 = arith.constant 1 : i32
    %ge3A_145 = arith.cmpi sge, %scan3A_125#0, %ge3A_144 : i32
    %and3A_146 = arith.andi %eq3A_143, %ge3A_145 : i1
    %convert_element_type3A_147 = arith.extui %and3A_146 : i1 to i32
    %cond3A_148 = arith.constant 0 : i32
    %cond3A_149 = arith.cmpi ne, %convert_element_type3A_147, %cond3A_148 : i32
    scf.if %cond3A_149 {
      %dma_wait3A = arith.constant 0 : i32
      %dma_wait3A_163 = arith.constant 0 : i32
      %dma_wait3A_164 = tpu.memref_slice %arg10[%dma_wait3A, %dma_wait3A_163] : memref<16400x128xf32, #tpu.memory_space<hbm>> -> memref<16400x128xf32, #tpu.memory_space<hbm>>
      tpu.wait_indirect_dma semaphore(%arg34 : memref<!tpu.dma_semaphore, #tpu.memory_space<semaphore_mem>>) src(%arg25 : memref<16x128xf32, #tpu.memory_space<vmem>>) dst(%dma_wait3A_164 : memref<16400x128xf32, #tpu.memory_space<hbm>>)
    } else {
    }
    %gt3A_150 = arith.constant 0 : i32
    %gt3A_151 = arith.cmpi sgt, %scan3A_125#3, %gt3A_150 : i32
    %convert_element_type3A_152 = arith.extui %gt3A_151 : i1 to i32
    %cond3A_153 = arith.constant 0 : i32
    %cond3A_154 = arith.cmpi ne, %convert_element_type3A_152, %cond3A_153 : i32
    scf.if %cond3A_154 {
      %broadcast_in_dim3A = arith.constant 16384 : i32
      %broadcast_in_dim3A_163 = vector.broadcast %broadcast_in_dim3A : i32 to vector<16xi32>
      %ge3A_164 = vector.broadcast %scan3A_125#3 : i32 to vector<16xi32>
      %ge3A_165 = arith.cmpi sge, %iota3A, %ge3A_164 : vector<16xi32>
      tpu.vector_store_idx %arg29[%iota3A], %broadcast_in_dim3A_163 masked %ge3A_165 : memref<16xi32, #tpu.memory_space<vmem>>[vector<16xi32>], vector<16xi32>, vector<16xi1>
      %dma_start3A = arith.constant 0 : i32
      %dma_start3A_166 = arith.constant 0 : i32
      %dma_start3A_167 = tpu.memref_slice %arg11[%dma_start3A, %dma_start3A_166] : memref<16400x128xf32, #tpu.memory_space<hbm>> -> memref<16400x128xf32, #tpu.memory_space<hbm>>
      tpu.enqueue_indirect_dma source(%arg26 : memref<16x128xf32, #tpu.memory_space<vmem>>) target(%dma_start3A_167 : memref<16400x128xf32, #tpu.memory_space<hbm>>) offsets(%arg29 : memref<16xi32, #tpu.memory_space<vmem>>) semaphore(%arg35 : memref<!tpu.dma_semaphore, #tpu.memory_space<semaphore_mem>>)
      %dma_wait3A = arith.constant 0 : i32
      %dma_wait3A_168 = arith.constant 0 : i32
      %dma_wait3A_169 = tpu.memref_slice %arg11[%dma_wait3A, %dma_wait3A_168] : memref<16400x128xf32, #tpu.memory_space<hbm>> -> memref<16400x128xf32, #tpu.memory_space<hbm>>
      tpu.wait_indirect_dma semaphore(%arg35 : memref<!tpu.dma_semaphore, #tpu.memory_space<semaphore_mem>>) src(%arg26 : memref<16x128xf32, #tpu.memory_space<vmem>>) dst(%dma_wait3A_169 : memref<16400x128xf32, #tpu.memory_space<hbm>>)
    } else {
    }
    %eq3A_155 = arith.constant 0 : i32
    %eq3A_156 = arith.cmpi eq, %scan3A_125#3, %eq3A_155 : i32
    %ge3A_157 = arith.constant 1 : i32
    %ge3A_158 = arith.cmpi sge, %scan3A_125#2, %ge3A_157 : i32
    %and3A_159 = arith.andi %eq3A_156, %ge3A_158 : i1
    %convert_element_type3A_160 = arith.extui %and3A_159 : i1 to i32
    %cond3A_161 = arith.constant 0 : i32
    %cond3A_162 = arith.cmpi ne, %convert_element_type3A_160, %cond3A_161 : i32
    scf.if %cond3A_162 {
      %dma_wait3A = arith.constant 0 : i32
      %dma_wait3A_163 = arith.constant 0 : i32
      %dma_wait3A_164 = tpu.memref_slice %arg11[%dma_wait3A, %dma_wait3A_163] : memref<16400x128xf32, #tpu.memory_space<hbm>> -> memref<16400x128xf32, #tpu.memory_space<hbm>>
      tpu.wait_indirect_dma semaphore(%arg35 : memref<!tpu.dma_semaphore, #tpu.memory_space<semaphore_mem>>) src(%arg26 : memref<16x128xf32, #tpu.memory_space<vmem>>) dst(%dma_wait3A_164 : memref<16400x128xf32, #tpu.memory_space<hbm>>)
    } else {
    }
    return
  }
}

module attributes {stable_mosaic.version = 14 : i64} {
  func.func @_dot_body(%arg0: i32, %arg1: memref<512x128xf32, #tpu.memory_space<vmem>>, %arg2: memref<512x128xf32, #tpu.memory_space<vmem>>, %arg3: memref<512x128xf32, #tpu.memory_space<vmem>>, %arg4: memref<512xf32, #tpu.memory_space<vmem>>, %arg5: memref<512xf32, #tpu.memory_space<vmem>>) attributes {dimension_semantics = [#tpu.dimension_semantics<arbitrary>], iteration_bounds = array<i64: 32>, scalar_prefetch = 0 : i64, scratch_operands = 0 : i64, tpu.core_type = #tpu.core_type<tc>, window_params = [{transform_indices = @transform_0, window_bounds = array<i64: 512, 128>}, {transform_indices = @transform_1, window_bounds = array<i64: 512, 128>}, {transform_indices = @transform_2, window_bounds = array<i64: 512, 128>}, {transform_indices = @transform_3, window_bounds = array<i64: 512>}, {transform_indices = @transform_4, window_bounds = array<i64: 512>}]} {
    %get3A = arith.constant 0 : index
    %get3A_0 = arith.constant 0 : index
    %get3A_1 = vector.load %arg1[%get3A, %get3A_0] : memref<512x128xf32, #tpu.memory_space<vmem>>, vector<512x64xf32>
    %get3A_2 = arith.constant 0 : index
    %get3A_3 = arith.constant 0 : index
    %get3A_4 = vector.load %arg2[%get3A_2, %get3A_3] : memref<512x128xf32, #tpu.memory_space<vmem>>, vector<512x64xf32>
    %mul3A = arith.mulf %get3A_1, %get3A_4 : vector<512x64xf32>
    %reduce_sum3A = arith.constant dense<0.000000e+00> : vector<512xf32>
    %reduce_sum3A_5 = vector.multi_reduction <add>, %mul3A, %reduce_sum3A [1] : vector<512x64xf32> to vector<512xf32>
    %swap3A = arith.constant 0 : index
    %swap3A_6 = vector.load %arg4[%swap3A] : memref<512xf32, #tpu.memory_space<vmem>>, vector<512xf32>
    tpu.vector_store %arg4[%swap3A], %reduce_sum3A_5 {strides = array<i32>} : memref<512xf32, #tpu.memory_space<vmem>>, vector<512xf32>,
    %get3A_7 = arith.constant 0 : index
    %get3A_8 = arith.constant 0 : index
    %get3A_9 = vector.load %arg3[%get3A_7, %get3A_8] : memref<512x128xf32, #tpu.memory_space<vmem>>, vector<512x64xf32>
    %mul3A_10 = arith.mulf %get3A_1, %get3A_9 : vector<512x64xf32>
    %reduce_sum3A_11 = arith.constant dense<0.000000e+00> : vector<512xf32>
    %reduce_sum3A_12 = vector.multi_reduction <add>, %mul3A_10, %reduce_sum3A_11 [1] : vector<512x64xf32> to vector<512xf32>
    %swap3A_13 = arith.constant 0 : index
    %swap3A_14 = vector.load %arg5[%swap3A_13] : memref<512xf32, #tpu.memory_space<vmem>>, vector<512xf32>
    tpu.vector_store %arg5[%swap3A_13], %reduce_sum3A_12 {strides = array<i32>} : memref<512xf32, #tpu.memory_space<vmem>>, vector<512xf32>,
    return
  }
  func.func @transform_0(%arg0: i32) -> (i32, i32) {
    %c0_i32 = arith.constant 0 : i32
    %c0_i32_0 = arith.constant 0 : i32
    return %arg0, %c0_i32 : i32, i32
  }
  func.func @transform_1(%arg0: i32) -> (i32, i32) {
    %c0_i32 = arith.constant 0 : i32
    %c0_i32_0 = arith.constant 0 : i32
    return %arg0, %c0_i32 : i32, i32
  }
  func.func @transform_2(%arg0: i32) -> (i32, i32) {
    %c0_i32 = arith.constant 0 : i32
    %c0_i32_0 = arith.constant 0 : i32
    return %arg0, %c0_i32 : i32, i32
  }
  func.func @transform_3(%arg0: i32) -> i32 {
    %c0_i32 = arith.constant 0 : i32
    return %arg0 : i32
  }
  func.func @transform_4(%arg0: i32) -> i32 {
    %c0_i32 = arith.constant 0 : i32
    return %arg0 : i32
  }
}

</mosaic_0001>

<sc_bundles>
// kernel: kernel.4.cloned.1.call-start
scs
__scs_entry_jumppad:
0x0: {  	(pc) =	sbr.rel $0x88, $3  }
0x1: {  	(tag) =	ssettag $0x0;
	lr =	simm.s32 $0x1  }
0x2: {  	[smem:$0x3F9C] =	sst lr;
	_ =	strace $0xD0000000  }
0x3: {  	_ = 	snop  }
0x4: {  	_ = 	snop  }
0x5: {  	_ = 	snop  }
0x6: {  	_ = 	snop  }
0x7: {  	_ = 	snop  }
__scs_overlays_trampoline_lowered:
0x8: {  	[smem:$0x3FAB] =	sst s0  }
0x9: {  	[smem:$0x3FAC] =	sst s1  }
0xa: {  	[smem:$0x3FAD] =	sst s2  }
0xb: {  	[smem:$0x3FAE] =	sst s3  }
0xc: {  	[smem:$0x3FAF] =	sst s4  }
0xd: {  	[smem:$0x3FB0] =	sst s5  }
0xe: {  	[smem:$0x3FB1] =	sst s6  }
0xf: {  	[smem:$0x3FB2] =	sst s7  }
0x10: {  	[smem:$0x3FB3] =	sst s8  }
0x11: {  	[smem:$0x3FB4] =	sst s9;
	s0 =	simm.s32 @!p0 $0x0  }
0x12: {  	s1 =	sld [smem:$0x3F9A];
	s0 =	simm.s32 @p0 $0x1  }
0x13: {  	[smem:$0x3FB5] =	sst s0;
	s0 =	simm.s32 @!p1 $0x0  }
0x14: {  	s2 =	sld [smem:$0x3F99];
	s0 =	simm.s32 @p1 $0x1  }
0x15: {  	[smem:$0x3FB6] =	sst s0;
	s0 =	simm.s32 @!p2 $0x0  }
0x16: {  	s3 =	sld [smem:$0x3FDB];
	s0 =	simm.s32 @p2 $0x1  }
0x17: {  	s4 =	simm.s32 $0x1BF5;
	[smem:$0x3FB8] =	sst s0  }
0x18: {  	s0 =	sld [smem:$0x3F9B];
	_ =	swait.ge [sflag:s4], $0x0  }
0x19: {  	s7 =	sld [smem:$0x3F9C]  }
0x1a: {  	s8 =	sadd.s32 $0xFFFFE003, lr  }
0x1b: {  	s9 =	sadd.s32 $0xFFFFFEF7, lr;
	s5 =	simm.s32 $0xFFFFFFFF;
	p2 =	slt.u32 s8, $0xFFFFF086  }
0x1c: {  	p1 =	slt.u32 s9, $0xF7A;
	s5 =	simm.s32 @!p2 $0x0  }
0x1d: {  	s5 =	simm.s32 @p1 $0x1;
	p0 =	seq.s32 s7, s2  }
0x1e: {  	s7 =	smul.u32 @!p0 $0xF7A, s2;
	p2 =	seq.s32 @!p0 s5, $0x0  }
0x1f: {  	s9 =	smul.u32 $0xF7A, s1;
	s8 =	simm.s32 @!p0 $0x1BF5;
	p2 =	por !p2, p0  }
0x20: {  	[sflag:s8] =	ssyncset.s32 @!p0 $0xFFFFF086;
	s6 =	sadd.s32 @!p0 s3, s7;
	s7 =	simm.s32 @!p0 $0x108  }
0x21: {  	s3 =	sadd.s32 s3, s9;
	s6 =	sadd.s32 @!p0 $0x88, s6;
	s7 =	simm.s32 @p2 $0x1082  }
0x22: {  	[simem:s7], [sflag:s8] =	dma.local @!p0 [hbm:s6], $0xF7A  }
0x23: {  	s9 =	sor.u32 $0xD0000000, s2;
	s6 =	simm.s32 $0x108;
	_ =	swait.ge @!p0 [sflag:s8], $0x0  }
0x24: {  	s3 =	sadd.s32 $0x88, s3;
	s6 =	simm.s32 @!p1 $0x1082;
	[sflag:s4] =	ssyncset.s32 $0xFFFFF086  }
0x25: {  	[simem:s6], [sflag:s4] =	dma.local [hbm:s3], $0xF7A  }
0x26: {  	[smem:$0x3F9C] =	sst s1;
	(tag) =	ssettag s2;
	_ =	strace s9  }
0x27: {  	s1 =	sld [smem:$0x3FAC]  }
0x28: {  	s2 =	sld [smem:$0x3FAD]  }
0x29: {  	s4 =	sld [smem:$0x3FAF]  }
0x2a: {  	p0 =	seq.s32 s5, $0x0;
	s5 =	sld [smem:$0x3FB0]  }
0x2b: {  	s6 =	sld [smem:$0x3FB1]  }
0x2c: {  	s7 =	sld [smem:$0x3FB2]  }
0x2d: {  	s3 =	simm.s32 $0x108;
	s8 =	sld [smem:$0x3FB3]  }
0x2e: {  	s3 =	simm.s32 @!p0 $0x1082;
	s9 =	sld [smem:$0x3FB4]  }
0x2f: {  	lr =	sadd.s32 s0, s3;
	s0 =	sld [smem:$0x3FAB]  }
0x30: {  	s3 =	sld [smem:$0x3FAE]  }
0x31: {  	[smem:$0x3FB7] =	sst s10  }
0x32: {  	s10 =	sld [smem:$0x3FB5];
	_ =	sdelay $0x3  }
0x33: {  	p0 =	seq.s32 s10, $0x1;
	s10 =	sld [smem:$0x3FB7];
	_ =	sdelay $0x3  }
0x34: {  	[smem:$0x3FB7] =	sst s10  }
0x35: {  	s10 =	sld [smem:$0x3FB6];
	_ =	sdelay $0x3  }
0x36: {  	p1 =	seq.s32 s10, $0x1;
	s10 =	sld [smem:$0x3FB7];
	_ =	sdelay $0x3  }
0x37: {  	[smem:$0x3FB7] =	sst s10  }
0x38: {  	s10 =	sld [smem:$0x3FB8]  }
0x39: {  	_ = 	snop;
	(pc) =	sbr.ind lr, $3  }
0x3a: {  	_ = 	snop  }
0x3b: {  	_ = 	snop  }
0x3c: {  	p2 =	seq.s32 s10, $0x1;
	s10 =	sld [smem:$0x3FB7]  }
0x3d: {  	_ =	shalt  }
0x3e: {  	_ =	shalt  }
0x3f: {  	_ =	shalt  }
0x40: {  	_ =	shalt  }
0x41: {  	_ =	shalt  }
0x42: {  	_ =	shalt  }
0x43: {  	_ =	shalt  }
0x44: {  	_ =	shalt  }
0x45: {  	_ =	shalt  }
0x46: {  	_ =	shalt  }
0x47: {  	_ =	shalt  }
0x48: {  	_ =	shalt  }
0x49: {  	_ =	shalt  }
0x4a: {  	_ =	shalt  }
0x4b: {  	_ =	shalt  }
0x4c: {  	_ =	shalt  }
0x4d: {  	_ =	shalt  }
0x4e: {  	_ =	shalt  }
0x4f: {  	_ =	shalt  }
0x50: {  	_ =	shalt  }
0x51: {  	_ =	shalt  }
0x52: {  	_ =	shalt  }
0x53: {  	_ =	shalt  }
0x54: {  	_ =	shalt  }
0x55: {  	_ =	shalt  }
0x56: {  	_ =	shalt  }
0x57: {  	_ =	shalt  }
0x58: {  	_ =	shalt  }
0x59: {  	_ =	shalt  }
0x5a: {  	_ =	shalt  }
0x5b: {  	_ =	shalt  }
0x5c: {  	_ =	shalt  }
0x5d: {  	_ =	shalt  }
0x5e: {  	_ =	shalt  }
0x5f: {  	_ =	shalt  }
0x60: {  	_ =	shalt  }
0x61: {  	_ =	shalt  }
0x62: {  	_ =	shalt  }
0x63: {  	_ =	shalt  }
0x64: {  	_ =	shalt  }
0x65: {  	_ =	shalt  }
0x66: {  	_ =	shalt  }
0x67: {  	_ =	shalt  }
0x68: {  	_ =	shalt  }
0x69: {  	_ =	shalt  }
0x6a: {  	_ =	shalt  }
0x6b: {  	_ =	shalt  }
0x6c: {  	_ =	shalt  }
0x6d: {  	_ =	shalt  }
0x6e: {  	_ =	shalt  }
0x6f: {  	_ =	shalt  }
0x70: {  	_ =	shalt  }
0x71: {  	_ =	shalt  }
0x72: {  	_ =	shalt  }
0x73: {  	_ =	shalt  }
0x74: {  	_ =	shalt  }
0x75: {  	_ =	shalt  }
0x76: {  	_ =	shalt  }
0x77: {  	_ =	shalt  }
0x78: {  	_ =	shalt  }
0x79: {  	_ =	shalt  }
0x7a: {  	_ =	shalt  }
0x7b: {  	_ =	shalt  }
0x7c: {  	_ =	shalt  }
0x7d: {  	_ =	shalt  }
0x7e: {  	_ =	shalt  }
0x7f: {  	_ =	shalt  }
0x80: {  	_ =	shalt  }
0x81: {  	_ =	shalt  }
0x82: {  	_ =	shalt  }
0x83: {  	_ =	shalt  }
0x84: {  	_ =	shalt  }
0x85: {  	_ =	shalt  }
0x86: {  	_ =	shalt  }
0x87: {  	_ =	shalt  }
.Lfunc_end0:
.L_simem_size_0:
called_computation_lowered:
.L_overlay_start_0:
0x88: {  	s2 =	sld [smem:$0x3FD9]  }
0x89: {  	s3 =	sld [smem:$0x3FFE];
	_ =	sdelay $0x1  }
0x8a: {  	s1 =	srdreg.scid  }
0x8b: {  	s0 =	sand.u32 $0x1, s1  }
0x8c: {  	s14 =	sshll.u32 s0, $0xA;
	s2 =	sadd.s32 s3, s2  }
0x8d: {  	s2 =	sadd.s32 s2, s14  }
0x8e: {  	[smem:$0x3FC3] =	sst s2  }
0x8f: {  	_ = 	snop  }
0x90: {  	s2 =	sld [smem:$0x3FC9]  }
0x91: {  	s15 =	sld [smem:$0x3FC8]  }
0x92: {  	s4 =	sld [smem:$0x3FD0]  }
0x93: {  	s5 =	sld [smem:$0x3FC7]  }
0x94: {  	s6 =	sld [smem:$0x3FC6]  }
0x95: {  	s8 =	simm.s32 $0xA;
	s9 =	simm.s32 $0x10;
	s7 =	sld [smem:$0x3FC5]  }
0x96: {  	[smem:s9], [sflag:s8] =	dma.local [hbm:s4], $0x1  }
0x97: {  	_ =	swait.eq [sflag:s8], $0x1  }
0x98: {  	[sflag:s8] =	ssyncset.done $0x0  }
0x99: {  	s16 =	sld [smem:$0x10];
	[sflag:s8] =	ssyncadd.s32 $0xFFFFFFFF  }
0x9a: {  	s17 =	sld [smem:$0x11];
	(tm) =	ssettm $0x1  }
0x9b: {  	s18 =	sld [smem:$0x3FFB];
	_ =	sdelay $0x3  }
0x9c: {  	_ =	strace s18  }
0x9d: {  	s9 =	sld [smem:$0x3FFC];
	_ =	sdelay $0x3  }
0x9e: {  	_ =	strace s9  }
0x9f: {  	s9 =	sld [smem:$0x3FFD];
	_ =	sdelay $0x3  }
0xa0: {  	_ =	strace s9  }
0xa1: {  	_ =	strace $0x8FFFFFFF  }
0xa2: {  	s19 =	sld [smem:$0x3FDB];
	_ =	sdelay $0x1  }
0xa3: {  	s10 =	simm.s32 $_scs_section_size  }
0xa4: {  	s11 =	simm.s32 $_size__tile_overlayer_lowered;
	s12 =	simm.s32 $_tile_overlayer_lowered  }
0xa5: {  	s22 =	simm.s32 $0x1BFF;
	s21 =	sshll.u32 s12, $0x1;
	s9 =	sadd.s32 s10, s19  }
0xa6: {  	s13 =	simm.s32 $0x0;
	s20 =	sshll.u32 s11, $0x1;
	s11 =	sadd.s32 s21, s9  }
0xa7: {  	[timem:s13], [sflag:s22] =	dma.local [hbm:s11], s20  }
0xa8: {  	_ =	swait.ge [sflag:s22], s20  }
0xa9: {  	s10 =	ssub.s32 $0x0, s20;
	[sflag:s22] =	ssyncset.done $0x0  }
0xaa: {  	[sflag:s22] =	ssyncadd.s32 s10;
	_ =	sdelay $0x1  }
0xab: {  	s23 =	simm.s32 $0x1B8B  }
0xac: {  	_ =	swait.ge [sflag:s23], $0x1  }
0xad: {  	[sflag:s23] =	ssyncset.done $0x0  }
0xae: {  	s25 =	simm.s32 $0x1B8E;
	s24 =	sld [smem:$0x3FFE];
	[sflag:s23] =	ssyncadd.s32 $0xFFFFFFFF  }
0xaf: {  	s26 =	simm.s32 $execute0_lowered;
	[smem:$0x3FD2] =	sst s25  }
0xb0: {  	s11 =	sshll.u32 s26, $0x1;
	_ =	strace $0x80000046;
	[dreg:$0x1] =	wrdreg $0xFFFFFFFF  }
0xb1: {  	s28 =	simm.s32 $_size_execute0_lowered;
	s9 =	sadd.s32 s9, s11;
	[dreg:$0x0] =	wrdreg $0x0  }
0xb2: {  	s11 =	sshll.u32 s28, $0x1;
	[dreg:$0x2] =	wrdreg s9  }
0xb3: {  	[dreg:$0x3] =	wrdreg s11  }
0xb4: {  	[dreg:$0x4] =	wrdreg $0xC0  }
0xb5: {  	_ =	task [dreg:s13], $0x5FFFF  }
0xb6: {  	[dreg:$0x1] =	wrdreg $0xFFFFFFFF  }
0xb7: {  	[dreg:$0x0] =	wrdreg $0x60  }
0xb8: {  	[dreg:$0x2] =	wrdreg s2  }
0xb9: {  	[dreg:$0x3] =	wrdreg s15  }
0xba: {  	[dreg:$0x4] =	wrdreg s5  }
0xbb: {  	[dreg:$0x5] =	wrdreg s6  }
0xbc: {  	[dreg:$0x6] =	wrdreg s7  }
0xbd: {  	[dreg:$0x7] =	wrdreg s17  }
0xbe: {  	[dreg:$0x8] =	wrdreg s16  }
0xbf: {  	[dreg:$0x9] =	wrdreg s24  }
0xc0: {  	[dreg:$0xa] =	wrdreg $0x9  }
0xc1: {  	_ =	task.clear_ibuf [dreg:s13], $0xBFFFF;
	_ =	strace $0x90000046  }
0xc2: {  	s29 =	simm.s32 $0x9;
	_ =	strace $0x80000048  }
0xc3: {  	_ =	swait.ge [sflag:s29], $0x1  }
0xc4: {  	[sflag:s29] =	ssyncadd.s32 $0xFFFFFFFF  }
0xc5: {  	_ =	strace $0x90000048  }
0xc6: {  	_ =	sfence  }
0xc7: {  	s30 =	sld [smem:$0x0];
	_ =	sdelay $0x2  }
0xc8: {  	s31 =	sshll.u32 s1, $0xD;
	s1 =	sshrl.u32 s1, $0x2  }
0xc9: {  	s3 =	sand.u32 $0x4000, s31;
	s1 =	sadd.s32 s1, s30  }
0xca: {  	s0 =	sor.u32 s3, s0;
	s1 =	sshll.u32 s1, $0x11  }
0xcb: {  	s0 =	sor.u32 s1, s0  }
0xcc: {  	s0 =	sadd.s32 $0x8F2B, s0  }
0xcd: {  	[sflag:s0] =	ssyncadd.remote.s32 $0x1  }
0xce: {  	_ =	sfence.sel $0xFFFF  }
0xcf: {  	[dreg:$0x0] =	wrdreg $0xFFFFFFFF;
	(pc) =	sbr.abs _section_cstart, $3  }
0xd0: {  	[dreg:$0x1] =	wrdreg $0xFFFFFFFF  }
0xd1: {  	_ =	task.clear_ibuf [dreg:s13], $0x2FFFF;
	_ =	strace $0x9FFFFFFF  }
0xd2: {  	(tm) =	ssettm $0x7FFFFFFF  }
0xd3: {  	_ =	shalt  }
tec
execute0_lowered:
.L_overlay_start_1:
0x0: {  	(tag) =	ssettag $0x1  }
0x1: {  	s5 =	rddreg [dreg:$0x0]  }
0x2: {  	s6 =	rddreg [dreg:$0x1]  }
0x3: {  	s7 =	rddreg [dreg:$0x2]  }
0x4: {  	s22 =	rddreg [dreg:$0x3]  }
0x5: {  	s8 =	rddreg [dreg:$0x4]  }
0x6: {  	s30 =	rddreg [dreg:$0x5]  }
0x7: {  	s10 =	rddreg [dreg:$0x6]  }
0x8: {  	s0 =	srdreg.scid;
	s2 =	rddreg [dreg:$0x7];
	s4 =	simm.s32 $0x0  }
0x9: {  	s1 =	stileid.u32;
	[smem:$0x7FF] =	sst s4;
	s5 =	sadd.s32 $0x400, s5  }
0xa: {  	s26 =	sadd.s32 $0x400, s6;
	_ =	strace $0x80000047;
	[dreg:$0xf] =	wrdreg s5  }
0xb: {  	s0 =	sand.u32 $0x1, s0;
	s28 =	sadd.s32 $0x400, s7;
	[dreg:$0x10] =	wrdreg s26  }
0xc: {  	s1 =	sshll.u32 s1, $0x1;
	s17 =	sadd.s32 $0x280, s30;
	[dreg:$0x11] =	wrdreg s28  }
0xd: {  	s31 =	sadd.s32 $0x80, s30;
	s18 =	sadd.s32 $0x300, s30;
	[dreg:$0x1d] =	wrdreg s17  }
0xe: {  	s1 =	sor.u32 s0, s1;
	s0 =	ssub.s32 $0x2, s0;
	[dreg:$0x1e] =	wrdreg s18  }
0xf: {  	v0 =	vimm.s32 $0x1380;
	vm14 =	vcmask $0x300;
	vm13 =	vcmask $0x704;
	s26 =	sadd.s32 $0x300, s10;
	s28 =	sadd.s32 $0x380, s10;
	[dreg:$0x19] =	wrdreg s31  }
0x10: {  	vm12 =	vcmask $0xB08;
	vm9 =	vcmask $0xF0C;
	vm10 =	vcmask $0x1310;
	s9 =	smul.u32 $0xFC, s1;
	s19 =	sshrl.u32 s0, $0x1;
	[smem:$0x7FC] =	sst s26  }
0x11: {  	vm11 =	vcmask $0x1714;
	vm8 =	vcmask $0x1B18;
	vm7 =	vcmask $0x1F1C;
	s20 =	smul.u32 $0x7E00, s1;
	p0 =	sne.s32 s1, $0x1F;
	[smem:$0x7FD] =	sst s28  }
0x12: {  	vm6 =	vcmask $0x2320;
	vm5 =	vcmask $0x2724;
	vm4 =	vcmask $0x2B28;
	s0 =	ssub.s32 s0, s19;
	s19 =	sadd.s32 $0x380, s30;
	[dreg:$0x9] =	wrdreg s9  }
0x13: {  	vm3 =	vcmask $0x2F2C;
	vm0 =	vcmask $0x3330;
	vm1 =	vcmask $0x3734;
	s5 =	simm.s32 @!p0 $0x0;
	s21 =	sadd.s32 s22, s20;
	[dreg:$0x1f] =	wrdreg s19  }
0x14: {  	vm2 =	vcmask $0x3B38;
	v6 =	vimm.s32 $0x3380;
	v7 =	vimm.s32 $0x5380;
	s5 =	simm.s32 @p0 $0x1;
	[dreg:$0xc] =	wrdreg s21  }
0x15: {  	v8 =	vimm.s32 $0x7380;
	s29 =	simm.s32 $0x4400;
	v0 =	vsel vm14, $0x0, v0;
	v6 =	vsel vm14, $0x2000, v6;
	s0 =	smax.u32 s0, $0x1;
	[smem:$0x7F3] =	sst s5  }
0x16: {  	s11 =	sadd.s32 $0xC00, s2;
	v7 =	vsel vm14, $0x4000, v7;
	v8 =	vsel vm14, $0x6000, v8;
	v0 =	vsel vm13, $0x80, v0;
	s14 =	sadd.s32 $0x4, s9;
	[dreg:$0x14] =	wrdreg s0  }
0x17: {  	s12 =	sadd.s32 $0x40E00, s2;
	v6 =	vsel vm13, $0x2080, v6;
	v7 =	vsel vm13, $0x4080, v7;
	v8 =	vsel vm13, $0x6080, v8;
	s15 =	sadd.s32 $0x8, s9;
	[dreg:$0xa] =	wrdreg s14  }
0x18: {  	v0 =	vsel vm12, $0x100, v0;
	v6 =	vsel vm12, $0x2100, v6;
	v7 =	vsel vm12, $0x4100, v7;
	p0 =	seq.s32 s1, $0x1F;
	s7 =	sadd.s32 $0xC, s9;
	[dreg:$0xb] =	wrdreg s15  }
0x19: {  	v8 =	vsel vm12, $0x6100, v8;
	v0 =	vsel vm9, $0x180, v0;
	v6 =	vsel vm9, $0x2180, v6;
	s23 =	sshll.u32 s14, $0x7;
	[dreg:$0x16] =	wrdreg s7;
	s21 =	sadd.s32 $0x100, s10  }
0x1a: {  	v7 =	vsel vm9, $0x4180, v7;
	v8 =	vsel vm9, $0x6180, v8;
	v0 =	vsel vm10, $0x200, v0;
	s24 =	sshll.u32 s15, $0x7;
	s16 =	sadd.s32 s22, s23;
	[smem:$0x7F8] =	sst s21  }
0x1b: {  	v6 =	vsel vm10, $0x2200, v6;
	v7 =	vsel vm10, $0x4200, v7;
	v8 =	vsel vm10, $0x6200, v8;
	s1 =	simm.s32 @!p0 $0x0;
	s25 =	sadd.s32 s22, s24;
	[dreg:$0xd] =	wrdreg s16  }
0x1c: {  	s13 =	sadd.s32 $0x81000, s2;
	v0 =	vsel vm11, $0x280, v0;
	v6 =	vsel vm11, $0x2280, v6;
	v7 =	vsel vm11, $0x4280, v7;
	s1 =	simm.s32 @p0 $0x1;
	[dreg:$0xe] =	wrdreg s25  }
0x1d: {  	s4 =	simm.s32 $0x1DD00;
	v8 =	vsel vm11, $0x6280, v8;
	v0 =	vsel vm8, $0x300, v0;
	s5 =	sadd.s32 s8, s24;
	v6 =	vsel vm8, $0x2300, v6;
	[smem:$0x7F4] =	sst s1  }
0x1e: {  	s3 =	sadd.s32 $0xFC, s9;
	s6 =	sadd.s32 s8, s23;
	v7 =	vsel vm8, $0x4300, v7;
	v8 =	vsel vm8, $0x6300, v8;
	v1 =	vsel vm7, $0x380, v0;
	[dreg:$0x13] =	wrdreg s5  }
0x1f: {  	p0 =	sne.s32 s14, $0x1E84;
	s14 =	sadd.s32 $0x100, s30;
	v0 =	vmov s9;
	[dreg:$0x15] =	wrdreg s6;
	v6 =	vsel vm7, $0x2380, v6;
	v7 =	vsel vm7, $0x4380, v7  }
0x20: {  	s18 =	simm.s32 $0x7;
	s23 =	sadd.s32 $0x180, s10;
	[dreg:$0x1a] =	wrdreg s14;
	v8 =	vsel vm7, $0x6380, v8;
	v2 =	vsel vm6, $0x1000, v1;
	v1 =	vmov s3  }
0x21: {  	s24 =	sadd.s32 $0x200, s10;
	s0 =	simm.s32 @!p0 $0x0;
	[smem:$0x7F9] =	sst s23;
	v6 =	vsel vm6, $0x3000, v6;
	v7 =	vsel vm6, $0x5000, v7;
	v8 =	vsel vm6, $0x7000, v8  }
0x22: {  	s16 =	sadd.s32 $0x200, s30;
	[smem:$0x7FA] =	sst s24;
	s25 =	sadd.s32 $0x280, s10;
	v3 =	vsel vm5, $0x1080, v2;
	v2 =	vlaneseq.u32;
	v6 =	vsel vm5, $0x3080, v6  }
0x23: {  	s24 =	simm.s32 $0x1DC00;
	s23 =	simm.s32 $0x1CC00;
	[dreg:$0x1c] =	wrdreg s16;
	v7 =	vsel vm5, $0x5080, v7;
	v8 =	vsel vm5, $0x7080, v8;
	v4 =	vsel vm4, $0x1100, v3  }
0x24: {  	s5 =	simm.s32 $0x1D400;
	s3 =	sadd.s32 s8, s20;
	[smem:$0x7FB] =	sst s25;
	v3 =	vadd.s32 $0x1, v2;
	v6 =	vsel vm4, $0x3100, v6;
	v7 =	vsel vm4, $0x5100, v7  }
0x25: {  	s6 =	simm.s32 $0x14400;
	s0 =	simm.s32 @p0 $0x1;
	[dreg:$0x12] =	wrdreg s3;
	v8 =	vsel vm4, $0x7100, v8;
	v11 =	vor.u32 $0x30, v2;
	v5 =	vsel vm3, $0x1180, v4  }
0x26: {  	s1 =	simm.s32 $0x0;
	s8 =	sadd.s32 $0x10, s9;
	[smem:$0x7F5] =	sst s0;
	v4 =	vimm.s32 $0x4000;
	v6 =	vsel vm3, $0x3180, v6;
	v7 =	vsel vm3, $0x5180, v7  }
.Ltmp0:
0x27: {  	s9 =	sadd.s32 $0x14, s9;
	[dreg:$0x17] =	wrdreg s8;
	v8 =	vsel vm3, $0x7180, v8;
	v5 =	vsel vm0, $0x1200, v5;
	v6 =	vsel vm0, $0x3200, v6;
	(pc) =	sbr.rel .LBB2_1-.Ltmp0, $4  }
0x28: {  	p0 =	sne.s32 s15, $0x1E84;
	s15 =	sadd.s32 $0x180, s30;
	[dreg:$0x18] =	wrdreg s9;
	v7 =	vsel vm0, $0x5200, v7;
	v10 =	vsel vm0, $0x7200, v8;
	v5 =	vsel vm1, $0x1280, v5  }
0x29: {  	s20 =	sadd.s32 $0x80, s10;
	s0 =	simm.s32 @!p0 $0x0;
	[dreg:$0x1b] =	wrdreg s15;
	v6 =	vsel vm1, $0x3280, v6;
	v9 =	vsel vm1, $0x5280, v7;
	v7 =	vor.u32 $0x10, v2  }
0x2a: {  	s25 =	simm.s32 $0x1C400;
	[smem:$0x7F7] =	sst s20;
	s0 =	simm.s32 @p0 $0x1;
	v10 =	vsel vm1, $0x7280, v10;
	v5 =	vsel vm2, $0x1300, v5;
	v6 =	vsel vm2, $0x3300, v6  }
0x2b: {  	s10 =	simm.s32 $0x1DC80;
	s8 =	simm.s32 $0xC400;
	[smem:$0x7F6] =	sst s0;
	v8 =	vsel vm2, $0x5300, v9;
	v9 =	vor.u32 $0x20, v2;
	v10 =	vsel vm2, $0x7300, v10  }
.LBB2_163:
0x2c: {  	v12 =	vmov s2  }
0x2d: {  	vm0 =	vlt.s32 v12, v3;
	_ =	sdelay $0x5  }
0x2e: {  	s0 =	simm.s32 $0x10;
	[tilespmem:v2+s4+$0x0] =	vst.idx.msk vm0, v4  }
0x2f: {  	[hbm4b:s13+s0] =	stream.indirect.scatter [tilespmem:s5], [sflag:$0x6], $0x80, s4, s0, $0xb8;
	[tilespmem:$0x1DD80] =	vst v63  }
.LBB2_165:
0x30: {  	s0 =	simm.s32 $0x6  }
0x31: {  	_ =	swait.ge [sflag:s0], $0x800  }
0x32: {  	[sflag:s0] =	ssyncset.done $0x0  }
0x33: {  	[sflag:s0] =	ssyncadd.s32 $0xFFFFF800  }
.LBB2_166:
0x34: {  	s1 =	sadd.s32 $0x1, s1;
	s0 =	rddreg [dreg:$0x14]  }
0x35: {  	p0 =	sne.s32 s1, s0  }
.Ltmp1:
0x36: {  	_ = 	snop;
	(pc) =	sbr.rel @!p0 .LBB2_167-.Ltmp1, $1  }
0x37: {  	_ =	sdelay $0x3  }
.LBB2_1:
0x38: {  	s0 =	sld [smem:$0x7F3];
	_ =	sdelay $0x1  }
0x39: {  	[smem:$0x7F2] =	sst s1  }
0x3a: {  	s3 =	rddreg [dreg:$0xc];
	p0 =	seq.s32 s0, $0x1  }
0x3b: {  	s0 =	simm.s32 @p0 $0x1000;
	s1 =	simm.s32 @p0 $0x7A1400;
	s2 =	simm.s32 @p0 $0x4400  }
0x3c: {  	[tilespmem:s2], [sflag:$0x1] =	stream.strided.gather @p0 [hbm4b:s3+s0], $0x8000, s1, s0, $0x38;
	[tilespmem:$0x1DD80] =	vst v63  }
0x3d: {  	s2 =	simm.s32 @p0 $0xC400;
	s3 =	rddreg [dreg:$0xd]  }
0x3e: {  	[tilespmem:s2], [sflag:$0x2] =	stream.strided.gather @p0 [hbm4b:s3+s0], $0x8000, s1, s0, $0x38;
	[tilespmem:$0x1DD80] =	vst v63  }
0x3f: {  	s0 =	simm.s32 @!p0 $0x0;
	s1 =	simm.s32 @!p0 $0x4400  }
0x40: {  	[tilespmem:s1], [sflag:$0x1] =	stream.linear.gather @!p0 [hbm4b:s30+s0], $0x400, $0x38;
	[tilespmem:$0x1DD80] =	vst v63  }
0x41: {  	s7 =	rddreg [dreg:$0x1a];
	s1 =	simm.s32 @!p0 $0x5400  }
0x42: {  	[tilespmem:s1], [sflag:$0x1] =	stream.linear.gather @!p0 [hbm4b:s31+s0], $0x400, $0x38;
	[tilespmem:$0x1DD80] =	vst v63  }
0x43: {  	s9 =	rddreg [dreg:$0x1b];
	s1 =	simm.s32 @!p0 $0x6400  }
0x44: {  	[tilespmem:s1], [sflag:$0x1] =	stream.linear.gather @!p0 [hbm4b:s7+s0], $0x400, $0x38;
	[tilespmem:$0x1DD80] =	vst v63  }
0x45: {  	s14 =	rddreg [dreg:$0x1c];
	s1 =	simm.s32 @!p0 $0x7400  }
0x46: {  	[tilespmem:s1], [sflag:$0x1] =	stream.linear.gather @!p0 [hbm4b:s9+s0], $0x400, $0x38;
	[tilespmem:$0x1DD80] =	vst v63  }
0x47: {  	s15 =	rddreg [dreg:$0x1d];
	s1 =	simm.s32 @!p0 $0x8400  }
0x48: {  	[tilespmem:s1], [sflag:$0x1] =	stream.linear.gather @!p0 [hbm4b:s14+s0], $0x400, $0x38;
	[tilespmem:$0x1DD80] =	vst v63  }
0x49: {  	s16 =	rddreg [dreg:$0x1e];
	s1 =	simm.s32 @!p0 $0x9400  }
0x4a: {  	[tilespmem:s1], [sflag:$0x1] =	stream.linear.gather @!p0 [hbm4b:s15+s0], $0x400, $0x38;
	[tilespmem:$0x1DD80] =	vst v63  }
0x4b: {  	s19 =	sld [smem:$0x7F5];
	s1 =	simm.s32 @!p0 $0xA400  }
0x4c: {  	[tilespmem:s1], [sflag:$0x1] =	stream.linear.gather @!p0 [hbm4b:s16+s0], $0x400, $0x38;
	[tilespmem:$0x1DD80] =	vst v63  }
0x4d: {  	s17 =	rddreg [dreg:$0x1f];
	s1 =	simm.s32 @!p0 $0xB400  }
0x4e: {  	[tilespmem:s1], [sflag:$0x1] =	stream.linear.gather @!p0 [hbm4b:s17+s0], $0x400, $0x38;
	[tilespmem:$0x1DD80] =	vst v63  }
0x4f: {  	p0 =	seq.s32 s19, $0x1  }
0x50: {  	s0 =	simm.s32 @!p0 $0x0;
	s1 =	simm.s32 @!p0 $0xC400  }
0x51: {  	[tilespmem:s1], [sflag:$0x2] =	stream.linear.gather @!p0 [hbm4b:s30+s0], $0x400, $0x38;
	[tilespmem:$0x1DD80] =	vst v63  }
0x52: {  	s1 =	simm.s32 @!p0 $0xD400  }
0x53: {  	[tilespmem:s1], [sflag:$0x2] =	stream.linear.gather @!p0 [hbm4b:s31+s0], $0x400, $0x38;
	[tilespmem:$0x1DD80] =	vst v63  }
0x54: {  	s1 =	simm.s32 @!p0 $0xE400  }
0x55: {  	[tilespmem:s1], [sflag:$0x2] =	stream.linear.gather @!p0 [hbm4b:s7+s0], $0x400, $0x38;
	[tilespmem:$0x1DD80] =	vst v63  }
0x56: {  	s1 =	simm.s32 @!p0 $0xF400  }
0x57: {  	[tilespmem:s1], [sflag:$0x2] =	stream.linear.gather @!p0 [hbm4b:s9+s0], $0x400, $0x38;
	[tilespmem:$0x1DD80] =	vst v63  }
0x58: {  	s1 =	simm.s32 @!p0 $0x10400  }
0x59: {  	[tilespmem:s1], [sflag:$0x2] =	stream.linear.gather @!p0 [hbm4b:s14+s0], $0x400, $0x38;
	[tilespmem:$0x1DD80] =	vst v63  }
0x5a: {  	s1 =	simm.s32 @!p0 $0x11400  }
0x5b: {  	[tilespmem:s1], [sflag:$0x2] =	stream.linear.gather @!p0 [hbm4b:s15+s0], $0x400, $0x38;
	[tilespmem:$0x1DD80] =	vst v63  }
0x5c: {  	s20 =	sld [smem:$0x7F4];
	s1 =	simm.s32 @!p0 $0x12400  }
0x5d: {  	[tilespmem:s1], [sflag:$0x2] =	stream.linear.gather @!p0 [hbm4b:s16+s0], $0x400, $0x38;
	[tilespmem:$0x1DD80] =	vst v63  }
0x5e: {  	s21 =	sld [smem:$0x7F6];
	s1 =	simm.s32 @!p0 $0x13400  }
0x5f: {  	[tilespmem:s1], [sflag:$0x2] =	stream.linear.gather @!p0 [hbm4b:s17+s0], $0x400, $0x38;
	[tilespmem:$0x1DD80] =	vst v63  }
0x60: {  	s3 =	rddreg [dreg:$0xe];
	p0 =	seq.s32 s20, $0x1  }
0x61: {  	s0 =	simm.s32 @!p0 $0x1000;
	s1 =	simm.s32 @!p0 $0x7A1400;
	s2 =	simm.s32 @!p0 $0x14400  }
0x62: {  	[tilespmem:s2], [sflag:$0x3] =	stream.strided.gather @!p0 [hbm4b:s3+s0], $0x8000, s1, s0, $0x38;
	[tilespmem:$0x1DD80] =	vst v63  }
0x63: {  	p0 =	seq.s32 s21, $0x1  }
0x64: {  	s0 =	simm.s32 @!p0 $0x0;
	s1 =	simm.s32 @!p0 $0x14400  }
0x65: {  	[tilespmem:s1], [sflag:$0x3] =	stream.linear.gather @!p0 [hbm4b:s30+s0], $0x400, $0x38;
	[tilespmem:$0x1DD80] =	vst v63  }
0x66: {  	s1 =	simm.s32 @!p0 $0x15400  }
0x67: {  	[tilespmem:s1], [sflag:$0x3] =	stream.linear.gather @!p0 [hbm4b:s31+s0], $0x400, $0x38;
	[tilespmem:$0x1DD80] =	vst v63  }
0x68: {  	s1 =	simm.s32 @!p0 $0x16400  }
0x69: {  	[tilespmem:s1], [sflag:$0x3] =	stream.linear.gather @!p0 [hbm4b:s7+s0], $0x400, $0x38;
	[tilespmem:$0x1DD80] =	vst v63  }
0x6a: {  	s1 =	simm.s32 @!p0 $0x17400  }
0x6b: {  	[tilespmem:s1], [sflag:$0x3] =	stream.linear.gather @!p0 [hbm4b:s9+s0], $0x400, $0x38;
	[tilespmem:$0x1DD80] =	vst v63  }
0x6c: {  	s1 =	simm.s32 @!p0 $0x18400  }
0x6d: {  	[tilespmem:s1], [sflag:$0x3] =	stream.linear.gather @!p0 [hbm4b:s14+s0], $0x400, $0x38;
	[tilespmem:$0x1DD80] =	vst v63  }
0x6e: {  	s1 =	simm.s32 @!p0 $0x19400  }
0x6f: {  	[tilespmem:s1], [sflag:$0x3] =	stream.linear.gather @!p0 [hbm4b:s15+s0], $0x400, $0x38;
	[tilespmem:$0x1DD80] =	vst v63  }
0x70: {  	s1 =	simm.s32 @!p0 $0x1A400  }
0x71: {  	[tilespmem:s1], [sflag:$0x3] =	stream.linear.gather @!p0 [hbm4b:s16+s0], $0x400, $0x38;
	[tilespmem:$0x1DD80] =	vst v63  }
0x72: {  	s1 =	simm.s32 @!p0 $0x1B400  }
0x73: {  	[tilespmem:s1], [sflag:$0x3] =	stream.linear.gather @!p0 [hbm4b:s17+s0], $0x400, $0x38;
	[tilespmem:$0x1DD80] =	vst v63  }
0x74: {  	s26 =	rddreg [dreg:$0x0];
	s28 =	simm.s32 $0x0  }
0x75: {  	[tilespmem:s28], [sflag:$0x7] =	stream.linear.gather [hbm4b:s26+s28], $0x2000, $0x38;
	[tilespmem:$0x1DD80] =	vst v63  }
0x76: {  	_ =	swait.ge [sflag:s18], $0x2000  }
0x77: {  	[sflag:s18] =	ssyncset.done $0x0  }
0x78: {  	[sflag:s18] =	ssyncadd.s32 $0xFFFFE000  }
0x79: {  	v12 =	vld [tilespmem:s28+$0x0];
	_ =	sdelay $0x4  }
0x7a: {  	v13 =	vshrl.u32 v12, $0x7  }
0x7b: {  	vm0 =	vge.u32 v13, v0;
	vm1 =	vlt.u32 v13, v1  }
0x7c: {  	vm0 =	vmand vm0, vm1  }
0x7d: {  	v13 =	vmpcnt.ones.xlane vm0;
	_ =	sdelay $0x1  }
0x7e: {  	(v2sf) =	vpush v13, $0x0;
	_ =	sdelay $0x3  }
0x7f: {  	[tilespmem:s28+$0x2000] =	vst.msk vm0, v12;
	v12 =	vor.u32 s28, v2  }
0x80: {  	s0 =	simm.s32 $0x10;
	[tilespmem:s28+$0x2480] =	vst.msk vm0, v12  }
0x81: {  	s2 =	simm.s32 $0x20;
	s3 =	simm.s32 $0x10;
	s1 =	simm.s32 $0x0;
	v12 =	vld [tilespmem:s0+$0x0]  }
.LBB2_2:
0x82: {  	p0 =	sne.s32 s2, $0x1FF0;
	_ =	sdelay $0x3  }
0x83: {  	v13 =	vshrl.u32 v12, $0x7  }
0x84: {  	vm0 =	vge.u32 v13, v0;
	vm1 =	vlt.u32 v13, v1  }
0x85: {  	vm0 =	vmand vm0, vm1  }
0x86: {  	v13 =	vmpcnt.ones.xlane vm0  }
0x87: {  	s7 =	spop (v2sf)  }
0x88: {  	(v2sf) =	vpush v13, $0x0;
	s1 =	sadd.s32 s1, s7  }
0x89: {  	[tilespmem:s1+$0x2000] =	vst.msk vm0, v12;
	v12 =	vor.u32 s0, v2;
	s0 =	smov.u32 s2  }
.Ltmp2:
0x8a: {  	[tilespmem:s1+$0x2480] =	vst.msk vm0, v12;
	(pc) =	sbr.rel @p0 .LBB2_2-.Ltmp2, $3  }
0x8b: {  	_ =	sdelay $0x1  }
0x8c: {  	s3 =	sadd.s32 $0x10, s3  }
0x8d: {  	s2 =	sadd.s32 $0x10, s2;
	v12 =	vld [tilespmem:s3+$0x0]  }
0x8e: {  	_ =	sdelay $0x3  }
0x8f: {  	v13 =	vshrl.u32 v12, $0x7  }
0x90: {  	vm0 =	vge.u32 v13, v0;
	vm1 =	vlt.u32 v13, v1  }
0x91: {  	vm0 =	vmand vm0, vm1  }
0x92: {  	v13 =	vmpcnt.ones.xlane vm0;
	_ =	sdelay $0x1  }
0x93: {  	(v2sf) =	vpush v13, $0x0;
	_ =	sdelay $0x9  }
0x94: {  	s2 =	spop (v2sf)  }
0x95: {  	s1 =	sadd.s32 s1, s2  }
0x96: {  	[tilespmem:s1+$0x2000] =	vst.msk vm0, v12;
	v12 =	vor.u32 s0, v2  }
0x97: {  	s26 =	simm.s32 $0x0;
	s3 =	rddreg [dreg:$0xf];
	[tilespmem:s1+$0x2480] =	vst.msk vm0, v12  }
0x98: {  	[tilespmem:s26], [sflag:$0x7] =	stream.linear.gather [hbm4b:s3+s26], $0x2000, $0x38;
	[tilespmem:$0x1DD80] =	vst v63  }
0x99: {  	s21 =	spop (v2sf)  }
0x9a: {  	_ =	swait.ge [sflag:s18], $0x2000  }
0x9b: {  	[sflag:s18] =	ssyncset.done $0x0  }
0x9c: {  	[sflag:s18] =	ssyncadd.s32 $0xFFFFE000  }
0x9d: {  	v12 =	vld [tilespmem:s26+$0x0];
	_ =	sdelay $0x4  }
0x9e: {  	v13 =	vshrl.u32 v12, $0x7  }
0x9f: {  	vm14 =	vge.u32 v13, v0;
	vm15 =	vlt.u32 v13, v1  }
0xa0: {  	vm0 =	vmand vm14, vm15  }
0xa1: {  	v13 =	vmpcnt.ones.xlane vm0;
	_ =	sdelay $0x1  }
0xa2: {  	(v2sf) =	vpush v13, $0x0;
	_ =	sdelay $0x2  }
0xa3: {  	s28 =	simm.s32 $0x2000;
	s0 =	sadd.s32 s1, s21  }
0xa4: {  	[tilespmem:s0+$0x2000] =	vst.msk vm0, v12;
	v12 =	vor.u32 s28, v2  }
0xa5: {  	s2 =	simm.s32 $0x10;
	[tilespmem:s0+$0x2480] =	vst.msk vm0, v12  }
0xa6: {  	s3 =	simm.s32 $0x2020;
	s1 =	simm.s32 $0x2010;
	v12 =	vld [tilespmem:s2+$0x0]  }
.LBB2_4:
0xa7: {  	p0 =	sne.s32 s3, $0x3FF0;
	_ =	sdelay $0x3  }
0xa8: {  	v13 =	vshrl.u32 v12, $0x7  }
0xa9: {  	vm0 =	vge.u32 v13, v0;
	vm1 =	vlt.u32 v13, v1  }
0xaa: {  	vm0 =	vmand vm0, vm1  }
0xab: {  	v13 =	vmpcnt.ones.xlane vm0  }
0xac: {  	s7 =	spop (v2sf)  }
0xad: {  	(v2sf) =	vpush v13, $0x0;
	s0 =	sadd.s32 s0, s7  }
0xae: {  	[tilespmem:s0+$0x2000] =	vst.msk vm0, v12;
	v12 =	vor.u32 s1, v2;
	s1 =	smov.u32 s3  }
.Ltmp3:
0xaf: {  	[tilespmem:s0+$0x2480] =	vst.msk vm0, v12;
	(pc) =	sbr.rel @p0 .LBB2_4-.Ltmp3, $3  }
0xb0: {  	_ =	sdelay $0x1  }
0xb1: {  	s2 =	sadd.s32 $0x10, s2  }
0xb2: {  	s3 =	sadd.s32 $0x10, s3;
	v12 =	vld [tilespmem:s2+$0x0]  }
0xb3: {  	_ =	sdelay $0x3  }
0xb4: {  	v13 =	vshrl.u32 v12, $0x7  }
0xb5: {  	vm0 =	vge.u32 v13, v0;
	vm1 =	vlt.u32 v13, v1  }
0xb6: {  	vm0 =	vmand vm0, vm1  }
0xb7: {  	v13 =	vmpcnt.ones.xlane vm0;
	_ =	sdelay $0x1  }
0xb8: {  	(v2sf) =	vpush v13, $0x0;
	_ =	sdelay $0x9  }
0xb9: {  	s2 =	spop (v2sf)  }
0xba: {  	s3 =	sadd.s32 s0, s2  }
0xbb: {  	[tilespmem:s3+$0x2000] =	vst.msk vm0, v12;
	v12 =	vor.u32 s1, v2  }
0xbc: {  	s28 =	rddreg [dreg:$0x1];
	s0 =	simm.s32 $0x0;
	[tilespmem:s3+$0x2480] =	vst.msk vm0, v12  }
0xbd: {  	[tilespmem:s0], [sflag:$0x7] =	stream.linear.gather [hbm4b:s28+s0], $0x2000, $0x38;
	[tilespmem:$0x1DD80] =	vst v63  }
0xbe: {  	s26 =	spop (v2sf)  }
0xbf: {  	_ =	swait.ge [sflag:s18], $0x2000  }
0xc0: {  	[sflag:s18] =	ssyncset.done $0x0  }
0xc1: {  	[sflag:s18] =	ssyncadd.s32 $0xFFFFE000  }
0xc2: {  	v12 =	vld [tilespmem:s0+$0x0];
	_ =	sdelay $0x4  }
0xc3: {  	v13 =	vshrl.u32 v12, $0x7  }
0xc4: {  	vm14 =	vge.u32 v13, v0;
	vm15 =	vlt.u32 v13, v1  }
0xc5: {  	vm0 =	vmand vm14, vm15  }
0xc6: {  	v13 =	vmpcnt.ones.xlane vm0;
	_ =	sdelay $0x1  }
0xc7: {  	(v2sf) =	vpush v13, $0x0;
	_ =	sdelay $0x3  }
0xc8: {  	[tilespmem:s0+$0x2900] =	vst.msk vm0, v12;
	v12 =	vor.u32 s0, v2  }
0xc9: {  	s2 =	simm.s32 $0x10;
	[tilespmem:s0+$0x2D80] =	vst.msk vm0, v12  }
0xca: {  	s7 =	simm.s32 $0x10;
	s1 =	sadd.s32 s3, s26;
	s3 =	simm.s32 $0x20;
	v12 =	vld [tilespmem:s2+$0x0]  }
.LBB2_6:
0xcb: {  	p0 =	sne.s32 s3, $0x1FF0;
	_ =	sdelay $0x3  }
0xcc: {  	v13 =	vshrl.u32 v12, $0x7  }
0xcd: {  	vm0 =	vge.u32 v13, v0;
	vm1 =	vlt.u32 v13, v1  }
0xce: {  	vm0 =	vmand vm0, vm1  }
0xcf: {  	v13 =	vmpcnt.ones.xlane vm0  }
0xd0: {  	s9 =	spop (v2sf)  }
0xd1: {  	(v2sf) =	vpush v13, $0x0;
	s0 =	sadd.s32 s0, s9  }
0xd2: {  	[tilespmem:s0+$0x2900] =	vst.msk vm0, v12;
	v12 =	vor.u32 s2, v2;
	s2 =	smov.u32 s3  }
.Ltmp4:
0xd3: {  	[tilespmem:s0+$0x2D80] =	vst.msk vm0, v12;
	(pc) =	sbr.rel @p0 .LBB2_6-.Ltmp4, $3  }
0xd4: {  	_ =	sdelay $0x1  }
0xd5: {  	s7 =	sadd.s32 $0x10, s7  }
0xd6: {  	s3 =	sadd.s32 $0x10, s3;
	v12 =	vld [tilespmem:s7+$0x0]  }
0xd7: {  	_ =	sdelay $0x3  }
0xd8: {  	v13 =	vshrl.u32 v12, $0x7  }
0xd9: {  	vm0 =	vge.u32 v13, v0;
	vm1 =	vlt.u32 v13, v1  }
0xda: {  	vm0 =	vmand vm0, vm1  }
0xdb: {  	v13 =	vmpcnt.ones.xlane vm0;
	_ =	sdelay $0x1  }
0xdc: {  	(v2sf) =	vpush v13, $0x0;
	_ =	sdelay $0x9  }
0xdd: {  	s3 =	spop (v2sf)  }
0xde: {  	s0 =	sadd.s32 s0, s3  }
0xdf: {  	[tilespmem:s0+$0x2900] =	vst.msk vm0, v12;
	v12 =	vor.u32 s2, v2  }
0xe0: {  	s26 =	simm.s32 $0x0;
	s7 =	rddreg [dreg:$0x10];
	[tilespmem:s0+$0x2D80] =	vst.msk vm0, v12  }
0xe1: {  	[tilespmem:s26], [sflag:$0x7] =	stream.linear.gather [hbm4b:s7+s26], $0x2000, $0x38;
	[tilespmem:$0x1DD80] =	vst v63  }
0xe2: {  	s21 =	spop (v2sf)  }
0xe3: {  	_ =	swait.ge [sflag:s18], $0x2000  }
0xe4: {  	[sflag:s18] =	ssyncset.done $0x0  }
0xe5: {  	[sflag:s18] =	ssyncadd.s32 $0xFFFFE000  }
0xe6: {  	v12 =	vld [tilespmem:s26+$0x0];
	_ =	sdelay $0x4  }
0xe7: {  	v13 =	vshrl.u32 v12, $0x7  }
0xe8: {  	vm14 =	vge.u32 v13, v0;
	vm15 =	vlt.u32 v13, v1  }
0xe9: {  	vm0 =	vmand vm14, vm15  }
0xea: {  	v13 =	vmpcnt.ones.xlane vm0;
	_ =	sdelay $0x1  }
0xeb: {  	(v2sf) =	vpush v13, $0x0;
	_ =	sdelay $0x2  }
0xec: {  	s28 =	simm.s32 $0x2000;
	s0 =	sadd.s32 s0, s21  }
0xed: {  	[tilespmem:s0+$0x2900] =	vst.msk vm0, v12;
	v12 =	vor.u32 s28, v2  }
0xee: {  	s3 =	simm.s32 $0x10;
	[tilespmem:s0+$0x2D80] =	vst.msk vm0, v12  }
0xef: {  	s2 =	simm.s32 $0x2010;
	s7 =	simm.s32 $0x2020;
	v12 =	vld [tilespmem:s3+$0x0]  }
.LBB2_8:
0xf0: {  	p0 =	sne.s32 s7, $0x3FF0;
	_ =	sdelay $0x3  }
0xf1: {  	v13 =	vshrl.u32 v12, $0x7  }
0xf2: {  	vm0 =	vge.u32 v13, v0;
	vm1 =	vlt.u32 v13, v1  }
0xf3: {  	vm0 =	vmand vm0, vm1  }
0xf4: {  	v13 =	vmpcnt.ones.xlane vm0  }
0xf5: {  	s9 =	spop (v2sf)  }
0xf6: {  	(v2sf) =	vpush v13, $0x0;
	s0 =	sadd.s32 s0, s9  }
0xf7: {  	[tilespmem:s0+$0x2900] =	vst.msk vm0, v12;
	v12 =	vor.u32 s2, v2;
	s2 =	smov.u32 s7  }
.Ltmp5:
0xf8: {  	[tilespmem:s0+$0x2D80] =	vst.msk vm0, v12;
	(pc) =	sbr.rel @p0 .LBB2_8-.Ltmp5, $3  }
0xf9: {  	_ =	sdelay $0x1  }
0xfa: {  	s3 =	sadd.s32 $0x10, s3  }
0xfb: {  	s7 =	sadd.s32 $0x10, s7;
	v12 =	vld [tilespmem:s3+$0x0]  }
0xfc: {  	_ =	sdelay $0x3  }
0xfd: {  	v13 =	vshrl.u32 v12, $0x7  }
0xfe: {  	vm0 =	vge.u32 v13, v0;
	vm1 =	vlt.u32 v13, v1  }
0xff: {  	vm0 =	vmand vm0, vm1  }
0x100: {  	v13 =	vmpcnt.ones.xlane vm0;
	_ =	sdelay $0x1  }
0x101: {  	(v2sf) =	vpush v13, $0x0;
	_ =	sdelay $0x9  }
0x102: {  	s3 =	spop (v2sf)  }
0x103: {  	s0 =	sadd.s32 s0, s3  }
0x104: {  	[tilespmem:s0+$0x2900] =	vst.msk vm0, v12;
	v12 =	vor.u32 s2, v2  }
0x105: {  	s28 =	rddreg [dreg:$0x2];
	s2 =	simm.s32 $0x0;
	[tilespmem:s0+$0x2D80] =	vst.msk vm0, v12  }
0x106: {  	[tilespmem:s2], [sflag:$0x7] =	stream.linear.gather [hbm4b:s28+s2], $0x2000, $0x38;
	[tilespmem:$0x1DD80] =	vst v63  }
0x107: {  	s7 =	spop (v2sf)  }
0x108: {  	_ =	swait.ge [sflag:s18], $0x2000  }
0x109: {  	[sflag:s18] =	ssyncset.done $0x0  }
0x10a: {  	[sflag:s18] =	ssyncadd.s32 $0xFFFFE000  }
0x10b: {  	v12 =	vld [tilespmem:s2+$0x0];
	_ =	sdelay $0x4  }
0x10c: {  	v13 =	vshrl.u32 v12, $0x7  }
0x10d: {  	vm14 =	vge.u32 v13, v0;
	vm15 =	vlt.u32 v13, v1  }
0x10e: {  	vm0 =	vmand vm14, vm15  }
0x10f: {  	v13 =	vmpcnt.ones.xlane vm0;
	_ =	sdelay $0x1  }
0x110: {  	(v2sf) =	vpush v13, $0x0;
	_ =	sdelay $0x3  }
0x111: {  	[tilespmem:s2+$0x3200] =	vst.msk vm0, v12;
	v12 =	vor.u32 s2, v2  }
0x112: {  	s3 =	simm.s32 $0x10;
	[tilespmem:s2+$0x3680] =	vst.msk vm0, v12  }
0x113: {  	s9 =	simm.s32 $0x10;
	s0 =	sadd.s32 s0, s7;
	s7 =	simm.s32 $0x20;
	v12 =	vld [tilespmem:s3+$0x0]  }
.LBB2_10:
0x114: {  	p0 =	sne.s32 s7, $0x1FF0;
	_ =	sdelay $0x3  }
0x115: {  	v13 =	vshrl.u32 v12, $0x7  }
0x116: {  	vm0 =	vge.u32 v13, v0;
	vm1 =	vlt.u32 v13, v1  }
0x117: {  	vm0 =	vmand vm0, vm1  }
0x118: {  	v13 =	vmpcnt.ones.xlane vm0  }
0x119: {  	s14 =	spop (v2sf)  }
0x11a: {  	(v2sf) =	vpush v13, $0x0;
	s2 =	sadd.s32 s2, s14  }
0x11b: {  	[tilespmem:s2+$0x3200] =	vst.msk vm0, v12;
	v12 =	vor.u32 s3, v2;
	s3 =	smov.u32 s7  }
.Ltmp6:
0x11c: {  	[tilespmem:s2+$0x3680] =	vst.msk vm0, v12;
	(pc) =	sbr.rel @p0 .LBB2_10-.Ltmp6, $3  }
0x11d: {  	_ =	sdelay $0x1  }
0x11e: {  	s9 =	sadd.s32 $0x10, s9  }
0x11f: {  	s7 =	sadd.s32 $0x10, s7;
	v12 =	vld [tilespmem:s9+$0x0]  }
0x120: {  	_ =	sdelay $0x3  }
0x121: {  	v13 =	vshrl.u32 v12, $0x7  }
0x122: {  	vm0 =	vge.u32 v13, v0;
	vm1 =	vlt.u32 v13, v1  }
0x123: {  	vm0 =	vmand vm0, vm1  }
0x124: {  	v13 =	vmpcnt.ones.xlane vm0;
	_ =	sdelay $0x1  }
0x125: {  	(v2sf) =	vpush v13, $0x0;
	_ =	sdelay $0x9  }
0x126: {  	s7 =	spop (v2sf)  }
0x127: {  	s2 =	sadd.s32 s2, s7  }
0x128: {  	[tilespmem:s2+$0x3200] =	vst.msk vm0, v12;
	v12 =	vor.u32 s3, v2  }
0x129: {  	s26 =	simm.s32 $0x0;
	s9 =	rddreg [dreg:$0x11];
	[tilespmem:s2+$0x3680] =	vst.msk vm0, v12  }
0x12a: {  	[tilespmem:s26], [sflag:$0x7] =	stream.linear.gather [hbm4b:s9+s26], $0x2000, $0x38;
	[tilespmem:$0x1DD80] =	vst v63  }
0x12b: {  	s21 =	spop (v2sf)  }
0x12c: {  	_ =	swait.ge [sflag:s18], $0x2000  }
0x12d: {  	[sflag:s18] =	ssyncset.done $0x0  }
0x12e: {  	[sflag:s18] =	ssyncadd.s32 $0xFFFFE000  }
0x12f: {  	v12 =	vld [tilespmem:s26+$0x0];
	_ =	sdelay $0x4  }
0x130: {  	v13 =	vshrl.u32 v12, $0x7  }
0x131: {  	vm14 =	vge.u32 v13, v0;
	vm15 =	vlt.u32 v13, v1  }
0x132: {  	vm0 =	vmand vm14, vm15  }
0x133: {  	v13 =	vmpcnt.ones.xlane vm0;
	_ =	sdelay $0x1  }
0x134: {  	(v2sf) =	vpush v13, $0x0;
	_ =	sdelay $0x2  }
0x135: {  	s28 =	simm.s32 $0x2000;
	s2 =	sadd.s32 s2, s21  }
0x136: {  	[tilespmem:s2+$0x3200] =	vst.msk vm0, v12;
	v12 =	vor.u32 s28, v2  }
0x137: {  	s7 =	simm.s32 $0x10;
	[tilespmem:s2+$0x3680] =	vst.msk vm0, v12  }
0x138: {  	s3 =	simm.s32 $0x2010;
	s9 =	simm.s32 $0x2020;
	v12 =	vld [tilespmem:s7+$0x0]  }
.LBB2_12:
0x139: {  	p0 =	seq.s32 s9, $0x3FF0;
	_ =	sdelay $0x3  }
0x13a: {  	v13 =	vshrl.u32 v12, $0x7  }
0x13b: {  	vm0 =	vge.u32 v13, v0;
	vm1 =	vlt.u32 v13, v1  }
0x13c: {  	vm0 =	vmand vm0, vm1  }
0x13d: {  	v13 =	vmpcnt.ones.xlane vm0  }
0x13e: {  	s14 =	spop (v2sf)  }
0x13f: {  	(v2sf) =	vpush v13, $0x0;
	s2 =	sadd.s32 s2, s14  }
0x140: {  	[tilespmem:s2+$0x3200] =	vst.msk vm0, v12;
	v12 =	vor.u32 s3, v2;
	s3 =	smov.u32 s9  }
.Ltmp7:
0x141: {  	[tilespmem:s2+$0x3680] =	vst.msk vm0, v12;
	(pc) =	sbr.rel @!p0 .LBB2_12-.Ltmp7, $3  }
0x142: {  	_ =	sdelay $0x1  }
0x143: {  	s7 =	sadd.s32 $0x10, s7  }
0x144: {  	s9 =	sadd.s32 $0x10, s9;
	v12 =	vld [tilespmem:s7+$0x0]  }
0x145: {  	_ =	sdelay $0x3  }
0x146: {  	v13 =	vshrl.u32 v12, $0x7  }
0x147: {  	vm0 =	vge.u32 v13, v0;
	vm1 =	vlt.u32 v13, v1  }
0x148: {  	vm0 =	vmand vm0, vm1  }
0x149: {  	v13 =	vmpcnt.ones.xlane vm0;
	_ =	sdelay $0x1  }
0x14a: {  	(v2sf) =	vpush v13, $0x0;
	_ =	sdelay $0xc  }
0x14b: {  	s7 =	spop (v2sf)  }
0x14c: {  	s2 =	sadd.s32 s2, s7  }
0x14d: {  	s28 =	sadd.s32 $0xF, s1;
	[tilespmem:s2+$0x3200] =	vst.msk vm0, v12;
	v12 =	vor.u32 s3, v2;
	s26 =	spop (v2sf)  }
0x14e: {  	s14 =	simm.s32 $0x0;
	[tilespmem:s2+$0x3680] =	vst.msk vm0, v12;
	s9 =	sadd.s32 s2, s26;
	s2 =	sshrl.u32 s28, $0x4  }
0x14f: {  	s15 =	simm.s32 $0x0;
	s7 =	simm.s32 $0x0;
	v12 =	vmov s1;
	p4 =	seq.s32 s2, $0x0  }
.LBB2_14:
0x150: {  	s26 =	smul.u32 $0xC, s15  }
0x151: {  	s1 =	rddreg [dreg:$0x9]  }
0x152: {  	s1 =	sadd.s32 s1, s26  }
0x153: {  	p0 =	sgt.u32 s1, $0x1E80  }
0x154: {  	p1 =	sne.s32 @p0 s1, $0x1E84  }
0x155: {  	p1 =	por p1, !p0  }
0x156: {  	s3 =	simm.s32 @!p1 $0x1  }
0x157: {  	_ =	swait.ge @!p1 [sflag:s3], $0x2000  }
.Ltmp8:
0x158: {  	[sflag:s3] =	ssyncset.done @!p1 $0x0;
	(pc) =	sbr.rel @p4 .LBB2_29-.Ltmp8, $4  }
0x159: {  	[sflag:s3] =	ssyncadd.s32 @!p1 $0xFFFFE000;
	s3 =	simm.s32 @!p0 $0x1  }
0x15a: {  	_ =	swait.ge @!p0 [sflag:s3], $0x8000  }
0x15b: {  	[sflag:s3] =	ssyncset.done @!p0 $0x0  }
0x15c: {  	[sflag:s3] =	ssyncadd.s32 @!p0 $0xFFFF8000  }
0x15d: {  	p0 =	seq.s32 s2, $0x1  }
.Ltmp9:
0x15e: {  	_ = 	snop;
	(pc) =	sbr.rel @p0 .LBB2_16-.Ltmp9, $3  }
0x15f: {  	_ =	sdelay $0x1  }
0x160: {  	s17 =	simm.s32 $0x2000;
	s16 =	simm.s32 $0x2480  }
0x161: {  	v13 =	vmov s1;
	s3 =	simm.s32 $0x0;
	p1 =	por $0x0, $0x0;
	v14 =	vld [tilespmem:s17+$0x0];
	s17 =	sadd.s32 $0xFFFFFFFF, s2  }
0x162: {  	_ =	sdelay $0x3  }
0x163: {  	v15 =	vshrl.u32 v14, $0x7  }
0x164: {  	v17 =	vor.u32 s3, v2;
	v15 =	vsub.s32 v15, v13  }
0x165: {  	vm0 =	vlt.s32 v17, v12;
	vm1 =	vlt.u32 v15, $0x4  }
0x166: {  	vm0 =	vmand vm0, vm1  }
0x167: {  	v15 =	vmpcnt.ones.xlane vm0  }
0x168: {  	v16 =	vld [tilespmem:s16+$0x0]  }
0x169: {  	p0 =	seq.s32 s17, $0x1;
	(v2sf) =	vpush v15, $0x0  }
.Ltmp10:
0x16a: {  	_ = 	snop;
	(pc) =	sbr.rel @p0 .LBB2_21-.Ltmp10, $4  }
0x16b: {  	_ = 	snop  }
0x16c: {  	[tilespmem:s3+$0x3B00] =	vst.msk vm0, v14  }
0x16d: {  	s20 =	simm.s32 $0x2010;
	s28 =	sadd.s32 $0xFFFFFFFF, s17;
	p1 =	por $0x1, $0x1;
	[tilespmem:s3+$0x3F80] =	vst.msk vm0, v16  }
0x16e: {  	s19 =	simm.s32 $0x0;
	s17 =	simm.s32 $0x2480;
	s18 =	simm.s32 $0x0;
	v14 =	vld [tilespmem:s20+$0x0]  }
.LBB2_22:
0x16f: {  	p2 =	seq.s32 s28, $0x1;
	_ =	sdelay $0x3  }
0x170: {  	s19 =	sadd.s32 $0x10, s19;
	v15 =	vshrl.u32 v14, $0x7  }
0x171: {  	v16 =	vor.u32 s19, v2;
	v15 =	vsub.s32 v15, v13  }
0x172: {  	s17 =	sadd.s32 $0x10, s17;
	vm0 =	vlt.s32 v16, v12;
	vm1 =	vlt.u32 v15, $0x4  }
0x173: {  	v15 =	vld [tilespmem:s17+$0x0];
	vm0 =	vmand vm0, vm1  }
0x174: {  	v16 =	vmpcnt.ones.xlane vm0  }
0x175: {  	s21 =	spop (v2sf)  }
0x176: {  	(v2sf) =	vpush v16, $0x0;
	s18 =	sadd.s32 s18, s21  }
.Ltmp11:
0x177: {  	[tilespmem:s18+$0x3B00] =	vst.msk vm0, v14;
	(pc) =	sbr.rel @!p2 .LBB2_22-.Ltmp11, $3  }
0x178: {  	[tilespmem:s18+$0x3F80] =	vst.msk vm0, v15;
	_ =	sdelay $0x1  }
0x179: {  	s20 =	sadd.s32 $0x10, s20  }
0x17a: {  	s28 =	sadd.s32 $0xFFFFFFFF, s28;
	v14 =	vld [tilespmem:s20+$0x0]  }
.LBB2_23:
0x17b: {  	_ =	sdelay $0x2  }
0x17c: {  	s19 =	sadd.s32 @p1 $0x10, s19;
	s20 =	simm.s32 $0x0  }
0x17d: {  	s20 =	smov.u32 @p1 s19;
	v15 =	vshrl.u32 v14, $0x7  }
0x17e: {  	v16 =	vor.u32 s20, v2;
	v13 =	vsub.s32 v15, v13  }
0x17f: {  	vm0 =	vlt.s32 v16, v12;
	vm1 =	vlt.u32 v13, $0x4  }
0x180: {  	vm0 =	vmand vm0, vm1  }
0x181: {  	v13 =	vmpcnt.ones.xlane vm0;
	_ =	sdelay $0x1  }
0x182: {  	(v2sf) =	vpush v13, $0x0;
	_ =	sdelay $0x8  }
0x183: {  	s17 =	sadd.s32 @p1 $0x10, s17  }
0x184: {  	s16 =	smov.u32 @p1 s17  }
0x185: {  	v13 =	vld [tilespmem:s16+$0x0]  }
0x186: {  	s16 =	spop @p1 (v2sf)  }
0x187: {  	s16 =	sadd.s32 @p1 s18, s16  }
0x188: {  	s3 =	smov.u32 @p1 s16  }
0x189: {  	[tilespmem:s3+$0x3B00] =	vst.msk vm0, v14;
	s28 =	spop (v2sf)  }
0x18a: {  	[tilespmem:s3+$0x3F80] =	vst.msk vm0, v13;
	s18 =	sadd.s32 s3, s28  }
0x18b: {  	p0 =	slt.s32 s18, $0x1  }
.Ltmp12:
0x18c: {  	_ = 	snop;
	(pc) =	sbr.rel @p0 .LBB2_29-.Ltmp12, $1  }
0x18d: {  	_ =	sdelay $0x3  }
0x18e: {  	s18 =	sadd.s32 $0xFFFFFFFF, s18  }
0x18f: {  	p0 =	sne.s32 s18, $0x0  }
.Ltmp13:
0x190: {  	_ = 	snop;
	(pc) =	sbr.rel @!p0 .LBB2_19-.Ltmp13, $4  }
0x191: {  	_ = 	snop  }
0x192: {  	s3 =	sshll.u32 s1, $0x7  }
0x193: {  	s16 =	simm.s32 $0x3F80;
	s17 =	simm.s32 $0x3B00;
	p2 =	slt.s32 s7, $0x1  }
0x194: {  	s1 =	sadd.s32 $0x1, s14;
	p5 =	por $0x0, $0x0;
	p3 =	sne.s32 @!p2 s14, $0x0  }
0x195: {  	p0 =	por p3, p2  }
0x196: {  	s19 =	simm.s32 @!p0 $0x4  }
0x197: {  	_ =	swait.ge @!p0 [sflag:s19], $0x800  }
0x198: {  	[sflag:s19] =	ssyncset.done @!p0 $0x0  }
0x199: {  	[sflag:s19] =	ssyncadd.s32 @!p0 $0xFFFFF800  }
0x19a: {  	v13 =	vld [tilespmem:s17+$0x0];
	_ =	sdelay $0x4  }
0x19b: {  	(v2sf) =	vpush v13, $0x0;
	_ =	sdelay $0xe  }
0x19c: {  	s21 =	spop (v2sf)  }
0x19d: {  	s28 =	ssub.s32 s21, s3  }
0x19e: {  	s17 =	sand.u32 $0x7F, s21;
	s19 =	sand.u32 $0xFFFFFF80, s28  }
0x19f: {  	s17 =	sor.u32 s17, s19  }
0x1a0: {  	v13 =	vmov s17  }
0x1a1: {  	v14 =	vshll.u32 v13, $0x3  }
0x1a2: {  	v13 =	vand.u32 $0x7F, v13;
	v14 =	vand.u32 $0xFFFFFC00, v14  }
0x1a3: {  	v14 =	vor.u32 v13, v14  }
0x1a4: {  	v13 =	vadd.s32 v5, v14;
	_ =	sdelay $0x2  }
0x1a5: {  	v15 =	vmov s14  }
0x1a6: {  	v16 =	vshll.u32 v15, $0x7  }
0x1a7: {  	v18 =	vor.u32 v2, v16;
	v17 =	vld.idx.msk [tilespmem:v13+s29+$0x0], $0xffff  }
0x1a8: {  	v19 =	vadd.s32 v6, v14;
	_ =	sdelay $0x3  }
0x1a9: {  	v13 =	vld.msk [tilespmem:s16+$0x0 ss:$0x0], $0xffff;
	[tilespmem:v18+s25+$0x0] =	vst.idx.msk $0xffff, v17  }
0x1aa: {  	v61 =	vor.u32 v7, v16;
	v17 =	vld.idx.msk [tilespmem:v19+s29+$0x0], $0xffff  }
0x1ab: {  	v62 =	vadd.s32 v8, v14;
	_ =	sdelay $0x3  }
0x1ac: {  	[tilespmem:v61+s25+$0x0] =	vst.idx.msk $0xffff, v17  }
0x1ad: {  	v63 =	vor.u32 v9, v16;
	v17 =	vld.idx.msk [tilespmem:v62+s29+$0x0], $0xffff  }
0x1ae: {  	v14 =	vadd.s32 v10, v14;
	_ =	sdelay $0x3  }
0x1af: {  	s18 =	sadd.s32 $0xFFFFFFFF, s18;
	[tilespmem:v63+s25+$0x0] =	vst.idx.msk $0xffff, v17  }
0x1b0: {  	p1 =	sne.s32 s18, $0x0;
	v16 =	vor.u32 v11, v16;
	v14 =	vld.idx.msk [tilespmem:v14+s29+$0x0], $0xffff  }
.Ltmp14:
0x1b1: {  	vm0 =	veq.s32 v15, v2;
	p0 =	seq.s32 s14, $0xF;
	s16 =	simm.s32 $0x1;
	(pc) =	sbr.rel @!p1 .LBB2_25-.Ltmp14, $4  }
0x1b2: {  	s16 =	simm.s32 @!p0 $0x0  }
0x1b3: {  	p5 =	por $0x1, $0x1;
	s1 =	simm.s32 @p0 $0x0;
	s7 =	sadd.s32 s16, s7  }
0x1b4: {  	s19 =	sadd.s32 $0x1, s1;
	s17 =	simm.s32 $0x3B01;
	p2 =	slt.s32 s7, $0x1  }
0x1b5: {  	p0 =	sne.s32 s14, $0xF;
	s16 =	simm.s32 $0x3F81;
	p3 =	sne.s32 @!p2 s1, $0x0;
	[tilespmem:v16+s25+$0x0] =	vst.idx.msk $0xffff, v14  }
.LBB2_26:
0x1b6: {  	p2 =	por p3, p2;
	s14 =	simm.s32 @!p0 $0x10;
	s20 =	simm.s32 @!p0 $0x1C400  }
0x1b7: {  	s18 =	sadd.s32 $0xFFFFFFFF, s18;
	s28 =	simm.s32 @!p0 $0x1DC00;
	s21 =	simm.s32 @!p2 $0x4;
	[tilespmem:v2+s24+$0x0] =	vst.idx.msk vm0, v13  }
0x1b8: {  	[hbm4b:s11+s14] =	stream.indirect.scatter @!p0 [tilespmem:s20], [sflag:$0x4], $0x80, s28, s14, $0xb8;
	[tilespmem:$0x1DD80] =	vst v63  }
0x1b9: {  	p1 =	sne.s32 s18, $0x0;
	s14 =	smov.u32 s1;
	_ =	swait.ge @!p2 [sflag:s21], $0x800  }
0x1ba: {  	[sflag:s21] =	ssyncset.done @!p2 $0x0  }
0x1bb: {  	[sflag:s21] =	ssyncadd.s32 @!p2 $0xFFFFF800  }
0x1bc: {  	v13 =	vld [tilespmem:s17+$0x0];
	_ =	sdelay $0x4  }
0x1bd: {  	(v2sf) =	vpush v13, $0x0;
	_ =	sdelay $0xe  }
0x1be: {  	s20 =	spop (v2sf)  }
0x1bf: {  	s21 =	ssub.s32 s20, s3;
	s20 =	sand.u32 $0x7F, s20  }
0x1c0: {  	s21 =	sand.u32 $0xFFFFFF80, s21  }
0x1c1: {  	s20 =	sor.u32 s20, s21  }
0x1c2: {  	v13 =	vmov s20  }
0x1c3: {  	v14 =	vand.u32 $0x7F, v13;
	v13 =	vshll.u32 v13, $0x3  }
0x1c4: {  	v13 =	vand.u32 $0xFFFFFC00, v13  }
0x1c5: {  	v14 =	vor.u32 v14, v13  }
0x1c6: {  	v13 =	vadd.s32 v5, v14;
	_ =	sdelay $0x3  }
0x1c7: {  	v15 =	vmov s1  }
0x1c8: {  	v17 =	vshll.u32 v15, $0x7;
	v16 =	vld.idx.msk [tilespmem:v13+s29+$0x0], $0xffff  }
0x1c9: {  	v18 =	vor.u32 v2, v17  }
0x1ca: {  	v19 =	vadd.s32 v6, v14;
	_ =	sdelay $0x2  }
0x1cb: {  	v13 =	vld.msk [tilespmem:s16+$0x0 ss:$0x0], $0xffff  }
0x1cc: {  	[tilespmem:v18+s25+$0x0] =	vst.idx.msk $0xffff, v16  }
0x1cd: {  	v16 =	vld.idx.msk [tilespmem:v19+s29+$0x0], $0xffff  }
0x1ce: {  	v18 =	vor.u32 v7, v17  }
0x1cf: {  	v19 =	vadd.s32 v8, v14;
	_ =	sdelay $0x3  }
0x1d0: {  	[tilespmem:v18+s25+$0x0] =	vst.idx.msk $0xffff, v16  }
0x1d1: {  	v16 =	vld.idx.msk [tilespmem:v19+s29+$0x0], $0xffff  }
0x1d2: {  	v18 =	vor.u32 v9, v17  }
0x1d3: {  	v14 =	vadd.s32 v10, v14;
	_ =	sdelay $0x3  }
0x1d4: {  	[tilespmem:v18+s25+$0x0] =	vst.idx.msk $0xffff, v16  }
0x1d5: {  	v14 =	vld.idx.msk [tilespmem:v14+s29+$0x0], $0xffff  }
0x1d6: {  	p0 =	seq.s32 s1, $0xF;
	v16 =	vor.u32 v11, v17  }
.Ltmp15:
0x1d7: {  	vm0 =	veq.s32 v15, v2;
	s1 =	smov.u32 s19;
	s20 =	simm.s32 $0x1;
	(pc) =	sbr.rel @p1 .LBB2_26-.Ltmp15, $4  }
0x1d8: {  	s1 =	simm.s32 @p0 $0x0;
	s20 =	simm.s32 @!p0 $0x0  }
0x1d9: {  	s19 =	sadd.s32 $0x1, s1;
	s7 =	sadd.s32 s20, s7  }
0x1da: {  	s17 =	sadd.s32 $0x1, s17;
	p2 =	slt.s32 s7, $0x1  }
0x1db: {  	p0 =	sne.s32 s14, $0xF;
	p3 =	sne.s32 @!p2 s1, $0x0;
	s16 =	sadd.s32 $0x1, s16;
	[tilespmem:v16+s25+$0x0] =	vst.idx.msk $0xffff, v14  }
0x1dc: {  	s14 =	smov.u32 s1;
	s1 =	smov.u32 s19  }
.LBB2_28:
0x1dd: {  	_ =	sdelay $0x2  }
0x1de: {  	p0 =	por p0, !p5  }
0x1df: {  	p1 =	por p3, p2;
	s18 =	simm.s32 @!p0 $0x10  }
0x1e0: {  	[tilespmem:v2+s24+$0x0] =	vst.idx.msk @p5 vm0, v13;
	s19 =	simm.s32 @!p0 $0x1C400;
	s20 =	simm.s32 @!p1 $0x4;
	s21 =	simm.s32 @!p0 $0x1DC00  }
0x1e1: {  	[hbm4b:s11+s18] =	stream.indirect.scatter @!p0 [tilespmem:s19], [sflag:$0x4], $0x80, s21, s18, $0xb8;
	[tilespmem:$0x1DD80] =	vst v63  }
0x1e2: {  	_ =	swait.ge @!p1 [sflag:s20], $0x800  }
0x1e3: {  	[sflag:s20] =	ssyncset.done @!p1 $0x0  }
0x1e4: {  	[sflag:s20] =	ssyncadd.s32 @!p1 $0xFFFFF800  }
0x1e5: {  	v13 =	vld [tilespmem:s17+$0x0];
	_ =	sdelay $0x4  }
0x1e6: {  	(v2sf) =	vpush v13, $0x0;
	_ =	sdelay $0xe  }
0x1e7: {  	s28 =	spop (v2sf)  }
0x1e8: {  	s3 =	ssub.s32 s28, s3  }
0x1e9: {  	s17 =	sand.u32 $0x7F, s28;
	s3 =	sand.u32 $0xFFFFFF80, s3  }
0x1ea: {  	s3 =	sor.u32 s17, s3  }
0x1eb: {  	v13 =	vmov s3  }
0x1ec: {  	v14 =	vshll.u32 v13, $0x3  }
0x1ed: {  	v13 =	vand.u32 $0x7F, v13;
	v14 =	vand.u32 $0xFFFFFC00, v14  }
0x1ee: {  	v13 =	vor.u32 v13, v14  }
0x1ef: {  	v14 =	vadd.s32 v5, v13;
	_ =	sdelay $0x2  }
0x1f0: {  	v15 =	vmov s14  }
0x1f1: {  	v16 =	vshll.u32 v15, $0x7  }
0x1f2: {  	v17 =	vor.u32 v2, v16;
	v14 =	vld.idx.msk [tilespmem:v14+s29+$0x0], $0xffff  }
0x1f3: {  	v18 =	vadd.s32 v6, v13;
	_ =	sdelay $0x3  }
0x1f4: {  	v19 =	vld.msk [tilespmem:s16+$0x0 ss:$0x0], $0xffff;
	[tilespmem:v17+s25+$0x0] =	vst.idx.msk $0xffff, v14  }
0x1f5: {  	v61 =	vor.u32 v7, v16;
	v14 =	vld.idx.msk [tilespmem:v18+s29+$0x0], $0xffff  }
0x1f6: {  	v62 =	vadd.s32 v8, v13;
	_ =	sdelay $0x3  }
0x1f7: {  	[tilespmem:v61+s25+$0x0] =	vst.idx.msk $0xffff, v14  }
0x1f8: {  	v63 =	vor.u32 v9, v16;
	v14 =	vld.idx.msk [tilespmem:v62+s29+$0x0], $0xffff  }
0x1f9: {  	v13 =	vadd.s32 v10, v13;
	_ =	sdelay $0x3  }
0x1fa: {  	[tilespmem:v63+s25+$0x0] =	vst.idx.msk $0xffff, v14  }
0x1fb: {  	vm15 =	veq.s32 v15, v2;
	v14 =	vor.u32 v11, v16;
	v13 =	vld.idx.msk [tilespmem:v13+s29+$0x0], $0xffff;
	_ =	sdelay $0x3  }
0x1fc: {  	p0 =	seq.s32 s14, $0xF;
	p1 =	sne.s32 s14, $0xF  }
0x1fd: {  	s1 =	simm.s32 @p0 $0x0;
	s14 =	simm.s32 @!p1 $0x10;
	s3 =	simm.s32 $0x1;
	[tilespmem:v14+s25+$0x0] =	vst.idx.msk $0xffff, v13  }
0x1fe: {  	s16 =	simm.s32 @!p1 $0x1C400;
	s17 =	simm.s32 @!p1 $0x1DC00;
	s3 =	simm.s32 @!p0 $0x0;
	[tilespmem:v2+s24+$0x0] =	vst.idx.msk vm15, v19  }
0x1ff: {  	[hbm4b:s11+s14] =	stream.indirect.scatter @!p1 [tilespmem:s16], [sflag:$0x4], $0x80, s17, s14, $0xb8;
	[tilespmem:$0x1DD80] =	vst v63  }
0x200: {  	s7 =	sadd.s32 s3, s7;
	s14 =	smov.u32 s1  }
.LBB2_29:
0x201: {  	p5 =	seq.s32 s15, $0x14;
	s1 =	rddreg [dreg:$0x16]  }
0x202: {  	s1 =	sadd.s32 @!p5 s26, s1  }
0x203: {  	p0 =	sgt.u32 @!p5 s1, $0x1E80  }
0x204: {  	p1 =	por !p0, p5  }
0x205: {  	p1 =	sne.s32 @!p1 s1, $0x1E84  }
0x206: {  	p1 =	por @!p5 p1, !p0  }
0x207: {  	p1 =	por p1, p5  }
0x208: {  	s3 =	simm.s32 @!p1 $0x0;
	s16 =	simm.s32 @!p1 $0x4400  }
0x209: {  	[tilespmem:s16], [sflag:$0x1] =	stream.linear.gather @!p1 [hbm4b:s30+s3], $0x400, $0x38;
	[tilespmem:$0x1DD80] =	vst v63  }
0x20a: {  	s17 =	rddreg [dreg:$0x1a];
	s16 =	simm.s32 @!p1 $0x5400  }
0x20b: {  	[tilespmem:s16], [sflag:$0x1] =	stream.linear.gather @!p1 [hbm4b:s31+s3], $0x400, $0x38;
	[tilespmem:$0x1DD80] =	vst v63  }
0x20c: {  	s28 =	rddreg [dreg:$0xa];
	s16 =	simm.s32 @!p1 $0x6400  }
0x20d: {  	[tilespmem:s16], [sflag:$0x1] =	stream.linear.gather @!p1 [hbm4b:s17+s3], $0x400, $0x38;
	[tilespmem:$0x1DD80] =	vst v63  }
0x20e: {  	s16 =	simm.s32 @!p1 $0x7400;
	s17 =	rddreg [dreg:$0x1b]  }
0x20f: {  	[tilespmem:s16], [sflag:$0x1] =	stream.linear.gather @!p1 [hbm4b:s17+s3], $0x400, $0x38;
	[tilespmem:$0x1DD80] =	vst v63  }
0x210: {  	s16 =	simm.s32 @!p1 $0x8400;
	s17 =	rddreg [dreg:$0x1c]  }
0x211: {  	[tilespmem:s16], [sflag:$0x1] =	stream.linear.gather @!p1 [hbm4b:s17+s3], $0x400, $0x38;
	[tilespmem:$0x1DD80] =	vst v63  }
0x212: {  	p0 =	por p0, p5;
	s16 =	simm.s32 @!p1 $0x9400;
	s17 =	rddreg [dreg:$0x1d]  }
0x213: {  	[tilespmem:s16], [sflag:$0x1] =	stream.linear.gather @!p1 [hbm4b:s17+s3], $0x400, $0x38;
	[tilespmem:$0x1DD80] =	vst v63  }
0x214: {  	s1 =	sshll.u32 @!p0 s1, $0x7;
	s16 =	simm.s32 @!p1 $0xA400;
	s17 =	rddreg [dreg:$0x1e]  }
0x215: {  	[tilespmem:s16], [sflag:$0x1] =	stream.linear.gather @!p1 [hbm4b:s17+s3], $0x400, $0x38;
	[tilespmem:$0x1DD80] =	vst v63  }
0x216: {  	s1 =	sadd.s32 @!p0 s22, s1;
	s16 =	simm.s32 @!p1 $0xB400;
	s17 =	rddreg [dreg:$0x1f]  }
0x217: {  	[tilespmem:s16], [sflag:$0x1] =	stream.linear.gather @!p1 [hbm4b:s17+s3], $0x400, $0x38;
	[tilespmem:$0x1DD80] =	vst v63  }
0x218: {  	s3 =	simm.s32 @!p0 $0x1000;
	s16 =	simm.s32 @!p0 $0x7A1400;
	s17 =	simm.s32 @!p0 $0x4400  }
0x219: {  	[tilespmem:s17], [sflag:$0x1] =	stream.strided.gather @!p0 [hbm4b:s1+s3], $0x8000, s16, s3, $0x38;
	[tilespmem:$0x1DD80] =	vst v63  }
0x21a: {  	s1 =	sadd.s32 s26, s28  }
0x21b: {  	p0 =	sgt.u32 s1, $0x1E80  }
0x21c: {  	p1 =	sne.s32 @p0 s1, $0x1E84  }
0x21d: {  	p1 =	por p1, !p0  }
0x21e: {  	s3 =	simm.s32 @!p1 $0x2  }
0x21f: {  	_ =	swait.ge @!p1 [sflag:s3], $0x2000  }
.Ltmp16:
0x220: {  	[sflag:s3] =	ssyncset.done @!p1 $0x0;
	(pc) =	sbr.rel @p4 .LBB2_44-.Ltmp16, $4  }
0x221: {  	[sflag:s3] =	ssyncadd.s32 @!p1 $0xFFFFE000;
	s3 =	simm.s32 @!p0 $0x2  }
0x222: {  	_ =	swait.ge @!p0 [sflag:s3], $0x8000  }
0x223: {  	[sflag:s3] =	ssyncset.done @!p0 $0x0  }
0x224: {  	[sflag:s3] =	ssyncadd.s32 @!p0 $0xFFFF8000  }
0x225: {  	p0 =	seq.s32 s2, $0x1  }
.Ltmp17:
0x226: {  	_ = 	snop;
	(pc) =	sbr.rel @p0 .LBB2_31-.Ltmp17, $3  }
0x227: {  	_ =	sdelay $0x1  }
0x228: {  	s17 =	simm.s32 $0x2000;
	s16 =	simm.s32 $0x2480  }
0x229: {  	v13 =	vmov s1;
	s3 =	simm.s32 $0x0;
	p1 =	por $0x0, $0x0;
	v14 =	vld [tilespmem:s17+$0x0];
	s17 =	sadd.s32 $0xFFFFFFFF, s2  }
0x22a: {  	_ =	sdelay $0x3  }
0x22b: {  	v15 =	vshrl.u32 v14, $0x7  }
0x22c: {  	v17 =	vor.u32 s3, v2;
	v15 =	vsub.s32 v15, v13  }
0x22d: {  	vm0 =	vlt.s32 v17, v12;
	vm1 =	vlt.u32 v15, $0x4  }
0x22e: {  	vm0 =	vmand vm0, vm1  }
0x22f: {  	v15 =	vmpcnt.ones.xlane vm0  }
0x230: {  	v16 =	vld [tilespmem:s16+$0x0]  }
0x231: {  	p0 =	seq.s32 s17, $0x1;
	(v2sf) =	vpush v15, $0x0  }
.Ltmp18:
0x232: {  	_ = 	snop;
	(pc) =	sbr.rel @p0 .LBB2_36-.Ltmp18, $4  }
0x233: {  	_ = 	snop  }
0x234: {  	[tilespmem:s3+$0x3B00] =	vst.msk vm0, v14  }
0x235: {  	s20 =	simm.s32 $0x2010;
	s28 =	sadd.s32 $0xFFFFFFFF, s17;
	p1 =	por $0x1, $0x1;
	[tilespmem:s3+$0x3F80] =	vst.msk vm0, v16  }
0x236: {  	s19 =	simm.s32 $0x0;
	s17 =	simm.s32 $0x2480;
	s18 =	simm.s32 $0x0;
	v14 =	vld [tilespmem:s20+$0x0]  }
.LBB2_37:
0x237: {  	p2 =	seq.s32 s28, $0x1;
	_ =	sdelay $0x3  }
0x238: {  	s19 =	sadd.s32 $0x10, s19;
	v15 =	vshrl.u32 v14, $0x7  }
0x239: {  	v16 =	vor.u32 s19, v2;
	v15 =	vsub.s32 v15, v13  }
0x23a: {  	s17 =	sadd.s32 $0x10, s17;
	vm0 =	vlt.s32 v16, v12;
	vm1 =	vlt.u32 v15, $0x4  }
0x23b: {  	v15 =	vld [tilespmem:s17+$0x0];
	vm0 =	vmand vm0, vm1  }
0x23c: {  	v16 =	vmpcnt.ones.xlane vm0  }
0x23d: {  	s21 =	spop (v2sf)  }
0x23e: {  	(v2sf) =	vpush v16, $0x0;
	s18 =	sadd.s32 s18, s21  }
.Ltmp19:
0x23f: {  	[tilespmem:s18+$0x3B00] =	vst.msk vm0, v14;
	(pc) =	sbr.rel @!p2 .LBB2_37-.Ltmp19, $3  }
0x240: {  	[tilespmem:s18+$0x3F80] =	vst.msk vm0, v15;
	_ =	sdelay $0x1  }
0x241: {  	s20 =	sadd.s32 $0x10, s20  }
0x242: {  	s28 =	sadd.s32 $0xFFFFFFFF, s28;
	v14 =	vld [tilespmem:s20+$0x0]  }
.LBB2_38:
0x243: {  	_ =	sdelay $0x2  }
0x244: {  	s19 =	sadd.s32 @p1 $0x10, s19;
	s20 =	simm.s32 $0x0  }
0x245: {  	s20 =	smov.u32 @p1 s19;
	v15 =	vshrl.u32 v14, $0x7  }
0x246: {  	v16 =	vor.u32 s20, v2;
	v13 =	vsub.s32 v15, v13  }
0x247: {  	vm0 =	vlt.s32 v16, v12;
	vm1 =	vlt.u32 v13, $0x4  }
0x248: {  	vm0 =	vmand vm0, vm1  }
0x249: {  	v13 =	vmpcnt.ones.xlane vm0;
	_ =	sdelay $0x1  }
0x24a: {  	(v2sf) =	vpush v13, $0x0;
	_ =	sdelay $0x8  }
0x24b: {  	s17 =	sadd.s32 @p1 $0x10, s17  }
0x24c: {  	s16 =	smov.u32 @p1 s17  }
0x24d: {  	v13 =	vld [tilespmem:s16+$0x0]  }
0x24e: {  	s16 =	spop @p1 (v2sf)  }
0x24f: {  	s16 =	sadd.s32 @p1 s18, s16  }
0x250: {  	s3 =	smov.u32 @p1 s16  }
0x251: {  	[tilespmem:s3+$0x3B00] =	vst.msk vm0, v14;
	s28 =	spop (v2sf)  }
0x252: {  	[tilespmem:s3+$0x3F80] =	vst.msk vm0, v13;
	s18 =	sadd.s32 s3, s28  }
0x253: {  	p0 =	slt.s32 s18, $0x1  }
.Ltmp20:
0x254: {  	_ = 	snop;
	(pc) =	sbr.rel @p0 .LBB2_44-.Ltmp20, $1  }
0x255: {  	_ =	sdelay $0x3  }
0x256: {  	s18 =	sadd.s32 $0xFFFFFFFF, s18  }
0x257: {  	p0 =	sne.s32 s18, $0x0  }
.Ltmp21:
0x258: {  	_ = 	snop;
	(pc) =	sbr.rel @!p0 .LBB2_34-.Ltmp21, $4  }
0x259: {  	_ = 	snop  }
0x25a: {  	s3 =	sshll.u32 s1, $0x7  }
0x25b: {  	s16 =	simm.s32 $0x3F80;
	s17 =	simm.s32 $0x3B00;
	p2 =	slt.s32 s7, $0x1  }
0x25c: {  	s1 =	sadd.s32 $0x1, s14;
	p6 =	por $0x0, $0x0;
	p3 =	sne.s32 @!p2 s14, $0x0  }
0x25d: {  	p0 =	por p3, p2  }
0x25e: {  	s19 =	simm.s32 @!p0 $0x4  }
0x25f: {  	_ =	swait.ge @!p0 [sflag:s19], $0x800  }
0x260: {  	[sflag:s19] =	ssyncset.done @!p0 $0x0  }
0x261: {  	[sflag:s19] =	ssyncadd.s32 @!p0 $0xFFFFF800  }
0x262: {  	v13 =	vld [tilespmem:s17+$0x0];
	_ =	sdelay $0x4  }
0x263: {  	(v2sf) =	vpush v13, $0x0;
	_ =	sdelay $0xe  }
0x264: {  	s21 =	spop (v2sf)  }
0x265: {  	s28 =	ssub.s32 s21, s3  }
0x266: {  	s17 =	sand.u32 $0x7F, s21;
	s19 =	sand.u32 $0xFFFFFF80, s28  }
0x267: {  	s17 =	sor.u32 s17, s19  }
0x268: {  	v13 =	vmov s17  }
0x269: {  	v14 =	vshll.u32 v13, $0x3  }
0x26a: {  	v13 =	vand.u32 $0x7F, v13;
	v14 =	vand.u32 $0xFFFFFC00, v14  }
0x26b: {  	v14 =	vor.u32 v13, v14  }
0x26c: {  	v13 =	vadd.s32 v5, v14;
	_ =	sdelay $0x2  }
0x26d: {  	v15 =	vmov s14  }
0x26e: {  	v16 =	vshll.u32 v15, $0x7  }
0x26f: {  	v18 =	vor.u32 v2, v16;
	v17 =	vld.idx.msk [tilespmem:v13+s8+$0x0], $0xffff  }
0x270: {  	v19 =	vadd.s32 v6, v14;
	_ =	sdelay $0x3  }
0x271: {  	v13 =	vld.msk [tilespmem:s16+$0x0 ss:$0x0], $0xffff;
	[tilespmem:v18+s25+$0x0] =	vst.idx.msk $0xffff, v17  }
0x272: {  	v61 =	vor.u32 v7, v16;
	v17 =	vld.idx.msk [tilespmem:v19+s8+$0x0], $0xffff  }
0x273: {  	v62 =	vadd.s32 v8, v14;
	_ =	sdelay $0x3  }
0x274: {  	[tilespmem:v61+s25+$0x0] =	vst.idx.msk $0xffff, v17  }
0x275: {  	v63 =	vor.u32 v9, v16;
	v17 =	vld.idx.msk [tilespmem:v62+s8+$0x0], $0xffff  }
0x276: {  	v14 =	vadd.s32 v10, v14;
	_ =	sdelay $0x3  }
0x277: {  	s18 =	sadd.s32 $0xFFFFFFFF, s18;
	[tilespmem:v63+s25+$0x0] =	vst.idx.msk $0xffff, v17  }
0x278: {  	p1 =	sne.s32 s18, $0x0;
	v16 =	vor.u32 v11, v16;
	v14 =	vld.idx.msk [tilespmem:v14+s8+$0x0], $0xffff  }
.Ltmp22:
0x279: {  	vm0 =	veq.s32 v15, v2;
	p0 =	seq.s32 s14, $0xF;
	s16 =	simm.s32 $0x1;
	(pc) =	sbr.rel @!p1 .LBB2_40-.Ltmp22, $4  }
0x27a: {  	s16 =	simm.s32 @!p0 $0x0  }
0x27b: {  	p6 =	por $0x1, $0x1;
	s1 =	simm.s32 @p0 $0x0;
	s7 =	sadd.s32 s16, s7  }
0x27c: {  	s19 =	sadd.s32 $0x1, s1;
	s17 =	simm.s32 $0x3B01;
	p2 =	slt.s32 s7, $0x1  }
0x27d: {  	p0 =	sne.s32 s14, $0xF;
	s16 =	simm.s32 $0x3F81;
	p3 =	sne.s32 @!p2 s1, $0x0;
	[tilespmem:v16+s25+$0x0] =	vst.idx.msk $0xffff, v14  }
.LBB2_41:
0x27e: {  	p2 =	por p3, p2;
	s14 =	simm.s32 @!p0 $0x10;
	s20 =	simm.s32 @!p0 $0x1C400  }
0x27f: {  	s18 =	sadd.s32 $0xFFFFFFFF, s18;
	s28 =	simm.s32 @!p0 $0x1DC00;
	s21 =	simm.s32 @!p2 $0x4;
	[tilespmem:v2+s24+$0x0] =	vst.idx.msk vm0, v13  }
0x280: {  	[hbm4b:s11+s14] =	stream.indirect.scatter @!p0 [tilespmem:s20], [sflag:$0x4], $0x80, s28, s14, $0xb8;
	[tilespmem:$0x1DD80] =	vst v63  }
0x281: {  	p1 =	sne.s32 s18, $0x0;
	s14 =	smov.u32 s1;
	_ =	swait.ge @!p2 [sflag:s21], $0x800  }
0x282: {  	[sflag:s21] =	ssyncset.done @!p2 $0x0  }
0x283: {  	[sflag:s21] =	ssyncadd.s32 @!p2 $0xFFFFF800  }
0x284: {  	v13 =	vld [tilespmem:s17+$0x0];
	_ =	sdelay $0x4  }
0x285: {  	(v2sf) =	vpush v13, $0x0;
	_ =	sdelay $0xe  }
0x286: {  	s20 =	spop (v2sf)  }
0x287: {  	s21 =	ssub.s32 s20, s3;
	s20 =	sand.u32 $0x7F, s20  }
0x288: {  	s21 =	sand.u32 $0xFFFFFF80, s21  }
0x289: {  	s20 =	sor.u32 s20, s21  }
0x28a: {  	v13 =	vmov s20  }
0x28b: {  	v14 =	vand.u32 $0x7F, v13;
	v13 =	vshll.u32 v13, $0x3  }
0x28c: {  	v13 =	vand.u32 $0xFFFFFC00, v13  }
0x28d: {  	v14 =	vor.u32 v14, v13  }
0x28e: {  	v13 =	vadd.s32 v5, v14;
	_ =	sdelay $0x3  }
0x28f: {  	v15 =	vmov s1  }
0x290: {  	v17 =	vshll.u32 v15, $0x7;
	v16 =	vld.idx.msk [tilespmem:v13+s8+$0x0], $0xffff  }
0x291: {  	v18 =	vor.u32 v2, v17  }
0x292: {  	v19 =	vadd.s32 v6, v14;
	_ =	sdelay $0x2  }
0x293: {  	v13 =	vld.msk [tilespmem:s16+$0x0 ss:$0x0], $0xffff  }
0x294: {  	[tilespmem:v18+s25+$0x0] =	vst.idx.msk $0xffff, v16  }
0x295: {  	v16 =	vld.idx.msk [tilespmem:v19+s8+$0x0], $0xffff  }
0x296: {  	v18 =	vor.u32 v7, v17  }
0x297: {  	v19 =	vadd.s32 v8, v14;
	_ =	sdelay $0x3  }
0x298: {  	[tilespmem:v18+s25+$0x0] =	vst.idx.msk $0xffff, v16  }
0x299: {  	v16 =	vld.idx.msk [tilespmem:v19+s8+$0x0], $0xffff  }
0x29a: {  	v18 =	vor.u32 v9, v17  }
0x29b: {  	v14 =	vadd.s32 v10, v14;
	_ =	sdelay $0x3  }
0x29c: {  	[tilespmem:v18+s25+$0x0] =	vst.idx.msk $0xffff, v16  }
0x29d: {  	v14 =	vld.idx.msk [tilespmem:v14+s8+$0x0], $0xffff  }
0x29e: {  	p0 =	seq.s32 s1, $0xF;
	v16 =	vor.u32 v11, v17  }
.Ltmp23:
0x29f: {  	vm0 =	veq.s32 v15, v2;
	s1 =	smov.u32 s19;
	s20 =	simm.s32 $0x1;
	(pc) =	sbr.rel @p1 .LBB2_41-.Ltmp23, $4  }
0x2a0: {  	s1 =	simm.s32 @p0 $0x0;
	s20 =	simm.s32 @!p0 $0x0  }
0x2a1: {  	s19 =	sadd.s32 $0x1, s1;
	s7 =	sadd.s32 s20, s7  }
0x2a2: {  	s17 =	sadd.s32 $0x1, s17;
	p2 =	slt.s32 s7, $0x1  }
0x2a3: {  	p0 =	sne.s32 s14, $0xF;
	p3 =	sne.s32 @!p2 s1, $0x0;
	s16 =	sadd.s32 $0x1, s16;
	[tilespmem:v16+s25+$0x0] =	vst.idx.msk $0xffff, v14  }
0x2a4: {  	s14 =	smov.u32 s1;
	s1 =	smov.u32 s19  }
.LBB2_43:
0x2a5: {  	_ =	sdelay $0x2  }
0x2a6: {  	p0 =	por p0, !p6  }
0x2a7: {  	p1 =	por p3, p2;
	s18 =	simm.s32 @!p0 $0x10  }
0x2a8: {  	[tilespmem:v2+s24+$0x0] =	vst.idx.msk @p6 vm0, v13;
	s19 =	simm.s32 @!p0 $0x1C400;
	s20 =	simm.s32 @!p1 $0x4;
	s21 =	simm.s32 @!p0 $0x1DC00  }
0x2a9: {  	[hbm4b:s11+s18] =	stream.indirect.scatter @!p0 [tilespmem:s19], [sflag:$0x4], $0x80, s21, s18, $0xb8;
	[tilespmem:$0x1DD80] =	vst v63  }
0x2aa: {  	_ =	swait.ge @!p1 [sflag:s20], $0x800  }
0x2ab: {  	[sflag:s20] =	ssyncset.done @!p1 $0x0  }
0x2ac: {  	[sflag:s20] =	ssyncadd.s32 @!p1 $0xFFFFF800  }
0x2ad: {  	v13 =	vld [tilespmem:s17+$0x0];
	_ =	sdelay $0x4  }
0x2ae: {  	(v2sf) =	vpush v13, $0x0;
	_ =	sdelay $0xe  }
0x2af: {  	s28 =	spop (v2sf)  }
0x2b0: {  	s3 =	ssub.s32 s28, s3  }
0x2b1: {  	s17 =	sand.u32 $0x7F, s28;
	s3 =	sand.u32 $0xFFFFFF80, s3  }
0x2b2: {  	s3 =	sor.u32 s17, s3  }
0x2b3: {  	v13 =	vmov s3  }
0x2b4: {  	v14 =	vshll.u32 v13, $0x3  }
0x2b5: {  	v13 =	vand.u32 $0x7F, v13;
	v14 =	vand.u32 $0xFFFFFC00, v14  }
0x2b6: {  	v13 =	vor.u32 v13, v14  }
0x2b7: {  	v14 =	vadd.s32 v5, v13;
	_ =	sdelay $0x2  }
0x2b8: {  	v15 =	vmov s14  }
0x2b9: {  	v16 =	vshll.u32 v15, $0x7  }
0x2ba: {  	v17 =	vor.u32 v2, v16;
	v14 =	vld.idx.msk [tilespmem:v14+s8+$0x0], $0xffff  }
0x2bb: {  	v18 =	vadd.s32 v6, v13;
	_ =	sdelay $0x3  }
0x2bc: {  	v19 =	vld.msk [tilespmem:s16+$0x0 ss:$0x0], $0xffff;
	[tilespmem:v17+s25+$0x0] =	vst.idx.msk $0xffff, v14  }
0x2bd: {  	v61 =	vor.u32 v7, v16;
	v14 =	vld.idx.msk [tilespmem:v18+s8+$0x0], $0xffff  }
0x2be: {  	v62 =	vadd.s32 v8, v13;
	_ =	sdelay $0x3  }
0x2bf: {  	[tilespmem:v61+s25+$0x0] =	vst.idx.msk $0xffff, v14  }
0x2c0: {  	v63 =	vor.u32 v9, v16;
	v14 =	vld.idx.msk [tilespmem:v62+s8+$0x0], $0xffff  }
0x2c1: {  	v13 =	vadd.s32 v10, v13;
	_ =	sdelay $0x3  }
0x2c2: {  	[tilespmem:v63+s25+$0x0] =	vst.idx.msk $0xffff, v14  }
0x2c3: {  	vm15 =	veq.s32 v15, v2;
	v14 =	vor.u32 v11, v16;
	v13 =	vld.idx.msk [tilespmem:v13+s8+$0x0], $0xffff;
	_ =	sdelay $0x3  }
0x2c4: {  	p0 =	seq.s32 s14, $0xF;
	p1 =	sne.s32 s14, $0xF  }
0x2c5: {  	s1 =	simm.s32 @p0 $0x0;
	s14 =	simm.s32 @!p1 $0x10;
	s3 =	simm.s32 $0x1;
	[tilespmem:v14+s25+$0x0] =	vst.idx.msk $0xffff, v13  }
0x2c6: {  	s16 =	simm.s32 @!p1 $0x1C400;
	s17 =	simm.s32 @!p1 $0x1DC00;
	s3 =	simm.s32 @!p0 $0x0;
	[tilespmem:v2+s24+$0x0] =	vst.idx.msk vm15, v19  }
0x2c7: {  	[hbm4b:s11+s14] =	stream.indirect.scatter @!p1 [tilespmem:s16], [sflag:$0x4], $0x80, s17, s14, $0xb8;
	[tilespmem:$0x1DD80] =	vst v63  }
0x2c8: {  	s7 =	sadd.s32 s3, s7;
	s14 =	smov.u32 s1  }
.LBB2_44:
0x2c9: {  	s1 =	rddreg [dreg:$0x17]  }
0x2ca: {  	s1 =	sadd.s32 @!p5 s26, s1  }
0x2cb: {  	p0 =	sgt.u32 @!p5 s1, $0x1E80  }
0x2cc: {  	p1 =	por !p0, p5  }
0x2cd: {  	p1 =	sne.s32 @!p1 s1, $0x1E84  }
0x2ce: {  	p1 =	por @!p5 p1, !p0  }
0x2cf: {  	p1 =	por p1, p5  }
0x2d0: {  	s3 =	simm.s32 @!p1 $0x0;
	s16 =	simm.s32 @!p1 $0xC400  }
0x2d1: {  	[tilespmem:s16], [sflag:$0x2] =	stream.linear.gather @!p1 [hbm4b:s30+s3], $0x400, $0x38;
	[tilespmem:$0x1DD80] =	vst v63  }
0x2d2: {  	s17 =	rddreg [dreg:$0x1a];
	s16 =	simm.s32 @!p1 $0xD400  }
0x2d3: {  	[tilespmem:s16], [sflag:$0x2] =	stream.linear.gather @!p1 [hbm4b:s31+s3], $0x400, $0x38;
	[tilespmem:$0x1DD80] =	vst v63  }
0x2d4: {  	s28 =	rddreg [dreg:$0xb];
	s16 =	simm.s32 @!p1 $0xE400  }
0x2d5: {  	[tilespmem:s16], [sflag:$0x2] =	stream.linear.gather @!p1 [hbm4b:s17+s3], $0x400, $0x38;
	[tilespmem:$0x1DD80] =	vst v63  }
0x2d6: {  	s16 =	simm.s32 @!p1 $0xF400;
	s17 =	rddreg [dreg:$0x1b]  }
0x2d7: {  	[tilespmem:s16], [sflag:$0x2] =	stream.linear.gather @!p1 [hbm4b:s17+s3], $0x400, $0x38;
	[tilespmem:$0x1DD80] =	vst v63  }
0x2d8: {  	s16 =	simm.s32 @!p1 $0x10400;
	s17 =	rddreg [dreg:$0x1c]  }
0x2d9: {  	[tilespmem:s16], [sflag:$0x2] =	stream.linear.gather @!p1 [hbm4b:s17+s3], $0x400, $0x38;
	[tilespmem:$0x1DD80] =	vst v63  }
0x2da: {  	p0 =	por p0, p5;
	s16 =	simm.s32 @!p1 $0x11400;
	s17 =	rddreg [dreg:$0x1d]  }
0x2db: {  	[tilespmem:s16], [sflag:$0x2] =	stream.linear.gather @!p1 [hbm4b:s17+s3], $0x400, $0x38;
	[tilespmem:$0x1DD80] =	vst v63  }
0x2dc: {  	s1 =	sshll.u32 @!p0 s1, $0x7;
	s16 =	simm.s32 @!p1 $0x12400;
	s17 =	rddreg [dreg:$0x1e]  }
0x2dd: {  	[tilespmem:s16], [sflag:$0x2] =	stream.linear.gather @!p1 [hbm4b:s17+s3], $0x400, $0x38;
	[tilespmem:$0x1DD80] =	vst v63  }
0x2de: {  	s1 =	sadd.s32 @!p0 s22, s1;
	s16 =	simm.s32 @!p1 $0x13400;
	s17 =	rddreg [dreg:$0x1f]  }
0x2df: {  	[tilespmem:s16], [sflag:$0x2] =	stream.linear.gather @!p1 [hbm4b:s17+s3], $0x400, $0x38;
	[tilespmem:$0x1DD80] =	vst v63  }
0x2e0: {  	s3 =	simm.s32 @!p0 $0x1000;
	s16 =	simm.s32 @!p0 $0x7A1400;
	s17 =	simm.s32 @!p0 $0xC400  }
0x2e1: {  	[tilespmem:s17], [sflag:$0x2] =	stream.strided.gather @!p0 [hbm4b:s1+s3], $0x8000, s16, s3, $0x38;
	[tilespmem:$0x1DD80] =	vst v63  }
0x2e2: {  	s1 =	sadd.s32 s26, s28  }
0x2e3: {  	p0 =	sgt.u32 s1, $0x1E80  }
0x2e4: {  	p1 =	sne.s32 @p0 s1, $0x1E84  }
0x2e5: {  	p1 =	por p1, !p0  }
0x2e6: {  	s3 =	simm.s32 @!p1 $0x3  }
0x2e7: {  	_ =	swait.ge @!p1 [sflag:s3], $0x2000  }
.Ltmp24:
0x2e8: {  	[sflag:s3] =	ssyncset.done @!p1 $0x0;
	(pc) =	sbr.rel @p4 .LBB2_59-.Ltmp24, $4  }
0x2e9: {  	[sflag:s3] =	ssyncadd.s32 @!p1 $0xFFFFE000;
	s3 =	simm.s32 @!p0 $0x3  }
0x2ea: {  	_ =	swait.ge @!p0 [sflag:s3], $0x8000  }
0x2eb: {  	[sflag:s3] =	ssyncset.done @!p0 $0x0  }
0x2ec: {  	[sflag:s3] =	ssyncadd.s32 @!p0 $0xFFFF8000  }
0x2ed: {  	p0 =	seq.s32 s2, $0x1  }
.Ltmp25:
0x2ee: {  	_ = 	snop;
	(pc) =	sbr.rel @p0 .LBB2_46-.Ltmp25, $3  }
0x2ef: {  	_ =	sdelay $0x1  }
0x2f0: {  	s17 =	simm.s32 $0x2000;
	s16 =	simm.s32 $0x2480  }
0x2f1: {  	v13 =	vmov s1;
	s3 =	simm.s32 $0x0;
	p1 =	por $0x0, $0x0;
	v14 =	vld [tilespmem:s17+$0x0];
	s17 =	sadd.s32 $0xFFFFFFFF, s2  }
0x2f2: {  	_ =	sdelay $0x3  }
0x2f3: {  	v15 =	vshrl.u32 v14, $0x7  }
0x2f4: {  	v17 =	vor.u32 s3, v2;
	v15 =	vsub.s32 v15, v13  }
0x2f5: {  	vm0 =	vlt.s32 v17, v12;
	vm1 =	vlt.u32 v15, $0x4  }
0x2f6: {  	vm0 =	vmand vm0, vm1  }
0x2f7: {  	v15 =	vmpcnt.ones.xlane vm0  }
0x2f8: {  	v16 =	vld [tilespmem:s16+$0x0]  }
0x2f9: {  	p0 =	seq.s32 s17, $0x1;
	(v2sf) =	vpush v15, $0x0  }
.Ltmp26:
0x2fa: {  	_ = 	snop;
	(pc) =	sbr.rel @p0 .LBB2_51-.Ltmp26, $4  }
0x2fb: {  	_ = 	snop  }
0x2fc: {  	[tilespmem:s3+$0x3B00] =	vst.msk vm0, v14  }
0x2fd: {  	s20 =	simm.s32 $0x2010;
	s28 =	sadd.s32 $0xFFFFFFFF, s17;
	p1 =	por $0x1, $0x1;
	[tilespmem:s3+$0x3F80] =	vst.msk vm0, v16  }
0x2fe: {  	s19 =	simm.s32 $0x0;
	s17 =	simm.s32 $0x2480;
	s18 =	simm.s32 $0x0;
	v14 =	vld [tilespmem:s20+$0x0]  }
.LBB2_52:
0x2ff: {  	p2 =	seq.s32 s28, $0x1;
	_ =	sdelay $0x3  }
0x300: {  	s19 =	sadd.s32 $0x10, s19;
	v15 =	vshrl.u32 v14, $0x7  }
0x301: {  	v16 =	vor.u32 s19, v2;
	v15 =	vsub.s32 v15, v13  }
0x302: {  	s17 =	sadd.s32 $0x10, s17;
	vm0 =	vlt.s32 v16, v12;
	vm1 =	vlt.u32 v15, $0x4  }
0x303: {  	v15 =	vld [tilespmem:s17+$0x0];
	vm0 =	vmand vm0, vm1  }
0x304: {  	v16 =	vmpcnt.ones.xlane vm0  }
0x305: {  	s21 =	spop (v2sf)  }
0x306: {  	(v2sf) =	vpush v16, $0x0;
	s18 =	sadd.s32 s18, s21  }
.Ltmp27:
0x307: {  	[tilespmem:s18+$0x3B00] =	vst.msk vm0, v14;
	(pc) =	sbr.rel @!p2 .LBB2_52-.Ltmp27, $3  }
0x308: {  	[tilespmem:s18+$0x3F80] =	vst.msk vm0, v15;
	_ =	sdelay $0x1  }
0x309: {  	s20 =	sadd.s32 $0x10, s20  }
0x30a: {  	s28 =	sadd.s32 $0xFFFFFFFF, s28;
	v14 =	vld [tilespmem:s20+$0x0]  }
.LBB2_53:
0x30b: {  	_ =	sdelay $0x2  }
0x30c: {  	s19 =	sadd.s32 @p1 $0x10, s19;
	s20 =	simm.s32 $0x0  }
0x30d: {  	s20 =	smov.u32 @p1 s19;
	v15 =	vshrl.u32 v14, $0x7  }
0x30e: {  	v16 =	vor.u32 s20, v2;
	v13 =	vsub.s32 v15, v13  }
0x30f: {  	vm0 =	vlt.s32 v16, v12;
	vm1 =	vlt.u32 v13, $0x4  }
0x310: {  	vm0 =	vmand vm0, vm1  }
0x311: {  	v13 =	vmpcnt.ones.xlane vm0;
	_ =	sdelay $0x1  }
0x312: {  	(v2sf) =	vpush v13, $0x0;
	_ =	sdelay $0x8  }
0x313: {  	s17 =	sadd.s32 @p1 $0x10, s17  }
0x314: {  	s16 =	smov.u32 @p1 s17  }
0x315: {  	v13 =	vld [tilespmem:s16+$0x0]  }
0x316: {  	s16 =	spop @p1 (v2sf)  }
0x317: {  	s16 =	sadd.s32 @p1 s18, s16  }
0x318: {  	s3 =	smov.u32 @p1 s16  }
0x319: {  	[tilespmem:s3+$0x3B00] =	vst.msk vm0, v14;
	s28 =	spop (v2sf)  }
0x31a: {  	[tilespmem:s3+$0x3F80] =	vst.msk vm0, v13;
	s18 =	sadd.s32 s3, s28  }
0x31b: {  	p0 =	slt.s32 s18, $0x1  }
.Ltmp28:
0x31c: {  	_ = 	snop;
	(pc) =	sbr.rel @p0 .LBB2_59-.Ltmp28, $1  }
0x31d: {  	_ =	sdelay $0x3  }
0x31e: {  	s18 =	sadd.s32 $0xFFFFFFFF, s18  }
0x31f: {  	p0 =	sne.s32 s18, $0x0  }
.Ltmp29:
0x320: {  	_ = 	snop;
	(pc) =	sbr.rel @!p0 .LBB2_49-.Ltmp29, $4  }
0x321: {  	_ = 	snop  }
0x322: {  	s3 =	sshll.u32 s1, $0x7  }
0x323: {  	s16 =	simm.s32 $0x3F80;
	s17 =	simm.s32 $0x3B00;
	p2 =	slt.s32 s7, $0x1  }
0x324: {  	s1 =	sadd.s32 $0x1, s14;
	p6 =	por $0x0, $0x0;
	p3 =	sne.s32 @!p2 s14, $0x0  }
0x325: {  	p0 =	por p3, p2  }
0x326: {  	s19 =	simm.s32 @!p0 $0x4  }
0x327: {  	_ =	swait.ge @!p0 [sflag:s19], $0x800  }
0x328: {  	[sflag:s19] =	ssyncset.done @!p0 $0x0  }
0x329: {  	[sflag:s19] =	ssyncadd.s32 @!p0 $0xFFFFF800  }
0x32a: {  	v13 =	vld [tilespmem:s17+$0x0];
	_ =	sdelay $0x4  }
0x32b: {  	(v2sf) =	vpush v13, $0x0;
	_ =	sdelay $0xe  }
0x32c: {  	s21 =	spop (v2sf)  }
0x32d: {  	s28 =	ssub.s32 s21, s3  }
0x32e: {  	s17 =	sand.u32 $0x7F, s21;
	s19 =	sand.u32 $0xFFFFFF80, s28  }
0x32f: {  	s17 =	sor.u32 s17, s19  }
0x330: {  	v13 =	vmov s17  }
0x331: {  	v14 =	vshll.u32 v13, $0x3  }
0x332: {  	v13 =	vand.u32 $0x7F, v13;
	v14 =	vand.u32 $0xFFFFFC00, v14  }
0x333: {  	v14 =	vor.u32 v13, v14  }
0x334: {  	v13 =	vadd.s32 v5, v14;
	_ =	sdelay $0x2  }
0x335: {  	v15 =	vmov s14  }
0x336: {  	v16 =	vshll.u32 v15, $0x7  }
0x337: {  	v18 =	vor.u32 v2, v16;
	v17 =	vld.idx.msk [tilespmem:v13+s6+$0x0], $0xffff  }
0x338: {  	v19 =	vadd.s32 v6, v14;
	_ =	sdelay $0x3  }
0x339: {  	v13 =	vld.msk [tilespmem:s16+$0x0 ss:$0x0], $0xffff;
	[tilespmem:v18+s25+$0x0] =	vst.idx.msk $0xffff, v17  }
0x33a: {  	v61 =	vor.u32 v7, v16;
	v17 =	vld.idx.msk [tilespmem:v19+s6+$0x0], $0xffff  }
0x33b: {  	v62 =	vadd.s32 v8, v14;
	_ =	sdelay $0x3  }
0x33c: {  	[tilespmem:v61+s25+$0x0] =	vst.idx.msk $0xffff, v17  }
0x33d: {  	v63 =	vor.u32 v9, v16;
	v17 =	vld.idx.msk [tilespmem:v62+s6+$0x0], $0xffff  }
0x33e: {  	v14 =	vadd.s32 v10, v14;
	_ =	sdelay $0x3  }
0x33f: {  	s18 =	sadd.s32 $0xFFFFFFFF, s18;
	[tilespmem:v63+s25+$0x0] =	vst.idx.msk $0xffff, v17  }
0x340: {  	p1 =	sne.s32 s18, $0x0;
	v16 =	vor.u32 v11, v16;
	v14 =	vld.idx.msk [tilespmem:v14+s6+$0x0], $0xffff  }
.Ltmp30:
0x341: {  	vm0 =	veq.s32 v15, v2;
	p0 =	seq.s32 s14, $0xF;
	s16 =	simm.s32 $0x1;
	(pc) =	sbr.rel @!p1 .LBB2_55-.Ltmp30, $4  }
0x342: {  	s16 =	simm.s32 @!p0 $0x0  }
0x343: {  	p6 =	por $0x1, $0x1;
	s1 =	simm.s32 @p0 $0x0;
	s7 =	sadd.s32 s16, s7  }
0x344: {  	s19 =	sadd.s32 $0x1, s1;
	s17 =	simm.s32 $0x3B01;
	p2 =	slt.s32 s7, $0x1  }
0x345: {  	p0 =	sne.s32 s14, $0xF;
	s16 =	simm.s32 $0x3F81;
	p3 =	sne.s32 @!p2 s1, $0x0;
	[tilespmem:v16+s25+$0x0] =	vst.idx.msk $0xffff, v14  }
.LBB2_56:
0x346: {  	p2 =	por p3, p2;
	s14 =	simm.s32 @!p0 $0x10;
	s20 =	simm.s32 @!p0 $0x1C400  }
0x347: {  	s18 =	sadd.s32 $0xFFFFFFFF, s18;
	s28 =	simm.s32 @!p0 $0x1DC00;
	s21 =	simm.s32 @!p2 $0x4;
	[tilespmem:v2+s24+$0x0] =	vst.idx.msk vm0, v13  }
0x348: {  	[hbm4b:s11+s14] =	stream.indirect.scatter @!p0 [tilespmem:s20], [sflag:$0x4], $0x80, s28, s14, $0xb8;
	[tilespmem:$0x1DD80] =	vst v63  }
0x349: {  	p1 =	sne.s32 s18, $0x0;
	s14 =	smov.u32 s1;
	_ =	swait.ge @!p2 [sflag:s21], $0x800  }
0x34a: {  	[sflag:s21] =	ssyncset.done @!p2 $0x0  }
0x34b: {  	[sflag:s21] =	ssyncadd.s32 @!p2 $0xFFFFF800  }
0x34c: {  	v13 =	vld [tilespmem:s17+$0x0];
	_ =	sdelay $0x4  }
0x34d: {  	(v2sf) =	vpush v13, $0x0;
	_ =	sdelay $0xe  }
0x34e: {  	s20 =	spop (v2sf)  }
0x34f: {  	s21 =	ssub.s32 s20, s3;
	s20 =	sand.u32 $0x7F, s20  }
0x350: {  	s21 =	sand.u32 $0xFFFFFF80, s21  }
0x351: {  	s20 =	sor.u32 s20, s21  }
0x352: {  	v13 =	vmov s20  }
0x353: {  	v14 =	vand.u32 $0x7F, v13;
	v13 =	vshll.u32 v13, $0x3  }
0x354: {  	v13 =	vand.u32 $0xFFFFFC00, v13  }
0x355: {  	v14 =	vor.u32 v14, v13  }
0x356: {  	v13 =	vadd.s32 v5, v14;
	_ =	sdelay $0x3  }
0x357: {  	v15 =	vmov s1  }
0x358: {  	v17 =	vshll.u32 v15, $0x7;
	v16 =	vld.idx.msk [tilespmem:v13+s6+$0x0], $0xffff  }
0x359: {  	v18 =	vor.u32 v2, v17  }
0x35a: {  	v19 =	vadd.s32 v6, v14;
	_ =	sdelay $0x2  }
0x35b: {  	v13 =	vld.msk [tilespmem:s16+$0x0 ss:$0x0], $0xffff  }
0x35c: {  	[tilespmem:v18+s25+$0x0] =	vst.idx.msk $0xffff, v16  }
0x35d: {  	v16 =	vld.idx.msk [tilespmem:v19+s6+$0x0], $0xffff  }
0x35e: {  	v18 =	vor.u32 v7, v17  }
0x35f: {  	v19 =	vadd.s32 v8, v14;
	_ =	sdelay $0x3  }
0x360: {  	[tilespmem:v18+s25+$0x0] =	vst.idx.msk $0xffff, v16  }
0x361: {  	v16 =	vld.idx.msk [tilespmem:v19+s6+$0x0], $0xffff  }
0x362: {  	v18 =	vor.u32 v9, v17  }
0x363: {  	v14 =	vadd.s32 v10, v14;
	_ =	sdelay $0x3  }
0x364: {  	[tilespmem:v18+s25+$0x0] =	vst.idx.msk $0xffff, v16  }
0x365: {  	v14 =	vld.idx.msk [tilespmem:v14+s6+$0x0], $0xffff  }
0x366: {  	p0 =	seq.s32 s1, $0xF;
	v16 =	vor.u32 v11, v17  }
.Ltmp31:
0x367: {  	vm0 =	veq.s32 v15, v2;
	s1 =	smov.u32 s19;
	s20 =	simm.s32 $0x1;
	(pc) =	sbr.rel @p1 .LBB2_56-.Ltmp31, $4  }
0x368: {  	s1 =	simm.s32 @p0 $0x0;
	s20 =	simm.s32 @!p0 $0x0  }
0x369: {  	s19 =	sadd.s32 $0x1, s1;
	s7 =	sadd.s32 s20, s7  }
0x36a: {  	s17 =	sadd.s32 $0x1, s17;
	p2 =	slt.s32 s7, $0x1  }
0x36b: {  	p0 =	sne.s32 s14, $0xF;
	p3 =	sne.s32 @!p2 s1, $0x0;
	s16 =	sadd.s32 $0x1, s16;
	[tilespmem:v16+s25+$0x0] =	vst.idx.msk $0xffff, v14  }
0x36c: {  	s14 =	smov.u32 s1;
	s1 =	smov.u32 s19  }
.LBB2_58:
0x36d: {  	_ =	sdelay $0x2  }
0x36e: {  	p0 =	por p0, !p6  }
0x36f: {  	p1 =	por p3, p2;
	s18 =	simm.s32 @!p0 $0x10  }
0x370: {  	[tilespmem:v2+s24+$0x0] =	vst.idx.msk @p6 vm0, v13;
	s19 =	simm.s32 @!p0 $0x1C400;
	s20 =	simm.s32 @!p1 $0x4;
	s21 =	simm.s32 @!p0 $0x1DC00  }
0x371: {  	[hbm4b:s11+s18] =	stream.indirect.scatter @!p0 [tilespmem:s19], [sflag:$0x4], $0x80, s21, s18, $0xb8;
	[tilespmem:$0x1DD80] =	vst v63  }
0x372: {  	_ =	swait.ge @!p1 [sflag:s20], $0x800  }
0x373: {  	[sflag:s20] =	ssyncset.done @!p1 $0x0  }
0x374: {  	[sflag:s20] =	ssyncadd.s32 @!p1 $0xFFFFF800  }
0x375: {  	v13 =	vld [tilespmem:s17+$0x0];
	_ =	sdelay $0x4  }
0x376: {  	(v2sf) =	vpush v13, $0x0;
	_ =	sdelay $0xe  }
0x377: {  	s28 =	spop (v2sf)  }
0x378: {  	s3 =	ssub.s32 s28, s3  }
0x379: {  	s17 =	sand.u32 $0x7F, s28;
	s3 =	sand.u32 $0xFFFFFF80, s3  }
0x37a: {  	s3 =	sor.u32 s17, s3  }
0x37b: {  	v13 =	vmov s3  }
0x37c: {  	v14 =	vshll.u32 v13, $0x3  }
0x37d: {  	v13 =	vand.u32 $0x7F, v13;
	v14 =	vand.u32 $0xFFFFFC00, v14  }
0x37e: {  	v13 =	vor.u32 v13, v14  }
0x37f: {  	v14 =	vadd.s32 v5, v13;
	_ =	sdelay $0x2  }
0x380: {  	v15 =	vmov s14  }
0x381: {  	v16 =	vshll.u32 v15, $0x7  }
0x382: {  	v17 =	vor.u32 v2, v16;
	v14 =	vld.idx.msk [tilespmem:v14+s6+$0x0], $0xffff  }
0x383: {  	v18 =	vadd.s32 v6, v13;
	_ =	sdelay $0x3  }
0x384: {  	v19 =	vld.msk [tilespmem:s16+$0x0 ss:$0x0], $0xffff;
	[tilespmem:v17+s25+$0x0] =	vst.idx.msk $0xffff, v14  }
0x385: {  	v61 =	vor.u32 v7, v16;
	v14 =	vld.idx.msk [tilespmem:v18+s6+$0x0], $0xffff  }
0x386: {  	v62 =	vadd.s32 v8, v13;
	_ =	sdelay $0x3  }
0x387: {  	[tilespmem:v61+s25+$0x0] =	vst.idx.msk $0xffff, v14  }
0x388: {  	v63 =	vor.u32 v9, v16;
	v14 =	vld.idx.msk [tilespmem:v62+s6+$0x0], $0xffff  }
0x389: {  	v13 =	vadd.s32 v10, v13;
	_ =	sdelay $0x3  }
0x38a: {  	[tilespmem:v63+s25+$0x0] =	vst.idx.msk $0xffff, v14  }
0x38b: {  	vm15 =	veq.s32 v15, v2;
	v14 =	vor.u32 v11, v16;
	v13 =	vld.idx.msk [tilespmem:v13+s6+$0x0], $0xffff;
	_ =	sdelay $0x3  }
0x38c: {  	p0 =	seq.s32 s14, $0xF;
	p1 =	sne.s32 s14, $0xF  }
0x38d: {  	s1 =	simm.s32 @p0 $0x0;
	s14 =	simm.s32 @!p1 $0x10;
	s3 =	simm.s32 $0x1;
	[tilespmem:v14+s25+$0x0] =	vst.idx.msk $0xffff, v13  }
0x38e: {  	s16 =	simm.s32 @!p1 $0x1C400;
	s17 =	simm.s32 @!p1 $0x1DC00;
	s3 =	simm.s32 @!p0 $0x0;
	[tilespmem:v2+s24+$0x0] =	vst.idx.msk vm15, v19  }
0x38f: {  	[hbm4b:s11+s14] =	stream.indirect.scatter @!p1 [tilespmem:s16], [sflag:$0x4], $0x80, s17, s14, $0xb8;
	[tilespmem:$0x1DD80] =	vst v63  }
0x390: {  	s7 =	sadd.s32 s3, s7;
	s14 =	smov.u32 s1  }
.LBB2_59:
.Ltmp32:
0x391: {  	(pc) =	sbr.rel @p5 .LBB2_61-.Ltmp32, $1  }
0x392: {  	_ =	sdelay $0x3  }
0x393: {  	s1 =	rddreg [dreg:$0x18]  }
0x394: {  	s1 =	sadd.s32 s26, s1  }
0x395: {  	p0 =	sgt.u32 s1, $0x1E80  }
0x396: {  	p1 =	sne.s32 @p0 s1, $0x1E84  }
0x397: {  	p1 =	por p1, !p0  }
0x398: {  	s3 =	simm.s32 @!p1 $0x0;
	s16 =	simm.s32 @!p1 $0x14400  }
0x399: {  	[tilespmem:s16], [sflag:$0x3] =	stream.linear.gather @!p1 [hbm4b:s30+s3], $0x400, $0x38;
	[tilespmem:$0x1DD80] =	vst v63  }
0x39a: {  	s16 =	simm.s32 @!p1 $0x15400  }
0x39b: {  	[tilespmem:s16], [sflag:$0x3] =	stream.linear.gather @!p1 [hbm4b:s31+s3], $0x400, $0x38;
	[tilespmem:$0x1DD80] =	vst v63  }
0x39c: {  	s17 =	rddreg [dreg:$0x1a];
	s16 =	simm.s32 @!p1 $0x16400  }
0x39d: {  	[tilespmem:s16], [sflag:$0x3] =	stream.linear.gather @!p1 [hbm4b:s17+s3], $0x400, $0x38;
	[tilespmem:$0x1DD80] =	vst v63  }
0x39e: {  	s16 =	simm.s32 @!p1 $0x17400;
	s17 =	rddreg [dreg:$0x1b]  }
0x39f: {  	[tilespmem:s16], [sflag:$0x3] =	stream.linear.gather @!p1 [hbm4b:s17+s3], $0x400, $0x38;
	[tilespmem:$0x1DD80] =	vst v63  }
0x3a0: {  	s16 =	simm.s32 @!p1 $0x18400;
	s17 =	rddreg [dreg:$0x1c]  }
0x3a1: {  	[tilespmem:s16], [sflag:$0x3] =	stream.linear.gather @!p1 [hbm4b:s17+s3], $0x400, $0x38;
	[tilespmem:$0x1DD80] =	vst v63  }
0x3a2: {  	s16 =	simm.s32 @!p1 $0x19400;
	s17 =	rddreg [dreg:$0x1d]  }
0x3a3: {  	[tilespmem:s16], [sflag:$0x3] =	stream.linear.gather @!p1 [hbm4b:s17+s3], $0x400, $0x38;
	[tilespmem:$0x1DD80] =	vst v63  }
0x3a4: {  	s16 =	simm.s32 @!p1 $0x1A400;
	s17 =	rddreg [dreg:$0x1e]  }
0x3a5: {  	[tilespmem:s16], [sflag:$0x3] =	stream.linear.gather @!p1 [hbm4b:s17+s3], $0x400, $0x38;
	[tilespmem:$0x1DD80] =	vst v63  }
.Ltmp33:
0x3a6: {  	s15 =	sadd.s32 $0x1, s15;
	s1 =	sshll.u32 @!p0 s1, $0x7;
	(pc) =	sbr.rel .LBB2_14-.Ltmp33, $4  }
0x3a7: {  	s1 =	sadd.s32 @!p0 s22, s1;
	s16 =	simm.s32 @!p1 $0x1B400;
	s17 =	rddreg [dreg:$0x1f]  }
0x3a8: {  	[tilespmem:s16], [sflag:$0x3] =	stream.linear.gather @!p1 [hbm4b:s17+s3], $0x400, $0x38;
	[tilespmem:$0x1DD80] =	vst v63  }
0x3a9: {  	s3 =	simm.s32 @!p0 $0x1000;
	s16 =	simm.s32 @!p0 $0x7A1400;
	s17 =	simm.s32 @!p0 $0x14400  }
0x3aa: {  	[tilespmem:s17], [sflag:$0x3] =	stream.strided.gather @!p0 [hbm4b:s1+s3], $0x8000, s16, s3, $0x38;
	[tilespmem:$0x1DD80] =	vst v63  }
.LBB2_16:
.Ltmp34:
0x3ab: {  	(pc) =	sbr.rel .LBB2_23-.Ltmp34, $2  }
0x3ac: {  	_ =	sdelay $0x2  }
0x3ad: {  	s19 =	simm.s32 $0x0;
	s17 =	simm.s32 $0x2480;
	s18 =	simm.s32 $0x0  }
.LBB2_31:
.Ltmp35:
0x3ae: {  	(pc) =	sbr.rel .LBB2_38-.Ltmp35, $2  }
0x3af: {  	_ =	sdelay $0x2  }
0x3b0: {  	s19 =	simm.s32 $0x0;
	s17 =	simm.s32 $0x2480;
	s18 =	simm.s32 $0x0  }
.LBB2_46:
.Ltmp36:
0x3b1: {  	(pc) =	sbr.rel .LBB2_53-.Ltmp36, $2  }
0x3b2: {  	_ =	sdelay $0x2  }
0x3b3: {  	s19 =	simm.s32 $0x0;
	s17 =	simm.s32 $0x2480;
	s18 =	simm.s32 $0x0  }
.LBB2_21:
.Ltmp37:
0x3b4: {  	(pc) =	sbr.rel .LBB2_23-.Ltmp37, $2  }
0x3b5: {  	_ =	sdelay $0x2  }
0x3b6: {  	s19 =	simm.s32 $0x0;
	s17 =	simm.s32 $0x2480;
	s18 =	simm.s32 $0x0  }
.LBB2_36:
.Ltmp38:
0x3b7: {  	(pc) =	sbr.rel .LBB2_38-.Ltmp38, $2  }
0x3b8: {  	_ =	sdelay $0x2  }
0x3b9: {  	s19 =	simm.s32 $0x0;
	s17 =	simm.s32 $0x2480;
	s18 =	simm.s32 $0x0  }
.LBB2_51:
.Ltmp39:
0x3ba: {  	(pc) =	sbr.rel .LBB2_53-.Ltmp39, $2  }
0x3bb: {  	_ =	sdelay $0x2  }
0x3bc: {  	s19 =	simm.s32 $0x0;
	s17 =	simm.s32 $0x2480;
	s18 =	simm.s32 $0x0  }
.LBB2_19:
.Ltmp40:
0x3bd: {  	(pc) =	sbr.rel .LBB2_28-.Ltmp40, $2  }
0x3be: {  	_ =	sdelay $0x2  }
0x3bf: {  	_ = 	snop  }
.LBB2_34:
.Ltmp41:
0x3c0: {  	(pc) =	sbr.rel .LBB2_43-.Ltmp41, $2  }
0x3c1: {  	_ =	sdelay $0x2  }
0x3c2: {  	_ = 	snop  }
.LBB2_49:
.Ltmp42:
0x3c3: {  	(pc) =	sbr.rel .LBB2_58-.Ltmp42, $2  }
0x3c4: {  	_ =	sdelay $0x2  }
0x3c5: {  	_ = 	snop  }
.LBB2_25:
.Ltmp43:
0x3c6: {  	(pc) =	sbr.rel .LBB2_28-.Ltmp43, $2  }
0x3c7: {  	_ =	sdelay $0x2  }
0x3c8: {  	s14 =	smov.u32 s1;
	s1 =	smov.u32 s19  }
.LBB2_40:
.Ltmp44:
0x3c9: {  	(pc) =	sbr.rel .LBB2_43-.Ltmp44, $2  }
0x3ca: {  	_ =	sdelay $0x2  }
0x3cb: {  	s14 =	smov.u32 s1;
	s1 =	smov.u32 s19  }
.LBB2_55:
.Ltmp45:
0x3cc: {  	(pc) =	sbr.rel .LBB2_58-.Ltmp45, $2  }
0x3cd: {  	_ =	sdelay $0x2  }
0x3ce: {  	s14 =	smov.u32 s1;
	s1 =	smov.u32 s19  }
.LBB2_61:
0x3cf: {  	s1 =	sld [smem:$0x7F3];
	_ =	sdelay $0x1  }
0x3d0: {  	s15 =	rddreg [dreg:$0x12]  }
0x3d1: {  	s17 =	sld [smem:$0x7F7];
	p0 =	seq.s32 s1, $0x1  }
0x3d2: {  	s1 =	simm.s32 @p0 $0x1000;
	s2 =	simm.s32 @p0 $0x7A1400;
	s3 =	simm.s32 @p0 $0x4400  }
0x3d3: {  	[tilespmem:s3], [sflag:$0x1] =	stream.strided.gather @p0 [hbm4b:s15+s1], $0x8000, s2, s1, $0x38;
	[tilespmem:$0x1DD80] =	vst v63  }
0x3d4: {  	s3 =	simm.s32 @p0 $0xC400;
	s15 =	rddreg [dreg:$0x15]  }
0x3d5: {  	[tilespmem:s3], [sflag:$0x2] =	stream.strided.gather @p0 [hbm4b:s15+s1], $0x8000, s2, s1, $0x38;
	[tilespmem:$0x1DD80] =	vst v63  }
0x3d6: {  	s1 =	simm.s32 @!p0 $0x0;
	s2 =	simm.s32 @!p0 $0x4400;
	s15 =	rddreg [dreg:$0x6]  }
0x3d7: {  	[tilespmem:s2], [sflag:$0x1] =	stream.linear.gather @!p0 [hbm4b:s15+s1], $0x400, $0x38;
	[tilespmem:$0x1DD80] =	vst v63  }
0x3d8: {  	s18 =	sld [smem:$0x7F8];
	s2 =	simm.s32 @!p0 $0x5400  }
0x3d9: {  	[tilespmem:s2], [sflag:$0x1] =	stream.linear.gather @!p0 [hbm4b:s17+s1], $0x400, $0x38;
	[tilespmem:$0x1DD80] =	vst v63  }
0x3da: {  	s19 =	sld [smem:$0x7F9];
	s2 =	simm.s32 @!p0 $0x6400  }
0x3db: {  	[tilespmem:s2], [sflag:$0x1] =	stream.linear.gather @!p0 [hbm4b:s18+s1], $0x400, $0x38;
	[tilespmem:$0x1DD80] =	vst v63  }
0x3dc: {  	s20 =	sld [smem:$0x7FA];
	s2 =	simm.s32 @!p0 $0x7400  }
0x3dd: {  	[tilespmem:s2], [sflag:$0x1] =	stream.linear.gather @!p0 [hbm4b:s19+s1], $0x400, $0x38;
	[tilespmem:$0x1DD80] =	vst v63  }
0x3de: {  	s21 =	sld [smem:$0x7FB];
	s2 =	simm.s32 @!p0 $0x8400  }
0x3df: {  	[tilespmem:s2], [sflag:$0x1] =	stream.linear.gather @!p0 [hbm4b:s20+s1], $0x400, $0x38;
	[tilespmem:$0x1DD80] =	vst v63  }
0x3e0: {  	s22 =	sld [smem:$0x7FC];
	s2 =	simm.s32 @!p0 $0x9400  }
0x3e1: {  	[tilespmem:s2], [sflag:$0x1] =	stream.linear.gather @!p0 [hbm4b:s21+s1], $0x400, $0x38;
	[tilespmem:$0x1DD80] =	vst v63  }
0x3e2: {  	s26 =	sld [smem:$0x7FD];
	s2 =	simm.s32 @!p0 $0xA400  }
0x3e3: {  	[tilespmem:s2], [sflag:$0x1] =	stream.linear.gather @!p0 [hbm4b:s22+s1], $0x400, $0x38;
	[tilespmem:$0x1DD80] =	vst v63  }
0x3e4: {  	s2 =	simm.s32 @!p0 $0xB400  }
0x3e5: {  	[tilespmem:s2], [sflag:$0x1] =	stream.linear.gather @!p0 [hbm4b:s26+s1], $0x400, $0x38;
	[tilespmem:$0x1DD80] =	vst v63  }
0x3e6: {  	s2 =	sld [smem:$0x7F5];
	_ =	sdelay $0x2  }
0x3e7: {  	p0 =	seq.s32 s2, $0x1  }
0x3e8: {  	s1 =	simm.s32 @!p0 $0x0;
	s2 =	simm.s32 @!p0 $0xC400  }
0x3e9: {  	[tilespmem:s2], [sflag:$0x2] =	stream.linear.gather @!p0 [hbm4b:s15+s1], $0x400, $0x38;
	[tilespmem:$0x1DD80] =	vst v63  }
0x3ea: {  	s2 =	simm.s32 @!p0 $0xD400  }
0x3eb: {  	[tilespmem:s2], [sflag:$0x2] =	stream.linear.gather @!p0 [hbm4b:s17+s1], $0x400, $0x38;
	[tilespmem:$0x1DD80] =	vst v63  }
0x3ec: {  	s2 =	simm.s32 @!p0 $0xE400  }
0x3ed: {  	[tilespmem:s2], [sflag:$0x2] =	stream.linear.gather @!p0 [hbm4b:s18+s1], $0x400, $0x38;
	[tilespmem:$0x1DD80] =	vst v63  }
0x3ee: {  	s2 =	simm.s32 @!p0 $0xF400  }
0x3ef: {  	[tilespmem:s2], [sflag:$0x2] =	stream.linear.gather @!p0 [hbm4b:s19+s1], $0x400, $0x38;
	[tilespmem:$0x1DD80] =	vst v63  }
0x3f0: {  	s2 =	simm.s32 @!p0 $0x10400  }
0x3f1: {  	[tilespmem:s2], [sflag:$0x2] =	stream.linear.gather @!p0 [hbm4b:s20+s1], $0x400, $0x38;
	[tilespmem:$0x1DD80] =	vst v63  }
0x3f2: {  	s2 =	simm.s32 @!p0 $0x11400  }
0x3f3: {  	[tilespmem:s2], [sflag:$0x2] =	stream.linear.gather @!p0 [hbm4b:s21+s1], $0x400, $0x38;
	[tilespmem:$0x1DD80] =	vst v63  }
0x3f4: {  	s3 =	sld [smem:$0x7F4];
	s2 =	simm.s32 @!p0 $0x12400  }
0x3f5: {  	[tilespmem:s2], [sflag:$0x2] =	stream.linear.gather @!p0 [hbm4b:s22+s1], $0x400, $0x38;
	[tilespmem:$0x1DD80] =	vst v63  }
0x3f6: {  	s2 =	simm.s32 @!p0 $0x13400  }
0x3f7: {  	[tilespmem:s2], [sflag:$0x2] =	stream.linear.gather @!p0 [hbm4b:s26+s1], $0x400, $0x38;
	[tilespmem:$0x1DD80] =	vst v63  }
0x3f8: {  	s16 =	rddreg [dreg:$0x13];
	p0 =	seq.s32 s3, $0x1  }
0x3f9: {  	s1 =	simm.s32 @!p0 $0x1000;
	s2 =	simm.s32 @!p0 $0x7A1400;
	s3 =	simm.s32 @!p0 $0x14400  }
0x3fa: {  	[tilespmem:s3], [sflag:$0x3] =	stream.strided.gather @!p0 [hbm4b:s16+s1], $0x8000, s2, s1, $0x38;
	[tilespmem:$0x1DD80] =	vst v63  }
0x3fb: {  	s16 =	sld [smem:$0x7F6];
	_ =	sdelay $0x2  }
0x3fc: {  	p0 =	seq.s32 s16, $0x1  }
0x3fd: {  	s1 =	simm.s32 @!p0 $0x0;
	s2 =	simm.s32 @!p0 $0x14400  }
0x3fe: {  	[tilespmem:s2], [sflag:$0x3] =	stream.linear.gather @!p0 [hbm4b:s15+s1], $0x400, $0x38;
	[tilespmem:$0x1DD80] =	vst v63  }
0x3ff: {  	s2 =	simm.s32 @!p0 $0x15400  }
0x400: {  	[tilespmem:s2], [sflag:$0x3] =	stream.linear.gather @!p0 [hbm4b:s17+s1], $0x400, $0x38;
	[tilespmem:$0x1DD80] =	vst v63  }
0x401: {  	s2 =	simm.s32 @!p0 $0x16400  }
0x402: {  	[tilespmem:s2], [sflag:$0x3] =	stream.linear.gather @!p0 [hbm4b:s18+s1], $0x400, $0x38;
	[tilespmem:$0x1DD80] =	vst v63  }
0x403: {  	s2 =	simm.s32 @!p0 $0x17400  }
0x404: {  	[tilespmem:s2], [sflag:$0x3] =	stream.linear.gather @!p0 [hbm4b:s19+s1], $0x400, $0x38;
	[tilespmem:$0x1DD80] =	vst v63  }
0x405: {  	s2 =	simm.s32 @!p0 $0x18400  }
0x406: {  	[tilespmem:s2], [sflag:$0x3] =	stream.linear.gather @!p0 [hbm4b:s20+s1], $0x400, $0x38;
	[tilespmem:$0x1DD80] =	vst v63  }
0x407: {  	s2 =	simm.s32 @!p0 $0x19400  }
0x408: {  	[tilespmem:s2], [sflag:$0x3] =	stream.linear.gather @!p0 [hbm4b:s21+s1], $0x400, $0x38;
	[tilespmem:$0x1DD80] =	vst v63  }
0x409: {  	s2 =	simm.s32 @!p0 $0x1A400  }
0x40a: {  	[tilespmem:s2], [sflag:$0x3] =	stream.linear.gather @!p0 [hbm4b:s22+s1], $0x400, $0x38;
	[tilespmem:$0x1DD80] =	vst v63  }
0x40b: {  	s2 =	simm.s32 @!p0 $0x1B400  }
0x40c: {  	[tilespmem:s2], [sflag:$0x3] =	stream.linear.gather @!p0 [hbm4b:s26+s1], $0x400, $0x38;
	[tilespmem:$0x1DD80] =	vst v63  }
0x40d: {  	s26 =	sadd.s32 $0xF, s0  }
0x40e: {  	s28 =	sadd.s32 $0xF, s9;
	s1 =	sshrl.u32 s26, $0x4  }
0x40f: {  	s31 =	simm.s32 $0x0;
	s30 =	sshrl.u32 s28, $0x4;
	p0 =	seq.s32 s1, $0x0  }
0x410: {  	p5 =	seq.s32 s30, $0x0;
	[smem:$0x7F0] =	sst s1;
	s1 =	simm.s32 @!p0 $0x0  }
0x411: {  	s3 =	simm.s32 $0x0;
	s15 =	simm.s32 $0x0;
	s1 =	simm.s32 @p0 $0x1  }
0x412: {  	v12 =	vmov s0;
	v13 =	vmov s9;
	s2 =	simm.s32 $0x0;
	s26 =	simm.s32 $0x0;
	[smem:$0x7F1] =	sst s1  }
.LBB2_62:
0x413: {  	s9 =	smul.u32 $0xC, s31  }
0x414: {  	s0 =	rddreg [dreg:$0x9]  }
0x415: {  	s1 =	sadd.s32 s0, s9  }
0x416: {  	p0 =	sgt.u32 s1, $0x1E80  }
0x417: {  	p1 =	sne.s32 @p0 s1, $0x1E84  }
0x418: {  	p1 =	por p1, !p0  }
0x419: {  	s0 =	simm.s32 @!p1 $0x1  }
0x41a: {  	_ =	swait.ge @!p1 [sflag:s0], $0x2000  }
0x41b: {  	[sflag:s0] =	ssyncset.done @!p1 $0x0  }
0x41c: {  	[sflag:s0] =	ssyncadd.s32 @!p1 $0xFFFFE000;
	s0 =	simm.s32 @!p0 $0x1  }
0x41d: {  	_ =	swait.ge @!p0 [sflag:s0], $0x8000  }
0x41e: {  	s28 =	sld [smem:$0x7F1];
	_ =	sdelay $0x1  }
0x41f: {  	[sflag:s0] =	ssyncset.done @!p0 $0x0  }
0x420: {  	[sflag:s0] =	ssyncadd.s32 @!p0 $0xFFFF8000;
	p0 =	seq.s32 s28, $0x1  }
.Ltmp46:
0x421: {  	_ = 	snop;
	(pc) =	sbr.rel @p0 .LBB2_77-.Ltmp46, $1  }
0x422: {  	_ =	sdelay $0x3  }
0x423: {  	s18 =	sld [smem:$0x7F0];
	_ =	sdelay $0x2  }
0x424: {  	p0 =	seq.s32 s18, $0x1  }
.Ltmp47:
0x425: {  	_ = 	snop;
	(pc) =	sbr.rel @p0 .LBB2_64-.Ltmp47, $3  }
0x426: {  	_ =	sdelay $0x1  }
0x427: {  	s17 =	simm.s32 $0x2900;
	s16 =	simm.s32 $0x2D80  }
0x428: {  	v14 =	vmov s1;
	s0 =	simm.s32 $0x0;
	p1 =	por $0x0, $0x0;
	v15 =	vld [tilespmem:s17+$0x0];
	s17 =	sadd.s32 $0xFFFFFFFF, s18  }
0x429: {  	_ =	sdelay $0x3  }
0x42a: {  	v16 =	vshrl.u32 v15, $0x7  }
0x42b: {  	v18 =	vor.u32 s0, v2;
	v16 =	vsub.s32 v16, v14  }
0x42c: {  	vm0 =	vlt.s32 v18, v12;
	vm1 =	vlt.u32 v16, $0x4  }
0x42d: {  	vm0 =	vmand vm0, vm1  }
0x42e: {  	v16 =	vmpcnt.ones.xlane vm0  }
0x42f: {  	v17 =	vld [tilespmem:s16+$0x0]  }
0x430: {  	p0 =	seq.s32 s17, $0x1;
	(v2sf) =	vpush v16, $0x0  }
.Ltmp48:
0x431: {  	_ = 	snop;
	(pc) =	sbr.rel @p0 .LBB2_69-.Ltmp48, $4  }
0x432: {  	_ = 	snop  }
0x433: {  	[tilespmem:s0+$0x3B00] =	vst.msk vm0, v15  }
0x434: {  	s20 =	simm.s32 $0x2910;
	s21 =	sadd.s32 $0xFFFFFFFF, s17;
	p1 =	por $0x1, $0x1;
	[tilespmem:s0+$0x3F80] =	vst.msk vm0, v17  }
0x435: {  	s19 =	simm.s32 $0x0;
	s17 =	simm.s32 $0x2D80;
	s18 =	simm.s32 $0x0;
	v15 =	vld [tilespmem:s20+$0x0]  }
.LBB2_70:
0x436: {  	p2 =	seq.s32 s21, $0x1;
	_ =	sdelay $0x3  }
0x437: {  	s19 =	sadd.s32 $0x10, s19;
	v16 =	vshrl.u32 v15, $0x7  }
0x438: {  	v17 =	vor.u32 s19, v2;
	v16 =	vsub.s32 v16, v14  }
0x439: {  	s17 =	sadd.s32 $0x10, s17;
	vm0 =	vlt.s32 v17, v12;
	vm1 =	vlt.u32 v16, $0x4  }
0x43a: {  	v16 =	vld [tilespmem:s17+$0x0];
	vm0 =	vmand vm0, vm1  }
0x43b: {  	v17 =	vmpcnt.ones.xlane vm0  }
0x43c: {  	s22 =	spop (v2sf)  }
0x43d: {  	(v2sf) =	vpush v17, $0x0;
	s18 =	sadd.s32 s18, s22  }
.Ltmp49:
0x43e: {  	[tilespmem:s18+$0x3B00] =	vst.msk vm0, v15;
	(pc) =	sbr.rel @!p2 .LBB2_70-.Ltmp49, $3  }
0x43f: {  	[tilespmem:s18+$0x3F80] =	vst.msk vm0, v16;
	_ =	sdelay $0x1  }
0x440: {  	s20 =	sadd.s32 $0x10, s20  }
0x441: {  	s21 =	sadd.s32 $0xFFFFFFFF, s21;
	v15 =	vld [tilespmem:s20+$0x0]  }
.LBB2_71:
0x442: {  	_ =	sdelay $0x2  }
0x443: {  	s19 =	sadd.s32 @p1 $0x10, s19;
	s20 =	simm.s32 $0x0  }
0x444: {  	s20 =	smov.u32 @p1 s19;
	v16 =	vshrl.u32 v15, $0x7  }
0x445: {  	v17 =	vor.u32 s20, v2;
	v14 =	vsub.s32 v16, v14  }
0x446: {  	vm0 =	vlt.s32 v17, v12;
	vm1 =	vlt.u32 v14, $0x4  }
0x447: {  	vm0 =	vmand vm0, vm1  }
0x448: {  	v14 =	vmpcnt.ones.xlane vm0;
	_ =	sdelay $0x1  }
0x449: {  	(v2sf) =	vpush v14, $0x0;
	_ =	sdelay $0x8  }
0x44a: {  	s17 =	sadd.s32 @p1 $0x10, s17  }
0x44b: {  	s16 =	smov.u32 @p1 s17  }
0x44c: {  	v14 =	vld [tilespmem:s16+$0x0]  }
0x44d: {  	s16 =	spop @p1 (v2sf)  }
0x44e: {  	s16 =	sadd.s32 @p1 s18, s16  }
0x44f: {  	s0 =	smov.u32 @p1 s16  }
0x450: {  	[tilespmem:s0+$0x3B00] =	vst.msk vm0, v15;
	s28 =	spop (v2sf)  }
0x451: {  	[tilespmem:s0+$0x3F80] =	vst.msk vm0, v14;
	s0 =	sadd.s32 s0, s28  }
0x452: {  	p0 =	slt.s32 s0, $0x1  }
.Ltmp50:
0x453: {  	_ = 	snop;
	(pc) =	sbr.rel @p0 .LBB2_77-.Ltmp50, $1  }
0x454: {  	_ =	sdelay $0x3  }
0x455: {  	s19 =	sadd.s32 $0xFFFFFFFF, s0  }
0x456: {  	p0 =	sne.s32 s19, $0x0  }
.Ltmp51:
0x457: {  	_ = 	snop;
	(pc) =	sbr.rel @!p0 .LBB2_67-.Ltmp51, $4  }
0x458: {  	_ = 	snop  }
0x459: {  	s16 =	sshll.u32 s1, $0x7  }
0x45a: {  	s17 =	simm.s32 $0x3F80;
	s18 =	simm.s32 $0x3B00;
	p2 =	slt.s32 s26, $0x1  }
0x45b: {  	s0 =	sadd.s32 $0x1, s3;
	p6 =	por $0x0, $0x0;
	p3 =	sne.s32 @!p2 s3, $0x0  }
0x45c: {  	p0 =	por p3, p2  }
0x45d: {  	s20 =	simm.s32 @!p0 $0x5  }
0x45e: {  	_ =	swait.ge @!p0 [sflag:s20], $0x800  }
0x45f: {  	[sflag:s20] =	ssyncset.done @!p0 $0x0  }
0x460: {  	[sflag:s20] =	ssyncadd.s32 @!p0 $0xFFFFF800  }
0x461: {  	v14 =	vld [tilespmem:s18+$0x0];
	_ =	sdelay $0x4  }
0x462: {  	(v2sf) =	vpush v14, $0x0;
	_ =	sdelay $0xe  }
0x463: {  	s22 =	spop (v2sf)  }
0x464: {  	s28 =	ssub.s32 s22, s16  }
0x465: {  	s18 =	sand.u32 $0x7F, s22;
	s20 =	sand.u32 $0xFFFFFF80, s28  }
0x466: {  	s18 =	sor.u32 s18, s20  }
0x467: {  	v14 =	vmov s18  }
0x468: {  	v15 =	vshll.u32 v14, $0x3  }
0x469: {  	v14 =	vand.u32 $0x7F, v14;
	v15 =	vand.u32 $0xFFFFFC00, v15  }
0x46a: {  	v15 =	vor.u32 v14, v15  }
0x46b: {  	v14 =	vadd.s32 v5, v15;
	_ =	sdelay $0x2  }
0x46c: {  	v16 =	vmov s3  }
0x46d: {  	v17 =	vshll.u32 v16, $0x7  }
0x46e: {  	v19 =	vor.u32 v2, v17;
	v18 =	vld.idx.msk [tilespmem:v14+s29+$0x0], $0xffff  }
0x46f: {  	v20 =	vadd.s32 v6, v15;
	_ =	sdelay $0x3  }
0x470: {  	v14 =	vld.msk [tilespmem:s17+$0x0 ss:$0x0], $0xffff;
	[tilespmem:v19+s23+$0x0] =	vst.idx.msk $0xffff, v18  }
0x471: {  	v61 =	vor.u32 v7, v17;
	v18 =	vld.idx.msk [tilespmem:v20+s29+$0x0], $0xffff  }
0x472: {  	v62 =	vadd.s32 v8, v15;
	_ =	sdelay $0x3  }
0x473: {  	[tilespmem:v61+s23+$0x0] =	vst.idx.msk $0xffff, v18  }
0x474: {  	v63 =	vor.u32 v9, v17;
	v18 =	vld.idx.msk [tilespmem:v62+s29+$0x0], $0xffff  }
0x475: {  	v15 =	vadd.s32 v10, v15;
	_ =	sdelay $0x3  }
0x476: {  	s19 =	sadd.s32 $0xFFFFFFFF, s19;
	[tilespmem:v63+s23+$0x0] =	vst.idx.msk $0xffff, v18  }
0x477: {  	p1 =	sne.s32 s19, $0x0;
	v17 =	vor.u32 v11, v17;
	v15 =	vld.idx.msk [tilespmem:v15+s29+$0x0], $0xffff  }
.Ltmp52:
0x478: {  	vm0 =	veq.s32 v16, v2;
	p0 =	seq.s32 s3, $0xF;
	s17 =	simm.s32 $0x1;
	(pc) =	sbr.rel @!p1 .LBB2_73-.Ltmp52, $4  }
0x479: {  	s17 =	simm.s32 @!p0 $0x0  }
0x47a: {  	p6 =	por $0x1, $0x1;
	s0 =	simm.s32 @p0 $0x0;
	s26 =	sadd.s32 s17, s26  }
0x47b: {  	s20 =	sadd.s32 $0x1, s0;
	s18 =	simm.s32 $0x3B01;
	p2 =	slt.s32 s26, $0x1  }
0x47c: {  	p0 =	sne.s32 s3, $0xF;
	s17 =	simm.s32 $0x3F81;
	p3 =	sne.s32 @!p2 s0, $0x0;
	[tilespmem:v17+s23+$0x0] =	vst.idx.msk $0xffff, v15  }
.LBB2_74:
0x47d: {  	p2 =	por p3, p2;
	s3 =	simm.s32 @!p0 $0x10;
	s21 =	simm.s32 @!p0 $0x1CC00  }
0x47e: {  	s19 =	sadd.s32 $0xFFFFFFFF, s19;
	s28 =	simm.s32 @!p0 $0x1DC80;
	s22 =	simm.s32 @!p2 $0x5;
	[tilespmem:v2+s10+$0x0] =	vst.idx.msk vm0, v14  }
0x47f: {  	[hbm4b:s12+s3] =	stream.indirect.scatter @!p0 [tilespmem:s21], [sflag:$0x5], $0x80, s28, s3, $0xb8;
	[tilespmem:$0x1DD80] =	vst v63  }
0x480: {  	p1 =	sne.s32 s19, $0x0;
	s3 =	smov.u32 s0;
	_ =	swait.ge @!p2 [sflag:s22], $0x800  }
0x481: {  	[sflag:s22] =	ssyncset.done @!p2 $0x0  }
0x482: {  	[sflag:s22] =	ssyncadd.s32 @!p2 $0xFFFFF800  }
0x483: {  	v14 =	vld [tilespmem:s18+$0x0];
	_ =	sdelay $0x4  }
0x484: {  	(v2sf) =	vpush v14, $0x0;
	_ =	sdelay $0xe  }
0x485: {  	s21 =	spop (v2sf)  }
0x486: {  	s22 =	ssub.s32 s21, s16;
	s21 =	sand.u32 $0x7F, s21  }
0x487: {  	s22 =	sand.u32 $0xFFFFFF80, s22  }
0x488: {  	s21 =	sor.u32 s21, s22  }
0x489: {  	v14 =	vmov s21  }
0x48a: {  	v15 =	vand.u32 $0x7F, v14;
	v14 =	vshll.u32 v14, $0x3  }
0x48b: {  	v14 =	vand.u32 $0xFFFFFC00, v14  }
0x48c: {  	v15 =	vor.u32 v15, v14  }
0x48d: {  	v14 =	vadd.s32 v5, v15;
	_ =	sdelay $0x3  }
0x48e: {  	v16 =	vmov s0  }
0x48f: {  	v18 =	vshll.u32 v16, $0x7;
	v17 =	vld.idx.msk [tilespmem:v14+s29+$0x0], $0xffff  }
0x490: {  	v19 =	vor.u32 v2, v18  }
0x491: {  	v20 =	vadd.s32 v6, v15;
	_ =	sdelay $0x2  }
0x492: {  	v14 =	vld.msk [tilespmem:s17+$0x0 ss:$0x0], $0xffff  }
0x493: {  	[tilespmem:v19+s23+$0x0] =	vst.idx.msk $0xffff, v17  }
0x494: {  	v17 =	vld.idx.msk [tilespmem:v20+s29+$0x0], $0xffff  }
0x495: {  	v19 =	vor.u32 v7, v18  }
0x496: {  	v20 =	vadd.s32 v8, v15;
	_ =	sdelay $0x3  }
0x497: {  	[tilespmem:v19+s23+$0x0] =	vst.idx.msk $0xffff, v17  }
0x498: {  	v17 =	vld.idx.msk [tilespmem:v20+s29+$0x0], $0xffff  }
0x499: {  	v19 =	vor.u32 v9, v18  }
0x49a: {  	v15 =	vadd.s32 v10, v15;
	_ =	sdelay $0x3  }
0x49b: {  	[tilespmem:v19+s23+$0x0] =	vst.idx.msk $0xffff, v17  }
0x49c: {  	v15 =	vld.idx.msk [tilespmem:v15+s29+$0x0], $0xffff  }
0x49d: {  	p0 =	seq.s32 s0, $0xF;
	v17 =	vor.u32 v11, v18  }
.Ltmp53:
0x49e: {  	vm0 =	veq.s32 v16, v2;
	s0 =	smov.u32 s20;
	s21 =	simm.s32 $0x1;
	(pc) =	sbr.rel @p1 .LBB2_74-.Ltmp53, $4  }
0x49f: {  	s0 =	simm.s32 @p0 $0x0;
	s21 =	simm.s32 @!p0 $0x0  }
0x4a0: {  	s20 =	sadd.s32 $0x1, s0;
	s26 =	sadd.s32 s21, s26  }
0x4a1: {  	s18 =	sadd.s32 $0x1, s18;
	p2 =	slt.s32 s26, $0x1  }
0x4a2: {  	p0 =	sne.s32 s3, $0xF;
	p3 =	sne.s32 @!p2 s0, $0x0;
	s17 =	sadd.s32 $0x1, s17;
	[tilespmem:v17+s23+$0x0] =	vst.idx.msk $0xffff, v15  }
0x4a3: {  	s3 =	smov.u32 s0;
	s0 =	smov.u32 s20  }
.LBB2_76:
0x4a4: {  	_ =	sdelay $0x2  }
0x4a5: {  	p0 =	por p0, !p6  }
0x4a6: {  	p1 =	por p3, p2;
	s19 =	simm.s32 @!p0 $0x10  }
0x4a7: {  	[tilespmem:v2+s10+$0x0] =	vst.idx.msk @p6 vm0, v14;
	s20 =	simm.s32 @!p0 $0x1CC00;
	s21 =	simm.s32 @!p1 $0x5;
	s22 =	simm.s32 @!p0 $0x1DC80  }
0x4a8: {  	[hbm4b:s12+s19] =	stream.indirect.scatter @!p0 [tilespmem:s20], [sflag:$0x5], $0x80, s22, s19, $0xb8;
	[tilespmem:$0x1DD80] =	vst v63  }
0x4a9: {  	_ =	swait.ge @!p1 [sflag:s21], $0x800  }
0x4aa: {  	[sflag:s21] =	ssyncset.done @!p1 $0x0  }
0x4ab: {  	[sflag:s21] =	ssyncadd.s32 @!p1 $0xFFFFF800  }
0x4ac: {  	v14 =	vld [tilespmem:s18+$0x0];
	_ =	sdelay $0x4  }
0x4ad: {  	(v2sf) =	vpush v14, $0x0;
	_ =	sdelay $0xe  }
0x4ae: {  	s28 =	spop (v2sf)  }
0x4af: {  	s16 =	ssub.s32 s28, s16  }
0x4b0: {  	s18 =	sand.u32 $0x7F, s28;
	s16 =	sand.u32 $0xFFFFFF80, s16  }
0x4b1: {  	s16 =	sor.u32 s18, s16  }
0x4b2: {  	v14 =	vmov s16  }
0x4b3: {  	v15 =	vshll.u32 v14, $0x3  }
0x4b4: {  	v14 =	vand.u32 $0x7F, v14;
	v15 =	vand.u32 $0xFFFFFC00, v15  }
0x4b5: {  	v14 =	vor.u32 v14, v15  }
0x4b6: {  	v15 =	vadd.s32 v5, v14;
	_ =	sdelay $0x2  }
0x4b7: {  	v16 =	vmov s3  }
0x4b8: {  	v17 =	vshll.u32 v16, $0x7  }
0x4b9: {  	v18 =	vor.u32 v2, v17;
	v15 =	vld.idx.msk [tilespmem:v15+s29+$0x0], $0xffff  }
0x4ba: {  	v19 =	vadd.s32 v6, v14;
	_ =	sdelay $0x3  }
0x4bb: {  	v20 =	vld.msk [tilespmem:s17+$0x0 ss:$0x0], $0xffff;
	[tilespmem:v18+s23+$0x0] =	vst.idx.msk $0xffff, v15  }
0x4bc: {  	v61 =	vor.u32 v7, v17;
	v15 =	vld.idx.msk [tilespmem:v19+s29+$0x0], $0xffff  }
0x4bd: {  	v62 =	vadd.s32 v8, v14;
	_ =	sdelay $0x3  }
0x4be: {  	[tilespmem:v61+s23+$0x0] =	vst.idx.msk $0xffff, v15  }
0x4bf: {  	v63 =	vor.u32 v9, v17;
	v15 =	vld.idx.msk [tilespmem:v62+s29+$0x0], $0xffff  }
0x4c0: {  	v14 =	vadd.s32 v10, v14;
	_ =	sdelay $0x3  }
0x4c1: {  	[tilespmem:v63+s23+$0x0] =	vst.idx.msk $0xffff, v15  }
0x4c2: {  	vm15 =	veq.s32 v16, v2;
	v15 =	vor.u32 v11, v17;
	v14 =	vld.idx.msk [tilespmem:v14+s29+$0x0], $0xffff;
	_ =	sdelay $0x3  }
0x4c3: {  	p0 =	seq.s32 s3, $0xF;
	p1 =	sne.s32 s3, $0xF  }
0x4c4: {  	s0 =	simm.s32 @p0 $0x0;
	s3 =	simm.s32 @!p1 $0x10;
	s16 =	simm.s32 $0x1;
	[tilespmem:v15+s23+$0x0] =	vst.idx.msk $0xffff, v14  }
0x4c5: {  	s17 =	simm.s32 @!p1 $0x1CC00;
	s18 =	simm.s32 @!p1 $0x1DC80;
	s16 =	simm.s32 @!p0 $0x0;
	[tilespmem:v2+s10+$0x0] =	vst.idx.msk vm15, v20  }
0x4c6: {  	[hbm4b:s12+s3] =	stream.indirect.scatter @!p1 [tilespmem:s17], [sflag:$0x5], $0x80, s18, s3, $0xb8;
	[tilespmem:$0x1DD80] =	vst v63  }
0x4c7: {  	s26 =	sadd.s32 s16, s26;
	s3 =	smov.u32 s0  }
.LBB2_77:
.Ltmp54:
0x4c8: {  	(pc) =	sbr.rel @p5 .LBB2_92-.Ltmp54, $1  }
0x4c9: {  	_ =	sdelay $0x3  }
0x4ca: {  	p0 =	seq.s32 s30, $0x1  }
.Ltmp55:
0x4cb: {  	_ = 	snop;
	(pc) =	sbr.rel @p0 .LBB2_79-.Ltmp55, $3  }
0x4cc: {  	_ =	sdelay $0x1  }
0x4cd: {  	s17 =	simm.s32 $0x3200;
	s16 =	simm.s32 $0x3680  }
0x4ce: {  	v14 =	vmov s1;
	s0 =	simm.s32 $0x0;
	p1 =	por $0x0, $0x0;
	v15 =	vld [tilespmem:s17+$0x0];
	s17 =	sadd.s32 $0xFFFFFFFF, s30  }
0x4cf: {  	_ =	sdelay $0x3  }
0x4d0: {  	v16 =	vshrl.u32 v15, $0x7  }
0x4d1: {  	v18 =	vor.u32 s0, v2;
	v16 =	vsub.s32 v16, v14  }
0x4d2: {  	vm0 =	vlt.s32 v18, v13;
	vm1 =	vlt.u32 v16, $0x4  }
0x4d3: {  	vm0 =	vmand vm0, vm1  }
0x4d4: {  	v16 =	vmpcnt.ones.xlane vm0  }
0x4d5: {  	v17 =	vld [tilespmem:s16+$0x0]  }
0x4d6: {  	p0 =	seq.s32 s17, $0x1;
	(v2sf) =	vpush v16, $0x0  }
.Ltmp56:
0x4d7: {  	_ = 	snop;
	(pc) =	sbr.rel @p0 .LBB2_84-.Ltmp56, $4  }
0x4d8: {  	_ = 	snop  }
0x4d9: {  	[tilespmem:s0+$0x3B00] =	vst.msk vm0, v15  }
0x4da: {  	s20 =	simm.s32 $0x3210;
	s21 =	sadd.s32 $0xFFFFFFFF, s17;
	p1 =	por $0x1, $0x1;
	[tilespmem:s0+$0x3F80] =	vst.msk vm0, v17  }
0x4db: {  	s19 =	simm.s32 $0x0;
	s17 =	simm.s32 $0x3680;
	s18 =	simm.s32 $0x0;
	v15 =	vld [tilespmem:s20+$0x0]  }
.LBB2_85:
0x4dc: {  	p2 =	seq.s32 s21, $0x1;
	_ =	sdelay $0x3  }
0x4dd: {  	s19 =	sadd.s32 $0x10, s19;
	v16 =	vshrl.u32 v15, $0x7  }
0x4de: {  	v17 =	vor.u32 s19, v2;
	v16 =	vsub.s32 v16, v14  }
0x4df: {  	s17 =	sadd.s32 $0x10, s17;
	vm0 =	vlt.s32 v17, v13;
	vm1 =	vlt.u32 v16, $0x4  }
0x4e0: {  	v16 =	vld [tilespmem:s17+$0x0];
	vm0 =	vmand vm0, vm1  }
0x4e1: {  	v17 =	vmpcnt.ones.xlane vm0  }
0x4e2: {  	s22 =	spop (v2sf)  }
0x4e3: {  	(v2sf) =	vpush v17, $0x0;
	s18 =	sadd.s32 s18, s22  }
.Ltmp57:
0x4e4: {  	[tilespmem:s18+$0x3B00] =	vst.msk vm0, v15;
	(pc) =	sbr.rel @!p2 .LBB2_85-.Ltmp57, $3  }
0x4e5: {  	[tilespmem:s18+$0x3F80] =	vst.msk vm0, v16;
	_ =	sdelay $0x1  }
0x4e6: {  	s20 =	sadd.s32 $0x10, s20  }
0x4e7: {  	s21 =	sadd.s32 $0xFFFFFFFF, s21;
	v15 =	vld [tilespmem:s20+$0x0]  }
.LBB2_86:
0x4e8: {  	_ =	sdelay $0x2  }
0x4e9: {  	s19 =	sadd.s32 @p1 $0x10, s19;
	s20 =	simm.s32 $0x0  }
0x4ea: {  	s20 =	smov.u32 @p1 s19;
	v16 =	vshrl.u32 v15, $0x7  }
0x4eb: {  	v17 =	vor.u32 s20, v2;
	v14 =	vsub.s32 v16, v14  }
0x4ec: {  	vm0 =	vlt.s32 v17, v13;
	vm1 =	vlt.u32 v14, $0x4  }
0x4ed: {  	vm0 =	vmand vm0, vm1  }
0x4ee: {  	v14 =	vmpcnt.ones.xlane vm0;
	_ =	sdelay $0x1  }
0x4ef: {  	(v2sf) =	vpush v14, $0x0;
	_ =	sdelay $0x8  }
0x4f0: {  	s17 =	sadd.s32 @p1 $0x10, s17  }
0x4f1: {  	s16 =	smov.u32 @p1 s17  }
0x4f2: {  	v14 =	vld [tilespmem:s16+$0x0]  }
0x4f3: {  	s16 =	spop @p1 (v2sf)  }
0x4f4: {  	s16 =	sadd.s32 @p1 s18, s16  }
0x4f5: {  	s0 =	smov.u32 @p1 s16  }
0x4f6: {  	[tilespmem:s0+$0x3B00] =	vst.msk vm0, v15;
	s28 =	spop (v2sf)  }
0x4f7: {  	[tilespmem:s0+$0x3F80] =	vst.msk vm0, v14;
	s0 =	sadd.s32 s0, s28  }
0x4f8: {  	p0 =	slt.s32 s0, $0x1  }
.Ltmp58:
0x4f9: {  	_ = 	snop;
	(pc) =	sbr.rel @p0 .LBB2_92-.Ltmp58, $1  }
0x4fa: {  	_ =	sdelay $0x3  }
0x4fb: {  	s18 =	sadd.s32 $0xFFFFFFFF, s0  }
0x4fc: {  	p0 =	sne.s32 s18, $0x0  }
.Ltmp59:
0x4fd: {  	_ = 	snop;
	(pc) =	sbr.rel @!p0 .LBB2_82-.Ltmp59, $4  }
0x4fe: {  	_ = 	snop  }
0x4ff: {  	s1 =	sshll.u32 s1, $0x7  }
0x500: {  	s16 =	simm.s32 $0x3F80;
	s17 =	simm.s32 $0x3B00;
	p2 =	slt.s32 s15, $0x1  }
0x501: {  	s0 =	sadd.s32 $0x1, s2;
	p6 =	por $0x0, $0x0;
	p3 =	sne.s32 @!p2 s2, $0x0  }
0x502: {  	p0 =	por p3, p2  }
0x503: {  	s19 =	simm.s32 @!p0 $0x6  }
0x504: {  	_ =	swait.ge @!p0 [sflag:s19], $0x800  }
0x505: {  	[sflag:s19] =	ssyncset.done @!p0 $0x0  }
0x506: {  	[sflag:s19] =	ssyncadd.s32 @!p0 $0xFFFFF800  }
0x507: {  	v14 =	vld [tilespmem:s17+$0x0];
	_ =	sdelay $0x4  }
0x508: {  	(v2sf) =	vpush v14, $0x0;
	_ =	sdelay $0xe  }
0x509: {  	s22 =	spop (v2sf)  }
0x50a: {  	s28 =	ssub.s32 s22, s1  }
0x50b: {  	s17 =	sand.u32 $0x7F, s22;
	s19 =	sand.u32 $0xFFFFFF80, s28  }
0x50c: {  	s17 =	sor.u32 s17, s19  }
0x50d: {  	v14 =	vmov s17  }
0x50e: {  	v15 =	vshll.u32 v14, $0x3  }
0x50f: {  	v14 =	vand.u32 $0x7F, v14;
	v15 =	vand.u32 $0xFFFFFC00, v15  }
0x510: {  	v15 =	vor.u32 v14, v15  }
0x511: {  	v14 =	vadd.s32 v5, v15;
	_ =	sdelay $0x2  }
0x512: {  	v16 =	vmov s2  }
0x513: {  	v17 =	vshll.u32 v16, $0x7  }
0x514: {  	v19 =	vor.u32 v2, v17;
	v18 =	vld.idx.msk [tilespmem:v14+s29+$0x0], $0xffff  }
0x515: {  	v20 =	vadd.s32 v6, v15;
	_ =	sdelay $0x3  }
0x516: {  	v14 =	vld.msk [tilespmem:s16+$0x0 ss:$0x0], $0xffff;
	[tilespmem:v19+s5+$0x0] =	vst.idx.msk $0xffff, v18  }
0x517: {  	v61 =	vor.u32 v7, v17;
	v18 =	vld.idx.msk [tilespmem:v20+s29+$0x0], $0xffff  }
0x518: {  	v62 =	vadd.s32 v8, v15;
	_ =	sdelay $0x3  }
0x519: {  	[tilespmem:v61+s5+$0x0] =	vst.idx.msk $0xffff, v18  }
0x51a: {  	v63 =	vor.u32 v9, v17;
	v18 =	vld.idx.msk [tilespmem:v62+s29+$0x0], $0xffff  }
0x51b: {  	v15 =	vadd.s32 v10, v15;
	_ =	sdelay $0x3  }
0x51c: {  	s18 =	sadd.s32 $0xFFFFFFFF, s18;
	[tilespmem:v63+s5+$0x0] =	vst.idx.msk $0xffff, v18  }
0x51d: {  	p1 =	sne.s32 s18, $0x0;
	v17 =	vor.u32 v11, v17;
	v15 =	vld.idx.msk [tilespmem:v15+s29+$0x0], $0xffff  }
.Ltmp60:
0x51e: {  	vm0 =	veq.s32 v16, v2;
	p0 =	seq.s32 s2, $0xF;
	s16 =	simm.s32 $0x1;
	(pc) =	sbr.rel @!p1 .LBB2_88-.Ltmp60, $4  }
0x51f: {  	s16 =	simm.s32 @!p0 $0x0  }
0x520: {  	p6 =	por $0x1, $0x1;
	s0 =	simm.s32 @p0 $0x0;
	s15 =	sadd.s32 s16, s15  }
0x521: {  	s19 =	sadd.s32 $0x1, s0;
	s17 =	simm.s32 $0x3B01;
	p2 =	slt.s32 s15, $0x1  }
0x522: {  	p0 =	sne.s32 s2, $0xF;
	s16 =	simm.s32 $0x3F81;
	p3 =	sne.s32 @!p2 s0, $0x0;
	[tilespmem:v17+s5+$0x0] =	vst.idx.msk $0xffff, v15  }
.LBB2_89:
0x523: {  	p2 =	por p3, p2;
	s2 =	simm.s32 @!p0 $0x10;
	s20 =	simm.s32 @!p0 $0x1D400  }
0x524: {  	s18 =	sadd.s32 $0xFFFFFFFF, s18;
	s22 =	simm.s32 @!p0 $0x1DD00;
	s21 =	simm.s32 @!p2 $0x6;
	[tilespmem:v2+s4+$0x0] =	vst.idx.msk vm0, v14  }
0x525: {  	[hbm4b:s13+s2] =	stream.indirect.scatter @!p0 [tilespmem:s20], [sflag:$0x6], $0x80, s22, s2, $0xb8;
	[tilespmem:$0x1DD80] =	vst v63  }
0x526: {  	p1 =	sne.s32 s18, $0x0;
	s2 =	smov.u32 s0;
	_ =	swait.ge @!p2 [sflag:s21], $0x800  }
0x527: {  	[sflag:s21] =	ssyncset.done @!p2 $0x0  }
0x528: {  	[sflag:s21] =	ssyncadd.s32 @!p2 $0xFFFFF800  }
0x529: {  	v14 =	vld [tilespmem:s17+$0x0];
	_ =	sdelay $0x4  }
0x52a: {  	(v2sf) =	vpush v14, $0x0;
	_ =	sdelay $0xe  }
0x52b: {  	s20 =	spop (v2sf)  }
0x52c: {  	s21 =	ssub.s32 s20, s1;
	s20 =	sand.u32 $0x7F, s20  }
0x52d: {  	s21 =	sand.u32 $0xFFFFFF80, s21  }
0x52e: {  	s20 =	sor.u32 s20, s21  }
0x52f: {  	v14 =	vmov s20  }
0x530: {  	v15 =	vand.u32 $0x7F, v14;
	v14 =	vshll.u32 v14, $0x3  }
0x531: {  	v14 =	vand.u32 $0xFFFFFC00, v14  }
0x532: {  	v15 =	vor.u32 v15, v14  }
0x533: {  	v14 =	vadd.s32 v5, v15;
	_ =	sdelay $0x3  }
0x534: {  	v16 =	vmov s0  }
0x535: {  	v18 =	vshll.u32 v16, $0x7;
	v17 =	vld.idx.msk [tilespmem:v14+s29+$0x0], $0xffff  }
0x536: {  	v19 =	vor.u32 v2, v18  }
0x537: {  	v20 =	vadd.s32 v6, v15;
	_ =	sdelay $0x2  }
0x538: {  	v14 =	vld.msk [tilespmem:s16+$0x0 ss:$0x0], $0xffff  }
0x539: {  	[tilespmem:v19+s5+$0x0] =	vst.idx.msk $0xffff, v17  }
0x53a: {  	v17 =	vld.idx.msk [tilespmem:v20+s29+$0x0], $0xffff  }
0x53b: {  	v19 =	vor.u32 v7, v18  }
0x53c: {  	v20 =	vadd.s32 v8, v15;
	_ =	sdelay $0x3  }
0x53d: {  	[tilespmem:v19+s5+$0x0] =	vst.idx.msk $0xffff, v17  }
0x53e: {  	v17 =	vld.idx.msk [tilespmem:v20+s29+$0x0], $0xffff  }
0x53f: {  	v19 =	vor.u32 v9, v18  }
0x540: {  	v15 =	vadd.s32 v10, v15;
	_ =	sdelay $0x3  }
0x541: {  	[tilespmem:v19+s5+$0x0] =	vst.idx.msk $0xffff, v17  }
0x542: {  	v15 =	vld.idx.msk [tilespmem:v15+s29+$0x0], $0xffff  }
0x543: {  	p0 =	seq.s32 s0, $0xF;
	v17 =	vor.u32 v11, v18  }
.Ltmp61:
0x544: {  	vm0 =	veq.s32 v16, v2;
	s0 =	smov.u32 s19;
	s20 =	simm.s32 $0x1;
	(pc) =	sbr.rel @p1 .LBB2_89-.Ltmp61, $4  }
0x545: {  	s0 =	simm.s32 @p0 $0x0;
	s20 =	simm.s32 @!p0 $0x0  }
0x546: {  	s19 =	sadd.s32 $0x1, s0;
	s15 =	sadd.s32 s20, s15  }
0x547: {  	s17 =	sadd.s32 $0x1, s17;
	p2 =	slt.s32 s15, $0x1  }
0x548: {  	p0 =	sne.s32 s2, $0xF;
	p3 =	sne.s32 @!p2 s0, $0x0;
	s16 =	sadd.s32 $0x1, s16;
	[tilespmem:v17+s5+$0x0] =	vst.idx.msk $0xffff, v15  }
0x549: {  	s2 =	smov.u32 s0;
	s0 =	smov.u32 s19  }
.LBB2_91:
0x54a: {  	_ =	sdelay $0x2  }
0x54b: {  	p0 =	por p0, !p6  }
0x54c: {  	p1 =	por p3, p2;
	s18 =	simm.s32 @!p0 $0x10  }
0x54d: {  	[tilespmem:v2+s4+$0x0] =	vst.idx.msk @p6 vm0, v14;
	s19 =	simm.s32 @!p0 $0x1D400;
	s20 =	simm.s32 @!p1 $0x6;
	s21 =	simm.s32 @!p0 $0x1DD00  }
0x54e: {  	[hbm4b:s13+s18] =	stream.indirect.scatter @!p0 [tilespmem:s19], [sflag:$0x6], $0x80, s21, s18, $0xb8;
	[tilespmem:$0x1DD80] =	vst v63  }
0x54f: {  	_ =	swait.ge @!p1 [sflag:s20], $0x800  }
0x550: {  	[sflag:s20] =	ssyncset.done @!p1 $0x0  }
0x551: {  	[sflag:s20] =	ssyncadd.s32 @!p1 $0xFFFFF800  }
0x552: {  	v14 =	vld [tilespmem:s17+$0x0];
	_ =	sdelay $0x4  }
0x553: {  	(v2sf) =	vpush v14, $0x0;
	_ =	sdelay $0xe  }
0x554: {  	s28 =	spop (v2sf)  }
0x555: {  	s1 =	ssub.s32 s28, s1  }
0x556: {  	s17 =	sand.u32 $0x7F, s28;
	s1 =	sand.u32 $0xFFFFFF80, s1  }
0x557: {  	s1 =	sor.u32 s17, s1  }
0x558: {  	v14 =	vmov s1  }
0x559: {  	v15 =	vshll.u32 v14, $0x3  }
0x55a: {  	v14 =	vand.u32 $0x7F, v14;
	v15 =	vand.u32 $0xFFFFFC00, v15  }
0x55b: {  	v14 =	vor.u32 v14, v15  }
0x55c: {  	v15 =	vadd.s32 v5, v14;
	_ =	sdelay $0x2  }
0x55d: {  	v16 =	vmov s2  }
0x55e: {  	v17 =	vshll.u32 v16, $0x7  }
0x55f: {  	v18 =	vor.u32 v2, v17;
	v15 =	vld.idx.msk [tilespmem:v15+s29+$0x0], $0xffff  }
0x560: {  	v19 =	vadd.s32 v6, v14;
	_ =	sdelay $0x3  }
0x561: {  	v20 =	vld.msk [tilespmem:s16+$0x0 ss:$0x0], $0xffff;
	[tilespmem:v18+s5+$0x0] =	vst.idx.msk $0xffff, v15  }
0x562: {  	v61 =	vor.u32 v7, v17;
	v15 =	vld.idx.msk [tilespmem:v19+s29+$0x0], $0xffff  }
0x563: {  	v62 =	vadd.s32 v8, v14;
	_ =	sdelay $0x3  }
0x564: {  	[tilespmem:v61+s5+$0x0] =	vst.idx.msk $0xffff, v15  }
0x565: {  	v63 =	vor.u32 v9, v17;
	v15 =	vld.idx.msk [tilespmem:v62+s29+$0x0], $0xffff  }
0x566: {  	v14 =	vadd.s32 v10, v14;
	_ =	sdelay $0x3  }
0x567: {  	[tilespmem:v63+s5+$0x0] =	vst.idx.msk $0xffff, v15  }
0x568: {  	vm15 =	veq.s32 v16, v2;
	v15 =	vor.u32 v11, v17;
	v14 =	vld.idx.msk [tilespmem:v14+s29+$0x0], $0xffff;
	_ =	sdelay $0x3  }
0x569: {  	p0 =	seq.s32 s2, $0xF;
	p1 =	sne.s32 s2, $0xF  }
0x56a: {  	s0 =	simm.s32 @p0 $0x0;
	s2 =	simm.s32 @!p1 $0x10;
	s1 =	simm.s32 $0x1;
	[tilespmem:v15+s5+$0x0] =	vst.idx.msk $0xffff, v14  }
0x56b: {  	s16 =	simm.s32 @!p1 $0x1D400;
	s17 =	simm.s32 @!p1 $0x1DD00;
	s1 =	simm.s32 @!p0 $0x0;
	[tilespmem:v2+s4+$0x0] =	vst.idx.msk vm15, v20  }
0x56c: {  	[hbm4b:s13+s2] =	stream.indirect.scatter @!p1 [tilespmem:s16], [sflag:$0x6], $0x80, s17, s2, $0xb8;
	[tilespmem:$0x1DD80] =	vst v63  }
0x56d: {  	s15 =	sadd.s32 s1, s15;
	s2 =	smov.u32 s0  }
.LBB2_92:
0x56e: {  	p6 =	seq.s32 s31, $0x14;
	s0 =	rddreg [dreg:$0x16]  }
0x56f: {  	s0 =	sadd.s32 @!p6 s9, s0  }
0x570: {  	p0 =	sgt.u32 @!p6 s0, $0x1E80  }
0x571: {  	p1 =	por !p0, p6  }
0x572: {  	p1 =	sne.s32 @!p1 s0, $0x1E84  }
0x573: {  	p1 =	por @!p6 p1, !p0  }
0x574: {  	p1 =	por p1, p6  }
0x575: {  	s17 =	rddreg [dreg:$0x6];
	s1 =	simm.s32 @!p1 $0x0;
	s16 =	simm.s32 @!p1 $0x4400  }
0x576: {  	[tilespmem:s16], [sflag:$0x1] =	stream.linear.gather @!p1 [hbm4b:s17+s1], $0x400, $0x38;
	[tilespmem:$0x1DD80] =	vst v63  }
0x577: {  	s17 =	sld [smem:$0x7F7];
	_ =	sdelay $0x1  }
0x578: {  	s16 =	simm.s32 @!p1 $0x5400  }
0x579: {  	[tilespmem:s16], [sflag:$0x1] =	stream.linear.gather @!p1 [hbm4b:s17+s1], $0x400, $0x38;
	[tilespmem:$0x1DD80] =	vst v63  }
0x57a: {  	s17 =	sld [smem:$0x7F8];
	_ =	sdelay $0x1  }
0x57b: {  	s16 =	simm.s32 @!p1 $0x6400  }
0x57c: {  	[tilespmem:s16], [sflag:$0x1] =	stream.linear.gather @!p1 [hbm4b:s17+s1], $0x400, $0x38;
	[tilespmem:$0x1DD80] =	vst v63  }
0x57d: {  	s17 =	sld [smem:$0x7F9];
	_ =	sdelay $0x1  }
0x57e: {  	s16 =	simm.s32 @!p1 $0x7400  }
0x57f: {  	[tilespmem:s16], [sflag:$0x1] =	stream.linear.gather @!p1 [hbm4b:s17+s1], $0x400, $0x38;
	[tilespmem:$0x1DD80] =	vst v63  }
0x580: {  	s17 =	sld [smem:$0x7FA];
	_ =	sdelay $0x1  }
0x581: {  	s16 =	simm.s32 @!p1 $0x8400  }
0x582: {  	[tilespmem:s16], [sflag:$0x1] =	stream.linear.gather @!p1 [hbm4b:s17+s1], $0x400, $0x38;
	[tilespmem:$0x1DD80] =	vst v63  }
0x583: {  	s17 =	sld [smem:$0x7FB];
	_ =	sdelay $0x1  }
0x584: {  	s16 =	simm.s32 @!p1 $0x9400  }
0x585: {  	[tilespmem:s16], [sflag:$0x1] =	stream.linear.gather @!p1 [hbm4b:s17+s1], $0x400, $0x38;
	[tilespmem:$0x1DD80] =	vst v63  }
0x586: {  	s17 =	sld [smem:$0x7FC];
	_ =	sdelay $0x1  }
0x587: {  	s16 =	simm.s32 @!p1 $0xA400  }
0x588: {  	[tilespmem:s16], [sflag:$0x1] =	stream.linear.gather @!p1 [hbm4b:s17+s1], $0x400, $0x38;
	[tilespmem:$0x1DD80] =	vst v63  }
0x589: {  	s17 =	sld [smem:$0x7FD];
	_ =	sdelay $0x1  }
0x58a: {  	s22 =	rddreg [dreg:$0xa];
	p0 =	por p0, p6;
	s16 =	simm.s32 @!p1 $0xB400  }
0x58b: {  	[tilespmem:s16], [sflag:$0x1] =	stream.linear.gather @!p1 [hbm4b:s17+s1], $0x400, $0x38;
	[tilespmem:$0x1DD80] =	vst v63  }
0x58c: {  	s0 =	sshll.u32 @!p0 s0, $0x7;
	s1 =	rddreg [dreg:$0x4];
	s16 =	simm.s32 @!p0 $0x7A1400  }
0x58d: {  	s17 =	simm.s32 @!p0 $0x4400;
	s0 =	sadd.s32 @!p0 s1, s0;
	s1 =	simm.s32 @!p0 $0x1000  }
0x58e: {  	[tilespmem:s17], [sflag:$0x1] =	stream.strided.gather @!p0 [hbm4b:s0+s1], $0x8000, s16, s1, $0x38;
	[tilespmem:$0x1DD80] =	vst v63  }
0x58f: {  	s1 =	sadd.s32 s9, s22  }
0x590: {  	p0 =	sgt.u32 s1, $0x1E80  }
0x591: {  	p1 =	sne.s32 @p0 s1, $0x1E84  }
0x592: {  	p1 =	por p1, !p0  }
0x593: {  	s0 =	simm.s32 @!p1 $0x2  }
0x594: {  	_ =	swait.ge @!p1 [sflag:s0], $0x2000  }
0x595: {  	[sflag:s0] =	ssyncset.done @!p1 $0x0  }
0x596: {  	[sflag:s0] =	ssyncadd.s32 @!p1 $0xFFFFE000;
	s0 =	simm.s32 @!p0 $0x2  }
0x597: {  	_ =	swait.ge @!p0 [sflag:s0], $0x8000  }
0x598: {  	s28 =	sld [smem:$0x7F1];
	_ =	sdelay $0x1  }
0x599: {  	[sflag:s0] =	ssyncset.done @!p0 $0x0  }
0x59a: {  	[sflag:s0] =	ssyncadd.s32 @!p0 $0xFFFF8000;
	p0 =	seq.s32 s28, $0x1  }
.Ltmp62:
0x59b: {  	_ = 	snop;
	(pc) =	sbr.rel @p0 .LBB2_102-.Ltmp62, $1  }
0x59c: {  	_ =	sdelay $0x3  }
0x59d: {  	s18 =	sld [smem:$0x7F0];
	_ =	sdelay $0x2  }
0x59e: {  	p0 =	seq.s32 s18, $0x1  }
.Ltmp63:
0x59f: {  	_ = 	snop;
	(pc) =	sbr.rel @p0 .LBB2_94-.Ltmp63, $3  }
0x5a0: {  	_ =	sdelay $0x1  }
0x5a1: {  	s17 =	simm.s32 $0x2900;
	s16 =	simm.s32 $0x2D80  }
0x5a2: {  	v14 =	vmov s1;
	s0 =	simm.s32 $0x0;
	p1 =	por $0x0, $0x0;
	v15 =	vld [tilespmem:s17+$0x0];
	s17 =	sadd.s32 $0xFFFFFFFF, s18  }
0x5a3: {  	_ =	sdelay $0x3  }
0x5a4: {  	v16 =	vshrl.u32 v15, $0x7  }
0x5a5: {  	v18 =	vor.u32 s0, v2;
	v16 =	vsub.s32 v16, v14  }
0x5a6: {  	vm0 =	vlt.s32 v18, v12;
	vm1 =	vlt.u32 v16, $0x4  }
0x5a7: {  	vm0 =	vmand vm0, vm1  }
0x5a8: {  	v16 =	vmpcnt.ones.xlane vm0  }
0x5a9: {  	v17 =	vld [tilespmem:s16+$0x0]  }
0x5aa: {  	p0 =	seq.s32 s17, $0x1;
	(v2sf) =	vpush v16, $0x0  }
.Ltmp64:
0x5ab: {  	_ = 	snop;
	(pc) =	sbr.rel @p0 .LBB2_99-.Ltmp64, $4  }
0x5ac: {  	_ = 	snop  }
0x5ad: {  	[tilespmem:s0+$0x3B00] =	vst.msk vm0, v15  }
0x5ae: {  	s20 =	simm.s32 $0x2910;
	s21 =	sadd.s32 $0xFFFFFFFF, s17;
	p1 =	por $0x1, $0x1;
	[tilespmem:s0+$0x3F80] =	vst.msk vm0, v17  }
0x5af: {  	s19 =	simm.s32 $0x0;
	s17 =	simm.s32 $0x2D80;
	s18 =	simm.s32 $0x0;
	v15 =	vld [tilespmem:s20+$0x0]  }
.LBB2_100:
0x5b0: {  	p2 =	seq.s32 s21, $0x1;
	_ =	sdelay $0x3  }
0x5b1: {  	s19 =	sadd.s32 $0x10, s19;
	v16 =	vshrl.u32 v15, $0x7  }
0x5b2: {  	v17 =	vor.u32 s19, v2;
	v16 =	vsub.s32 v16, v14  }
0x5b3: {  	s17 =	sadd.s32 $0x10, s17;
	vm0 =	vlt.s32 v17, v12;
	vm1 =	vlt.u32 v16, $0x4  }
0x5b4: {  	v16 =	vld [tilespmem:s17+$0x0];
	vm0 =	vmand vm0, vm1  }
0x5b5: {  	v17 =	vmpcnt.ones.xlane vm0  }
0x5b6: {  	s22 =	spop (v2sf)  }
0x5b7: {  	(v2sf) =	vpush v17, $0x0;
	s18 =	sadd.s32 s18, s22  }
.Ltmp65:
0x5b8: {  	[tilespmem:s18+$0x3B00] =	vst.msk vm0, v15;
	(pc) =	sbr.rel @!p2 .LBB2_100-.Ltmp65, $3  }
0x5b9: {  	[tilespmem:s18+$0x3F80] =	vst.msk vm0, v16;
	_ =	sdelay $0x1  }
0x5ba: {  	s20 =	sadd.s32 $0x10, s20  }
0x5bb: {  	s21 =	sadd.s32 $0xFFFFFFFF, s21;
	v15 =	vld [tilespmem:s20+$0x0]  }
.LBB2_101:
0x5bc: {  	_ =	sdelay $0x2  }
0x5bd: {  	s19 =	sadd.s32 @p1 $0x10, s19;
	s20 =	simm.s32 $0x0  }
0x5be: {  	s20 =	smov.u32 @p1 s19;
	v16 =	vshrl.u32 v15, $0x7  }
0x5bf: {  	v17 =	vor.u32 s20, v2;
	v14 =	vsub.s32 v16, v14  }
0x5c0: {  	vm0 =	vlt.s32 v17, v12;
	vm1 =	vlt.u32 v14, $0x4  }
0x5c1: {  	vm0 =	vmand vm0, vm1  }
0x5c2: {  	v14 =	vmpcnt.ones.xlane vm0;
	_ =	sdelay $0x1  }
0x5c3: {  	(v2sf) =	vpush v14, $0x0;
	_ =	sdelay $0x8  }
0x5c4: {  	s17 =	sadd.s32 @p1 $0x10, s17  }
0x5c5: {  	s16 =	smov.u32 @p1 s17  }
0x5c6: {  	v14 =	vld [tilespmem:s16+$0x0]  }
0x5c7: {  	s16 =	spop @p1 (v2sf)  }
0x5c8: {  	s16 =	sadd.s32 @p1 s18, s16  }
0x5c9: {  	s0 =	smov.u32 @p1 s16  }
0x5ca: {  	[tilespmem:s0+$0x3B00] =	vst.msk vm0, v15;
	s28 =	spop (v2sf)  }
0x5cb: {  	[tilespmem:s0+$0x3F80] =	vst.msk vm0, v14;
	s0 =	sadd.s32 s0, s28  }
0x5cc: {  	p0 =	slt.s32 s0, $0x1  }
.Ltmp66:
0x5cd: {  	_ = 	snop;
	(pc) =	sbr.rel @p0 .LBB2_102-.Ltmp66, $1  }
0x5ce: {  	_ =	sdelay $0x3  }
0x5cf: {  	s19 =	sadd.s32 $0xFFFFFFFF, s0  }
0x5d0: {  	p2 =	seq.s32 s19, $0x0  }
.Ltmp67:
0x5d1: {  	_ = 	snop;
	(pc) =	sbr.rel @p2 .LBB2_97-.Ltmp67, $4  }
0x5d2: {  	_ = 	snop  }
0x5d3: {  	s16 =	sshll.u32 s1, $0x7  }
0x5d4: {  	s17 =	simm.s32 $0x3F80;
	s18 =	simm.s32 $0x3B00;
	p3 =	slt.s32 s26, $0x1  }
0x5d5: {  	s0 =	sadd.s32 $0x1, s3;
	p1 =	por $0x0, $0x0;
	p0 =	sne.s32 @!p3 s3, $0x0  }
0x5d6: {  	p0 =	por p0, p3  }
0x5d7: {  	s20 =	simm.s32 @!p0 $0x5  }
0x5d8: {  	_ =	swait.ge @!p0 [sflag:s20], $0x800  }
0x5d9: {  	[sflag:s20] =	ssyncset.done @!p0 $0x0  }
0x5da: {  	[sflag:s20] =	ssyncadd.s32 @!p0 $0xFFFFF800  }
0x5db: {  	v14 =	vld [tilespmem:s18+$0x0];
	_ =	sdelay $0x4  }
0x5dc: {  	(v2sf) =	vpush v14, $0x0;
	_ =	sdelay $0xe  }
0x5dd: {  	s22 =	spop (v2sf)  }
0x5de: {  	s28 =	ssub.s32 s22, s16  }
0x5df: {  	s18 =	sand.u32 $0x7F, s22;
	s20 =	sand.u32 $0xFFFFFF80, s28  }
0x5e0: {  	s18 =	sor.u32 s18, s20  }
0x5e1: {  	v14 =	vmov s18  }
0x5e2: {  	v15 =	vshll.u32 v14, $0x3  }
0x5e3: {  	v14 =	vand.u32 $0x7F, v14;
	v15 =	vand.u32 $0xFFFFFC00, v15  }
0x5e4: {  	v15 =	vor.u32 v14, v15  }
0x5e5: {  	v14 =	vadd.s32 v5, v15;
	_ =	sdelay $0x2  }
0x5e6: {  	v16 =	vmov s3  }
0x5e7: {  	v17 =	vshll.u32 v16, $0x7  }
0x5e8: {  	v19 =	vor.u32 v2, v17;
	v18 =	vld.idx.msk [tilespmem:v14+s8+$0x0], $0xffff  }
0x5e9: {  	v20 =	vadd.s32 v6, v15;
	_ =	sdelay $0x3  }
0x5ea: {  	v14 =	vld.msk [tilespmem:s17+$0x0 ss:$0x0], $0xffff;
	[tilespmem:v19+s23+$0x0] =	vst.idx.msk $0xffff, v18  }
0x5eb: {  	v61 =	vor.u32 v7, v17;
	v18 =	vld.idx.msk [tilespmem:v20+s8+$0x0], $0xffff  }
0x5ec: {  	v62 =	vadd.s32 v8, v15;
	_ =	sdelay $0x3  }
0x5ed: {  	[tilespmem:v61+s23+$0x0] =	vst.idx.msk $0xffff, v18  }
0x5ee: {  	v63 =	vor.u32 v9, v17;
	v18 =	vld.idx.msk [tilespmem:v62+s8+$0x0], $0xffff  }
0x5ef: {  	v15 =	vadd.s32 v10, v15;
	_ =	sdelay $0x3  }
0x5f0: {  	s19 =	sadd.s32 $0xFFFFFFFF, s19;
	[tilespmem:v63+s23+$0x0] =	vst.idx.msk $0xffff, v18  }
0x5f1: {  	p2 =	seq.s32 s19, $0x0;
	v17 =	vor.u32 v11, v17;
	v15 =	vld.idx.msk [tilespmem:v15+s8+$0x0], $0xffff  }
.Ltmp68:
0x5f2: {  	vm0 =	veq.s32 v16, v2;
	p0 =	seq.s32 s3, $0xF;
	s17 =	simm.s32 $0x1;
	(pc) =	sbr.rel @p2 .LBB2_106-.Ltmp68, $4  }
0x5f3: {  	s17 =	simm.s32 @!p0 $0x0  }
0x5f4: {  	p4 =	sne.s32 s3, $0xF;
	s0 =	simm.s32 @p0 $0x0;
	s26 =	sadd.s32 s17, s26  }
0x5f5: {  	p1 =	por $0x1, $0x1;
	s20 =	sadd.s32 $0x1, s0;
	p3 =	slt.s32 s26, $0x1  }
0x5f6: {  	s18 =	simm.s32 $0x3B01;
	s17 =	simm.s32 $0x3F81;
	p0 =	sne.s32 @!p3 s0, $0x0;
	[tilespmem:v17+s23+$0x0] =	vst.idx.msk $0xffff, v15  }
.LBB2_107:
0x5f7: {  	p0 =	por p0, p3;
	s3 =	simm.s32 @!p4 $0x10;
	s21 =	simm.s32 @!p4 $0x1CC00  }
0x5f8: {  	s19 =	sadd.s32 $0xFFFFFFFF, s19;
	s28 =	simm.s32 @!p4 $0x1DC80;
	s22 =	simm.s32 @!p0 $0x5;
	[tilespmem:v2+s10+$0x0] =	vst.idx.msk vm0, v14  }
0x5f9: {  	[hbm4b:s12+s3] =	stream.indirect.scatter @!p4 [tilespmem:s21], [sflag:$0x5], $0x80, s28, s3, $0xb8;
	[tilespmem:$0x1DD80] =	vst v63  }
0x5fa: {  	p2 =	seq.s32 s19, $0x0;
	s3 =	smov.u32 s0;
	_ =	swait.ge @!p0 [sflag:s22], $0x800  }
0x5fb: {  	[sflag:s22] =	ssyncset.done @!p0 $0x0  }
0x5fc: {  	[sflag:s22] =	ssyncadd.s32 @!p0 $0xFFFFF800  }
0x5fd: {  	v14 =	vld [tilespmem:s18+$0x0];
	_ =	sdelay $0x4  }
0x5fe: {  	(v2sf) =	vpush v14, $0x0;
	_ =	sdelay $0xe  }
0x5ff: {  	s21 =	spop (v2sf)  }
0x600: {  	s22 =	ssub.s32 s21, s16;
	s21 =	sand.u32 $0x7F, s21  }
0x601: {  	s22 =	sand.u32 $0xFFFFFF80, s22  }
0x602: {  	s21 =	sor.u32 s21, s22  }
0x603: {  	v14 =	vmov s21  }
0x604: {  	v15 =	vand.u32 $0x7F, v14;
	v14 =	vshll.u32 v14, $0x3  }
0x605: {  	v14 =	vand.u32 $0xFFFFFC00, v14  }
0x606: {  	v15 =	vor.u32 v15, v14  }
0x607: {  	v14 =	vadd.s32 v5, v15;
	_ =	sdelay $0x3  }
0x608: {  	v16 =	vmov s0  }
0x609: {  	v18 =	vshll.u32 v16, $0x7;
	v17 =	vld.idx.msk [tilespmem:v14+s8+$0x0], $0xffff  }
0x60a: {  	v19 =	vor.u32 v2, v18  }
0x60b: {  	v20 =	vadd.s32 v6, v15;
	_ =	sdelay $0x2  }
0x60c: {  	v14 =	vld.msk [tilespmem:s17+$0x0 ss:$0x0], $0xffff  }
0x60d: {  	[tilespmem:v19+s23+$0x0] =	vst.idx.msk $0xffff, v17  }
0x60e: {  	v17 =	vld.idx.msk [tilespmem:v20+s8+$0x0], $0xffff  }
0x60f: {  	v19 =	vor.u32 v7, v18  }
0x610: {  	v20 =	vadd.s32 v8, v15;
	_ =	sdelay $0x3  }
0x611: {  	[tilespmem:v19+s23+$0x0] =	vst.idx.msk $0xffff, v17  }
0x612: {  	v17 =	vld.idx.msk [tilespmem:v20+s8+$0x0], $0xffff  }
0x613: {  	v19 =	vor.u32 v9, v18  }
0x614: {  	v15 =	vadd.s32 v10, v15;
	_ =	sdelay $0x3  }
0x615: {  	[tilespmem:v19+s23+$0x0] =	vst.idx.msk $0xffff, v17  }
0x616: {  	v15 =	vld.idx.msk [tilespmem:v15+s8+$0x0], $0xffff  }
0x617: {  	p0 =	seq.s32 s0, $0xF;
	v17 =	vor.u32 v11, v18  }
.Ltmp69:
0x618: {  	vm0 =	veq.s32 v16, v2;
	s0 =	smov.u32 s20;
	s21 =	simm.s32 $0x1;
	(pc) =	sbr.rel @!p2 .LBB2_107-.Ltmp69, $4  }
0x619: {  	s0 =	simm.s32 @p0 $0x0;
	s21 =	simm.s32 @!p0 $0x0  }
0x61a: {  	s20 =	sadd.s32 $0x1, s0;
	s26 =	sadd.s32 s21, s26  }
0x61b: {  	s18 =	sadd.s32 $0x1, s18;
	p3 =	slt.s32 s26, $0x1  }
0x61c: {  	p4 =	sne.s32 s3, $0xF;
	p0 =	sne.s32 @!p3 s0, $0x0;
	s17 =	sadd.s32 $0x1, s17;
	[tilespmem:v17+s23+$0x0] =	vst.idx.msk $0xffff, v15  }
0x61d: {  	s3 =	smov.u32 s0;
	s0 =	smov.u32 s20  }
.LBB2_109:
0x61e: {  	_ =	sdelay $0x2  }
0x61f: {  	p2 =	por p4, !p1  }
0x620: {  	p0 =	por p0, p3;
	s19 =	simm.s32 @!p2 $0x10  }
0x621: {  	[tilespmem:v2+s10+$0x0] =	vst.idx.msk @p1 vm0, v14;
	s20 =	simm.s32 @!p2 $0x1CC00;
	s21 =	simm.s32 @!p0 $0x5;
	s22 =	simm.s32 @!p2 $0x1DC80  }
0x622: {  	[hbm4b:s12+s19] =	stream.indirect.scatter @!p2 [tilespmem:s20], [sflag:$0x5], $0x80, s22, s19, $0xb8;
	[tilespmem:$0x1DD80] =	vst v63  }
0x623: {  	_ =	swait.ge @!p0 [sflag:s21], $0x800  }
0x624: {  	[sflag:s21] =	ssyncset.done @!p0 $0x0  }
0x625: {  	[sflag:s21] =	ssyncadd.s32 @!p0 $0xFFFFF800  }
0x626: {  	v14 =	vld [tilespmem:s18+$0x0];
	_ =	sdelay $0x4  }
0x627: {  	(v2sf) =	vpush v14, $0x0;
	_ =	sdelay $0xe  }
0x628: {  	s28 =	spop (v2sf)  }
0x629: {  	s16 =	ssub.s32 s28, s16  }
0x62a: {  	s18 =	sand.u32 $0x7F, s28;
	s16 =	sand.u32 $0xFFFFFF80, s16  }
0x62b: {  	s16 =	sor.u32 s18, s16  }
0x62c: {  	v14 =	vmov s16  }
0x62d: {  	v15 =	vshll.u32 v14, $0x3  }
0x62e: {  	v14 =	vand.u32 $0x7F, v14;
	v15 =	vand.u32 $0xFFFFFC00, v15  }
0x62f: {  	v14 =	vor.u32 v14, v15  }
0x630: {  	v15 =	vadd.s32 v5, v14;
	_ =	sdelay $0x2  }
0x631: {  	v16 =	vmov s3  }
0x632: {  	v17 =	vshll.u32 v16, $0x7  }
0x633: {  	v18 =	vor.u32 v2, v17;
	v15 =	vld.idx.msk [tilespmem:v15+s8+$0x0], $0xffff  }
0x634: {  	v19 =	vadd.s32 v6, v14;
	_ =	sdelay $0x3  }
0x635: {  	v20 =	vld.msk [tilespmem:s17+$0x0 ss:$0x0], $0xffff;
	[tilespmem:v18+s23+$0x0] =	vst.idx.msk $0xffff, v15  }
0x636: {  	v61 =	vor.u32 v7, v17;
	v15 =	vld.idx.msk [tilespmem:v19+s8+$0x0], $0xffff  }
0x637: {  	v62 =	vadd.s32 v8, v14;
	_ =	sdelay $0x3  }
0x638: {  	[tilespmem:v61+s23+$0x0] =	vst.idx.msk $0xffff, v15  }
0x639: {  	v63 =	vor.u32 v9, v17;
	v15 =	vld.idx.msk [tilespmem:v62+s8+$0x0], $0xffff  }
0x63a: {  	v14 =	vadd.s32 v10, v14;
	_ =	sdelay $0x3  }
0x63b: {  	[tilespmem:v63+s23+$0x0] =	vst.idx.msk $0xffff, v15  }
0x63c: {  	vm15 =	veq.s32 v16, v2;
	v15 =	vor.u32 v11, v17;
	v14 =	vld.idx.msk [tilespmem:v14+s8+$0x0], $0xffff;
	_ =	sdelay $0x3  }
0x63d: {  	p1 =	sne.s32 s3, $0xF;
	p0 =	seq.s32 s3, $0xF  }
0x63e: {  	s3 =	simm.s32 @!p1 $0x10;
	s17 =	simm.s32 @!p1 $0x1CC00;
	s16 =	simm.s32 $0x1;
	[tilespmem:v15+s23+$0x0] =	vst.idx.msk $0xffff, v14  }
0x63f: {  	s0 =	simm.s32 @p0 $0x0;
	s18 =	simm.s32 @!p1 $0x1DC80;
	s16 =	simm.s32 @!p0 $0x0;
	[tilespmem:v2+s10+$0x0] =	vst.idx.msk vm15, v20  }
0x640: {  	[hbm4b:s12+s3] =	stream.indirect.scatter @!p1 [tilespmem:s17], [sflag:$0x5], $0x80, s18, s3, $0xb8;
	[tilespmem:$0x1DD80] =	vst v63  }
0x641: {  	s26 =	sadd.s32 s16, s26;
	s3 =	smov.u32 s0  }
.LBB2_102:
.Ltmp70:
0x642: {  	(pc) =	sbr.rel @p5 .LBB2_122-.Ltmp70, $1  }
0x643: {  	_ =	sdelay $0x3  }
0x644: {  	p0 =	seq.s32 s30, $0x1  }
.Ltmp71:
0x645: {  	_ = 	snop;
	(pc) =	sbr.rel @p0 .LBB2_104-.Ltmp71, $3  }
0x646: {  	_ =	sdelay $0x1  }
0x647: {  	s17 =	simm.s32 $0x3200;
	s16 =	simm.s32 $0x3680  }
0x648: {  	v14 =	vmov s1;
	s0 =	simm.s32 $0x0;
	p1 =	por $0x0, $0x0;
	v15 =	vld [tilespmem:s17+$0x0];
	s17 =	sadd.s32 $0xFFFFFFFF, s30  }
0x649: {  	_ =	sdelay $0x3  }
0x64a: {  	v16 =	vshrl.u32 v15, $0x7  }
0x64b: {  	v18 =	vor.u32 s0, v2;
	v16 =	vsub.s32 v16, v14  }
0x64c: {  	vm0 =	vlt.s32 v18, v13;
	vm1 =	vlt.u32 v16, $0x4  }
0x64d: {  	vm0 =	vmand vm0, vm1  }
0x64e: {  	v16 =	vmpcnt.ones.xlane vm0  }
0x64f: {  	v17 =	vld [tilespmem:s16+$0x0]  }
0x650: {  	p0 =	seq.s32 s17, $0x1;
	(v2sf) =	vpush v16, $0x0  }
.Ltmp72:
0x651: {  	_ = 	snop;
	(pc) =	sbr.rel @p0 .LBB2_114-.Ltmp72, $4  }
0x652: {  	_ = 	snop  }
0x653: {  	[tilespmem:s0+$0x3B00] =	vst.msk vm0, v15  }
0x654: {  	s20 =	simm.s32 $0x3210;
	s21 =	sadd.s32 $0xFFFFFFFF, s17;
	p1 =	por $0x1, $0x1;
	[tilespmem:s0+$0x3F80] =	vst.msk vm0, v17  }
0x655: {  	s19 =	simm.s32 $0x0;
	s17 =	simm.s32 $0x3680;
	s18 =	simm.s32 $0x0;
	v15 =	vld [tilespmem:s20+$0x0]  }
.LBB2_115:
0x656: {  	p2 =	seq.s32 s21, $0x1;
	_ =	sdelay $0x3  }
0x657: {  	s19 =	sadd.s32 $0x10, s19;
	v16 =	vshrl.u32 v15, $0x7  }
0x658: {  	v17 =	vor.u32 s19, v2;
	v16 =	vsub.s32 v16, v14  }
0x659: {  	s17 =	sadd.s32 $0x10, s17;
	vm0 =	vlt.s32 v17, v13;
	vm1 =	vlt.u32 v16, $0x4  }
0x65a: {  	v16 =	vld [tilespmem:s17+$0x0];
	vm0 =	vmand vm0, vm1  }
0x65b: {  	v17 =	vmpcnt.ones.xlane vm0  }
0x65c: {  	s22 =	spop (v2sf)  }
0x65d: {  	(v2sf) =	vpush v17, $0x0;
	s18 =	sadd.s32 s18, s22  }
.Ltmp73:
0x65e: {  	[tilespmem:s18+$0x3B00] =	vst.msk vm0, v15;
	(pc) =	sbr.rel @!p2 .LBB2_115-.Ltmp73, $3  }
0x65f: {  	[tilespmem:s18+$0x3F80] =	vst.msk vm0, v16;
	_ =	sdelay $0x1  }
0x660: {  	s20 =	sadd.s32 $0x10, s20  }
0x661: {  	s21 =	sadd.s32 $0xFFFFFFFF, s21;
	v15 =	vld [tilespmem:s20+$0x0]  }
.LBB2_116:
0x662: {  	_ =	sdelay $0x2  }
0x663: {  	s19 =	sadd.s32 @p1 $0x10, s19;
	s20 =	simm.s32 $0x0  }
0x664: {  	s20 =	smov.u32 @p1 s19;
	v16 =	vshrl.u32 v15, $0x7  }
0x665: {  	v17 =	vor.u32 s20, v2;
	v14 =	vsub.s32 v16, v14  }
0x666: {  	vm0 =	vlt.s32 v17, v13;
	vm1 =	vlt.u32 v14, $0x4  }
0x667: {  	vm0 =	vmand vm0, vm1  }
0x668: {  	v14 =	vmpcnt.ones.xlane vm0;
	_ =	sdelay $0x1  }
0x669: {  	(v2sf) =	vpush v14, $0x0;
	_ =	sdelay $0x8  }
0x66a: {  	s17 =	sadd.s32 @p1 $0x10, s17  }
0x66b: {  	s16 =	smov.u32 @p1 s17  }
0x66c: {  	v14 =	vld [tilespmem:s16+$0x0]  }
0x66d: {  	s16 =	spop @p1 (v2sf)  }
0x66e: {  	s16 =	sadd.s32 @p1 s18, s16  }
0x66f: {  	s0 =	smov.u32 @p1 s16  }
0x670: {  	[tilespmem:s0+$0x3B00] =	vst.msk vm0, v15;
	s28 =	spop (v2sf)  }
0x671: {  	[tilespmem:s0+$0x3F80] =	vst.msk vm0, v14;
	s0 =	sadd.s32 s0, s28  }
0x672: {  	p0 =	slt.s32 s0, $0x1  }
.Ltmp74:
0x673: {  	_ = 	snop;
	(pc) =	sbr.rel @p0 .LBB2_122-.Ltmp74, $1  }
0x674: {  	_ =	sdelay $0x3  }
0x675: {  	s18 =	sadd.s32 $0xFFFFFFFF, s0  }
0x676: {  	p2 =	sne.s32 s18, $0x0  }
.Ltmp75:
0x677: {  	_ = 	snop;
	(pc) =	sbr.rel @!p2 .LBB2_112-.Ltmp75, $4  }
0x678: {  	_ = 	snop  }
0x679: {  	s1 =	sshll.u32 s1, $0x7  }
0x67a: {  	s16 =	simm.s32 $0x3F80;
	s17 =	simm.s32 $0x3B00;
	p3 =	slt.s32 s15, $0x1  }
0x67b: {  	s0 =	sadd.s32 $0x1, s2;
	p1 =	por $0x0, $0x0;
	p0 =	sne.s32 @!p3 s2, $0x0  }
0x67c: {  	p0 =	por p0, p3  }
0x67d: {  	s19 =	simm.s32 @!p0 $0x6  }
0x67e: {  	_ =	swait.ge @!p0 [sflag:s19], $0x800  }
0x67f: {  	[sflag:s19] =	ssyncset.done @!p0 $0x0  }
0x680: {  	[sflag:s19] =	ssyncadd.s32 @!p0 $0xFFFFF800  }
0x681: {  	v14 =	vld [tilespmem:s17+$0x0];
	_ =	sdelay $0x4  }
0x682: {  	(v2sf) =	vpush v14, $0x0;
	_ =	sdelay $0xe  }
0x683: {  	s22 =	spop (v2sf)  }
0x684: {  	s28 =	ssub.s32 s22, s1  }
0x685: {  	s17 =	sand.u32 $0x7F, s22;
	s19 =	sand.u32 $0xFFFFFF80, s28  }
0x686: {  	s17 =	sor.u32 s17, s19  }
0x687: {  	v14 =	vmov s17  }
0x688: {  	v15 =	vshll.u32 v14, $0x3  }
0x689: {  	v14 =	vand.u32 $0x7F, v14;
	v15 =	vand.u32 $0xFFFFFC00, v15  }
0x68a: {  	v15 =	vor.u32 v14, v15  }
0x68b: {  	v14 =	vadd.s32 v5, v15;
	_ =	sdelay $0x2  }
0x68c: {  	v16 =	vmov s2  }
0x68d: {  	v17 =	vshll.u32 v16, $0x7  }
0x68e: {  	v19 =	vor.u32 v2, v17;
	v18 =	vld.idx.msk [tilespmem:v14+s8+$0x0], $0xffff  }
0x68f: {  	v20 =	vadd.s32 v6, v15;
	_ =	sdelay $0x3  }
0x690: {  	v14 =	vld.msk [tilespmem:s16+$0x0 ss:$0x0], $0xffff;
	[tilespmem:v19+s5+$0x0] =	vst.idx.msk $0xffff, v18  }
0x691: {  	v61 =	vor.u32 v7, v17;
	v18 =	vld.idx.msk [tilespmem:v20+s8+$0x0], $0xffff  }
0x692: {  	v62 =	vadd.s32 v8, v15;
	_ =	sdelay $0x3  }
0x693: {  	[tilespmem:v61+s5+$0x0] =	vst.idx.msk $0xffff, v18  }
0x694: {  	v63 =	vor.u32 v9, v17;
	v18 =	vld.idx.msk [tilespmem:v62+s8+$0x0], $0xffff  }
0x695: {  	v15 =	vadd.s32 v10, v15;
	_ =	sdelay $0x3  }
0x696: {  	s18 =	sadd.s32 $0xFFFFFFFF, s18;
	[tilespmem:v63+s5+$0x0] =	vst.idx.msk $0xffff, v18  }
0x697: {  	p2 =	sne.s32 s18, $0x0;
	v17 =	vor.u32 v11, v17;
	v15 =	vld.idx.msk [tilespmem:v15+s8+$0x0], $0xffff  }
.Ltmp76:
0x698: {  	vm0 =	veq.s32 v16, v2;
	p0 =	seq.s32 s2, $0xF;
	s16 =	simm.s32 $0x1;
	(pc) =	sbr.rel @!p2 .LBB2_118-.Ltmp76, $4  }
0x699: {  	s16 =	simm.s32 @!p0 $0x0  }
0x69a: {  	p4 =	sne.s32 s2, $0xF;
	s0 =	simm.s32 @p0 $0x0;
	s15 =	sadd.s32 s16, s15  }
0x69b: {  	p1 =	por $0x1, $0x1;
	s19 =	sadd.s32 $0x1, s0;
	p3 =	slt.s32 s15, $0x1  }
0x69c: {  	s17 =	simm.s32 $0x3B01;
	s16 =	simm.s32 $0x3F81;
	p0 =	sne.s32 @!p3 s0, $0x0;
	[tilespmem:v17+s5+$0x0] =	vst.idx.msk $0xffff, v15  }
.LBB2_119:
0x69d: {  	p0 =	por p0, p3;
	s2 =	simm.s32 @!p4 $0x10;
	s20 =	simm.s32 @!p4 $0x1D400  }
0x69e: {  	s18 =	sadd.s32 $0xFFFFFFFF, s18;
	s22 =	simm.s32 @!p4 $0x1DD00;
	s21 =	simm.s32 @!p0 $0x6;
	[tilespmem:v2+s4+$0x0] =	vst.idx.msk vm0, v14  }
0x69f: {  	[hbm4b:s13+s2] =	stream.indirect.scatter @!p4 [tilespmem:s20], [sflag:$0x6], $0x80, s22, s2, $0xb8;
	[tilespmem:$0x1DD80] =	vst v63  }
0x6a0: {  	p2 =	sne.s32 s18, $0x0;
	s2 =	smov.u32 s0;
	_ =	swait.ge @!p0 [sflag:s21], $0x800  }
0x6a1: {  	[sflag:s21] =	ssyncset.done @!p0 $0x0  }
0x6a2: {  	[sflag:s21] =	ssyncadd.s32 @!p0 $0xFFFFF800  }
0x6a3: {  	v14 =	vld [tilespmem:s17+$0x0];
	_ =	sdelay $0x4  }
0x6a4: {  	(v2sf) =	vpush v14, $0x0;
	_ =	sdelay $0xe  }
0x6a5: {  	s20 =	spop (v2sf)  }
0x6a6: {  	s21 =	ssub.s32 s20, s1;
	s20 =	sand.u32 $0x7F, s20  }
0x6a7: {  	s21 =	sand.u32 $0xFFFFFF80, s21  }
0x6a8: {  	s20 =	sor.u32 s20, s21  }
0x6a9: {  	v14 =	vmov s20  }
0x6aa: {  	v15 =	vand.u32 $0x7F, v14;
	v14 =	vshll.u32 v14, $0x3  }
0x6ab: {  	v14 =	vand.u32 $0xFFFFFC00, v14  }
0x6ac: {  	v15 =	vor.u32 v15, v14  }
0x6ad: {  	v14 =	vadd.s32 v5, v15;
	_ =	sdelay $0x3  }
0x6ae: {  	v16 =	vmov s0  }
0x6af: {  	v18 =	vshll.u32 v16, $0x7;
	v17 =	vld.idx.msk [tilespmem:v14+s8+$0x0], $0xffff  }
0x6b0: {  	v19 =	vor.u32 v2, v18  }
0x6b1: {  	v20 =	vadd.s32 v6, v15;
	_ =	sdelay $0x2  }
0x6b2: {  	v14 =	vld.msk [tilespmem:s16+$0x0 ss:$0x0], $0xffff  }
0x6b3: {  	[tilespmem:v19+s5+$0x0] =	vst.idx.msk $0xffff, v17  }
0x6b4: {  	v17 =	vld.idx.msk [tilespmem:v20+s8+$0x0], $0xffff  }
0x6b5: {  	v19 =	vor.u32 v7, v18  }
0x6b6: {  	v20 =	vadd.s32 v8, v15;
	_ =	sdelay $0x3  }
0x6b7: {  	[tilespmem:v19+s5+$0x0] =	vst.idx.msk $0xffff, v17  }
0x6b8: {  	v17 =	vld.idx.msk [tilespmem:v20+s8+$0x0], $0xffff  }
0x6b9: {  	v19 =	vor.u32 v9, v18  }
0x6ba: {  	v15 =	vadd.s32 v10, v15;
	_ =	sdelay $0x3  }
0x6bb: {  	[tilespmem:v19+s5+$0x0] =	vst.idx.msk $0xffff, v17  }
0x6bc: {  	v15 =	vld.idx.msk [tilespmem:v15+s8+$0x0], $0xffff  }
0x6bd: {  	p0 =	seq.s32 s0, $0xF;
	v17 =	vor.u32 v11, v18  }
.Ltmp77:
0x6be: {  	vm0 =	veq.s32 v16, v2;
	s0 =	smov.u32 s19;
	s20 =	simm.s32 $0x1;
	(pc) =	sbr.rel @p2 .LBB2_119-.Ltmp77, $4  }
0x6bf: {  	s0 =	simm.s32 @p0 $0x0;
	s20 =	simm.s32 @!p0 $0x0  }
0x6c0: {  	s19 =	sadd.s32 $0x1, s0;
	s15 =	sadd.s32 s20, s15  }
0x6c1: {  	s17 =	sadd.s32 $0x1, s17;
	p3 =	slt.s32 s15, $0x1  }
0x6c2: {  	p4 =	sne.s32 s2, $0xF;
	p0 =	sne.s32 @!p3 s0, $0x0;
	s16 =	sadd.s32 $0x1, s16;
	[tilespmem:v17+s5+$0x0] =	vst.idx.msk $0xffff, v15  }
0x6c3: {  	s2 =	smov.u32 s0;
	s0 =	smov.u32 s19  }
.LBB2_121:
0x6c4: {  	_ =	sdelay $0x2  }
0x6c5: {  	p2 =	por p4, !p1  }
0x6c6: {  	p0 =	por p0, p3;
	s18 =	simm.s32 @!p2 $0x10  }
0x6c7: {  	[tilespmem:v2+s4+$0x0] =	vst.idx.msk @p1 vm0, v14;
	s19 =	simm.s32 @!p2 $0x1D400;
	s20 =	simm.s32 @!p0 $0x6;
	s21 =	simm.s32 @!p2 $0x1DD00  }
0x6c8: {  	[hbm4b:s13+s18] =	stream.indirect.scatter @!p2 [tilespmem:s19], [sflag:$0x6], $0x80, s21, s18, $0xb8;
	[tilespmem:$0x1DD80] =	vst v63  }
0x6c9: {  	_ =	swait.ge @!p0 [sflag:s20], $0x800  }
0x6ca: {  	[sflag:s20] =	ssyncset.done @!p0 $0x0  }
0x6cb: {  	[sflag:s20] =	ssyncadd.s32 @!p0 $0xFFFFF800  }
0x6cc: {  	v14 =	vld [tilespmem:s17+$0x0];
	_ =	sdelay $0x4  }
0x6cd: {  	(v2sf) =	vpush v14, $0x0;
	_ =	sdelay $0xe  }
0x6ce: {  	s28 =	spop (v2sf)  }
0x6cf: {  	s1 =	ssub.s32 s28, s1  }
0x6d0: {  	s17 =	sand.u32 $0x7F, s28;
	s1 =	sand.u32 $0xFFFFFF80, s1  }
0x6d1: {  	s1 =	sor.u32 s17, s1  }
0x6d2: {  	v14 =	vmov s1  }
0x6d3: {  	v15 =	vshll.u32 v14, $0x3  }
0x6d4: {  	v14 =	vand.u32 $0x7F, v14;
	v15 =	vand.u32 $0xFFFFFC00, v15  }
0x6d5: {  	v14 =	vor.u32 v14, v15  }
0x6d6: {  	v15 =	vadd.s32 v5, v14;
	_ =	sdelay $0x2  }
0x6d7: {  	v16 =	vmov s2  }
0x6d8: {  	v17 =	vshll.u32 v16, $0x7  }
0x6d9: {  	v18 =	vor.u32 v2, v17;
	v15 =	vld.idx.msk [tilespmem:v15+s8+$0x0], $0xffff  }
0x6da: {  	v19 =	vadd.s32 v6, v14;
	_ =	sdelay $0x3  }
0x6db: {  	v20 =	vld.msk [tilespmem:s16+$0x0 ss:$0x0], $0xffff;
	[tilespmem:v18+s5+$0x0] =	vst.idx.msk $0xffff, v15  }
0x6dc: {  	v61 =	vor.u32 v7, v17;
	v15 =	vld.idx.msk [tilespmem:v19+s8+$0x0], $0xffff  }
0x6dd: {  	v62 =	vadd.s32 v8, v14;
	_ =	sdelay $0x3  }
0x6de: {  	[tilespmem:v61+s5+$0x0] =	vst.idx.msk $0xffff, v15  }
0x6df: {  	v63 =	vor.u32 v9, v17;
	v15 =	vld.idx.msk [tilespmem:v62+s8+$0x0], $0xffff  }
0x6e0: {  	v14 =	vadd.s32 v10, v14;
	_ =	sdelay $0x3  }
0x6e1: {  	[tilespmem:v63+s5+$0x0] =	vst.idx.msk $0xffff, v15  }
0x6e2: {  	vm15 =	veq.s32 v16, v2;
	v15 =	vor.u32 v11, v17;
	v14 =	vld.idx.msk [tilespmem:v14+s8+$0x0], $0xffff;
	_ =	sdelay $0x3  }
0x6e3: {  	p1 =	sne.s32 s2, $0xF;
	p0 =	seq.s32 s2, $0xF  }
0x6e4: {  	s2 =	simm.s32 @!p1 $0x10;
	s16 =	simm.s32 @!p1 $0x1D400;
	s1 =	simm.s32 $0x1;
	[tilespmem:v15+s5+$0x0] =	vst.idx.msk $0xffff, v14  }
0x6e5: {  	s0 =	simm.s32 @p0 $0x0;
	s17 =	simm.s32 @!p1 $0x1DD00;
	s1 =	simm.s32 @!p0 $0x0;
	[tilespmem:v2+s4+$0x0] =	vst.idx.msk vm15, v20  }
0x6e6: {  	[hbm4b:s13+s2] =	stream.indirect.scatter @!p1 [tilespmem:s16], [sflag:$0x6], $0x80, s17, s2, $0xb8;
	[tilespmem:$0x1DD80] =	vst v63  }
0x6e7: {  	s15 =	sadd.s32 s1, s15;
	s2 =	smov.u32 s0  }
.LBB2_122:
0x6e8: {  	s0 =	rddreg [dreg:$0x17]  }
0x6e9: {  	s0 =	sadd.s32 @!p6 s9, s0  }
0x6ea: {  	p0 =	sgt.u32 @!p6 s0, $0x1E80  }
0x6eb: {  	p1 =	por !p0, p6  }
0x6ec: {  	p1 =	sne.s32 @!p1 s0, $0x1E84  }
0x6ed: {  	p1 =	por @!p6 p1, !p0  }
0x6ee: {  	p1 =	por p1, p6  }
0x6ef: {  	s17 =	rddreg [dreg:$0x6];
	s1 =	simm.s32 @!p1 $0x0;
	s16 =	simm.s32 @!p1 $0xC400  }
0x6f0: {  	[tilespmem:s16], [sflag:$0x2] =	stream.linear.gather @!p1 [hbm4b:s17+s1], $0x400, $0x38;
	[tilespmem:$0x1DD80] =	vst v63  }
0x6f1: {  	s17 =	sld [smem:$0x7F7];
	_ =	sdelay $0x1  }
0x6f2: {  	s16 =	simm.s32 @!p1 $0xD400  }
0x6f3: {  	[tilespmem:s16], [sflag:$0x2] =	stream.linear.gather @!p1 [hbm4b:s17+s1], $0x400, $0x38;
	[tilespmem:$0x1DD80] =	vst v63  }
0x6f4: {  	s17 =	sld [smem:$0x7F8];
	_ =	sdelay $0x1  }
0x6f5: {  	s16 =	simm.s32 @!p1 $0xE400  }
0x6f6: {  	[tilespmem:s16], [sflag:$0x2] =	stream.linear.gather @!p1 [hbm4b:s17+s1], $0x400, $0x38;
	[tilespmem:$0x1DD80] =	vst v63  }
0x6f7: {  	s17 =	sld [smem:$0x7F9];
	_ =	sdelay $0x1  }
0x6f8: {  	s16 =	simm.s32 @!p1 $0xF400  }
0x6f9: {  	[tilespmem:s16], [sflag:$0x2] =	stream.linear.gather @!p1 [hbm4b:s17+s1], $0x400, $0x38;
	[tilespmem:$0x1DD80] =	vst v63  }
0x6fa: {  	s17 =	sld [smem:$0x7FA];
	_ =	sdelay $0x1  }
0x6fb: {  	s16 =	simm.s32 @!p1 $0x10400  }
0x6fc: {  	[tilespmem:s16], [sflag:$0x2] =	stream.linear.gather @!p1 [hbm4b:s17+s1], $0x400, $0x38;
	[tilespmem:$0x1DD80] =	vst v63  }
0x6fd: {  	s17 =	sld [smem:$0x7FB];
	_ =	sdelay $0x1  }
0x6fe: {  	s16 =	simm.s32 @!p1 $0x11400  }
0x6ff: {  	[tilespmem:s16], [sflag:$0x2] =	stream.linear.gather @!p1 [hbm4b:s17+s1], $0x400, $0x38;
	[tilespmem:$0x1DD80] =	vst v63  }
0x700: {  	s17 =	sld [smem:$0x7FC];
	_ =	sdelay $0x1  }
0x701: {  	s16 =	simm.s32 @!p1 $0x12400  }
0x702: {  	[tilespmem:s16], [sflag:$0x2] =	stream.linear.gather @!p1 [hbm4b:s17+s1], $0x400, $0x38;
	[tilespmem:$0x1DD80] =	vst v63  }
0x703: {  	s17 =	sld [smem:$0x7FD];
	_ =	sdelay $0x1  }
0x704: {  	s22 =	rddreg [dreg:$0xb];
	p0 =	por p0, p6;
	s16 =	simm.s32 @!p1 $0x13400  }
0x705: {  	[tilespmem:s16], [sflag:$0x2] =	stream.linear.gather @!p1 [hbm4b:s17+s1], $0x400, $0x38;
	[tilespmem:$0x1DD80] =	vst v63  }
0x706: {  	s0 =	sshll.u32 @!p0 s0, $0x7;
	s1 =	rddreg [dreg:$0x4];
	s16 =	simm.s32 @!p0 $0x7A1400  }
0x707: {  	s17 =	simm.s32 @!p0 $0xC400;
	s0 =	sadd.s32 @!p0 s1, s0;
	s1 =	simm.s32 @!p0 $0x1000  }
0x708: {  	[tilespmem:s17], [sflag:$0x2] =	stream.strided.gather @!p0 [hbm4b:s0+s1], $0x8000, s16, s1, $0x38;
	[tilespmem:$0x1DD80] =	vst v63  }
0x709: {  	s1 =	sadd.s32 s9, s22  }
0x70a: {  	p0 =	sgt.u32 s1, $0x1E80  }
0x70b: {  	p1 =	sne.s32 @p0 s1, $0x1E84  }
0x70c: {  	p1 =	por p1, !p0  }
0x70d: {  	s0 =	simm.s32 @!p1 $0x3  }
0x70e: {  	_ =	swait.ge @!p1 [sflag:s0], $0x2000  }
0x70f: {  	[sflag:s0] =	ssyncset.done @!p1 $0x0  }
0x710: {  	[sflag:s0] =	ssyncadd.s32 @!p1 $0xFFFFE000;
	s0 =	simm.s32 @!p0 $0x3  }
0x711: {  	_ =	swait.ge @!p0 [sflag:s0], $0x8000  }
0x712: {  	s28 =	sld [smem:$0x7F1];
	_ =	sdelay $0x1  }
0x713: {  	[sflag:s0] =	ssyncset.done @!p0 $0x0  }
0x714: {  	[sflag:s0] =	ssyncadd.s32 @!p0 $0xFFFF8000;
	p0 =	seq.s32 s28, $0x1  }
.Ltmp78:
0x715: {  	_ = 	snop;
	(pc) =	sbr.rel @p0 .LBB2_132-.Ltmp78, $1  }
0x716: {  	_ =	sdelay $0x3  }
0x717: {  	s18 =	sld [smem:$0x7F0];
	_ =	sdelay $0x2  }
0x718: {  	p0 =	seq.s32 s18, $0x1  }
.Ltmp79:
0x719: {  	_ = 	snop;
	(pc) =	sbr.rel @p0 .LBB2_124-.Ltmp79, $3  }
0x71a: {  	_ =	sdelay $0x1  }
0x71b: {  	s17 =	simm.s32 $0x2900;
	s16 =	simm.s32 $0x2D80  }
0x71c: {  	v14 =	vmov s1;
	s0 =	simm.s32 $0x0;
	p1 =	por $0x0, $0x0;
	v15 =	vld [tilespmem:s17+$0x0];
	s17 =	sadd.s32 $0xFFFFFFFF, s18  }
0x71d: {  	_ =	sdelay $0x3  }
0x71e: {  	v16 =	vshrl.u32 v15, $0x7  }
0x71f: {  	v18 =	vor.u32 s0, v2;
	v16 =	vsub.s32 v16, v14  }
0x720: {  	vm0 =	vlt.s32 v18, v12;
	vm1 =	vlt.u32 v16, $0x4  }
0x721: {  	vm0 =	vmand vm0, vm1  }
0x722: {  	v16 =	vmpcnt.ones.xlane vm0  }
0x723: {  	v17 =	vld [tilespmem:s16+$0x0]  }
0x724: {  	p0 =	seq.s32 s17, $0x1;
	(v2sf) =	vpush v16, $0x0  }
.Ltmp80:
0x725: {  	_ = 	snop;
	(pc) =	sbr.rel @p0 .LBB2_129-.Ltmp80, $4  }
0x726: {  	_ = 	snop  }
0x727: {  	[tilespmem:s0+$0x3B00] =	vst.msk vm0, v15  }
0x728: {  	s20 =	simm.s32 $0x2910;
	s21 =	sadd.s32 $0xFFFFFFFF, s17;
	p1 =	por $0x1, $0x1;
	[tilespmem:s0+$0x3F80] =	vst.msk vm0, v17  }
0x729: {  	s19 =	simm.s32 $0x0;
	s17 =	simm.s32 $0x2D80;
	s18 =	simm.s32 $0x0;
	v15 =	vld [tilespmem:s20+$0x0]  }
.LBB2_130:
0x72a: {  	p2 =	seq.s32 s21, $0x1;
	_ =	sdelay $0x3  }
0x72b: {  	s19 =	sadd.s32 $0x10, s19;
	v16 =	vshrl.u32 v15, $0x7  }
0x72c: {  	v17 =	vor.u32 s19, v2;
	v16 =	vsub.s32 v16, v14  }
0x72d: {  	s17 =	sadd.s32 $0x10, s17;
	vm0 =	vlt.s32 v17, v12;
	vm1 =	vlt.u32 v16, $0x4  }
0x72e: {  	v16 =	vld [tilespmem:s17+$0x0];
	vm0 =	vmand vm0, vm1  }
0x72f: {  	v17 =	vmpcnt.ones.xlane vm0  }
0x730: {  	s22 =	spop (v2sf)  }
0x731: {  	(v2sf) =	vpush v17, $0x0;
	s18 =	sadd.s32 s18, s22  }
.Ltmp81:
0x732: {  	[tilespmem:s18+$0x3B00] =	vst.msk vm0, v15;
	(pc) =	sbr.rel @!p2 .LBB2_130-.Ltmp81, $3  }
0x733: {  	[tilespmem:s18+$0x3F80] =	vst.msk vm0, v16;
	_ =	sdelay $0x1  }
0x734: {  	s20 =	sadd.s32 $0x10, s20  }
0x735: {  	s21 =	sadd.s32 $0xFFFFFFFF, s21;
	v15 =	vld [tilespmem:s20+$0x0]  }
.LBB2_131:
0x736: {  	_ =	sdelay $0x2  }
0x737: {  	s19 =	sadd.s32 @p1 $0x10, s19;
	s20 =	simm.s32 $0x0  }
0x738: {  	s20 =	smov.u32 @p1 s19;
	v16 =	vshrl.u32 v15, $0x7  }
0x739: {  	v17 =	vor.u32 s20, v2;
	v14 =	vsub.s32 v16, v14  }
0x73a: {  	vm0 =	vlt.s32 v17, v12;
	vm1 =	vlt.u32 v14, $0x4  }
0x73b: {  	vm0 =	vmand vm0, vm1  }
0x73c: {  	v14 =	vmpcnt.ones.xlane vm0;
	_ =	sdelay $0x1  }
0x73d: {  	(v2sf) =	vpush v14, $0x0;
	_ =	sdelay $0x8  }
0x73e: {  	s17 =	sadd.s32 @p1 $0x10, s17  }
0x73f: {  	s16 =	smov.u32 @p1 s17  }
0x740: {  	v14 =	vld [tilespmem:s16+$0x0]  }
0x741: {  	s16 =	spop @p1 (v2sf)  }
0x742: {  	s16 =	sadd.s32 @p1 s18, s16  }
0x743: {  	s0 =	smov.u32 @p1 s16  }
0x744: {  	[tilespmem:s0+$0x3B00] =	vst.msk vm0, v15;
	s28 =	spop (v2sf)  }
0x745: {  	[tilespmem:s0+$0x3F80] =	vst.msk vm0, v14;
	s0 =	sadd.s32 s0, s28  }
0x746: {  	p0 =	slt.s32 s0, $0x1  }
.Ltmp82:
0x747: {  	_ = 	snop;
	(pc) =	sbr.rel @p0 .LBB2_132-.Ltmp82, $1  }
0x748: {  	_ =	sdelay $0x3  }
0x749: {  	s19 =	sadd.s32 $0xFFFFFFFF, s0  }
0x74a: {  	p2 =	seq.s32 s19, $0x0  }
.Ltmp83:
0x74b: {  	_ = 	snop;
	(pc) =	sbr.rel @p2 .LBB2_127-.Ltmp83, $4  }
0x74c: {  	_ = 	snop  }
0x74d: {  	s16 =	sshll.u32 s1, $0x7  }
0x74e: {  	s17 =	simm.s32 $0x3F80;
	s18 =	simm.s32 $0x3B00;
	p3 =	slt.s32 s26, $0x1  }
0x74f: {  	s0 =	sadd.s32 $0x1, s3;
	p1 =	por $0x0, $0x0;
	p0 =	sne.s32 @!p3 s3, $0x0  }
0x750: {  	p0 =	por p0, p3  }
0x751: {  	s20 =	simm.s32 @!p0 $0x5  }
0x752: {  	_ =	swait.ge @!p0 [sflag:s20], $0x800  }
0x753: {  	[sflag:s20] =	ssyncset.done @!p0 $0x0  }
0x754: {  	[sflag:s20] =	ssyncadd.s32 @!p0 $0xFFFFF800  }
0x755: {  	v14 =	vld [tilespmem:s18+$0x0];
	_ =	sdelay $0x4  }
0x756: {  	(v2sf) =	vpush v14, $0x0;
	_ =	sdelay $0xe  }
0x757: {  	s22 =	spop (v2sf)  }
0x758: {  	s28 =	ssub.s32 s22, s16  }
0x759: {  	s18 =	sand.u32 $0x7F, s22;
	s20 =	sand.u32 $0xFFFFFF80, s28  }
0x75a: {  	s18 =	sor.u32 s18, s20  }
0x75b: {  	v14 =	vmov s18  }
0x75c: {  	v15 =	vshll.u32 v14, $0x3  }
0x75d: {  	v14 =	vand.u32 $0x7F, v14;
	v15 =	vand.u32 $0xFFFFFC00, v15  }
0x75e: {  	v15 =	vor.u32 v14, v15  }
0x75f: {  	v14 =	vadd.s32 v5, v15;
	_ =	sdelay $0x2  }
0x760: {  	v16 =	vmov s3  }
0x761: {  	v17 =	vshll.u32 v16, $0x7  }
0x762: {  	v19 =	vor.u32 v2, v17;
	v18 =	vld.idx.msk [tilespmem:v14+s6+$0x0], $0xffff  }
0x763: {  	v20 =	vadd.s32 v6, v15;
	_ =	sdelay $0x3  }
0x764: {  	v14 =	vld.msk [tilespmem:s17+$0x0 ss:$0x0], $0xffff;
	[tilespmem:v19+s23+$0x0] =	vst.idx.msk $0xffff, v18  }
0x765: {  	v61 =	vor.u32 v7, v17;
	v18 =	vld.idx.msk [tilespmem:v20+s6+$0x0], $0xffff  }
0x766: {  	v62 =	vadd.s32 v8, v15;
	_ =	sdelay $0x3  }
0x767: {  	[tilespmem:v61+s23+$0x0] =	vst.idx.msk $0xffff, v18  }
0x768: {  	v63 =	vor.u32 v9, v17;
	v18 =	vld.idx.msk [tilespmem:v62+s6+$0x0], $0xffff  }
0x769: {  	v15 =	vadd.s32 v10, v15;
	_ =	sdelay $0x3  }
0x76a: {  	s19 =	sadd.s32 $0xFFFFFFFF, s19;
	[tilespmem:v63+s23+$0x0] =	vst.idx.msk $0xffff, v18  }
0x76b: {  	p2 =	seq.s32 s19, $0x0;
	v17 =	vor.u32 v11, v17;
	v15 =	vld.idx.msk [tilespmem:v15+s6+$0x0], $0xffff  }
.Ltmp84:
0x76c: {  	vm0 =	veq.s32 v16, v2;
	p0 =	seq.s32 s3, $0xF;
	s17 =	simm.s32 $0x1;
	(pc) =	sbr.rel @p2 .LBB2_136-.Ltmp84, $4  }
0x76d: {  	s17 =	simm.s32 @!p0 $0x0  }
0x76e: {  	p4 =	sne.s32 s3, $0xF;
	s0 =	simm.s32 @p0 $0x0;
	s26 =	sadd.s32 s17, s26  }
0x76f: {  	p1 =	por $0x1, $0x1;
	s20 =	sadd.s32 $0x1, s0;
	p3 =	slt.s32 s26, $0x1  }
0x770: {  	s18 =	simm.s32 $0x3B01;
	s17 =	simm.s32 $0x3F81;
	p0 =	sne.s32 @!p3 s0, $0x0;
	[tilespmem:v17+s23+$0x0] =	vst.idx.msk $0xffff, v15  }
.LBB2_137:
0x771: {  	p0 =	por p0, p3;
	s3 =	simm.s32 @!p4 $0x10;
	s21 =	simm.s32 @!p4 $0x1CC00  }
0x772: {  	s19 =	sadd.s32 $0xFFFFFFFF, s19;
	s28 =	simm.s32 @!p4 $0x1DC80;
	s22 =	simm.s32 @!p0 $0x5;
	[tilespmem:v2+s10+$0x0] =	vst.idx.msk vm0, v14  }
0x773: {  	[hbm4b:s12+s3] =	stream.indirect.scatter @!p4 [tilespmem:s21], [sflag:$0x5], $0x80, s28, s3, $0xb8;
	[tilespmem:$0x1DD80] =	vst v63  }
0x774: {  	p2 =	seq.s32 s19, $0x0;
	s3 =	smov.u32 s0;
	_ =	swait.ge @!p0 [sflag:s22], $0x800  }
0x775: {  	[sflag:s22] =	ssyncset.done @!p0 $0x0  }
0x776: {  	[sflag:s22] =	ssyncadd.s32 @!p0 $0xFFFFF800  }
0x777: {  	v14 =	vld [tilespmem:s18+$0x0];
	_ =	sdelay $0x4  }
0x778: {  	(v2sf) =	vpush v14, $0x0;
	_ =	sdelay $0xe  }
0x779: {  	s21 =	spop (v2sf)  }
0x77a: {  	s22 =	ssub.s32 s21, s16;
	s21 =	sand.u32 $0x7F, s21  }
0x77b: {  	s22 =	sand.u32 $0xFFFFFF80, s22  }
0x77c: {  	s21 =	sor.u32 s21, s22  }
0x77d: {  	v14 =	vmov s21  }
0x77e: {  	v15 =	vand.u32 $0x7F, v14;
	v14 =	vshll.u32 v14, $0x3  }
0x77f: {  	v14 =	vand.u32 $0xFFFFFC00, v14  }
0x780: {  	v15 =	vor.u32 v15, v14  }
0x781: {  	v14 =	vadd.s32 v5, v15;
	_ =	sdelay $0x3  }
0x782: {  	v16 =	vmov s0  }
0x783: {  	v18 =	vshll.u32 v16, $0x7;
	v17 =	vld.idx.msk [tilespmem:v14+s6+$0x0], $0xffff  }
0x784: {  	v19 =	vor.u32 v2, v18  }
0x785: {  	v20 =	vadd.s32 v6, v15;
	_ =	sdelay $0x2  }
0x786: {  	v14 =	vld.msk [tilespmem:s17+$0x0 ss:$0x0], $0xffff  }
0x787: {  	[tilespmem:v19+s23+$0x0] =	vst.idx.msk $0xffff, v17  }
0x788: {  	v17 =	vld.idx.msk [tilespmem:v20+s6+$0x0], $0xffff  }
0x789: {  	v19 =	vor.u32 v7, v18  }
0x78a: {  	v20 =	vadd.s32 v8, v15;
	_ =	sdelay $0x3  }
0x78b: {  	[tilespmem:v19+s23+$0x0] =	vst.idx.msk $0xffff, v17  }
0x78c: {  	v17 =	vld.idx.msk [tilespmem:v20+s6+$0x0], $0xffff  }
0x78d: {  	v19 =	vor.u32 v9, v18  }
0x78e: {  	v15 =	vadd.s32 v10, v15;
	_ =	sdelay $0x3  }
0x78f: {  	[tilespmem:v19+s23+$0x0] =	vst.idx.msk $0xffff, v17  }
0x790: {  	v15 =	vld.idx.msk [tilespmem:v15+s6+$0x0], $0xffff  }
0x791: {  	p0 =	seq.s32 s0, $0xF;
	v17 =	vor.u32 v11, v18  }
.Ltmp85:
0x792: {  	vm0 =	veq.s32 v16, v2;
	s0 =	smov.u32 s20;
	s21 =	simm.s32 $0x1;
	(pc) =	sbr.rel @!p2 .LBB2_137-.Ltmp85, $4  }
0x793: {  	s0 =	simm.s32 @p0 $0x0;
	s21 =	simm.s32 @!p0 $0x0  }
0x794: {  	s20 =	sadd.s32 $0x1, s0;
	s26 =	sadd.s32 s21, s26  }
0x795: {  	s18 =	sadd.s32 $0x1, s18;
	p3 =	slt.s32 s26, $0x1  }
0x796: {  	p4 =	sne.s32 s3, $0xF;
	p0 =	sne.s32 @!p3 s0, $0x0;
	s17 =	sadd.s32 $0x1, s17;
	[tilespmem:v17+s23+$0x0] =	vst.idx.msk $0xffff, v15  }
0x797: {  	s3 =	smov.u32 s0;
	s0 =	smov.u32 s20  }
.LBB2_139:
0x798: {  	_ =	sdelay $0x2  }
0x799: {  	p2 =	por p4, !p1  }
0x79a: {  	p0 =	por p0, p3;
	s19 =	simm.s32 @!p2 $0x10  }
0x79b: {  	[tilespmem:v2+s10+$0x0] =	vst.idx.msk @p1 vm0, v14;
	s20 =	simm.s32 @!p2 $0x1CC00;
	s21 =	simm.s32 @!p0 $0x5;
	s22 =	simm.s32 @!p2 $0x1DC80  }
0x79c: {  	[hbm4b:s12+s19] =	stream.indirect.scatter @!p2 [tilespmem:s20], [sflag:$0x5], $0x80, s22, s19, $0xb8;
	[tilespmem:$0x1DD80] =	vst v63  }
0x79d: {  	_ =	swait.ge @!p0 [sflag:s21], $0x800  }
0x79e: {  	[sflag:s21] =	ssyncset.done @!p0 $0x0  }
0x79f: {  	[sflag:s21] =	ssyncadd.s32 @!p0 $0xFFFFF800  }
0x7a0: {  	v14 =	vld [tilespmem:s18+$0x0];
	_ =	sdelay $0x4  }
0x7a1: {  	(v2sf) =	vpush v14, $0x0;
	_ =	sdelay $0xe  }
0x7a2: {  	s28 =	spop (v2sf)  }
0x7a3: {  	s16 =	ssub.s32 s28, s16  }
0x7a4: {  	s18 =	sand.u32 $0x7F, s28;
	s16 =	sand.u32 $0xFFFFFF80, s16  }
0x7a5: {  	s16 =	sor.u32 s18, s16  }
0x7a6: {  	v14 =	vmov s16  }
0x7a7: {  	v15 =	vshll.u32 v14, $0x3  }
0x7a8: {  	v14 =	vand.u32 $0x7F, v14;
	v15 =	vand.u32 $0xFFFFFC00, v15  }
0x7a9: {  	v14 =	vor.u32 v14, v15  }
0x7aa: {  	v15 =	vadd.s32 v5, v14;
	_ =	sdelay $0x2  }
0x7ab: {  	v16 =	vmov s3  }
0x7ac: {  	v17 =	vshll.u32 v16, $0x7  }
0x7ad: {  	v18 =	vor.u32 v2, v17;
	v15 =	vld.idx.msk [tilespmem:v15+s6+$0x0], $0xffff  }
0x7ae: {  	v19 =	vadd.s32 v6, v14;
	_ =	sdelay $0x3  }
0x7af: {  	v20 =	vld.msk [tilespmem:s17+$0x0 ss:$0x0], $0xffff;
	[tilespmem:v18+s23+$0x0] =	vst.idx.msk $0xffff, v15  }
0x7b0: {  	v61 =	vor.u32 v7, v17;
	v15 =	vld.idx.msk [tilespmem:v19+s6+$0x0], $0xffff  }
0x7b1: {  	v62 =	vadd.s32 v8, v14;
	_ =	sdelay $0x3  }
0x7b2: {  	[tilespmem:v61+s23+$0x0] =	vst.idx.msk $0xffff, v15  }
0x7b3: {  	v63 =	vor.u32 v9, v17;
	v15 =	vld.idx.msk [tilespmem:v62+s6+$0x0], $0xffff  }
0x7b4: {  	v14 =	vadd.s32 v10, v14;
	_ =	sdelay $0x3  }
0x7b5: {  	[tilespmem:v63+s23+$0x0] =	vst.idx.msk $0xffff, v15  }
0x7b6: {  	vm15 =	veq.s32 v16, v2;
	v15 =	vor.u32 v11, v17;
	v14 =	vld.idx.msk [tilespmem:v14+s6+$0x0], $0xffff;
	_ =	sdelay $0x3  }
0x7b7: {  	p1 =	sne.s32 s3, $0xF;
	p0 =	seq.s32 s3, $0xF  }
0x7b8: {  	s3 =	simm.s32 @!p1 $0x10;
	s17 =	simm.s32 @!p1 $0x1CC00;
	s16 =	simm.s32 $0x1;
	[tilespmem:v15+s23+$0x0] =	vst.idx.msk $0xffff, v14  }
0x7b9: {  	s0 =	simm.s32 @p0 $0x0;
	s18 =	simm.s32 @!p1 $0x1DC80;
	s16 =	simm.s32 @!p0 $0x0;
	[tilespmem:v2+s10+$0x0] =	vst.idx.msk vm15, v20  }
0x7ba: {  	[hbm4b:s12+s3] =	stream.indirect.scatter @!p1 [tilespmem:s17], [sflag:$0x5], $0x80, s18, s3, $0xb8;
	[tilespmem:$0x1DD80] =	vst v63  }
0x7bb: {  	s26 =	sadd.s32 s16, s26;
	s3 =	smov.u32 s0  }
.LBB2_132:
.Ltmp86:
0x7bc: {  	(pc) =	sbr.rel @p5 .LBB2_152-.Ltmp86, $1  }
0x7bd: {  	_ =	sdelay $0x3  }
0x7be: {  	p0 =	seq.s32 s30, $0x1  }
.Ltmp87:
0x7bf: {  	_ = 	snop;
	(pc) =	sbr.rel @p0 .LBB2_134-.Ltmp87, $3  }
0x7c0: {  	_ =	sdelay $0x1  }
0x7c1: {  	s17 =	simm.s32 $0x3200;
	s16 =	simm.s32 $0x3680  }
0x7c2: {  	v14 =	vmov s1;
	s0 =	simm.s32 $0x0;
	p1 =	por $0x0, $0x0;
	v15 =	vld [tilespmem:s17+$0x0];
	s17 =	sadd.s32 $0xFFFFFFFF, s30  }
0x7c3: {  	_ =	sdelay $0x3  }
0x7c4: {  	v16 =	vshrl.u32 v15, $0x7  }
0x7c5: {  	v18 =	vor.u32 s0, v2;
	v16 =	vsub.s32 v16, v14  }
0x7c6: {  	vm0 =	vlt.s32 v18, v13;
	vm1 =	vlt.u32 v16, $0x4  }
0x7c7: {  	vm0 =	vmand vm0, vm1  }
0x7c8: {  	v16 =	vmpcnt.ones.xlane vm0  }
0x7c9: {  	v17 =	vld [tilespmem:s16+$0x0]  }
0x7ca: {  	p0 =	seq.s32 s17, $0x1;
	(v2sf) =	vpush v16, $0x0  }
.Ltmp88:
0x7cb: {  	_ = 	snop;
	(pc) =	sbr.rel @p0 .LBB2_144-.Ltmp88, $4  }
0x7cc: {  	_ = 	snop  }
0x7cd: {  	[tilespmem:s0+$0x3B00] =	vst.msk vm0, v15  }
0x7ce: {  	s20 =	simm.s32 $0x3210;
	s21 =	sadd.s32 $0xFFFFFFFF, s17;
	p1 =	por $0x1, $0x1;
	[tilespmem:s0+$0x3F80] =	vst.msk vm0, v17  }
0x7cf: {  	s19 =	simm.s32 $0x0;
	s17 =	simm.s32 $0x3680;
	s18 =	simm.s32 $0x0;
	v15 =	vld [tilespmem:s20+$0x0]  }
.LBB2_145:
0x7d0: {  	p2 =	seq.s32 s21, $0x1;
	_ =	sdelay $0x3  }
0x7d1: {  	s19 =	sadd.s32 $0x10, s19;
	v16 =	vshrl.u32 v15, $0x7  }
0x7d2: {  	v17 =	vor.u32 s19, v2;
	v16 =	vsub.s32 v16, v14  }
0x7d3: {  	s17 =	sadd.s32 $0x10, s17;
	vm0 =	vlt.s32 v17, v13;
	vm1 =	vlt.u32 v16, $0x4  }
0x7d4: {  	v16 =	vld [tilespmem:s17+$0x0];
	vm0 =	vmand vm0, vm1  }
0x7d5: {  	v17 =	vmpcnt.ones.xlane vm0  }
0x7d6: {  	s22 =	spop (v2sf)  }
0x7d7: {  	(v2sf) =	vpush v17, $0x0;
	s18 =	sadd.s32 s18, s22  }
.Ltmp89:
0x7d8: {  	[tilespmem:s18+$0x3B00] =	vst.msk vm0, v15;
	(pc) =	sbr.rel @!p2 .LBB2_145-.Ltmp89, $3  }
0x7d9: {  	[tilespmem:s18+$0x3F80] =	vst.msk vm0, v16;
	_ =	sdelay $0x1  }
0x7da: {  	s20 =	sadd.s32 $0x10, s20  }
0x7db: {  	s21 =	sadd.s32 $0xFFFFFFFF, s21;
	v15 =	vld [tilespmem:s20+$0x0]  }
.LBB2_146:
0x7dc: {  	_ =	sdelay $0x2  }
0x7dd: {  	s19 =	sadd.s32 @p1 $0x10, s19;
	s20 =	simm.s32 $0x0  }
0x7de: {  	s20 =	smov.u32 @p1 s19;
	v16 =	vshrl.u32 v15, $0x7  }
0x7df: {  	v17 =	vor.u32 s20, v2;
	v14 =	vsub.s32 v16, v14  }
0x7e0: {  	vm0 =	vlt.s32 v17, v13;
	vm1 =	vlt.u32 v14, $0x4  }
0x7e1: {  	vm0 =	vmand vm0, vm1  }
0x7e2: {  	v14 =	vmpcnt.ones.xlane vm0;
	_ =	sdelay $0x1  }
0x7e3: {  	(v2sf) =	vpush v14, $0x0;
	_ =	sdelay $0x8  }
0x7e4: {  	s17 =	sadd.s32 @p1 $0x10, s17  }
0x7e5: {  	s16 =	smov.u32 @p1 s17  }
0x7e6: {  	v14 =	vld [tilespmem:s16+$0x0]  }
0x7e7: {  	s16 =	spop @p1 (v2sf)  }
0x7e8: {  	s16 =	sadd.s32 @p1 s18, s16  }
0x7e9: {  	s0 =	smov.u32 @p1 s16  }
0x7ea: {  	[tilespmem:s0+$0x3B00] =	vst.msk vm0, v15;
	s28 =	spop (v2sf)  }
0x7eb: {  	[tilespmem:s0+$0x3F80] =	vst.msk vm0, v14;
	s0 =	sadd.s32 s0, s28  }
0x7ec: {  	p0 =	slt.s32 s0, $0x1  }
.Ltmp90:
0x7ed: {  	_ = 	snop;
	(pc) =	sbr.rel @p0 .LBB2_152-.Ltmp90, $1  }
0x7ee: {  	_ =	sdelay $0x3  }
0x7ef: {  	s18 =	sadd.s32 $0xFFFFFFFF, s0  }
0x7f0: {  	p2 =	sne.s32 s18, $0x0  }
.Ltmp91:
0x7f1: {  	_ = 	snop;
	(pc) =	sbr.rel @!p2 .LBB2_142-.Ltmp91, $4  }
0x7f2: {  	_ = 	snop  }
0x7f3: {  	s1 =	sshll.u32 s1, $0x7  }
0x7f4: {  	s16 =	simm.s32 $0x3F80;
	s17 =	simm.s32 $0x3B00;
	p3 =	slt.s32 s15, $0x1  }
0x7f5: {  	s0 =	sadd.s32 $0x1, s2;
	p1 =	por $0x0, $0x0;
	p0 =	sne.s32 @!p3 s2, $0x0  }
0x7f6: {  	p0 =	por p0, p3  }
0x7f7: {  	s19 =	simm.s32 @!p0 $0x6  }
0x7f8: {  	_ =	swait.ge @!p0 [sflag:s19], $0x800  }
0x7f9: {  	[sflag:s19] =	ssyncset.done @!p0 $0x0  }
0x7fa: {  	[sflag:s19] =	ssyncadd.s32 @!p0 $0xFFFFF800  }
0x7fb: {  	v14 =	vld [tilespmem:s17+$0x0];
	_ =	sdelay $0x4  }
0x7fc: {  	(v2sf) =	vpush v14, $0x0;
	_ =	sdelay $0xe  }
0x7fd: {  	s22 =	spop (v2sf)  }
0x7fe: {  	s28 =	ssub.s32 s22, s1  }
0x7ff: {  	s17 =	sand.u32 $0x7F, s22;
	s19 =	sand.u32 $0xFFFFFF80, s28  }
0x800: {  	s17 =	sor.u32 s17, s19  }
0x801: {  	v14 =	vmov s17  }
0x802: {  	v15 =	vshll.u32 v14, $0x3  }
0x803: {  	v14 =	vand.u32 $0x7F, v14;
	v15 =	vand.u32 $0xFFFFFC00, v15  }
0x804: {  	v15 =	vor.u32 v14, v15  }
0x805: {  	v14 =	vadd.s32 v5, v15;
	_ =	sdelay $0x2  }
0x806: {  	v16 =	vmov s2  }
0x807: {  	v17 =	vshll.u32 v16, $0x7  }
0x808: {  	v19 =	vor.u32 v2, v17;
	v18 =	vld.idx.msk [tilespmem:v14+s6+$0x0], $0xffff  }
0x809: {  	v20 =	vadd.s32 v6, v15;
	_ =	sdelay $0x3  }
0x80a: {  	v14 =	vld.msk [tilespmem:s16+$0x0 ss:$0x0], $0xffff;
	[tilespmem:v19+s5+$0x0] =	vst.idx.msk $0xffff, v18  }
0x80b: {  	v61 =	vor.u32 v7, v17;
	v18 =	vld.idx.msk [tilespmem:v20+s6+$0x0], $0xffff  }
0x80c: {  	v62 =	vadd.s32 v8, v15;
	_ =	sdelay $0x3  }
0x80d: {  	[tilespmem:v61+s5+$0x0] =	vst.idx.msk $0xffff, v18  }
0x80e: {  	v63 =	vor.u32 v9, v17;
	v18 =	vld.idx.msk [tilespmem:v62+s6+$0x0], $0xffff  }
0x80f: {  	v15 =	vadd.s32 v10, v15;
	_ =	sdelay $0x3  }
0x810: {  	s18 =	sadd.s32 $0xFFFFFFFF, s18;
	[tilespmem:v63+s5+$0x0] =	vst.idx.msk $0xffff, v18  }
0x811: {  	p2 =	sne.s32 s18, $0x0;
	v17 =	vor.u32 v11, v17;
	v15 =	vld.idx.msk [tilespmem:v15+s6+$0x0], $0xffff  }
.Ltmp92:
0x812: {  	vm0 =	veq.s32 v16, v2;
	p0 =	seq.s32 s2, $0xF;
	s16 =	simm.s32 $0x1;
	(pc) =	sbr.rel @!p2 .LBB2_148-.Ltmp92, $4  }
0x813: {  	s16 =	simm.s32 @!p0 $0x0  }
0x814: {  	p4 =	sne.s32 s2, $0xF;
	s0 =	simm.s32 @p0 $0x0;
	s15 =	sadd.s32 s16, s15  }
0x815: {  	p1 =	por $0x1, $0x1;
	s19 =	sadd.s32 $0x1, s0;
	p3 =	slt.s32 s15, $0x1  }
0x816: {  	s17 =	simm.s32 $0x3B01;
	s16 =	simm.s32 $0x3F81;
	p0 =	sne.s32 @!p3 s0, $0x0;
	[tilespmem:v17+s5+$0x0] =	vst.idx.msk $0xffff, v15  }
.LBB2_149:
0x817: {  	p0 =	por p0, p3;
	s2 =	simm.s32 @!p4 $0x10;
	s20 =	simm.s32 @!p4 $0x1D400  }
0x818: {  	s18 =	sadd.s32 $0xFFFFFFFF, s18;
	s22 =	simm.s32 @!p4 $0x1DD00;
	s21 =	simm.s32 @!p0 $0x6;
	[tilespmem:v2+s4+$0x0] =	vst.idx.msk vm0, v14  }
0x819: {  	[hbm4b:s13+s2] =	stream.indirect.scatter @!p4 [tilespmem:s20], [sflag:$0x6], $0x80, s22, s2, $0xb8;
	[tilespmem:$0x1DD80] =	vst v63  }
0x81a: {  	p2 =	sne.s32 s18, $0x0;
	s2 =	smov.u32 s0;
	_ =	swait.ge @!p0 [sflag:s21], $0x800  }
0x81b: {  	[sflag:s21] =	ssyncset.done @!p0 $0x0  }
0x81c: {  	[sflag:s21] =	ssyncadd.s32 @!p0 $0xFFFFF800  }
0x81d: {  	v14 =	vld [tilespmem:s17+$0x0];
	_ =	sdelay $0x4  }
0x81e: {  	(v2sf) =	vpush v14, $0x0;
	_ =	sdelay $0xe  }
0x81f: {  	s20 =	spop (v2sf)  }
0x820: {  	s21 =	ssub.s32 s20, s1;
	s20 =	sand.u32 $0x7F, s20  }
0x821: {  	s21 =	sand.u32 $0xFFFFFF80, s21  }
0x822: {  	s20 =	sor.u32 s20, s21  }
0x823: {  	v14 =	vmov s20  }
0x824: {  	v15 =	vand.u32 $0x7F, v14;
	v14 =	vshll.u32 v14, $0x3  }
0x825: {  	v14 =	vand.u32 $0xFFFFFC00, v14  }
0x826: {  	v15 =	vor.u32 v15, v14  }
0x827: {  	v14 =	vadd.s32 v5, v15;
	_ =	sdelay $0x3  }
0x828: {  	v16 =	vmov s0  }
0x829: {  	v18 =	vshll.u32 v16, $0x7;
	v17 =	vld.idx.msk [tilespmem:v14+s6+$0x0], $0xffff  }
0x82a: {  	v19 =	vor.u32 v2, v18  }
0x82b: {  	v20 =	vadd.s32 v6, v15;
	_ =	sdelay $0x2  }
0x82c: {  	v14 =	vld.msk [tilespmem:s16+$0x0 ss:$0x0], $0xffff  }
0x82d: {  	[tilespmem:v19+s5+$0x0] =	vst.idx.msk $0xffff, v17  }
0x82e: {  	v17 =	vld.idx.msk [tilespmem:v20+s6+$0x0], $0xffff  }
0x82f: {  	v19 =	vor.u32 v7, v18  }
0x830: {  	v20 =	vadd.s32 v8, v15;
	_ =	sdelay $0x3  }
0x831: {  	[tilespmem:v19+s5+$0x0] =	vst.idx.msk $0xffff, v17  }
0x832: {  	v17 =	vld.idx.msk [tilespmem:v20+s6+$0x0], $0xffff  }
0x833: {  	v19 =	vor.u32 v9, v18  }
0x834: {  	v15 =	vadd.s32 v10, v15;
	_ =	sdelay $0x3  }
0x835: {  	[tilespmem:v19+s5+$0x0] =	vst.idx.msk $0xffff, v17  }
0x836: {  	v15 =	vld.idx.msk [tilespmem:v15+s6+$0x0], $0xffff  }
0x837: {  	p0 =	seq.s32 s0, $0xF;
	v17 =	vor.u32 v11, v18  }
.Ltmp93:
0x838: {  	vm0 =	veq.s32 v16, v2;
	s0 =	smov.u32 s19;
	s20 =	simm.s32 $0x1;
	(pc) =	sbr.rel @p2 .LBB2_149-.Ltmp93, $4  }
0x839: {  	s0 =	simm.s32 @p0 $0x0;
	s20 =	simm.s32 @!p0 $0x0  }
0x83a: {  	s19 =	sadd.s32 $0x1, s0;
	s15 =	sadd.s32 s20, s15  }
0x83b: {  	s17 =	sadd.s32 $0x1, s17;
	p3 =	slt.s32 s15, $0x1  }
0x83c: {  	p4 =	sne.s32 s2, $0xF;
	p0 =	sne.s32 @!p3 s0, $0x0;
	s16 =	sadd.s32 $0x1, s16;
	[tilespmem:v17+s5+$0x0] =	vst.idx.msk $0xffff, v15  }
0x83d: {  	s2 =	smov.u32 s0;
	s0 =	smov.u32 s19  }
.LBB2_151:
0x83e: {  	_ =	sdelay $0x2  }
0x83f: {  	p2 =	por p4, !p1  }
0x840: {  	p0 =	por p0, p3;
	s18 =	simm.s32 @!p2 $0x10  }
0x841: {  	[tilespmem:v2+s4+$0x0] =	vst.idx.msk @p1 vm0, v14;
	s19 =	simm.s32 @!p2 $0x1D400;
	s20 =	simm.s32 @!p0 $0x6;
	s21 =	simm.s32 @!p2 $0x1DD00  }
0x842: {  	[hbm4b:s13+s18] =	stream.indirect.scatter @!p2 [tilespmem:s19], [sflag:$0x6], $0x80, s21, s18, $0xb8;
	[tilespmem:$0x1DD80] =	vst v63  }
0x843: {  	_ =	swait.ge @!p0 [sflag:s20], $0x800  }
0x844: {  	[sflag:s20] =	ssyncset.done @!p0 $0x0  }
0x845: {  	[sflag:s20] =	ssyncadd.s32 @!p0 $0xFFFFF800  }
0x846: {  	v14 =	vld [tilespmem:s17+$0x0];
	_ =	sdelay $0x4  }
0x847: {  	(v2sf) =	vpush v14, $0x0;
	_ =	sdelay $0xe  }
0x848: {  	s28 =	spop (v2sf)  }
0x849: {  	s1 =	ssub.s32 s28, s1  }
0x84a: {  	s17 =	sand.u32 $0x7F, s28;
	s1 =	sand.u32 $0xFFFFFF80, s1  }
0x84b: {  	s1 =	sor.u32 s17, s1  }
0x84c: {  	v14 =	vmov s1  }
0x84d: {  	v15 =	vshll.u32 v14, $0x3  }
0x84e: {  	v14 =	vand.u32 $0x7F, v14;
	v15 =	vand.u32 $0xFFFFFC00, v15  }
0x84f: {  	v14 =	vor.u32 v14, v15  }
0x850: {  	v15 =	vadd.s32 v5, v14;
	_ =	sdelay $0x2  }
0x851: {  	v16 =	vmov s2  }
0x852: {  	v17 =	vshll.u32 v16, $0x7  }
0x853: {  	v18 =	vor.u32 v2, v17;
	v15 =	vld.idx.msk [tilespmem:v15+s6+$0x0], $0xffff  }
0x854: {  	v19 =	vadd.s32 v6, v14;
	_ =	sdelay $0x3  }
0x855: {  	v20 =	vld.msk [tilespmem:s16+$0x0 ss:$0x0], $0xffff;
	[tilespmem:v18+s5+$0x0] =	vst.idx.msk $0xffff, v15  }
0x856: {  	v61 =	vor.u32 v7, v17;
	v15 =	vld.idx.msk [tilespmem:v19+s6+$0x0], $0xffff  }
0x857: {  	v62 =	vadd.s32 v8, v14;
	_ =	sdelay $0x3  }
0x858: {  	[tilespmem:v61+s5+$0x0] =	vst.idx.msk $0xffff, v15  }
0x859: {  	v63 =	vor.u32 v9, v17;
	v15 =	vld.idx.msk [tilespmem:v62+s6+$0x0], $0xffff  }
0x85a: {  	v14 =	vadd.s32 v10, v14;
	_ =	sdelay $0x3  }
0x85b: {  	[tilespmem:v63+s5+$0x0] =	vst.idx.msk $0xffff, v15  }
0x85c: {  	vm15 =	veq.s32 v16, v2;
	v15 =	vor.u32 v11, v17;
	v14 =	vld.idx.msk [tilespmem:v14+s6+$0x0], $0xffff;
	_ =	sdelay $0x3  }
0x85d: {  	p1 =	sne.s32 s2, $0xF;
	p0 =	seq.s32 s2, $0xF  }
0x85e: {  	s2 =	simm.s32 @!p1 $0x10;
	s16 =	simm.s32 @!p1 $0x1D400;
	s1 =	simm.s32 $0x1;
	[tilespmem:v15+s5+$0x0] =	vst.idx.msk $0xffff, v14  }
0x85f: {  	s0 =	simm.s32 @p0 $0x0;
	s17 =	simm.s32 @!p1 $0x1DD00;
	s1 =	simm.s32 @!p0 $0x0;
	[tilespmem:v2+s4+$0x0] =	vst.idx.msk vm15, v20  }
0x860: {  	[hbm4b:s13+s2] =	stream.indirect.scatter @!p1 [tilespmem:s16], [sflag:$0x6], $0x80, s17, s2, $0xb8;
	[tilespmem:$0x1DD80] =	vst v63  }
0x861: {  	s15 =	sadd.s32 s1, s15;
	s2 =	smov.u32 s0  }
.LBB2_152:
.Ltmp94:
0x862: {  	(pc) =	sbr.rel @p6 .LBB2_154-.Ltmp94, $1  }
0x863: {  	_ =	sdelay $0x3  }
0x864: {  	s0 =	rddreg [dreg:$0x18]  }
0x865: {  	s0 =	sadd.s32 s9, s0  }
0x866: {  	p0 =	sgt.u32 s0, $0x1E80  }
0x867: {  	p1 =	sne.s32 @p0 s0, $0x1E84  }
0x868: {  	p1 =	por p1, !p0  }
0x869: {  	s16 =	rddreg [dreg:$0x6];
	s1 =	simm.s32 @!p1 $0x0;
	s9 =	simm.s32 @!p1 $0x14400  }
0x86a: {  	[tilespmem:s9], [sflag:$0x3] =	stream.linear.gather @!p1 [hbm4b:s16+s1], $0x400, $0x38;
	[tilespmem:$0x1DD80] =	vst v63  }
0x86b: {  	s16 =	sld [smem:$0x7F7];
	_ =	sdelay $0x1  }
0x86c: {  	s9 =	simm.s32 @!p1 $0x15400  }
0x86d: {  	[tilespmem:s9], [sflag:$0x3] =	stream.linear.gather @!p1 [hbm4b:s16+s1], $0x400, $0x38;
	[tilespmem:$0x1DD80] =	vst v63  }
0x86e: {  	s16 =	sld [smem:$0x7F8];
	_ =	sdelay $0x1  }
0x86f: {  	s9 =	simm.s32 @!p1 $0x16400  }
0x870: {  	[tilespmem:s9], [sflag:$0x3] =	stream.linear.gather @!p1 [hbm4b:s16+s1], $0x400, $0x38;
	[tilespmem:$0x1DD80] =	vst v63  }
0x871: {  	s16 =	sld [smem:$0x7F9];
	_ =	sdelay $0x1  }
0x872: {  	s9 =	simm.s32 @!p1 $0x17400  }
0x873: {  	[tilespmem:s9], [sflag:$0x3] =	stream.linear.gather @!p1 [hbm4b:s16+s1], $0x400, $0x38;
	[tilespmem:$0x1DD80] =	vst v63  }
0x874: {  	s16 =	sld [smem:$0x7FA];
	_ =	sdelay $0x1  }
0x875: {  	s9 =	simm.s32 @!p1 $0x18400  }
0x876: {  	[tilespmem:s9], [sflag:$0x3] =	stream.linear.gather @!p1 [hbm4b:s16+s1], $0x400, $0x38;
	[tilespmem:$0x1DD80] =	vst v63  }
0x877: {  	s16 =	sld [smem:$0x7FB];
	_ =	sdelay $0x1  }
0x878: {  	s9 =	simm.s32 @!p1 $0x19400  }
0x879: {  	[tilespmem:s9], [sflag:$0x3] =	stream.linear.gather @!p1 [hbm4b:s16+s1], $0x400, $0x38;
	[tilespmem:$0x1DD80] =	vst v63  }
0x87a: {  	s16 =	sld [smem:$0x7FC];
	_ =	sdelay $0x1  }
0x87b: {  	s9 =	simm.s32 @!p1 $0x1A400  }
0x87c: {  	[tilespmem:s9], [sflag:$0x3] =	stream.linear.gather @!p1 [hbm4b:s16+s1], $0x400, $0x38;
	[tilespmem:$0x1DD80] =	vst v63  }
0x87d: {  	s16 =	sld [smem:$0x7FD];
	_ =	sdelay $0x1  }
.Ltmp95:
0x87e: {  	s31 =	sadd.s32 $0x1, s31;
	s9 =	simm.s32 @!p1 $0x1B400;
	(pc) =	sbr.rel .LBB2_62-.Ltmp95, $4  }
0x87f: {  	[tilespmem:s9], [sflag:$0x3] =	stream.linear.gather @!p1 [hbm4b:s16+s1], $0x400, $0x38;
	[tilespmem:$0x1DD80] =	vst v63  }
0x880: {  	s0 =	sshll.u32 @!p0 s0, $0x7;
	s1 =	rddreg [dreg:$0x4];
	s9 =	simm.s32 @!p0 $0x7A1400  }
0x881: {  	s16 =	simm.s32 @!p0 $0x14400;
	s0 =	sadd.s32 @!p0 s1, s0;
	s1 =	simm.s32 @!p0 $0x1000  }
0x882: {  	[tilespmem:s16], [sflag:$0x3] =	stream.strided.gather @!p0 [hbm4b:s0+s1], $0x8000, s9, s1, $0x38;
	[tilespmem:$0x1DD80] =	vst v63  }
.LBB2_64:
.Ltmp96:
0x883: {  	(pc) =	sbr.rel .LBB2_71-.Ltmp96, $2  }
0x884: {  	_ =	sdelay $0x2  }
0x885: {  	s19 =	simm.s32 $0x0;
	s17 =	simm.s32 $0x2D80;
	s18 =	simm.s32 $0x0  }
.LBB2_79:
.Ltmp97:
0x886: {  	(pc) =	sbr.rel .LBB2_86-.Ltmp97, $2  }
0x887: {  	_ =	sdelay $0x2  }
0x888: {  	s19 =	simm.s32 $0x0;
	s17 =	simm.s32 $0x3680;
	s18 =	simm.s32 $0x0  }
.LBB2_94:
.Ltmp98:
0x889: {  	(pc) =	sbr.rel .LBB2_101-.Ltmp98, $2  }
0x88a: {  	_ =	sdelay $0x2  }
0x88b: {  	s19 =	simm.s32 $0x0;
	s17 =	simm.s32 $0x2D80;
	s18 =	simm.s32 $0x0  }
.LBB2_104:
.Ltmp99:
0x88c: {  	(pc) =	sbr.rel .LBB2_116-.Ltmp99, $2  }
0x88d: {  	_ =	sdelay $0x2  }
0x88e: {  	s19 =	simm.s32 $0x0;
	s17 =	simm.s32 $0x3680;
	s18 =	simm.s32 $0x0  }
.LBB2_124:
.Ltmp100:
0x88f: {  	(pc) =	sbr.rel .LBB2_131-.Ltmp100, $2  }
0x890: {  	_ =	sdelay $0x2  }
0x891: {  	s19 =	simm.s32 $0x0;
	s17 =	simm.s32 $0x2D80;
	s18 =	simm.s32 $0x0  }
.LBB2_134:
.Ltmp101:
0x892: {  	(pc) =	sbr.rel .LBB2_146-.Ltmp101, $2  }
0x893: {  	_ =	sdelay $0x2  }
0x894: {  	s19 =	simm.s32 $0x0;
	s17 =	simm.s32 $0x3680;
	s18 =	simm.s32 $0x0  }
.LBB2_69:
.Ltmp102:
0x895: {  	(pc) =	sbr.rel .LBB2_71-.Ltmp102, $2  }
0x896: {  	_ =	sdelay $0x2  }
0x897: {  	s19 =	simm.s32 $0x0;
	s17 =	simm.s32 $0x2D80;
	s18 =	simm.s32 $0x0  }
.LBB2_84:
.Ltmp103:
0x898: {  	(pc) =	sbr.rel .LBB2_86-.Ltmp103, $2  }
0x899: {  	_ =	sdelay $0x2  }
0x89a: {  	s19 =	simm.s32 $0x0;
	s17 =	simm.s32 $0x3680;
	s18 =	simm.s32 $0x0  }
.LBB2_99:
.Ltmp104:
0x89b: {  	(pc) =	sbr.rel .LBB2_101-.Ltmp104, $2  }
0x89c: {  	_ =	sdelay $0x2  }
0x89d: {  	s19 =	simm.s32 $0x0;
	s17 =	simm.s32 $0x2D80;
	s18 =	simm.s32 $0x0  }
.LBB2_114:
.Ltmp105:
0x89e: {  	(pc) =	sbr.rel .LBB2_116-.Ltmp105, $2  }
0x89f: {  	_ =	sdelay $0x2  }
0x8a0: {  	s19 =	simm.s32 $0x0;
	s17 =	simm.s32 $0x3680;
	s18 =	simm.s32 $0x0  }
.LBB2_129:
.Ltmp106:
0x8a1: {  	(pc) =	sbr.rel .LBB2_131-.Ltmp106, $2  }
0x8a2: {  	_ =	sdelay $0x2  }
0x8a3: {  	s19 =	simm.s32 $0x0;
	s17 =	simm.s32 $0x2D80;
	s18 =	simm.s32 $0x0  }
.LBB2_144:
.Ltmp107:
0x8a4: {  	(pc) =	sbr.rel .LBB2_146-.Ltmp107, $2  }
0x8a5: {  	_ =	sdelay $0x2  }
0x8a6: {  	s19 =	simm.s32 $0x0;
	s17 =	simm.s32 $0x3680;
	s18 =	simm.s32 $0x0  }
.LBB2_67:
.Ltmp108:
0x8a7: {  	(pc) =	sbr.rel .LBB2_76-.Ltmp108, $2  }
0x8a8: {  	_ =	sdelay $0x2  }
0x8a9: {  	_ = 	snop  }
.LBB2_82:
.Ltmp109:
0x8aa: {  	(pc) =	sbr.rel .LBB2_91-.Ltmp109, $2  }
0x8ab: {  	_ =	sdelay $0x2  }
0x8ac: {  	_ = 	snop  }
.LBB2_97:
.Ltmp110:
0x8ad: {  	(pc) =	sbr.rel .LBB2_109-.Ltmp110, $2  }
0x8ae: {  	_ =	sdelay $0x2  }
0x8af: {  	_ = 	snop  }
.LBB2_112:
.Ltmp111:
0x8b0: {  	(pc) =	sbr.rel .LBB2_121-.Ltmp111, $2  }
0x8b1: {  	_ =	sdelay $0x2  }
0x8b2: {  	_ = 	snop  }
.LBB2_127:
.Ltmp112:
0x8b3: {  	(pc) =	sbr.rel .LBB2_139-.Ltmp112, $2  }
0x8b4: {  	_ =	sdelay $0x2  }
0x8b5: {  	_ = 	snop  }
.LBB2_142:
.Ltmp113:
0x8b6: {  	(pc) =	sbr.rel .LBB2_151-.Ltmp113, $2  }
0x8b7: {  	_ =	sdelay $0x2  }
0x8b8: {  	_ = 	snop  }
.LBB2_73:
.Ltmp114:
0x8b9: {  	(pc) =	sbr.rel .LBB2_76-.Ltmp114, $2  }
0x8ba: {  	_ =	sdelay $0x2  }
0x8bb: {  	s3 =	smov.u32 s0;
	s0 =	smov.u32 s20  }
.LBB2_88:
.Ltmp115:
0x8bc: {  	(pc) =	sbr.rel .LBB2_91-.Ltmp115, $2  }
0x8bd: {  	_ =	sdelay $0x2  }
0x8be: {  	s2 =	smov.u32 s0;
	s0 =	smov.u32 s19  }
.LBB2_106:
.Ltmp116:
0x8bf: {  	(pc) =	sbr.rel .LBB2_109-.Ltmp116, $2  }
0x8c0: {  	_ =	sdelay $0x2  }
0x8c1: {  	s3 =	smov.u32 s0;
	s0 =	smov.u32 s20  }
.LBB2_118:
.Ltmp117:
0x8c2: {  	(pc) =	sbr.rel .LBB2_121-.Ltmp117, $2  }
0x8c3: {  	_ =	sdelay $0x2  }
0x8c4: {  	s2 =	smov.u32 s0;
	s0 =	smov.u32 s19  }
.LBB2_136:
.Ltmp118:
0x8c5: {  	(pc) =	sbr.rel .LBB2_139-.Ltmp118, $2  }
0x8c6: {  	_ =	sdelay $0x2  }
0x8c7: {  	s3 =	smov.u32 s0;
	s0 =	smov.u32 s20  }
.LBB2_148:
.Ltmp119:
0x8c8: {  	(pc) =	sbr.rel .LBB2_151-.Ltmp119, $2  }
0x8c9: {  	_ =	sdelay $0x2  }
0x8ca: {  	s2 =	smov.u32 s0;
	s0 =	smov.u32 s19  }
.LBB2_154:
0x8cb: {  	p0 =	slt.s32 s14, $0x1  }
.Ltmp120:
0x8cc: {  	_ = 	snop;
	(pc) =	sbr.rel @p0 .LBB2_156-.Ltmp120, $1  }
0x8cd: {  	_ =	sdelay $0x3  }
0x8ce: {  	v12 =	vmov s14  }
0x8cf: {  	vm0 =	vlt.s32 v12, v3;
	_ =	sdelay $0x2  }
.Ltmp121:
0x8d0: {  	s22 =	rddreg [dreg:$0x3];
	(pc) =	sbr.rel .LBB2_157-.Ltmp121, $4  }
0x8d1: {  	s30 =	rddreg [dreg:$0x5]  }
0x8d2: {  	s31 =	rddreg [dreg:$0x19]  }
0x8d3: {  	s0 =	simm.s32 $0x10;
	s1 =	sld [smem:$0x7F2];
	[tilespmem:v2+s24+$0x0] =	vst.idx.msk vm0, v4  }
0x8d4: {  	[hbm4b:s11+s0] =	stream.indirect.scatter [tilespmem:s25], [sflag:$0x4], $0x80, s24, s0, $0xb8;
	[tilespmem:$0x1DD80] =	vst v63  }
.LBB2_156:
0x8d5: {  	p0 =	slt.s32 s7, $0x1  }
0x8d6: {  	p1 =	sne.s32 @!p0 s14, $0x0  }
0x8d7: {  	p0 =	por p0, p1  }
.Ltmp122:
0x8d8: {  	_ = 	snop;
	(pc) =	sbr.rel @p0 .LBB2_158-.Ltmp122, $4  }
0x8d9: {  	s22 =	rddreg [dreg:$0x3]  }
0x8da: {  	s30 =	rddreg [dreg:$0x5]  }
0x8db: {  	s31 =	rddreg [dreg:$0x19]  }
0x8dc: {  	s1 =	sld [smem:$0x7F2]  }
.LBB2_157:
0x8dd: {  	s0 =	simm.s32 $0x4  }
0x8de: {  	_ =	swait.ge [sflag:s0], $0x800  }
0x8df: {  	[sflag:s0] =	ssyncset.done $0x0  }
0x8e0: {  	[sflag:s0] =	ssyncadd.s32 $0xFFFFF800  }
.LBB2_158:
0x8e1: {  	p0 =	slt.s32 s3, $0x1  }
.Ltmp123:
0x8e2: {  	_ = 	snop;
	(pc) =	sbr.rel @p0 .LBB2_160-.Ltmp123, $1  }
0x8e3: {  	_ =	sdelay $0x3  }
0x8e4: {  	v12 =	vmov s3  }
0x8e5: {  	vm0 =	vlt.s32 v12, v3;
	_ =	sdelay $0x2  }
.Ltmp124:
0x8e6: {  	_ = 	snop;
	(pc) =	sbr.rel .LBB2_161-.Ltmp124, $3  }
0x8e7: {  	_ =	sdelay $0x1  }
0x8e8: {  	s0 =	simm.s32 $0x10;
	s18 =	simm.s32 $0x7;
	[tilespmem:v2+s10+$0x0] =	vst.idx.msk vm0, v4  }
0x8e9: {  	[hbm4b:s12+s0] =	stream.indirect.scatter [tilespmem:s23], [sflag:$0x5], $0x80, s10, s0, $0xb8;
	[tilespmem:$0x1DD80] =	vst v63  }
.LBB2_160:
0x8ea: {  	p0 =	slt.s32 s26, $0x1  }
0x8eb: {  	p1 =	sne.s32 @!p0 s3, $0x0  }
0x8ec: {  	p0 =	por p0, p1  }
.Ltmp125:
0x8ed: {  	_ = 	snop;
	(pc) =	sbr.rel @p0 .LBB2_162-.Ltmp125, $2  }
0x8ee: {  	_ =	sdelay $0x2  }
0x8ef: {  	s18 =	simm.s32 $0x7  }
.LBB2_161:
0x8f0: {  	s0 =	simm.s32 $0x5  }
0x8f1: {  	_ =	swait.ge [sflag:s0], $0x800  }
0x8f2: {  	[sflag:s0] =	ssyncset.done $0x0  }
0x8f3: {  	[sflag:s0] =	ssyncadd.s32 $0xFFFFF800  }
.LBB2_162:
0x8f4: {  	p0 =	slt.s32 s2, $0x1  }
.Ltmp126:
0x8f5: {  	_ = 	snop;
	(pc) =	sbr.rel @!p0 .LBB2_163-.Ltmp126, $1  }
0x8f6: {  	_ =	sdelay $0x3  }
0x8f7: {  	p0 =	slt.s32 s15, $0x1  }
0x8f8: {  	p1 =	sne.s32 @!p0 s2, $0x0  }
0x8f9: {  	p0 =	por p0, p1  }
.Ltmp127:
0x8fa: {  	_ = 	snop;
	(pc) =	sbr.rel @!p0 .LBB2_165-.Ltmp127, $4  }
.Ltmp128:
0x8fb: {  	_ = 	snop;
	(pc) =	sbr.rel @p0 .LBB2_166-.Ltmp128, $4  }
0x8fc: {  	_ = 	snop  }
0x8fd: {  	_ = 	snop  }
0x8fe: {  	_ = 	snop  }
0x8ff: {  	_ = 	snop  }
.LBB2_167:
0x900: {  	_ =	sfence.sel $0x180000  }
0x901: {  	[bflag:$0x0] =	sbarrier.arrive $0xFFFF  }
0x902: {  	_ =	strace $0x90000047  }
0x903: {  	s0 =	stileid.u32;
	[bflag:$0x2] =	sbarrier.arrive $0xFFFF  }
0x904: {  	p0 =	sne.s32 s0, $0x0;
	s0 =	rddreg [dreg:$0x8]  }
0x905: {  	s0 =	sadd.s32 @!p0 $0x100000, s0  }
0x906: {  	[sflag:s0] =	ssyncadd.tile.s32 @!p0 $0x1;
	_ =	shalt  }
.Lfunc_end2:
_tile_overlayer_lowered:
.L_overlay_start_2:
0x907: {  	(tag) =	ssettag $0x2  }
0x908: {  	s0 =	rddreg [dreg:$0x0];
	s2 =	stileid.u32  }
0x909: {  	s1 =	rddreg [dreg:$0x1];
	p0 =	sne.s32 s2, $0x0  }
0x90a: {  	s3 =	rddreg [dreg:$0x2];
	[bflag:$0x3] =	sbarrier.arrive $0xFFFF;
	s2 =	simm.s32 @!p0 $0x1C07  }
0x90b: {  	[timem:s3], [sflag:s2] =	dma.local @!p0 [hbm:s0], s1  }
0x90c: {  	s0 =	simm.s32 @!p0 $0x7  }
0x90d: {  	_ =	swait.ge @!p0 [sflag:s0], s1  }
0x90e: {  	s1 =	ssub.s32 @!p0 $0x0, s1;
	[sflag:s0] =	ssyncset.done @!p0 $0x0  }
0x90f: {  	[sflag:s0] =	ssyncadd.s32 @!p0 s1  }
0x910: {  	[bflag:$0x3] =	sbarrier.arrive $0xFFFF  }
0x911: {  	_ =	shalt  }

</sc_bundles>
